<compile_context>
chip_gen: v7x
topology: tpu7x:2x2x1
jax: 0.10.2.dev20260603
libtpu: 0.0.44.dev20260713+nightly
codegen_flags: <defaults>
</compile_context>

<pallas_src>
import functools

import jax
import jax.numpy as jnp
from jax import lax
from jax.experimental import pallas as pl
from jax.experimental.pallas import tpu as pltpu
from jax.experimental.pallas import tpu_sc as plsc

N_NODES = 10000
N_EDGES = 160000
N_RELS = 1000
D_FEAT = 300
R_HID = 100

NC, NS, L = 2, 16, 16
EPT = N_EDGES // NS
CHUNK = 80
NCHUNK = EPT // CHUNK
NPAD = 10240
ROWS_T = NPAD // NS


def _prep_body(x_ref, rel_ref, w1_ref, ha_ref, hb_ref, hc_ref, rtab_ref,
               cpr_ref, bpr_ref):
    x = x_ref[...]
    h = jnp.where(x >= 0, x, 0.01 * x)
    zpad = jnp.zeros((h.shape[0], 28), jnp.float32)
    ha_ref[...] = jnp.concatenate([h[:, 0:100], zpad], axis=1)
    hb_ref[...] = jnp.concatenate([h[:, 100:200], zpad], axis=1)
    hc_ref[...] = jnp.concatenate([h[:, 200:300], zpad], axis=1)
    w1 = w1_ref[...]
    wc = w1[:, 400:700]
    cvec = jnp.dot(h, wc.T, preferred_element_type=jnp.float32)
    cpr_ref[...] = cvec - jnp.max(cvec)
    rel = rel_ref[...]
    r = jnp.where(rel >= 0, rel, 0.01 * rel)
    rtab_ref[...] = jnp.concatenate(
        [r, jnp.zeros((r.shape[0], 28), jnp.float32)], axis=1)
    wb = w1[:, 300:400]
    bvec = jnp.dot(r, wb.T, preferred_element_type=jnp.float32)
    bpr_ref[...] = bvec - jnp.max(bvec)


_prep = pl.pallas_call(
    _prep_body,
    out_shape=[
        jax.ShapeDtypeStruct((N_NODES, 128), jnp.float32),
        jax.ShapeDtypeStruct((N_NODES, 128), jnp.float32),
        jax.ShapeDtypeStruct((N_NODES, 128), jnp.float32),
        jax.ShapeDtypeStruct((N_RELS, 128), jnp.float32),
        jax.ShapeDtypeStruct((N_NODES, 1), jnp.float32),
        jax.ShapeDtypeStruct((N_RELS, 1), jnp.float32),
    ],
)


def _head_body(ha_ref, hb_ref, hc_ref, den_ref, out_ref):
    den = den_ref[...]
    s = den / (den + 1e-16)
    out_ref[:, 0:100] = ha_ref[:, 0:100] * s
    out_ref[:, 100:200] = hb_ref[:, 0:100] * s
    out_ref[:, 200:300] = hc_ref[:, 0:100] * s


_head = pl.pallas_call(
    _head_body,
    out_shape=jax.ShapeDtypeStruct((N_NODES, D_FEAT), jnp.float32),
)


_mesh = plsc.VectorSubcoreMesh(
    core_axis_name="c", subcore_axis_name="s", num_cores=NC, num_subcores=NS
)


def _make_sc_main(body, interpret=False):
    return pl.kernel(
        body,
        mesh=_mesh,
        interpret=interpret,
        compiler_params=pltpu.CompilerParams(
            needs_layout_passes=False, use_tc_tiling_on_sc=False
        ),
        out_type=[
        jax.ShapeDtypeStruct((NPAD, 128), jnp.float32),
        jax.ShapeDtypeStruct((NPAD, 128), jnp.float32),
        jax.ShapeDtypeStruct((NPAD, 128), jnp.float32),
        jax.ShapeDtypeStruct((NPAD, 128), jnp.float32),
        jax.ShapeDtypeStruct((NPAD,), jnp.float32),
    ],
    scratch_types=[
        pltpu.VMEM_SHARED((NPAD, 128), jnp.float32),
        pltpu.VMEM_SHARED((NPAD,), jnp.float32),
        pltpu.VMEM((N_NODES,), jnp.float32),
        pltpu.VMEM((N_RELS,), jnp.float32),
        pltpu.VMEM((NPAD,), jnp.float32),
        pltpu.VMEM((3, CHUNK), jnp.int32),
        pltpu.VMEM((CHUNK,), jnp.float32),
        pltpu.VMEM((CHUNK, 128), jnp.float32),
        pltpu.SemaphoreType.DMA,
        pltpu.VMEM((3, CHUNK), jnp.int32),
        pltpu.VMEM((CHUNK,), jnp.float32),
        pltpu.VMEM((CHUNK, 128), jnp.float32),
        pltpu.SemaphoreType.DMA,
        pltpu.SemaphoreType.DMA,
        pltpu.SemaphoreType.DMA,
        ],
    )


def _sc_body(packed, cpr, bpr, ha, hb, hc, rtab, zrows, zden,
             outa0, outb0, outa1, outb1, dout,
             acc, den_sp, cpr_v, bpr_v, den_v,
             buf3, ebuf, rows, sem,
             buf3B, ebufB, rowsB, semB, semS, semSB):
    cid = lax.axis_index("c")
    sid = lax.axis_index("s")

    bA = (buf3, ebuf, rows, sem, semS)
    bB = (buf3B, ebufB, rowsB, semB, semSB)

    def _zero_acc():
        pltpu.sync_copy(zrows, acc.at[pl.ds(sid * ROWS_T, ROWS_T)])

    def _load_idx(g, b3):
        pltpu.sync_copy(packed.at[sid * NCHUNK + g], b3)

    pltpu.sync_copy(cpr, cpr_v)
    pltpu.sync_copy(bpr, bpr_v)
    _zero_acc()
    pltpu.sync_copy(zden.at[pl.ds(sid * (NPAD // NS), NPAD // NS)],
                    den_sp.at[pl.ds(sid * (NPAD // NS), NPAD // NS)])
    plsc.subcore_barrier()

    def _p1_issue(g, bufset):
        b3, eb, _, _, _ = bufset
        _load_idx(g, b3)
        for k in range(CHUNK // L):
            sl = pl.ds(k * L, L)
            cv = plsc.load_gather(cpr_v, [b3[1, sl]])
            bv = plsc.load_gather(bpr_v, [b3[2, sl]])
            eb[sl] = jnp.exp(bv + cv)

    def _p1_start(bufset):
        b3, eb, _, sm, _ = bufset
        pltpu.async_copy(eb, den_sp.at[b3.at[0]], sm, add=True)

    def _p1_wait(bufset):
        b3, eb, _, sm, _ = bufset
        pltpu.make_async_copy(eb, den_sp.at[b3.at[0]], sm).wait()

    _p1_issue(0, bA)

    def _p1_pair(h, carry):
        g = 2 * h
        _p1_start(bA)
        _p1_issue(g + 1, bB)
        _p1_wait(bA)
        _p1_start(bB)
        _p1_issue(g + 2, bA)
        _p1_wait(bB)
        return carry

    lax.fori_loop(0, (NCHUNK - 1) // 2, _p1_pair, 0)
    _p1_start(bA)
    _p1_wait(bA)
    plsc.subcore_barrier()

    pltpu.sync_copy(den_sp, den_v)

    @pl.when(cid == 0)
    def _():
        pltpu.sync_copy(den_sp.at[pl.ds(sid * (NPAD // NS), NPAD // NS)],
                        dout.at[pl.ds(sid * (NPAD // NS), NPAD // NS)])

    def _subpass(tab0, tab1, use_rel_idx):
        def _issue(g, bufset):
            b3, eb, rw, sm, _ = bufset
            _load_idx(g, b3)
            for k in range(CHUNK // L):
                sl = pl.ds(k * L, L)
                cv = plsc.load_gather(cpr_v, [b3[1, sl]])
                bv = plsc.load_gather(bpr_v, [b3[2, sl]])
                dv = plsc.load_gather(den_v, [b3[0, sl]])
                eb[sl] = jnp.exp(bv + cv) / (dv + 1e-16)

            @pl.when(cid == 0)
            def _():
                pltpu.async_copy(tab0.at[b3.at[1]], rw, sm)

            @pl.when(cid == 1)
            def _():
                idx = b3.at[2] if use_rel_idx else b3.at[1]
                pltpu.async_copy(tab1.at[idx], rw, sm)

        def _finish(bufset):
            b3, eb, rw, sm, sms = bufset

            @pl.when(cid == 0)
            def _():
                pltpu.make_async_copy(tab0.at[b3.at[1]], rw, sm).wait()

            @pl.when(cid == 1)
            def _():
                idx = b3.at[2] if use_rel_idx else b3.at[1]
                pltpu.make_async_copy(tab1.at[idx], rw, sm).wait()

            @plsc.parallel_loop(0, CHUNK, step=1, unroll=4)
            def _scale(e):
                al = plsc.load_gather(eb, [jnp.full((L,), e, jnp.int32)])
                for off in (0, 16, 32, 48, 64, 80, 96):
                    rw[e, pl.ds(off, L)] = rw[e, pl.ds(off, L)] * al

            pltpu.async_copy(rw, acc.at[b3.at[0]], sms, add=True)

        def _wait_scat(bufset):
            b3, eb, rw, sm, sms = bufset
            pltpu.make_async_copy(rw, acc.at[b3.at[0]], sms).wait()

        _issue(0, bA)
        _issue(1, bB)

        def _pair(h, carry):
            g = 2 * h
            _finish(bA)
            _finish(bB)
            _wait_scat(bA)
            _issue(g + 2, bA)
            _wait_scat(bB)

            @pl.when(g + 3 < NCHUNK)
            def _():
                _issue(g + 3, bB)

            return carry

        lax.fori_loop(0, (NCHUNK - 1) // 2, _pair, 0)
        _finish(bA)
        _wait_scat(bA)
        plsc.subcore_barrier()

    def _dump_acc(out0, out1):
        sl = pl.ds(sid * ROWS_T, ROWS_T)

        @pl.when(cid == 0)
        def _():
            pltpu.sync_copy(acc.at[sl], out0.at[sl])

        @pl.when(cid == 1)
        def _():
            pltpu.sync_copy(acc.at[sl], out1.at[sl])

    _subpass(ha, hc, use_rel_idx=False)
    _dump_acc(outa0, outa1)
    _zero_acc()
    plsc.subcore_barrier()

    _subpass(hb, rtab, use_rel_idx=True)
    _dump_acc(outb0, outb1)


_sc_main = _make_sc_main(_sc_body)


def kernel(x, edge_index_all, rel_all, rel_emb, W1):
    i_arr = edge_index_all[0].astype(jnp.int32)
    j_arr = edge_index_all[1].astype(jnp.int32)
    r_arr = rel_all.astype(jnp.int32)
    ijr = jnp.stack([i_arr, j_arr, r_arr], axis=0)
    packed = (ijr.reshape(3, NS, NCHUNK, CHUNK)
              .transpose(1, 2, 0, 3)
              .reshape(NS * NCHUNK, 3, CHUNK))

    ha, hb, hc, rtab, cpr, bpr = _prep(x, rel_emb, W1)
    zrows = jnp.zeros((ROWS_T, 128), jnp.float32)
    zden = jnp.zeros((NPAD,), jnp.float32)

    outa0, outb0, outa1, outb1, dout = _sc_main(
        packed,
        cpr.reshape(-1), bpr.reshape(-1),
        ha, hb, hc, rtab, zrows, zden,
    )

    head = _head(ha, hb, hc, dout[:N_NODES].reshape(N_NODES, 1))
    return jnp.concatenate(
        [head, outb1[:N_NODES, :100], outa0[:N_NODES, :100],
         outb0[:N_NODES, :100], outa1[:N_NODES, :100]],
        axis=1,
    )

# --- scband reference (transcript-rebuilt; emitter-appended) ---
"""Pipeline reference for scband-graph-attention-wjq-73839077752943 (READ-ONLY COPY).

The authoritative reference and input builder live on the scoring server;
editing this copy changes nothing except your own understanding.
"""

import jax, jax.numpy as jnp
import numpy as np

N_NODES = 10000
N_EDGES = 160000
N_RELS = 1000
D_FEAT = 300
R_HID = 100
CAT_DIM = 2 * D_FEAT + R_HID  # 700


def setup_inputs(seed: int = 0) -> dict:
    key = jax.random.key(seed)
    k1, k2, k3, k4, k5 = jax.random.split(key, 5)
    x = jax.random.normal(k1, (N_NODES, D_FEAT), dtype=jnp.float32)
    edge_index_all = jax.random.randint(k2, (2, N_EDGES), 0, N_NODES, dtype=jnp.int64)
    rel_all = jax.random.randint(k3, (N_EDGES,), 0, N_RELS, dtype=jnp.int64)
    rel_emb = jax.random.normal(k4, (N_RELS, R_HID), dtype=jnp.float32)
    # nn.Linear(700, 1, bias=False) weight, shape [1, 700]
    bound = 1.0 / np.sqrt(CAT_DIM)
    W1 = jax.random.uniform(k5, (1, CAT_DIM), dtype=jnp.float32, minval=-bound, maxval=bound)
    return {"x": x, "edge_index_all": edge_index_all, "rel_all": rel_all, "rel_emb": rel_emb, "W1": W1}


def _segment_softmax(att, seg_ids, num_segments):
    seg_max = jax.ops.segment_max(att, seg_ids, num_segments=num_segments)
    seg_max = jnp.where(jnp.isfinite(seg_max), seg_max, 0.0)
    att = jnp.exp(att - seg_max[seg_ids])
    denom = jax.ops.segment_sum(att, seg_ids, num_segments=num_segments)
    return att / (denom[seg_ids] + 1e-16)


def reference(x, edge_index_all, rel_all, rel_emb, W1):
    e_features = jax.nn.leaky_relu(x, negative_slope=0.01)
    edge_index_i = edge_index_all[0]
    edge_index_j = edge_index_all[1]
    e_head = e_features[edge_index_i]
    e_tail = e_features[edge_index_j]
    rel_act = jax.nn.leaky_relu(rel_emb, negative_slope=0.01)
    e_rel = rel_act[rel_all]
    feat = jnp.concatenate([e_head, e_rel, e_tail], axis=1)  # [E, 700]
    att = jnp.squeeze(feat @ W1.T, axis=-1)  # [E]
    att = _segment_softmax(att, edge_index_i, N_NODES)
    x_e = jax.ops.segment_sum(feat * att[:, None], edge_index_i, num_segments=N_NODES)
    return x_e  # [N_NODES, 700]

if __name__ == "__main__":
    import jax
    _d = setup_inputs()
    print(jax.jit(kernel)(*tuple(_d.values())))

</pallas_src>

<mosaic_0001>
#map = affine_map<(d0, d1) -> (0, 0, 0)>
#map1 = affine_map<(d0, d1) -> (0)>
#map2 = affine_map<(d0, d1) -> (0, 0)>
module attributes {stable_mosaic.version = 14 : i64} {
  func.func @_sc_body(%arg0: i32, %arg1: i32, %arg2: memref<2000x3x80xi32, #tpu.memory_space<hbm>>, %arg3: memref<10000xf32, #tpu.memory_space<hbm>>, %arg4: memref<1000xf32, #tpu.memory_space<hbm>>, %arg5: memref<10000x128xf32, #tpu.memory_space<hbm>>, %arg6: memref<10000x128xf32, #tpu.memory_space<hbm>>, %arg7: memref<10000x128xf32, #tpu.memory_space<hbm>>, %arg8: memref<1000x128xf32, #tpu.memory_space<hbm>>, %arg9: memref<640x128xf32, #tpu.memory_space<hbm>>, %arg10: memref<10240xf32, #tpu.memory_space<hbm>>, %arg11: memref<10240x128xf32, #tpu.memory_space<hbm>>, %arg12: memref<10240x128xf32, #tpu.memory_space<hbm>>, %arg13: memref<10240x128xf32, #tpu.memory_space<hbm>>, %arg14: memref<10240x128xf32, #tpu.memory_space<hbm>>, %arg15: memref<10240xf32, #tpu.memory_space<hbm>>, %arg16: memref<10240x128xf32, #tpu.memory_space<vmem_shared>>, %arg17: memref<10240xf32, #tpu.memory_space<vmem_shared>>, %arg18: memref<10000xf32, #tpu.memory_space<vmem>>, %arg19: memref<1000xf32, #tpu.memory_space<vmem>>, %arg20: memref<10240xf32, #tpu.memory_space<vmem>>, %arg21: memref<3x80xi32, #tpu.memory_space<vmem>>, %arg22: memref<80xf32, #tpu.memory_space<vmem>>, %arg23: memref<80x128xf32, #tpu.memory_space<vmem>>, %arg24: memref<!tpu.dma_semaphore, #tpu.memory_space<semaphore_mem>>, %arg25: memref<3x80xi32, #tpu.memory_space<vmem>>, %arg26: memref<80xf32, #tpu.memory_space<vmem>>, %arg27: memref<80x128xf32, #tpu.memory_space<vmem>>, %arg28: memref<!tpu.dma_semaphore, #tpu.memory_space<semaphore_mem>>, %arg29: memref<!tpu.dma_semaphore, #tpu.memory_space<semaphore_mem>>, %arg30: memref<!tpu.dma_semaphore, #tpu.memory_space<semaphore_mem>>) attributes {dimension_semantics = [#tpu.dimension_semantics<core_parallel>, #tpu.dimension_semantics<subcore_parallel>], iteration_bounds = array<i64: 2, 16>, scalar_prefetch = 0 : i64, scratch_operands = 15 : i64, tpu.core_type = #tpu.core_type<sc_vector_subcore>, window_params = [{transform_indices = #map}, {transform_indices = #map1}, {transform_indices = #map1}, {transform_indices = #map2}, {transform_indices = #map2}, {transform_indices = #map2}, {transform_indices = #map2}, {transform_indices = #map2}, {transform_indices = #map1}, {transform_indices = #map2}, {transform_indices = #map2}, {transform_indices = #map2}, {transform_indices = #map2}, {transform_indices = #map1}]} {
    "tpu.region"() ({
      %run_scoped3A = tpu.sem_alloc : memref<!tpu.dma_semaphore, #tpu.memory_space<semaphore_mem>>
      tpu.enqueue_dma source(%arg3 : memref<10000xf32, #tpu.memory_space<hbm>>) target(%arg18 : memref<10000xf32, #tpu.memory_space<vmem>>) target_semaphore(%run_scoped3A : memref<!tpu.dma_semaphore, #tpu.memory_space<semaphore_mem>>)
      tpu.wait_dma2 semaphore(%run_scoped3A : memref<!tpu.dma_semaphore, #tpu.memory_space<semaphore_mem>>) src(%arg3 : memref<10000xf32, #tpu.memory_space<hbm>>) dst(%arg18 : memref<10000xf32, #tpu.memory_space<vmem>>)
      tpu.yield
    }) : () -> ()
    "tpu.region"() ({
      %run_scoped3A = tpu.sem_alloc : memref<!tpu.dma_semaphore, #tpu.memory_space<semaphore_mem>>
      tpu.enqueue_dma source(%arg4 : memref<1000xf32, #tpu.memory_space<hbm>>) target(%arg19 : memref<1000xf32, #tpu.memory_space<vmem>>) target_semaphore(%run_scoped3A : memref<!tpu.dma_semaphore, #tpu.memory_space<semaphore_mem>>)
      tpu.wait_dma2 semaphore(%run_scoped3A : memref<!tpu.dma_semaphore, #tpu.memory_space<semaphore_mem>>) src(%arg4 : memref<1000xf32, #tpu.memory_space<hbm>>) dst(%arg19 : memref<1000xf32, #tpu.memory_space<vmem>>)
      tpu.yield
    }) : () -> ()
    %mul3A = arith.constant 640 : i32
    %mul3A_0 = arith.muli %arg1, %mul3A : i32
    "tpu.region"() ({
      %run_scoped3A = tpu.sem_alloc : memref<!tpu.dma_semaphore, #tpu.memory_space<semaphore_mem>>
      %dma_start3A_701 = arith.constant 0 : i32
      %dma_start3A_702 = tpu.memref_slice %arg16[%mul3A_0, %dma_start3A_701] : memref<10240x128xf32, #tpu.memory_space<vmem_shared>> -> memref<640x128xf32, #tpu.memory_space<vmem_shared>>
      tpu.enqueue_dma source(%arg9 : memref<640x128xf32, #tpu.memory_space<hbm>>) target(%dma_start3A_702 : memref<640x128xf32, #tpu.memory_space<vmem_shared>>) target_semaphore(%run_scoped3A : memref<!tpu.dma_semaphore, #tpu.memory_space<semaphore_mem>>)
      %dma_wait3A_703 = arith.constant 0 : i32
      %dma_wait3A_704 = tpu.memref_slice %arg16[%mul3A_0, %dma_wait3A_703] : memref<10240x128xf32, #tpu.memory_space<vmem_shared>> -> memref<640x128xf32, #tpu.memory_space<vmem_shared>>
      tpu.wait_dma2 semaphore(%run_scoped3A : memref<!tpu.dma_semaphore, #tpu.memory_space<semaphore_mem>>) src(%arg9 : memref<640x128xf32, #tpu.memory_space<hbm>>) dst(%dma_wait3A_704 : memref<640x128xf32, #tpu.memory_space<vmem_shared>>)
      tpu.yield
    }) : () -> ()
    %mul3A_1 = arith.constant 640 : i32
    %mul3A_2 = arith.muli %arg1, %mul3A_1 : i32
    %mul3A_3 = arith.constant 640 : i32
    %mul3A_4 = arith.muli %arg1, %mul3A_3 : i32
    "tpu.region"() ({
      %run_scoped3A = tpu.sem_alloc : memref<!tpu.dma_semaphore, #tpu.memory_space<semaphore_mem>>
      %dma_start3A_701 = tpu.memref_slice %arg17[%mul3A_4] : memref<10240xf32, #tpu.memory_space<vmem_shared>> -> memref<640xf32, #tpu.memory_space<vmem_shared>>
      %dma_start3A_702 = tpu.memref_slice %arg10[%mul3A_2] : memref<10240xf32, #tpu.memory_space<hbm>> -> memref<640xf32, #tpu.memory_space<hbm>>
      tpu.enqueue_dma source(%dma_start3A_702 : memref<640xf32, #tpu.memory_space<hbm>>) target(%dma_start3A_701 : memref<640xf32, #tpu.memory_space<vmem_shared>>) target_semaphore(%run_scoped3A : memref<!tpu.dma_semaphore, #tpu.memory_space<semaphore_mem>>)
      %dma_wait3A_703 = tpu.memref_slice %arg17[%mul3A_4] : memref<10240xf32, #tpu.memory_space<vmem_shared>> -> memref<640xf32, #tpu.memory_space<vmem_shared>>
      %dma_wait3A_704 = tpu.memref_slice %arg10[%mul3A_2] : memref<10240xf32, #tpu.memory_space<hbm>> -> memref<640xf32, #tpu.memory_space<hbm>>
      tpu.wait_dma2 semaphore(%run_scoped3A : memref<!tpu.dma_semaphore, #tpu.memory_space<semaphore_mem>>) src(%dma_wait3A_704 : memref<640xf32, #tpu.memory_space<hbm>>) dst(%dma_wait3A_703 : memref<640xf32, #tpu.memory_space<vmem_shared>>)
      tpu.yield
    }) : () -> ()
    %barrier3A = arith.constant 0 : index
    tpu.barrier barrier_id(%barrier3A)
    %mul3A_5 = arith.constant 125 : i32
    %mul3A_6 = arith.muli %arg1, %mul3A_5 : i32
    %add3A = arith.constant 0 : i32
    %add3A_7 = arith.addi %mul3A_6, %add3A : i32
    "tpu.region"() ({
      %run_scoped3A = tpu.sem_alloc : memref<!tpu.dma_semaphore, #tpu.memory_space<semaphore_mem>>
      %dma_start3A_701 = arith.constant 0 : i32
      %dma_start3A_702 = arith.constant 0 : i32
      %dma_start3A_703 = tpu.memref_slice %arg2[%add3A_7, %dma_start3A_701, %dma_start3A_702] : memref<2000x3x80xi32, #tpu.memory_space<hbm>> -> memref<1x3x80xi32, #tpu.memory_space<hbm>>
      %dma_start3A_704 = tpu.memref_squeeze %dma_start3A_703 : memref<1x3x80xi32, #tpu.memory_space<hbm>> -> memref<3x80xi32, #tpu.memory_space<hbm>>
      %dma_start3A_705 = arith.constant 0 : i32
      %dma_start3A_706 = arith.constant 0 : i32
      %dma_start3A_707 = tpu.memref_slice %arg2[%add3A_7, %dma_start3A_705, %dma_start3A_706] : memref<2000x3x80xi32, #tpu.memory_space<hbm>> -> memref<1x3x80xi32, #tpu.memory_space<hbm>>
      %dma_start3A_708 = tpu.memref_squeeze %dma_start3A_707 : memref<1x3x80xi32, #tpu.memory_space<hbm>> -> memref<3x80xi32, #tpu.memory_space<hbm>>
      tpu.enqueue_dma source(%dma_start3A_708 : memref<3x80xi32, #tpu.memory_space<hbm>>) target(%arg21 : memref<3x80xi32, #tpu.memory_space<vmem>>) target_semaphore(%run_scoped3A : memref<!tpu.dma_semaphore, #tpu.memory_space<semaphore_mem>>)
      %dma_wait3A_709 = arith.constant 0 : i32
      %dma_wait3A_710 = arith.constant 0 : i32
      %dma_wait3A_711 = tpu.memref_slice %arg2[%add3A_7, %dma_wait3A_709, %dma_wait3A_710] : memref<2000x3x80xi32, #tpu.memory_space<hbm>> -> memref<1x3x80xi32, #tpu.memory_space<hbm>>
      %dma_wait3A_712 = tpu.memref_squeeze %dma_wait3A_711 : memref<1x3x80xi32, #tpu.memory_space<hbm>> -> memref<3x80xi32, #tpu.memory_space<hbm>>
      %dma_wait3A_713 = arith.constant 0 : i32
      %dma_wait3A_714 = arith.constant 0 : i32
      %dma_wait3A_715 = tpu.memref_slice %arg2[%add3A_7, %dma_wait3A_713, %dma_wait3A_714] : memref<2000x3x80xi32, #tpu.memory_space<hbm>> -> memref<1x3x80xi32, #tpu.memory_space<hbm>>
      %dma_wait3A_716 = tpu.memref_squeeze %dma_wait3A_715 : memref<1x3x80xi32, #tpu.memory_space<hbm>> -> memref<3x80xi32, #tpu.memory_space<hbm>>
      tpu.wait_dma2 semaphore(%run_scoped3A : memref<!tpu.dma_semaphore, #tpu.memory_space<semaphore_mem>>) src(%dma_wait3A_716 : memref<3x80xi32, #tpu.memory_space<hbm>>) dst(%arg21 : memref<3x80xi32, #tpu.memory_space<vmem>>)
      tpu.yield
    }) : () -> ()
    %get3A = arith.constant 1 : i32
    %get3A_8 = arith.index_cast %get3A : i32 to index
    %get3A_9 = arith.constant 0 : index
    %get3A_10 = tpu.vector_load %arg21[%get3A_8, %get3A_9] {strides = array<i32>} : memref<3x80xi32, #tpu.memory_space<vmem>>, vector<16xi32>,
    %gather3A = tpu.vector_load_idx %arg18[%get3A_10] : memref<10000xf32, #tpu.memory_space<vmem>>[vector<16xi32>], vector<16xf32>,
    %get3A_11 = arith.constant 2 : i32
    %get3A_12 = arith.index_cast %get3A_11 : i32 to index
    %get3A_13 = arith.constant 0 : index
    %get3A_14 = tpu.vector_load %arg21[%get3A_12, %get3A_13] {strides = array<i32>} : memref<3x80xi32, #tpu.memory_space<vmem>>, vector<16xi32>,
    %gather3A_15 = tpu.vector_load_idx %arg19[%get3A_14] : memref<1000xf32, #tpu.memory_space<vmem>>[vector<16xi32>], vector<16xf32>,
    %add3A_16 = arith.addf %gather3A_15, %gather3A : vector<16xf32>
    %exp3A = math.exp %add3A_16 : vector<16xf32>
    %swap3A = arith.constant 0 : index
    %swap3A_17 = tpu.vector_load %arg22[%swap3A] {strides = array<i32>} : memref<80xf32, #tpu.memory_space<vmem>>, vector<16xf32>,
    tpu.vector_store %arg22[%swap3A], %exp3A {strides = array<i32>} : memref<80xf32, #tpu.memory_space<vmem>>, vector<16xf32>,
    %get3A_18 = arith.constant 1 : i32
    %get3A_19 = arith.index_cast %get3A_18 : i32 to index
    %get3A_20 = arith.constant 16 : index
    %get3A_21 = tpu.vector_load %arg21[%get3A_19, %get3A_20] {strides = array<i32>} : memref<3x80xi32, #tpu.memory_space<vmem>>, vector<16xi32>,
    %gather3A_22 = tpu.vector_load_idx %arg18[%get3A_21] : memref<10000xf32, #tpu.memory_space<vmem>>[vector<16xi32>], vector<16xf32>,
    %get3A_23 = arith.constant 2 : i32
    %get3A_24 = arith.index_cast %get3A_23 : i32 to index
    %get3A_25 = arith.constant 16 : index
    %get3A_26 = tpu.vector_load %arg21[%get3A_24, %get3A_25] {strides = array<i32>} : memref<3x80xi32, #tpu.memory_space<vmem>>, vector<16xi32>,
    %gather3A_27 = tpu.vector_load_idx %arg19[%get3A_26] : memref<1000xf32, #tpu.memory_space<vmem>>[vector<16xi32>], vector<16xf32>,
    %add3A_28 = arith.addf %gather3A_27, %gather3A_22 : vector<16xf32>
    %exp3A_29 = math.exp %add3A_28 : vector<16xf32>
    %swap3A_30 = arith.constant 16 : index
    %swap3A_31 = tpu.vector_load %arg22[%swap3A_30] {strides = array<i32>} : memref<80xf32, #tpu.memory_space<vmem>>, vector<16xf32>,
    tpu.vector_store %arg22[%swap3A_30], %exp3A_29 {strides = array<i32>} : memref<80xf32, #tpu.memory_space<vmem>>, vector<16xf32>,
    %get3A_32 = arith.constant 1 : i32
    %get3A_33 = arith.index_cast %get3A_32 : i32 to index
    %get3A_34 = arith.constant 32 : index
    %get3A_35 = tpu.vector_load %arg21[%get3A_33, %get3A_34] {strides = array<i32>} : memref<3x80xi32, #tpu.memory_space<vmem>>, vector<16xi32>,
    %gather3A_36 = tpu.vector_load_idx %arg18[%get3A_35] : memref<10000xf32, #tpu.memory_space<vmem>>[vector<16xi32>], vector<16xf32>,
    %get3A_37 = arith.constant 2 : i32
    %get3A_38 = arith.index_cast %get3A_37 : i32 to index
    %get3A_39 = arith.constant 32 : index
    %get3A_40 = tpu.vector_load %arg21[%get3A_38, %get3A_39] {strides = array<i32>} : memref<3x80xi32, #tpu.memory_space<vmem>>, vector<16xi32>,
    %gather3A_41 = tpu.vector_load_idx %arg19[%get3A_40] : memref<1000xf32, #tpu.memory_space<vmem>>[vector<16xi32>], vector<16xf32>,
    %add3A_42 = arith.addf %gather3A_41, %gather3A_36 : vector<16xf32>
    %exp3A_43 = math.exp %add3A_42 : vector<16xf32>
    %swap3A_44 = arith.constant 32 : index
    %swap3A_45 = tpu.vector_load %arg22[%swap3A_44] {strides = array<i32>} : memref<80xf32, #tpu.memory_space<vmem>>, vector<16xf32>,
    tpu.vector_store %arg22[%swap3A_44], %exp3A_43 {strides = array<i32>} : memref<80xf32, #tpu.memory_space<vmem>>, vector<16xf32>,
    %get3A_46 = arith.constant 1 : i32
    %get3A_47 = arith.index_cast %get3A_46 : i32 to index
    %get3A_48 = arith.constant 48 : index
    %get3A_49 = tpu.vector_load %arg21[%get3A_47, %get3A_48] {strides = array<i32>} : memref<3x80xi32, #tpu.memory_space<vmem>>, vector<16xi32>,
    %gather3A_50 = tpu.vector_load_idx %arg18[%get3A_49] : memref<10000xf32, #tpu.memory_space<vmem>>[vector<16xi32>], vector<16xf32>,
    %get3A_51 = arith.constant 2 : i32
    %get3A_52 = arith.index_cast %get3A_51 : i32 to index
    %get3A_53 = arith.constant 48 : index
    %get3A_54 = tpu.vector_load %arg21[%get3A_52, %get3A_53] {strides = array<i32>} : memref<3x80xi32, #tpu.memory_space<vmem>>, vector<16xi32>,
    %gather3A_55 = tpu.vector_load_idx %arg19[%get3A_54] : memref<1000xf32, #tpu.memory_space<vmem>>[vector<16xi32>], vector<16xf32>,
    %add3A_56 = arith.addf %gather3A_55, %gather3A_50 : vector<16xf32>
    %exp3A_57 = math.exp %add3A_56 : vector<16xf32>
    %swap3A_58 = arith.constant 48 : index
    %swap3A_59 = tpu.vector_load %arg22[%swap3A_58] {strides = array<i32>} : memref<80xf32, #tpu.memory_space<vmem>>, vector<16xf32>,
    tpu.vector_store %arg22[%swap3A_58], %exp3A_57 {strides = array<i32>} : memref<80xf32, #tpu.memory_space<vmem>>, vector<16xf32>,
    %get3A_60 = arith.constant 1 : i32
    %get3A_61 = arith.index_cast %get3A_60 : i32 to index
    %get3A_62 = arith.constant 64 : index
    %get3A_63 = tpu.vector_load %arg21[%get3A_61, %get3A_62] {strides = array<i32>} : memref<3x80xi32, #tpu.memory_space<vmem>>, vector<16xi32>,
    %gather3A_64 = tpu.vector_load_idx %arg18[%get3A_63] : memref<10000xf32, #tpu.memory_space<vmem>>[vector<16xi32>], vector<16xf32>,
    %get3A_65 = arith.constant 2 : i32
    %get3A_66 = arith.index_cast %get3A_65 : i32 to index
    %get3A_67 = arith.constant 64 : index
    %get3A_68 = tpu.vector_load %arg21[%get3A_66, %get3A_67] {strides = array<i32>} : memref<3x80xi32, #tpu.memory_space<vmem>>, vector<16xi32>,
    %gather3A_69 = tpu.vector_load_idx %arg19[%get3A_68] : memref<1000xf32, #tpu.memory_space<vmem>>[vector<16xi32>], vector<16xf32>,
    %add3A_70 = arith.addf %gather3A_69, %gather3A_64 : vector<16xf32>
    %exp3A_71 = math.exp %add3A_70 : vector<16xf32>
    %swap3A_72 = arith.constant 64 : index
    %swap3A_73 = tpu.vector_load %arg22[%swap3A_72] {strides = array<i32>} : memref<80xf32, #tpu.memory_space<vmem>>, vector<16xf32>,
    tpu.vector_store %arg22[%swap3A_72], %exp3A_71 {strides = array<i32>} : memref<80xf32, #tpu.memory_space<vmem>>, vector<16xf32>,
    %scan3A = arith.constant 0 : i32
    %scan3A_74 = arith.constant 0 : i32
    %scan3A_75 = arith.constant 62 : i32
    %scan3A_76 = arith.addi %scan3A_74, %scan3A_75 : i32
    %scan3A_77 = arith.constant 1 : i32
    scf.for %scan3A_701 = %scan3A_74 to %scan3A_76 step %scan3A_77  : i32 {
      %mul3A_702 = arith.constant 2 : i32
      %mul3A_703 = arith.muli %mul3A_702, %scan3A_701 : i32
      %dma_start3A_704 = arith.constant 0 : i32
      %dma_start3A_705 = arith.constant 0 : i32
      %dma_start3A_706 = tpu.memref_slice %arg21[%dma_start3A_704, %dma_start3A_705] : memref<3x80xi32, #tpu.memory_space<vmem>> -> memref<1x80xi32, #tpu.memory_space<vmem>>
      %dma_start3A_707 = tpu.memref_squeeze %dma_start3A_706 : memref<1x80xi32, #tpu.memory_space<vmem>> -> memref<80xi32, #tpu.memory_space<vmem>>
      %dma_start3A_708 = arith.constant 0 : i32
      %dma_start3A_709 = tpu.memref_slice %arg17[%dma_start3A_708] : memref<10240xf32, #tpu.memory_space<vmem_shared>> -> memref<10240xf32, #tpu.memory_space<vmem_shared>>
      tpu.enqueue_indirect_dma source(%arg22 : memref<80xf32, #tpu.memory_space<vmem>>) target(%dma_start3A_709 : memref<10240xf32, #tpu.memory_space<vmem_shared>>) offsets(%dma_start3A_707 : memref<80xi32, #tpu.memory_space<vmem>>) semaphore(%arg24 : memref<!tpu.dma_semaphore, #tpu.memory_space<semaphore_mem>>) {add = true}
      %add3A_710 = arith.constant 1 : i32
      %add3A_711 = arith.addi %mul3A_703, %add3A_710 : i32
      %mul3A_712 = arith.constant 125 : i32
      %mul3A_713 = arith.muli %arg1, %mul3A_712 : i32
      %add3A_714 = arith.addi %mul3A_713, %add3A_711 : i32
      "tpu.region"() ({
        %run_scoped3A = tpu.sem_alloc : memref<!tpu.dma_semaphore, #tpu.memory_space<semaphore_mem>>
        %dma_start3A_878 = arith.constant 0 : i32
        %dma_start3A_879 = arith.constant 0 : i32
        %dma_start3A_880 = tpu.memref_slice %arg2[%add3A_714, %dma_start3A_878, %dma_start3A_879] : memref<2000x3x80xi32, #tpu.memory_space<hbm>> -> memref<1x3x80xi32, #tpu.memory_space<hbm>>
        %dma_start3A_881 = tpu.memref_squeeze %dma_start3A_880 : memref<1x3x80xi32, #tpu.memory_space<hbm>> -> memref<3x80xi32, #tpu.memory_space<hbm>>
        %dma_start3A_882 = arith.constant 0 : i32
        %dma_start3A_883 = arith.constant 0 : i32
        %dma_start3A_884 = tpu.memref_slice %arg2[%add3A_714, %dma_start3A_882, %dma_start3A_883] : memref<2000x3x80xi32, #tpu.memory_space<hbm>> -> memref<1x3x80xi32, #tpu.memory_space<hbm>>
        %dma_start3A_885 = tpu.memref_squeeze %dma_start3A_884 : memref<1x3x80xi32, #tpu.memory_space<hbm>> -> memref<3x80xi32, #tpu.memory_space<hbm>>
        tpu.enqueue_dma source(%dma_start3A_885 : memref<3x80xi32, #tpu.memory_space<hbm>>) target(%arg25 : memref<3x80xi32, #tpu.memory_space<vmem>>) target_semaphore(%run_scoped3A : memref<!tpu.dma_semaphore, #tpu.memory_space<semaphore_mem>>)
        %dma_wait3A_886 = arith.constant 0 : i32
        %dma_wait3A_887 = arith.constant 0 : i32
        %dma_wait3A_888 = tpu.memref_slice %arg2[%add3A_714, %dma_wait3A_886, %dma_wait3A_887] : memref<2000x3x80xi32, #tpu.memory_space<hbm>> -> memref<1x3x80xi32, #tpu.memory_space<hbm>>
        %dma_wait3A_889 = tpu.memref_squeeze %dma_wait3A_888 : memref<1x3x80xi32, #tpu.memory_space<hbm>> -> memref<3x80xi32, #tpu.memory_space<hbm>>
        %dma_wait3A_890 = arith.constant 0 : i32
        %dma_wait3A_891 = arith.constant 0 : i32
        %dma_wait3A_892 = tpu.memref_slice %arg2[%add3A_714, %dma_wait3A_890, %dma_wait3A_891] : memref<2000x3x80xi32, #tpu.memory_space<hbm>> -> memref<1x3x80xi32, #tpu.memory_space<hbm>>
        %dma_wait3A_893 = tpu.memref_squeeze %dma_wait3A_892 : memref<1x3x80xi32, #tpu.memory_space<hbm>> -> memref<3x80xi32, #tpu.memory_space<hbm>>
        tpu.wait_dma2 semaphore(%run_scoped3A : memref<!tpu.dma_semaphore, #tpu.memory_space<semaphore_mem>>) src(%dma_wait3A_893 : memref<3x80xi32, #tpu.memory_space<hbm>>) dst(%arg25 : memref<3x80xi32, #tpu.memory_space<vmem>>)
        tpu.yield
      }) : () -> ()
      %get3A_715 = arith.constant 1 : i32
      %get3A_716 = arith.index_cast %get3A_715 : i32 to index
      %get3A_717 = arith.constant 0 : index
      %get3A_718 = tpu.vector_load %arg25[%get3A_716, %get3A_717] {strides = array<i32>} : memref<3x80xi32, #tpu.memory_space<vmem>>, vector<16xi32>,
      %gather3A_719 = tpu.vector_load_idx %arg18[%get3A_718] : memref<10000xf32, #tpu.memory_space<vmem>>[vector<16xi32>], vector<16xf32>,
      %get3A_720 = arith.constant 2 : i32
      %get3A_721 = arith.index_cast %get3A_720 : i32 to index
      %get3A_722 = arith.constant 0 : index
      %get3A_723 = tpu.vector_load %arg25[%get3A_721, %get3A_722] {strides = array<i32>} : memref<3x80xi32, #tpu.memory_space<vmem>>, vector<16xi32>,
      %gather3A_724 = tpu.vector_load_idx %arg19[%get3A_723] : memref<1000xf32, #tpu.memory_space<vmem>>[vector<16xi32>], vector<16xf32>,
      %add3A_725 = arith.addf %gather3A_724, %gather3A_719 : vector<16xf32>
      %exp3A_726 = math.exp %add3A_725 : vector<16xf32>
      %swap3A_727 = arith.constant 0 : index
      %swap3A_728 = tpu.vector_load %arg26[%swap3A_727] {strides = array<i32>} : memref<80xf32, #tpu.memory_space<vmem>>, vector<16xf32>,
      tpu.vector_store %arg26[%swap3A_727], %exp3A_726 {strides = array<i32>} : memref<80xf32, #tpu.memory_space<vmem>>, vector<16xf32>,
      %get3A_729 = arith.constant 1 : i32
      %get3A_730 = arith.index_cast %get3A_729 : i32 to index
      %get3A_731 = arith.constant 16 : index
      %get3A_732 = tpu.vector_load %arg25[%get3A_730, %get3A_731] {strides = array<i32>} : memref<3x80xi32, #tpu.memory_space<vmem>>, vector<16xi32>,
      %gather3A_733 = tpu.vector_load_idx %arg18[%get3A_732] : memref<10000xf32, #tpu.memory_space<vmem>>[vector<16xi32>], vector<16xf32>,
      %get3A_734 = arith.constant 2 : i32
      %get3A_735 = arith.index_cast %get3A_734 : i32 to index
      %get3A_736 = arith.constant 16 : index
      %get3A_737 = tpu.vector_load %arg25[%get3A_735, %get3A_736] {strides = array<i32>} : memref<3x80xi32, #tpu.memory_space<vmem>>, vector<16xi32>,
      %gather3A_738 = tpu.vector_load_idx %arg19[%get3A_737] : memref<1000xf32, #tpu.memory_space<vmem>>[vector<16xi32>], vector<16xf32>,
      %add3A_739 = arith.addf %gather3A_738, %gather3A_733 : vector<16xf32>
      %exp3A_740 = math.exp %add3A_739 : vector<16xf32>
      %swap3A_741 = arith.constant 16 : index
      %swap3A_742 = tpu.vector_load %arg26[%swap3A_741] {strides = array<i32>} : memref<80xf32, #tpu.memory_space<vmem>>, vector<16xf32>,
      tpu.vector_store %arg26[%swap3A_741], %exp3A_740 {strides = array<i32>} : memref<80xf32, #tpu.memory_space<vmem>>, vector<16xf32>,
      %get3A_743 = arith.constant 1 : i32
      %get3A_744 = arith.index_cast %get3A_743 : i32 to index
      %get3A_745 = arith.constant 32 : index
      %get3A_746 = tpu.vector_load %arg25[%get3A_744, %get3A_745] {strides = array<i32>} : memref<3x80xi32, #tpu.memory_space<vmem>>, vector<16xi32>,
      %gather3A_747 = tpu.vector_load_idx %arg18[%get3A_746] : memref<10000xf32, #tpu.memory_space<vmem>>[vector<16xi32>], vector<16xf32>,
      %get3A_748 = arith.constant 2 : i32
      %get3A_749 = arith.index_cast %get3A_748 : i32 to index
      %get3A_750 = arith.constant 32 : index
      %get3A_751 = tpu.vector_load %arg25[%get3A_749, %get3A_750] {strides = array<i32>} : memref<3x80xi32, #tpu.memory_space<vmem>>, vector<16xi32>,
      %gather3A_752 = tpu.vector_load_idx %arg19[%get3A_751] : memref<1000xf32, #tpu.memory_space<vmem>>[vector<16xi32>], vector<16xf32>,
      %add3A_753 = arith.addf %gather3A_752, %gather3A_747 : vector<16xf32>
      %exp3A_754 = math.exp %add3A_753 : vector<16xf32>
      %swap3A_755 = arith.constant 32 : index
      %swap3A_756 = tpu.vector_load %arg26[%swap3A_755] {strides = array<i32>} : memref<80xf32, #tpu.memory_space<vmem>>, vector<16xf32>,
      tpu.vector_store %arg26[%swap3A_755], %exp3A_754 {strides = array<i32>} : memref<80xf32, #tpu.memory_space<vmem>>, vector<16xf32>,
      %get3A_757 = arith.constant 1 : i32
      %get3A_758 = arith.index_cast %get3A_757 : i32 to index
      %get3A_759 = arith.constant 48 : index
      %get3A_760 = tpu.vector_load %arg25[%get3A_758, %get3A_759] {strides = array<i32>} : memref<3x80xi32, #tpu.memory_space<vmem>>, vector<16xi32>,
      %gather3A_761 = tpu.vector_load_idx %arg18[%get3A_760] : memref<10000xf32, #tpu.memory_space<vmem>>[vector<16xi32>], vector<16xf32>,
      %get3A_762 = arith.constant 2 : i32
      %get3A_763 = arith.index_cast %get3A_762 : i32 to index
      %get3A_764 = arith.constant 48 : index
      %get3A_765 = tpu.vector_load %arg25[%get3A_763, %get3A_764] {strides = array<i32>} : memref<3x80xi32, #tpu.memory_space<vmem>>, vector<16xi32>,
      %gather3A_766 = tpu.vector_load_idx %arg19[%get3A_765] : memref<1000xf32, #tpu.memory_space<vmem>>[vector<16xi32>], vector<16xf32>,
      %add3A_767 = arith.addf %gather3A_766, %gather3A_761 : vector<16xf32>
      %exp3A_768 = math.exp %add3A_767 : vector<16xf32>
      %swap3A_769 = arith.constant 48 : index
      %swap3A_770 = tpu.vector_load %arg26[%swap3A_769] {strides = array<i32>} : memref<80xf32, #tpu.memory_space<vmem>>, vector<16xf32>,
      tpu.vector_store %arg26[%swap3A_769], %exp3A_768 {strides = array<i32>} : memref<80xf32, #tpu.memory_space<vmem>>, vector<16xf32>,
      %get3A_771 = arith.constant 1 : i32
      %get3A_772 = arith.index_cast %get3A_771 : i32 to index
      %get3A_773 = arith.constant 64 : index
      %get3A_774 = tpu.vector_load %arg25[%get3A_772, %get3A_773] {strides = array<i32>} : memref<3x80xi32, #tpu.memory_space<vmem>>, vector<16xi32>,
      %gather3A_775 = tpu.vector_load_idx %arg18[%get3A_774] : memref<10000xf32, #tpu.memory_space<vmem>>[vector<16xi32>], vector<16xf32>,
      %get3A_776 = arith.constant 2 : i32
      %get3A_777 = arith.index_cast %get3A_776 : i32 to index
      %get3A_778 = arith.constant 64 : index
      %get3A_779 = tpu.vector_load %arg25[%get3A_777, %get3A_778] {strides = array<i32>} : memref<3x80xi32, #tpu.memory_space<vmem>>, vector<16xi32>,
      %gather3A_780 = tpu.vector_load_idx %arg19[%get3A_779] : memref<1000xf32, #tpu.memory_space<vmem>>[vector<16xi32>], vector<16xf32>,
      %add3A_781 = arith.addf %gather3A_780, %gather3A_775 : vector<16xf32>
      %exp3A_782 = math.exp %add3A_781 : vector<16xf32>
      %swap3A_783 = arith.constant 64 : index
      %swap3A_784 = tpu.vector_load %arg26[%swap3A_783] {strides = array<i32>} : memref<80xf32, #tpu.memory_space<vmem>>, vector<16xf32>,
      tpu.vector_store %arg26[%swap3A_783], %exp3A_782 {strides = array<i32>} : memref<80xf32, #tpu.memory_space<vmem>>, vector<16xf32>,
      %dma_wait3A_785 = arith.constant 0 : i32
      %dma_wait3A_786 = arith.constant 0 : i32
      %dma_wait3A_787 = tpu.memref_slice %arg21[%dma_wait3A_785, %dma_wait3A_786] : memref<3x80xi32, #tpu.memory_space<vmem>> -> memref<1x80xi32, #tpu.memory_space<vmem>>
      %dma_wait3A_788 = tpu.memref_squeeze %dma_wait3A_787 : memref<1x80xi32, #tpu.memory_space<vmem>> -> memref<80xi32, #tpu.memory_space<vmem>>
      %dma_wait3A_789 = arith.constant 0 : i32
      %dma_wait3A_790 = tpu.memref_slice %arg17[%dma_wait3A_789] : memref<10240xf32, #tpu.memory_space<vmem_shared>> -> memref<10240xf32, #tpu.memory_space<vmem_shared>>
      tpu.wait_indirect_dma semaphore(%arg24 : memref<!tpu.dma_semaphore, #tpu.memory_space<semaphore_mem>>) src(%arg22 : memref<80xf32, #tpu.memory_space<vmem>>) dst(%dma_wait3A_790 : memref<10240xf32, #tpu.memory_space<vmem_shared>>)
      %dma_start3A_791 = arith.constant 0 : i32
      %dma_start3A_792 = arith.constant 0 : i32
      %dma_start3A_793 = tpu.memref_slice %arg25[%dma_start3A_791, %dma_start3A_792] : memref<3x80xi32, #tpu.memory_space<vmem>> -> memref<1x80xi32, #tpu.memory_space<vmem>>
      %dma_start3A_794 = tpu.memref_squeeze %dma_start3A_793 : memref<1x80xi32, #tpu.memory_space<vmem>> -> memref<80xi32, #tpu.memory_space<vmem>>
      %dma_start3A_795 = arith.constant 0 : i32
      %dma_start3A_796 = tpu.memref_slice %arg17[%dma_start3A_795] : memref<10240xf32, #tpu.memory_space<vmem_shared>> -> memref<10240xf32, #tpu.memory_space<vmem_shared>>
      tpu.enqueue_indirect_dma source(%arg26 : memref<80xf32, #tpu.memory_space<vmem>>) target(%dma_start3A_796 : memref<10240xf32, #tpu.memory_space<vmem_shared>>) offsets(%dma_start3A_794 : memref<80xi32, #tpu.memory_space<vmem>>) semaphore(%arg28 : memref<!tpu.dma_semaphore, #tpu.memory_space<semaphore_mem>>) {add = true}
      %add3A_797 = arith.constant 2 : i32
      %add3A_798 = arith.addi %mul3A_703, %add3A_797 : i32
      %mul3A_799 = arith.constant 125 : i32
      %mul3A_800 = arith.muli %arg1, %mul3A_799 : i32
      %add3A_801 = arith.addi %mul3A_800, %add3A_798 : i32
      "tpu.region"() ({
        %run_scoped3A = tpu.sem_alloc : memref<!tpu.dma_semaphore, #tpu.memory_space<semaphore_mem>>
        %dma_start3A_878 = arith.constant 0 : i32
        %dma_start3A_879 = arith.constant 0 : i32
        %dma_start3A_880 = tpu.memref_slice %arg2[%add3A_801, %dma_start3A_878, %dma_start3A_879] : memref<2000x3x80xi32, #tpu.memory_space<hbm>> -> memref<1x3x80xi32, #tpu.memory_space<hbm>>
        %dma_start3A_881 = tpu.memref_squeeze %dma_start3A_880 : memref<1x3x80xi32, #tpu.memory_space<hbm>> -> memref<3x80xi32, #tpu.memory_space<hbm>>
        %dma_start3A_882 = arith.constant 0 : i32
        %dma_start3A_883 = arith.constant 0 : i32
        %dma_start3A_884 = tpu.memref_slice %arg2[%add3A_801, %dma_start3A_882, %dma_start3A_883] : memref<2000x3x80xi32, #tpu.memory_space<hbm>> -> memref<1x3x80xi32, #tpu.memory_space<hbm>>
        %dma_start3A_885 = tpu.memref_squeeze %dma_start3A_884 : memref<1x3x80xi32, #tpu.memory_space<hbm>> -> memref<3x80xi32, #tpu.memory_space<hbm>>
        tpu.enqueue_dma source(%dma_start3A_885 : memref<3x80xi32, #tpu.memory_space<hbm>>) target(%arg21 : memref<3x80xi32, #tpu.memory_space<vmem>>) target_semaphore(%run_scoped3A : memref<!tpu.dma_semaphore, #tpu.memory_space<semaphore_mem>>)
        %dma_wait3A_886 = arith.constant 0 : i32
        %dma_wait3A_887 = arith.constant 0 : i32
        %dma_wait3A_888 = tpu.memref_slice %arg2[%add3A_801, %dma_wait3A_886, %dma_wait3A_887] : memref<2000x3x80xi32, #tpu.memory_space<hbm>> -> memref<1x3x80xi32, #tpu.memory_space<hbm>>
        %dma_wait3A_889 = tpu.memref_squeeze %dma_wait3A_888 : memref<1x3x80xi32, #tpu.memory_space<hbm>> -> memref<3x80xi32, #tpu.memory_space<hbm>>
        %dma_wait3A_890 = arith.constant 0 : i32
        %dma_wait3A_891 = arith.constant 0 : i32
        %dma_wait3A_892 = tpu.memref_slice %arg2[%add3A_801, %dma_wait3A_890, %dma_wait3A_891] : memref<2000x3x80xi32, #tpu.memory_space<hbm>> -> memref<1x3x80xi32, #tpu.memory_space<hbm>>
        %dma_wait3A_893 = tpu.memref_squeeze %dma_wait3A_892 : memref<1x3x80xi32, #tpu.memory_space<hbm>> -> memref<3x80xi32, #tpu.memory_space<hbm>>
        tpu.wait_dma2 semaphore(%run_scoped3A : memref<!tpu.dma_semaphore, #tpu.memory_space<semaphore_mem>>) src(%dma_wait3A_893 : memref<3x80xi32, #tpu.memory_space<hbm>>) dst(%arg21 : memref<3x80xi32, #tpu.memory_space<vmem>>)
        tpu.yield
      }) : () -> ()
      %get3A_802 = arith.constant 1 : i32
      %get3A_803 = arith.index_cast %get3A_802 : i32 to index
      %get3A_804 = arith.constant 0 : index
      %get3A_805 = tpu.vector_load %arg21[%get3A_803, %get3A_804] {strides = array<i32>} : memref<3x80xi32, #tpu.memory_space<vmem>>, vector<16xi32>,
      %gather3A_806 = tpu.vector_load_idx %arg18[%get3A_805] : memref<10000xf32, #tpu.memory_space<vmem>>[vector<16xi32>], vector<16xf32>,
      %get3A_807 = arith.constant 2 : i32
      %get3A_808 = arith.index_cast %get3A_807 : i32 to index
      %get3A_809 = arith.constant 0 : index
      %get3A_810 = tpu.vector_load %arg21[%get3A_808, %get3A_809] {strides = array<i32>} : memref<3x80xi32, #tpu.memory_space<vmem>>, vector<16xi32>,
      %gather3A_811 = tpu.vector_load_idx %arg19[%get3A_810] : memref<1000xf32, #tpu.memory_space<vmem>>[vector<16xi32>], vector<16xf32>,
      %add3A_812 = arith.addf %gather3A_811, %gather3A_806 : vector<16xf32>
      %exp3A_813 = math.exp %add3A_812 : vector<16xf32>
      %swap3A_814 = arith.constant 0 : index
      %swap3A_815 = tpu.vector_load %arg22[%swap3A_814] {strides = array<i32>} : memref<80xf32, #tpu.memory_space<vmem>>, vector<16xf32>,
      tpu.vector_store %arg22[%swap3A_814], %exp3A_813 {strides = array<i32>} : memref<80xf32, #tpu.memory_space<vmem>>, vector<16xf32>,
      %get3A_816 = arith.constant 1 : i32
      %get3A_817 = arith.index_cast %get3A_816 : i32 to index
      %get3A_818 = arith.constant 16 : index
      %get3A_819 = tpu.vector_load %arg21[%get3A_817, %get3A_818] {strides = array<i32>} : memref<3x80xi32, #tpu.memory_space<vmem>>, vector<16xi32>,
      %gather3A_820 = tpu.vector_load_idx %arg18[%get3A_819] : memref<10000xf32, #tpu.memory_space<vmem>>[vector<16xi32>], vector<16xf32>,
      %get3A_821 = arith.constant 2 : i32
      %get3A_822 = arith.index_cast %get3A_821 : i32 to index
      %get3A_823 = arith.constant 16 : index
      %get3A_824 = tpu.vector_load %arg21[%get3A_822, %get3A_823] {strides = array<i32>} : memref<3x80xi32, #tpu.memory_space<vmem>>, vector<16xi32>,
      %gather3A_825 = tpu.vector_load_idx %arg19[%get3A_824] : memref<1000xf32, #tpu.memory_space<vmem>>[vector<16xi32>], vector<16xf32>,
      %add3A_826 = arith.addf %gather3A_825, %gather3A_820 : vector<16xf32>
      %exp3A_827 = math.exp %add3A_826 : vector<16xf32>
      %swap3A_828 = arith.constant 16 : index
      %swap3A_829 = tpu.vector_load %arg22[%swap3A_828] {strides = array<i32>} : memref<80xf32, #tpu.memory_space<vmem>>, vector<16xf32>,
      tpu.vector_store %arg22[%swap3A_828], %exp3A_827 {strides = array<i32>} : memref<80xf32, #tpu.memory_space<vmem>>, vector<16xf32>,
      %get3A_830 = arith.constant 1 : i32
      %get3A_831 = arith.index_cast %get3A_830 : i32 to index
      %get3A_832 = arith.constant 32 : index
      %get3A_833 = tpu.vector_load %arg21[%get3A_831, %get3A_832] {strides = array<i32>} : memref<3x80xi32, #tpu.memory_space<vmem>>, vector<16xi32>,
      %gather3A_834 = tpu.vector_load_idx %arg18[%get3A_833] : memref<10000xf32, #tpu.memory_space<vmem>>[vector<16xi32>], vector<16xf32>,
      %get3A_835 = arith.constant 2 : i32
      %get3A_836 = arith.index_cast %get3A_835 : i32 to index
      %get3A_837 = arith.constant 32 : index
      %get3A_838 = tpu.vector_load %arg21[%get3A_836, %get3A_837] {strides = array<i32>} : memref<3x80xi32, #tpu.memory_space<vmem>>, vector<16xi32>,
      %gather3A_839 = tpu.vector_load_idx %arg19[%get3A_838] : memref<1000xf32, #tpu.memory_space<vmem>>[vector<16xi32>], vector<16xf32>,
      %add3A_840 = arith.addf %gather3A_839, %gather3A_834 : vector<16xf32>
      %exp3A_841 = math.exp %add3A_840 : vector<16xf32>
      %swap3A_842 = arith.constant 32 : index
      %swap3A_843 = tpu.vector_load %arg22[%swap3A_842] {strides = array<i32>} : memref<80xf32, #tpu.memory_space<vmem>>, vector<16xf32>,
      tpu.vector_store %arg22[%swap3A_842], %exp3A_841 {strides = array<i32>} : memref<80xf32, #tpu.memory_space<vmem>>, vector<16xf32>,
      %get3A_844 = arith.constant 1 : i32
      %get3A_845 = arith.index_cast %get3A_844 : i32 to index
      %get3A_846 = arith.constant 48 : index
      %get3A_847 = tpu.vector_load %arg21[%get3A_845, %get3A_846] {strides = array<i32>} : memref<3x80xi32, #tpu.memory_space<vmem>>, vector<16xi32>,
      %gather3A_848 = tpu.vector_load_idx %arg18[%get3A_847] : memref<10000xf32, #tpu.memory_space<vmem>>[vector<16xi32>], vector<16xf32>,
      %get3A_849 = arith.constant 2 : i32
      %get3A_850 = arith.index_cast %get3A_849 : i32 to index
      %get3A_851 = arith.constant 48 : index
      %get3A_852 = tpu.vector_load %arg21[%get3A_850, %get3A_851] {strides = array<i32>} : memref<3x80xi32, #tpu.memory_space<vmem>>, vector<16xi32>,
      %gather3A_853 = tpu.vector_load_idx %arg19[%get3A_852] : memref<1000xf32, #tpu.memory_space<vmem>>[vector<16xi32>], vector<16xf32>,
      %add3A_854 = arith.addf %gather3A_853, %gather3A_848 : vector<16xf32>
      %exp3A_855 = math.exp %add3A_854 : vector<16xf32>
      %swap3A_856 = arith.constant 48 : index
      %swap3A_857 = tpu.vector_load %arg22[%swap3A_856] {strides = array<i32>} : memref<80xf32, #tpu.memory_space<vmem>>, vector<16xf32>,
      tpu.vector_store %arg22[%swap3A_856], %exp3A_855 {strides = array<i32>} : memref<80xf32, #tpu.memory_space<vmem>>, vector<16xf32>,
      %get3A_858 = arith.constant 1 : i32
      %get3A_859 = arith.index_cast %get3A_858 : i32 to index
      %get3A_860 = arith.constant 64 : index
      %get3A_861 = tpu.vector_load %arg21[%get3A_859, %get3A_860] {strides = array<i32>} : memref<3x80xi32, #tpu.memory_space<vmem>>, vector<16xi32>,
      %gather3A_862 = tpu.vector_load_idx %arg18[%get3A_861] : memref<10000xf32, #tpu.memory_space<vmem>>[vector<16xi32>], vector<16xf32>,
      %get3A_863 = arith.constant 2 : i32
      %get3A_864 = arith.index_cast %get3A_863 : i32 to index
      %get3A_865 = arith.constant 64 : index
      %get3A_866 = tpu.vector_load %arg21[%get3A_864, %get3A_865] {strides = array<i32>} : memref<3x80xi32, #tpu.memory_space<vmem>>, vector<16xi32>,
      %gather3A_867 = tpu.vector_load_idx %arg19[%get3A_866] : memref<1000xf32, #tpu.memory_space<vmem>>[vector<16xi32>], vector<16xf32>,
      %add3A_868 = arith.addf %gather3A_867, %gather3A_862 : vector<16xf32>
      %exp3A_869 = math.exp %add3A_868 : vector<16xf32>
      %swap3A_870 = arith.constant 64 : index
      %swap3A_871 = tpu.vector_load %arg22[%swap3A_870] {strides = array<i32>} : memref<80xf32, #tpu.memory_space<vmem>>, vector<16xf32>,
      tpu.vector_store %arg22[%swap3A_870], %exp3A_869 {strides = array<i32>} : memref<80xf32, #tpu.memory_space<vmem>>, vector<16xf32>,
      %dma_wait3A_872 = arith.constant 0 : i32
      %dma_wait3A_873 = arith.constant 0 : i32
      %dma_wait3A_874 = tpu.memref_slice %arg25[%dma_wait3A_872, %dma_wait3A_873] : memref<3x80xi32, #tpu.memory_space<vmem>> -> memref<1x80xi32, #tpu.memory_space<vmem>>
      %dma_wait3A_875 = tpu.memref_squeeze %dma_wait3A_874 : memref<1x80xi32, #tpu.memory_space<vmem>> -> memref<80xi32, #tpu.memory_space<vmem>>
      %dma_wait3A_876 = arith.constant 0 : i32
      %dma_wait3A_877 = tpu.memref_slice %arg17[%dma_wait3A_876] : memref<10240xf32, #tpu.memory_space<vmem_shared>> -> memref<10240xf32, #tpu.memory_space<vmem_shared>>
      tpu.wait_indirect_dma semaphore(%arg28 : memref<!tpu.dma_semaphore, #tpu.memory_space<semaphore_mem>>) src(%arg26 : memref<80xf32, #tpu.memory_space<vmem>>) dst(%dma_wait3A_877 : memref<10240xf32, #tpu.memory_space<vmem_shared>>)
    }
    %scan3A_78 = arith.constant 62 : i32
    %dma_start3A = arith.constant 0 : i32
    %dma_start3A_79 = arith.constant 0 : i32
    %dma_start3A_80 = tpu.memref_slice %arg21[%dma_start3A, %dma_start3A_79] : memref<3x80xi32, #tpu.memory_space<vmem>> -> memref<1x80xi32, #tpu.memory_space<vmem>>
    %dma_start3A_81 = tpu.memref_squeeze %dma_start3A_80 : memref<1x80xi32, #tpu.memory_space<vmem>> -> memref<80xi32, #tpu.memory_space<vmem>>
    %dma_start3A_82 = arith.constant 0 : i32
    %dma_start3A_83 = tpu.memref_slice %arg17[%dma_start3A_82] : memref<10240xf32, #tpu.memory_space<vmem_shared>> -> memref<10240xf32, #tpu.memory_space<vmem_shared>>
    tpu.enqueue_indirect_dma source(%arg22 : memref<80xf32, #tpu.memory_space<vmem>>) target(%dma_start3A_83 : memref<10240xf32, #tpu.memory_space<vmem_shared>>) offsets(%dma_start3A_81 : memref<80xi32, #tpu.memory_space<vmem>>) semaphore(%arg24 : memref<!tpu.dma_semaphore, #tpu.memory_space<semaphore_mem>>) {add = true}
    %dma_wait3A = arith.constant 0 : i32
    %dma_wait3A_84 = arith.constant 0 : i32
    %dma_wait3A_85 = tpu.memref_slice %arg21[%dma_wait3A, %dma_wait3A_84] : memref<3x80xi32, #tpu.memory_space<vmem>> -> memref<1x80xi32, #tpu.memory_space<vmem>>
    %dma_wait3A_86 = tpu.memref_squeeze %dma_wait3A_85 : memref<1x80xi32, #tpu.memory_space<vmem>> -> memref<80xi32, #tpu.memory_space<vmem>>
    %dma_wait3A_87 = arith.constant 0 : i32
    %dma_wait3A_88 = tpu.memref_slice %arg17[%dma_wait3A_87] : memref<10240xf32, #tpu.memory_space<vmem_shared>> -> memref<10240xf32, #tpu.memory_space<vmem_shared>>
    tpu.wait_indirect_dma semaphore(%arg24 : memref<!tpu.dma_semaphore, #tpu.memory_space<semaphore_mem>>) src(%arg22 : memref<80xf32, #tpu.memory_space<vmem>>) dst(%dma_wait3A_88 : memref<10240xf32, #tpu.memory_space<vmem_shared>>)
    %barrier3A_89 = arith.constant 0 : index
    tpu.barrier barrier_id(%barrier3A_89)
    "tpu.region"() ({
      %run_scoped3A = tpu.sem_alloc : memref<!tpu.dma_semaphore, #tpu.memory_space<semaphore_mem>>
      tpu.enqueue_dma source(%arg17 : memref<10240xf32, #tpu.memory_space<vmem_shared>>) target(%arg20 : memref<10240xf32, #tpu.memory_space<vmem>>) target_semaphore(%run_scoped3A : memref<!tpu.dma_semaphore, #tpu.memory_space<semaphore_mem>>)
      tpu.wait_dma2 semaphore(%run_scoped3A : memref<!tpu.dma_semaphore, #tpu.memory_space<semaphore_mem>>) src(%arg17 : memref<10240xf32, #tpu.memory_space<vmem_shared>>) dst(%arg20 : memref<10240xf32, #tpu.memory_space<vmem>>)
      tpu.yield
    }) : () -> ()
    %eq3A = arith.constant 0 : i32
    %eq3A_90 = arith.cmpi eq, %arg0, %eq3A : i32
    %convert_element_type3A = arith.extui %eq3A_90 : i1 to i32
    %cond3A = arith.constant 0 : i32
    %cond3A_91 = arith.cmpi ne, %convert_element_type3A, %cond3A : i32
    scf.if %cond3A_91 {
      %mul3A_701 = arith.constant 640 : i32
      %mul3A_702 = arith.muli %arg1, %mul3A_701 : i32
      %mul3A_703 = arith.constant 640 : i32
      %mul3A_704 = arith.muli %arg1, %mul3A_703 : i32
      "tpu.region"() ({
        %run_scoped3A = tpu.sem_alloc : memref<!tpu.dma_semaphore, #tpu.memory_space<semaphore_mem>>
        %dma_start3A_705 = tpu.memref_slice %arg15[%mul3A_704] : memref<10240xf32, #tpu.memory_space<hbm>> -> memref<640xf32, #tpu.memory_space<hbm>>
        %dma_start3A_706 = tpu.memref_slice %arg17[%mul3A_702] : memref<10240xf32, #tpu.memory_space<vmem_shared>> -> memref<640xf32, #tpu.memory_space<vmem_shared>>
        tpu.enqueue_dma source(%dma_start3A_706 : memref<640xf32, #tpu.memory_space<vmem_shared>>) target(%dma_start3A_705 : memref<640xf32, #tpu.memory_space<hbm>>) target_semaphore(%run_scoped3A : memref<!tpu.dma_semaphore, #tpu.memory_space<semaphore_mem>>)
        %dma_wait3A_707 = tpu.memref_slice %arg15[%mul3A_704] : memref<10240xf32, #tpu.memory_space<hbm>> -> memref<640xf32, #tpu.memory_space<hbm>>
        %dma_wait3A_708 = tpu.memref_slice %arg17[%mul3A_702] : memref<10240xf32, #tpu.memory_space<vmem_shared>> -> memref<640xf32, #tpu.memory_space<vmem_shared>>
        tpu.wait_dma2 semaphore(%run_scoped3A : memref<!tpu.dma_semaphore, #tpu.memory_space<semaphore_mem>>) src(%dma_wait3A_708 : memref<640xf32, #tpu.memory_space<vmem_shared>>) dst(%dma_wait3A_707 : memref<640xf32, #tpu.memory_space<hbm>>)
        tpu.yield
      }) : () -> ()
    } else {
    }
    %mul3A_92 = arith.constant 125 : i32
    %mul3A_93 = arith.muli %arg1, %mul3A_92 : i32
    %add3A_94 = arith.constant 0 : i32
    %add3A_95 = arith.addi %mul3A_93, %add3A_94 : i32
    "tpu.region"() ({
      %run_scoped3A = tpu.sem_alloc : memref<!tpu.dma_semaphore, #tpu.memory_space<semaphore_mem>>
      %dma_start3A_701 = arith.constant 0 : i32
      %dma_start3A_702 = arith.constant 0 : i32
      %dma_start3A_703 = tpu.memref_slice %arg2[%add3A_95, %dma_start3A_701, %dma_start3A_702] : memref<2000x3x80xi32, #tpu.memory_space<hbm>> -> memref<1x3x80xi32, #tpu.memory_space<hbm>>
      %dma_start3A_704 = tpu.memref_squeeze %dma_start3A_703 : memref<1x3x80xi32, #tpu.memory_space<hbm>> -> memref<3x80xi32, #tpu.memory_space<hbm>>
      %dma_start3A_705 = arith.constant 0 : i32
      %dma_start3A_706 = arith.constant 0 : i32
      %dma_start3A_707 = tpu.memref_slice %arg2[%add3A_95, %dma_start3A_705, %dma_start3A_706] : memref<2000x3x80xi32, #tpu.memory_space<hbm>> -> memref<1x3x80xi32, #tpu.memory_space<hbm>>
      %dma_start3A_708 = tpu.memref_squeeze %dma_start3A_707 : memref<1x3x80xi32, #tpu.memory_space<hbm>> -> memref<3x80xi32, #tpu.memory_space<hbm>>
      tpu.enqueue_dma source(%dma_start3A_708 : memref<3x80xi32, #tpu.memory_space<hbm>>) target(%arg21 : memref<3x80xi32, #tpu.memory_space<vmem>>) target_semaphore(%run_scoped3A : memref<!tpu.dma_semaphore, #tpu.memory_space<semaphore_mem>>)
      %dma_wait3A_709 = arith.constant 0 : i32
      %dma_wait3A_710 = arith.constant 0 : i32
      %dma_wait3A_711 = tpu.memref_slice %arg2[%add3A_95, %dma_wait3A_709, %dma_wait3A_710] : memref<2000x3x80xi32, #tpu.memory_space<hbm>> -> memref<1x3x80xi32, #tpu.memory_space<hbm>>
      %dma_wait3A_712 = tpu.memref_squeeze %dma_wait3A_711 : memref<1x3x80xi32, #tpu.memory_space<hbm>> -> memref<3x80xi32, #tpu.memory_space<hbm>>
      %dma_wait3A_713 = arith.constant 0 : i32
      %dma_wait3A_714 = arith.constant 0 : i32
      %dma_wait3A_715 = tpu.memref_slice %arg2[%add3A_95, %dma_wait3A_713, %dma_wait3A_714] : memref<2000x3x80xi32, #tpu.memory_space<hbm>> -> memref<1x3x80xi32, #tpu.memory_space<hbm>>
      %dma_wait3A_716 = tpu.memref_squeeze %dma_wait3A_715 : memref<1x3x80xi32, #tpu.memory_space<hbm>> -> memref<3x80xi32, #tpu.memory_space<hbm>>
      tpu.wait_dma2 semaphore(%run_scoped3A : memref<!tpu.dma_semaphore, #tpu.memory_space<semaphore_mem>>) src(%dma_wait3A_716 : memref<3x80xi32, #tpu.memory_space<hbm>>) dst(%arg21 : memref<3x80xi32, #tpu.memory_space<vmem>>)
      tpu.yield
    }) : () -> ()
    %get3A_96 = arith.constant 1 : i32
    %get3A_97 = arith.index_cast %get3A_96 : i32 to index
    %get3A_98 = arith.constant 0 : index
    %get3A_99 = tpu.vector_load %arg21[%get3A_97, %get3A_98] {strides = array<i32>} : memref<3x80xi32, #tpu.memory_space<vmem>>, vector<16xi32>,
    %gather3A_100 = tpu.vector_load_idx %arg18[%get3A_99] : memref<10000xf32, #tpu.memory_space<vmem>>[vector<16xi32>], vector<16xf32>,
    %get3A_101 = arith.constant 2 : i32
    %get3A_102 = arith.index_cast %get3A_101 : i32 to index
    %get3A_103 = arith.constant 0 : index
    %get3A_104 = tpu.vector_load %arg21[%get3A_102, %get3A_103] {strides = array<i32>} : memref<3x80xi32, #tpu.memory_space<vmem>>, vector<16xi32>,
    %gather3A_105 = tpu.vector_load_idx %arg19[%get3A_104] : memref<1000xf32, #tpu.memory_space<vmem>>[vector<16xi32>], vector<16xf32>,
    %get3A_106 = arith.constant 0 : i32
    %get3A_107 = arith.index_cast %get3A_106 : i32 to index
    %get3A_108 = arith.constant 0 : index
    %get3A_109 = tpu.vector_load %arg21[%get3A_107, %get3A_108] {strides = array<i32>} : memref<3x80xi32, #tpu.memory_space<vmem>>, vector<16xi32>,
    %gather3A_110 = tpu.vector_load_idx %arg20[%get3A_109] : memref<10240xf32, #tpu.memory_space<vmem>>[vector<16xi32>], vector<16xf32>,
    %add3A_111 = arith.addf %gather3A_105, %gather3A_100 : vector<16xf32>
    %exp3A_112 = math.exp %add3A_111 : vector<16xf32>
    %add3A_113 = arith.constant 1.000000e-16 : f32
    %add3A_114 = vector.broadcast %add3A_113 : f32 to vector<16xf32>
    %add3A_115 = arith.addf %gather3A_110, %add3A_114 : vector<16xf32>
    %div3A = arith.divf %exp3A_112, %add3A_115 : vector<16xf32>
    %swap3A_116 = arith.constant 0 : index
    %swap3A_117 = tpu.vector_load %arg22[%swap3A_116] {strides = array<i32>} : memref<80xf32, #tpu.memory_space<vmem>>, vector<16xf32>,
    tpu.vector_store %arg22[%swap3A_116], %div3A {strides = array<i32>} : memref<80xf32, #tpu.memory_space<vmem>>, vector<16xf32>,
    %get3A_118 = arith.constant 1 : i32
    %get3A_119 = arith.index_cast %get3A_118 : i32 to index
    %get3A_120 = arith.constant 16 : index
    %get3A_121 = tpu.vector_load %arg21[%get3A_119, %get3A_120] {strides = array<i32>} : memref<3x80xi32, #tpu.memory_space<vmem>>, vector<16xi32>,
    %gather3A_122 = tpu.vector_load_idx %arg18[%get3A_121] : memref<10000xf32, #tpu.memory_space<vmem>>[vector<16xi32>], vector<16xf32>,
    %get3A_123 = arith.constant 2 : i32
    %get3A_124 = arith.index_cast %get3A_123 : i32 to index
    %get3A_125 = arith.constant 16 : index
    %get3A_126 = tpu.vector_load %arg21[%get3A_124, %get3A_125] {strides = array<i32>} : memref<3x80xi32, #tpu.memory_space<vmem>>, vector<16xi32>,
    %gather3A_127 = tpu.vector_load_idx %arg19[%get3A_126] : memref<1000xf32, #tpu.memory_space<vmem>>[vector<16xi32>], vector<16xf32>,
    %get3A_128 = arith.constant 0 : i32
    %get3A_129 = arith.index_cast %get3A_128 : i32 to index
    %get3A_130 = arith.constant 16 : index
    %get3A_131 = tpu.vector_load %arg21[%get3A_129, %get3A_130] {strides = array<i32>} : memref<3x80xi32, #tpu.memory_space<vmem>>, vector<16xi32>,
    %gather3A_132 = tpu.vector_load_idx %arg20[%get3A_131] : memref<10240xf32, #tpu.memory_space<vmem>>[vector<16xi32>], vector<16xf32>,
    %add3A_133 = arith.addf %gather3A_127, %gather3A_122 : vector<16xf32>
    %exp3A_134 = math.exp %add3A_133 : vector<16xf32>
    %add3A_135 = arith.constant 1.000000e-16 : f32
    %add3A_136 = vector.broadcast %add3A_135 : f32 to vector<16xf32>
    %add3A_137 = arith.addf %gather3A_132, %add3A_136 : vector<16xf32>
    %div3A_138 = arith.divf %exp3A_134, %add3A_137 : vector<16xf32>
    %swap3A_139 = arith.constant 16 : index
    %swap3A_140 = tpu.vector_load %arg22[%swap3A_139] {strides = array<i32>} : memref<80xf32, #tpu.memory_space<vmem>>, vector<16xf32>,
    tpu.vector_store %arg22[%swap3A_139], %div3A_138 {strides = array<i32>} : memref<80xf32, #tpu.memory_space<vmem>>, vector<16xf32>,
    %get3A_141 = arith.constant 1 : i32
    %get3A_142 = arith.index_cast %get3A_141 : i32 to index
    %get3A_143 = arith.constant 32 : index
    %get3A_144 = tpu.vector_load %arg21[%get3A_142, %get3A_143] {strides = array<i32>} : memref<3x80xi32, #tpu.memory_space<vmem>>, vector<16xi32>,
    %gather3A_145 = tpu.vector_load_idx %arg18[%get3A_144] : memref<10000xf32, #tpu.memory_space<vmem>>[vector<16xi32>], vector<16xf32>,
    %get3A_146 = arith.constant 2 : i32
    %get3A_147 = arith.index_cast %get3A_146 : i32 to index
    %get3A_148 = arith.constant 32 : index
    %get3A_149 = tpu.vector_load %arg21[%get3A_147, %get3A_148] {strides = array<i32>} : memref<3x80xi32, #tpu.memory_space<vmem>>, vector<16xi32>,
    %gather3A_150 = tpu.vector_load_idx %arg19[%get3A_149] : memref<1000xf32, #tpu.memory_space<vmem>>[vector<16xi32>], vector<16xf32>,
    %get3A_151 = arith.constant 0 : i32
    %get3A_152 = arith.index_cast %get3A_151 : i32 to index
    %get3A_153 = arith.constant 32 : index
    %get3A_154 = tpu.vector_load %arg21[%get3A_152, %get3A_153] {strides = array<i32>} : memref<3x80xi32, #tpu.memory_space<vmem>>, vector<16xi32>,
    %gather3A_155 = tpu.vector_load_idx %arg20[%get3A_154] : memref<10240xf32, #tpu.memory_space<vmem>>[vector<16xi32>], vector<16xf32>,
    %add3A_156 = arith.addf %gather3A_150, %gather3A_145 : vector<16xf32>
    %exp3A_157 = math.exp %add3A_156 : vector<16xf32>
    %add3A_158 = arith.constant 1.000000e-16 : f32
    %add3A_159 = vector.broadcast %add3A_158 : f32 to vector<16xf32>
    %add3A_160 = arith.addf %gather3A_155, %add3A_159 : vector<16xf32>
    %div3A_161 = arith.divf %exp3A_157, %add3A_160 : vector<16xf32>
    %swap3A_162 = arith.constant 32 : index
    %swap3A_163 = tpu.vector_load %arg22[%swap3A_162] {strides = array<i32>} : memref<80xf32, #tpu.memory_space<vmem>>, vector<16xf32>,
    tpu.vector_store %arg22[%swap3A_162], %div3A_161 {strides = array<i32>} : memref<80xf32, #tpu.memory_space<vmem>>, vector<16xf32>,
    %get3A_164 = arith.constant 1 : i32
    %get3A_165 = arith.index_cast %get3A_164 : i32 to index
    %get3A_166 = arith.constant 48 : index
    %get3A_167 = tpu.vector_load %arg21[%get3A_165, %get3A_166] {strides = array<i32>} : memref<3x80xi32, #tpu.memory_space<vmem>>, vector<16xi32>,
    %gather3A_168 = tpu.vector_load_idx %arg18[%get3A_167] : memref<10000xf32, #tpu.memory_space<vmem>>[vector<16xi32>], vector<16xf32>,
    %get3A_169 = arith.constant 2 : i32
    %get3A_170 = arith.index_cast %get3A_169 : i32 to index
    %get3A_171 = arith.constant 48 : index
    %get3A_172 = tpu.vector_load %arg21[%get3A_170, %get3A_171] {strides = array<i32>} : memref<3x80xi32, #tpu.memory_space<vmem>>, vector<16xi32>,
    %gather3A_173 = tpu.vector_load_idx %arg19[%get3A_172] : memref<1000xf32, #tpu.memory_space<vmem>>[vector<16xi32>], vector<16xf32>,
    %get3A_174 = arith.constant 0 : i32
    %get3A_175 = arith.index_cast %get3A_174 : i32 to index
    %get3A_176 = arith.constant 48 : index
    %get3A_177 = tpu.vector_load %arg21[%get3A_175, %get3A_176] {strides = array<i32>} : memref<3x80xi32, #tpu.memory_space<vmem>>, vector<16xi32>,
    %gather3A_178 = tpu.vector_load_idx %arg20[%get3A_177] : memref<10240xf32, #tpu.memory_space<vmem>>[vector<16xi32>], vector<16xf32>,
    %add3A_179 = arith.addf %gather3A_173, %gather3A_168 : vector<16xf32>
    %exp3A_180 = math.exp %add3A_179 : vector<16xf32>
    %add3A_181 = arith.constant 1.000000e-16 : f32
    %add3A_182 = vector.broadcast %add3A_181 : f32 to vector<16xf32>
    %add3A_183 = arith.addf %gather3A_178, %add3A_182 : vector<16xf32>
    %div3A_184 = arith.divf %exp3A_180, %add3A_183 : vector<16xf32>
    %swap3A_185 = arith.constant 48 : index
    %swap3A_186 = tpu.vector_load %arg22[%swap3A_185] {strides = array<i32>} : memref<80xf32, #tpu.memory_space<vmem>>, vector<16xf32>,
    tpu.vector_store %arg22[%swap3A_185], %div3A_184 {strides = array<i32>} : memref<80xf32, #tpu.memory_space<vmem>>, vector<16xf32>,
    %get3A_187 = arith.constant 1 : i32
    %get3A_188 = arith.index_cast %get3A_187 : i32 to index
    %get3A_189 = arith.constant 64 : index
    %get3A_190 = tpu.vector_load %arg21[%get3A_188, %get3A_189] {strides = array<i32>} : memref<3x80xi32, #tpu.memory_space<vmem>>, vector<16xi32>,
    %gather3A_191 = tpu.vector_load_idx %arg18[%get3A_190] : memref<10000xf32, #tpu.memory_space<vmem>>[vector<16xi32>], vector<16xf32>,
    %get3A_192 = arith.constant 2 : i32
    %get3A_193 = arith.index_cast %get3A_192 : i32 to index
    %get3A_194 = arith.constant 64 : index
    %get3A_195 = tpu.vector_load %arg21[%get3A_193, %get3A_194] {strides = array<i32>} : memref<3x80xi32, #tpu.memory_space<vmem>>, vector<16xi32>,
    %gather3A_196 = tpu.vector_load_idx %arg19[%get3A_195] : memref<1000xf32, #tpu.memory_space<vmem>>[vector<16xi32>], vector<16xf32>,
    %get3A_197 = arith.constant 0 : i32
    %get3A_198 = arith.index_cast %get3A_197 : i32 to index
    %get3A_199 = arith.constant 64 : index
    %get3A_200 = tpu.vector_load %arg21[%get3A_198, %get3A_199] {strides = array<i32>} : memref<3x80xi32, #tpu.memory_space<vmem>>, vector<16xi32>,
    %gather3A_201 = tpu.vector_load_idx %arg20[%get3A_200] : memref<10240xf32, #tpu.memory_space<vmem>>[vector<16xi32>], vector<16xf32>,
    %add3A_202 = arith.addf %gather3A_196, %gather3A_191 : vector<16xf32>
    %exp3A_203 = math.exp %add3A_202 : vector<16xf32>
    %add3A_204 = arith.constant 1.000000e-16 : f32
    %add3A_205 = vector.broadcast %add3A_204 : f32 to vector<16xf32>
    %add3A_206 = arith.addf %gather3A_201, %add3A_205 : vector<16xf32>
    %div3A_207 = arith.divf %exp3A_203, %add3A_206 : vector<16xf32>
    %swap3A_208 = arith.constant 64 : index
    %swap3A_209 = tpu.vector_load %arg22[%swap3A_208] {strides = array<i32>} : memref<80xf32, #tpu.memory_space<vmem>>, vector<16xf32>,
    tpu.vector_store %arg22[%swap3A_208], %div3A_207 {strides = array<i32>} : memref<80xf32, #tpu.memory_space<vmem>>, vector<16xf32>,
    %eq3A_210 = arith.constant 0 : i32
    %eq3A_211 = arith.cmpi eq, %arg0, %eq3A_210 : i32
    %convert_element_type3A_212 = arith.extui %eq3A_211 : i1 to i32
    %cond3A_213 = arith.constant 0 : i32
    %cond3A_214 = arith.cmpi ne, %convert_element_type3A_212, %cond3A_213 : i32
    scf.if %cond3A_214 {
      %dma_start3A_701 = arith.constant 1 : i32
      %dma_start3A_702 = arith.constant 0 : i32
      %dma_start3A_703 = tpu.memref_slice %arg21[%dma_start3A_701, %dma_start3A_702] : memref<3x80xi32, #tpu.memory_space<vmem>> -> memref<1x80xi32, #tpu.memory_space<vmem>>
      %dma_start3A_704 = tpu.memref_squeeze %dma_start3A_703 : memref<1x80xi32, #tpu.memory_space<vmem>> -> memref<80xi32, #tpu.memory_space<vmem>>
      %dma_start3A_705 = arith.constant 0 : i32
      %dma_start3A_706 = arith.constant 0 : i32
      %dma_start3A_707 = tpu.memref_slice %arg5[%dma_start3A_705, %dma_start3A_706] : memref<10000x128xf32, #tpu.memory_space<hbm>> -> memref<10000x128xf32, #tpu.memory_space<hbm>>
      tpu.enqueue_indirect_dma source(%dma_start3A_707 : memref<10000x128xf32, #tpu.memory_space<hbm>>) target(%arg23 : memref<80x128xf32, #tpu.memory_space<vmem>>) offsets(%dma_start3A_704 : memref<80xi32, #tpu.memory_space<vmem>>) semaphore(%arg24 : memref<!tpu.dma_semaphore, #tpu.memory_space<semaphore_mem>>)
    } else {
    }
    %eq3A_215 = arith.constant 1 : i32
    %eq3A_216 = arith.cmpi eq, %arg0, %eq3A_215 : i32
    %convert_element_type3A_217 = arith.extui %eq3A_216 : i1 to i32
    %cond3A_218 = arith.constant 0 : i32
    %cond3A_219 = arith.cmpi ne, %convert_element_type3A_217, %cond3A_218 : i32
    scf.if %cond3A_219 {
      %dma_start3A_701 = arith.constant 1 : i32
      %dma_start3A_702 = arith.constant 0 : i32
      %dma_start3A_703 = tpu.memref_slice %arg21[%dma_start3A_701, %dma_start3A_702] : memref<3x80xi32, #tpu.memory_space<vmem>> -> memref<1x80xi32, #tpu.memory_space<vmem>>
      %dma_start3A_704 = tpu.memref_squeeze %dma_start3A_703 : memref<1x80xi32, #tpu.memory_space<vmem>> -> memref<80xi32, #tpu.memory_space<vmem>>
      %dma_start3A_705 = arith.constant 0 : i32
      %dma_start3A_706 = arith.constant 0 : i32
      %dma_start3A_707 = tpu.memref_slice %arg7[%dma_start3A_705, %dma_start3A_706] : memref<10000x128xf32, #tpu.memory_space<hbm>> -> memref<10000x128xf32, #tpu.memory_space<hbm>>
      tpu.enqueue_indirect_dma source(%dma_start3A_707 : memref<10000x128xf32, #tpu.memory_space<hbm>>) target(%arg23 : memref<80x128xf32, #tpu.memory_space<vmem>>) offsets(%dma_start3A_704 : memref<80xi32, #tpu.memory_space<vmem>>) semaphore(%arg24 : memref<!tpu.dma_semaphore, #tpu.memory_space<semaphore_mem>>)
    } else {
    }
    %mul3A_220 = arith.constant 125 : i32
    %mul3A_221 = arith.muli %arg1, %mul3A_220 : i32
    %add3A_222 = arith.constant 1 : i32
    %add3A_223 = arith.addi %mul3A_221, %add3A_222 : i32
    "tpu.region"() ({
      %run_scoped3A = tpu.sem_alloc : memref<!tpu.dma_semaphore, #tpu.memory_space<semaphore_mem>>
      %dma_start3A_701 = arith.constant 0 : i32
      %dma_start3A_702 = arith.constant 0 : i32
      %dma_start3A_703 = tpu.memref_slice %arg2[%add3A_223, %dma_start3A_701, %dma_start3A_702] : memref<2000x3x80xi32, #tpu.memory_space<hbm>> -> memref<1x3x80xi32, #tpu.memory_space<hbm>>
      %dma_start3A_704 = tpu.memref_squeeze %dma_start3A_703 : memref<1x3x80xi32, #tpu.memory_space<hbm>> -> memref<3x80xi32, #tpu.memory_space<hbm>>
      %dma_start3A_705 = arith.constant 0 : i32
      %dma_start3A_706 = arith.constant 0 : i32
      %dma_start3A_707 = tpu.memref_slice %arg2[%add3A_223, %dma_start3A_705, %dma_start3A_706] : memref<2000x3x80xi32, #tpu.memory_space<hbm>> -> memref<1x3x80xi32, #tpu.memory_space<hbm>>
      %dma_start3A_708 = tpu.memref_squeeze %dma_start3A_707 : memref<1x3x80xi32, #tpu.memory_space<hbm>> -> memref<3x80xi32, #tpu.memory_space<hbm>>
      tpu.enqueue_dma source(%dma_start3A_708 : memref<3x80xi32, #tpu.memory_space<hbm>>) target(%arg25 : memref<3x80xi32, #tpu.memory_space<vmem>>) target_semaphore(%run_scoped3A : memref<!tpu.dma_semaphore, #tpu.memory_space<semaphore_mem>>)
      %dma_wait3A_709 = arith.constant 0 : i32
      %dma_wait3A_710 = arith.constant 0 : i32
      %dma_wait3A_711 = tpu.memref_slice %arg2[%add3A_223, %dma_wait3A_709, %dma_wait3A_710] : memref<2000x3x80xi32, #tpu.memory_space<hbm>> -> memref<1x3x80xi32, #tpu.memory_space<hbm>>
      %dma_wait3A_712 = tpu.memref_squeeze %dma_wait3A_711 : memref<1x3x80xi32, #tpu.memory_space<hbm>> -> memref<3x80xi32, #tpu.memory_space<hbm>>
      %dma_wait3A_713 = arith.constant 0 : i32
      %dma_wait3A_714 = arith.constant 0 : i32
      %dma_wait3A_715 = tpu.memref_slice %arg2[%add3A_223, %dma_wait3A_713, %dma_wait3A_714] : memref<2000x3x80xi32, #tpu.memory_space<hbm>> -> memref<1x3x80xi32, #tpu.memory_space<hbm>>
      %dma_wait3A_716 = tpu.memref_squeeze %dma_wait3A_715 : memref<1x3x80xi32, #tpu.memory_space<hbm>> -> memref<3x80xi32, #tpu.memory_space<hbm>>
      tpu.wait_dma2 semaphore(%run_scoped3A : memref<!tpu.dma_semaphore, #tpu.memory_space<semaphore_mem>>) src(%dma_wait3A_716 : memref<3x80xi32, #tpu.memory_space<hbm>>) dst(%arg25 : memref<3x80xi32, #tpu.memory_space<vmem>>)
      tpu.yield
    }) : () -> ()
    %get3A_224 = arith.constant 1 : i32
    %get3A_225 = arith.index_cast %get3A_224 : i32 to index
    %get3A_226 = arith.constant 0 : index
    %get3A_227 = tpu.vector_load %arg25[%get3A_225, %get3A_226] {strides = array<i32>} : memref<3x80xi32, #tpu.memory_space<vmem>>, vector<16xi32>,
    %gather3A_228 = tpu.vector_load_idx %arg18[%get3A_227] : memref<10000xf32, #tpu.memory_space<vmem>>[vector<16xi32>], vector<16xf32>,
    %get3A_229 = arith.constant 2 : i32
    %get3A_230 = arith.index_cast %get3A_229 : i32 to index
    %get3A_231 = arith.constant 0 : index
    %get3A_232 = tpu.vector_load %arg25[%get3A_230, %get3A_231] {strides = array<i32>} : memref<3x80xi32, #tpu.memory_space<vmem>>, vector<16xi32>,
    %gather3A_233 = tpu.vector_load_idx %arg19[%get3A_232] : memref<1000xf32, #tpu.memory_space<vmem>>[vector<16xi32>], vector<16xf32>,
    %get3A_234 = arith.constant 0 : i32
    %get3A_235 = arith.index_cast %get3A_234 : i32 to index
    %get3A_236 = arith.constant 0 : index
    %get3A_237 = tpu.vector_load %arg25[%get3A_235, %get3A_236] {strides = array<i32>} : memref<3x80xi32, #tpu.memory_space<vmem>>, vector<16xi32>,
    %gather3A_238 = tpu.vector_load_idx %arg20[%get3A_237] : memref<10240xf32, #tpu.memory_space<vmem>>[vector<16xi32>], vector<16xf32>,
    %add3A_239 = arith.addf %gather3A_233, %gather3A_228 : vector<16xf32>
    %exp3A_240 = math.exp %add3A_239 : vector<16xf32>
    %add3A_241 = arith.constant 1.000000e-16 : f32
    %add3A_242 = vector.broadcast %add3A_241 : f32 to vector<16xf32>
    %add3A_243 = arith.addf %gather3A_238, %add3A_242 : vector<16xf32>
    %div3A_244 = arith.divf %exp3A_240, %add3A_243 : vector<16xf32>
    %swap3A_245 = arith.constant 0 : index
    %swap3A_246 = tpu.vector_load %arg26[%swap3A_245] {strides = array<i32>} : memref<80xf32, #tpu.memory_space<vmem>>, vector<16xf32>,
    tpu.vector_store %arg26[%swap3A_245], %div3A_244 {strides = array<i32>} : memref<80xf32, #tpu.memory_space<vmem>>, vector<16xf32>,
    %get3A_247 = arith.constant 1 : i32
    %get3A_248 = arith.index_cast %get3A_247 : i32 to index
    %get3A_249 = arith.constant 16 : index
    %get3A_250 = tpu.vector_load %arg25[%get3A_248, %get3A_249] {strides = array<i32>} : memref<3x80xi32, #tpu.memory_space<vmem>>, vector<16xi32>,
    %gather3A_251 = tpu.vector_load_idx %arg18[%get3A_250] : memref<10000xf32, #tpu.memory_space<vmem>>[vector<16xi32>], vector<16xf32>,
    %get3A_252 = arith.constant 2 : i32
    %get3A_253 = arith.index_cast %get3A_252 : i32 to index
    %get3A_254 = arith.constant 16 : index
    %get3A_255 = tpu.vector_load %arg25[%get3A_253, %get3A_254] {strides = array<i32>} : memref<3x80xi32, #tpu.memory_space<vmem>>, vector<16xi32>,
    %gather3A_256 = tpu.vector_load_idx %arg19[%get3A_255] : memref<1000xf32, #tpu.memory_space<vmem>>[vector<16xi32>], vector<16xf32>,
    %get3A_257 = arith.constant 0 : i32
    %get3A_258 = arith.index_cast %get3A_257 : i32 to index
    %get3A_259 = arith.constant 16 : index
    %get3A_260 = tpu.vector_load %arg25[%get3A_258, %get3A_259] {strides = array<i32>} : memref<3x80xi32, #tpu.memory_space<vmem>>, vector<16xi32>,
    %gather3A_261 = tpu.vector_load_idx %arg20[%get3A_260] : memref<10240xf32, #tpu.memory_space<vmem>>[vector<16xi32>], vector<16xf32>,
    %add3A_262 = arith.addf %gather3A_256, %gather3A_251 : vector<16xf32>
    %exp3A_263 = math.exp %add3A_262 : vector<16xf32>
    %add3A_264 = arith.constant 1.000000e-16 : f32
    %add3A_265 = vector.broadcast %add3A_264 : f32 to vector<16xf32>
    %add3A_266 = arith.addf %gather3A_261, %add3A_265 : vector<16xf32>
    %div3A_267 = arith.divf %exp3A_263, %add3A_266 : vector<16xf32>
    %swap3A_268 = arith.constant 16 : index
    %swap3A_269 = tpu.vector_load %arg26[%swap3A_268] {strides = array<i32>} : memref<80xf32, #tpu.memory_space<vmem>>, vector<16xf32>,
    tpu.vector_store %arg26[%swap3A_268], %div3A_267 {strides = array<i32>} : memref<80xf32, #tpu.memory_space<vmem>>, vector<16xf32>,
    %get3A_270 = arith.constant 1 : i32
    %get3A_271 = arith.index_cast %get3A_270 : i32 to index
    %get3A_272 = arith.constant 32 : index
    %get3A_273 = tpu.vector_load %arg25[%get3A_271, %get3A_272] {strides = array<i32>} : memref<3x80xi32, #tpu.memory_space<vmem>>, vector<16xi32>,
    %gather3A_274 = tpu.vector_load_idx %arg18[%get3A_273] : memref<10000xf32, #tpu.memory_space<vmem>>[vector<16xi32>], vector<16xf32>,
    %get3A_275 = arith.constant 2 : i32
    %get3A_276 = arith.index_cast %get3A_275 : i32 to index
    %get3A_277 = arith.constant 32 : index
    %get3A_278 = tpu.vector_load %arg25[%get3A_276, %get3A_277] {strides = array<i32>} : memref<3x80xi32, #tpu.memory_space<vmem>>, vector<16xi32>,
    %gather3A_279 = tpu.vector_load_idx %arg19[%get3A_278] : memref<1000xf32, #tpu.memory_space<vmem>>[vector<16xi32>], vector<16xf32>,
    %get3A_280 = arith.constant 0 : i32
    %get3A_281 = arith.index_cast %get3A_280 : i32 to index
    %get3A_282 = arith.constant 32 : index
    %get3A_283 = tpu.vector_load %arg25[%get3A_281, %get3A_282] {strides = array<i32>} : memref<3x80xi32, #tpu.memory_space<vmem>>, vector<16xi32>,
    %gather3A_284 = tpu.vector_load_idx %arg20[%get3A_283] : memref<10240xf32, #tpu.memory_space<vmem>>[vector<16xi32>], vector<16xf32>,
    %add3A_285 = arith.addf %gather3A_279, %gather3A_274 : vector<16xf32>
    %exp3A_286 = math.exp %add3A_285 : vector<16xf32>
    %add3A_287 = arith.constant 1.000000e-16 : f32
    %add3A_288 = vector.broadcast %add3A_287 : f32 to vector<16xf32>
    %add3A_289 = arith.addf %gather3A_284, %add3A_288 : vector<16xf32>
    %div3A_290 = arith.divf %exp3A_286, %add3A_289 : vector<16xf32>
    %swap3A_291 = arith.constant 32 : index
    %swap3A_292 = tpu.vector_load %arg26[%swap3A_291] {strides = array<i32>} : memref<80xf32, #tpu.memory_space<vmem>>, vector<16xf32>,
    tpu.vector_store %arg26[%swap3A_291], %div3A_290 {strides = array<i32>} : memref<80xf32, #tpu.memory_space<vmem>>, vector<16xf32>,
    %get3A_293 = arith.constant 1 : i32
    %get3A_294 = arith.index_cast %get3A_293 : i32 to index
    %get3A_295 = arith.constant 48 : index
    %get3A_296 = tpu.vector_load %arg25[%get3A_294, %get3A_295] {strides = array<i32>} : memref<3x80xi32, #tpu.memory_space<vmem>>, vector<16xi32>,
    %gather3A_297 = tpu.vector_load_idx %arg18[%get3A_296] : memref<10000xf32, #tpu.memory_space<vmem>>[vector<16xi32>], vector<16xf32>,
    %get3A_298 = arith.constant 2 : i32
    %get3A_299 = arith.index_cast %get3A_298 : i32 to index
    %get3A_300 = arith.constant 48 : index
    %get3A_301 = tpu.vector_load %arg25[%get3A_299, %get3A_300] {strides = array<i32>} : memref<3x80xi32, #tpu.memory_space<vmem>>, vector<16xi32>,
    %gather3A_302 = tpu.vector_load_idx %arg19[%get3A_301] : memref<1000xf32, #tpu.memory_space<vmem>>[vector<16xi32>], vector<16xf32>,
    %get3A_303 = arith.constant 0 : i32
    %get3A_304 = arith.index_cast %get3A_303 : i32 to index
    %get3A_305 = arith.constant 48 : index
    %get3A_306 = tpu.vector_load %arg25[%get3A_304, %get3A_305] {strides = array<i32>} : memref<3x80xi32, #tpu.memory_space<vmem>>, vector<16xi32>,
    %gather3A_307 = tpu.vector_load_idx %arg20[%get3A_306] : memref<10240xf32, #tpu.memory_space<vmem>>[vector<16xi32>], vector<16xf32>,
    %add3A_308 = arith.addf %gather3A_302, %gather3A_297 : vector<16xf32>
    %exp3A_309 = math.exp %add3A_308 : vector<16xf32>
    %add3A_310 = arith.constant 1.000000e-16 : f32
    %add3A_311 = vector.broadcast %add3A_310 : f32 to vector<16xf32>
    %add3A_312 = arith.addf %gather3A_307, %add3A_311 : vector<16xf32>
    %div3A_313 = arith.divf %exp3A_309, %add3A_312 : vector<16xf32>
    %swap3A_314 = arith.constant 48 : index
    %swap3A_315 = tpu.vector_load %arg26[%swap3A_314] {strides = array<i32>} : memref<80xf32, #tpu.memory_space<vmem>>, vector<16xf32>,
    tpu.vector_store %arg26[%swap3A_314], %div3A_313 {strides = array<i32>} : memref<80xf32, #tpu.memory_space<vmem>>, vector<16xf32>,
    %get3A_316 = arith.constant 1 : i32
    %get3A_317 = arith.index_cast %get3A_316 : i32 to index
    %get3A_318 = arith.constant 64 : index
    %get3A_319 = tpu.vector_load %arg25[%get3A_317, %get3A_318] {strides = array<i32>} : memref<3x80xi32, #tpu.memory_space<vmem>>, vector<16xi32>,
    %gather3A_320 = tpu.vector_load_idx %arg18[%get3A_319] : memref<10000xf32, #tpu.memory_space<vmem>>[vector<16xi32>], vector<16xf32>,
    %get3A_321 = arith.constant 2 : i32
    %get3A_322 = arith.index_cast %get3A_321 : i32 to index
    %get3A_323 = arith.constant 64 : index
    %get3A_324 = tpu.vector_load %arg25[%get3A_322, %get3A_323] {strides = array<i32>} : memref<3x80xi32, #tpu.memory_space<vmem>>, vector<16xi32>,
    %gather3A_325 = tpu.vector_load_idx %arg19[%get3A_324] : memref<1000xf32, #tpu.memory_space<vmem>>[vector<16xi32>], vector<16xf32>,
    %get3A_326 = arith.constant 0 : i32
    %get3A_327 = arith.index_cast %get3A_326 : i32 to index
    %get3A_328 = arith.constant 64 : index
    %get3A_329 = tpu.vector_load %arg25[%get3A_327, %get3A_328] {strides = array<i32>} : memref<3x80xi32, #tpu.memory_space<vmem>>, vector<16xi32>,
    %gather3A_330 = tpu.vector_load_idx %arg20[%get3A_329] : memref<10240xf32, #tpu.memory_space<vmem>>[vector<16xi32>], vector<16xf32>,
    %add3A_331 = arith.addf %gather3A_325, %gather3A_320 : vector<16xf32>
    %exp3A_332 = math.exp %add3A_331 : vector<16xf32>
    %add3A_333 = arith.constant 1.000000e-16 : f32
    %add3A_334 = vector.broadcast %add3A_333 : f32 to vector<16xf32>
    %add3A_335 = arith.addf %gather3A_330, %add3A_334 : vector<16xf32>
    %div3A_336 = arith.divf %exp3A_332, %add3A_335 : vector<16xf32>
    %swap3A_337 = arith.constant 64 : index
    %swap3A_338 = tpu.vector_load %arg26[%swap3A_337] {strides = array<i32>} : memref<80xf32, #tpu.memory_space<vmem>>, vector<16xf32>,
    tpu.vector_store %arg26[%swap3A_337], %div3A_336 {strides = array<i32>} : memref<80xf32, #tpu.memory_space<vmem>>, vector<16xf32>,
    %eq3A_339 = arith.constant 0 : i32
    %eq3A_340 = arith.cmpi eq, %arg0, %eq3A_339 : i32
    %convert_element_type3A_341 = arith.extui %eq3A_340 : i1 to i32
    %cond3A_342 = arith.constant 0 : i32
    %cond3A_343 = arith.cmpi ne, %convert_element_type3A_341, %cond3A_342 : i32
    scf.if %cond3A_343 {
      %dma_start3A_701 = arith.constant 1 : i32
      %dma_start3A_702 = arith.constant 0 : i32
      %dma_start3A_703 = tpu.memref_slice %arg25[%dma_start3A_701, %dma_start3A_702] : memref<3x80xi32, #tpu.memory_space<vmem>> -> memref<1x80xi32, #tpu.memory_space<vmem>>
      %dma_start3A_704 = tpu.memref_squeeze %dma_start3A_703 : memref<1x80xi32, #tpu.memory_space<vmem>> -> memref<80xi32, #tpu.memory_space<vmem>>
      %dma_start3A_705 = arith.constant 0 : i32
      %dma_start3A_706 = arith.constant 0 : i32
      %dma_start3A_707 = tpu.memref_slice %arg5[%dma_start3A_705, %dma_start3A_706] : memref<10000x128xf32, #tpu.memory_space<hbm>> -> memref<10000x128xf32, #tpu.memory_space<hbm>>
      tpu.enqueue_indirect_dma source(%dma_start3A_707 : memref<10000x128xf32, #tpu.memory_space<hbm>>) target(%arg27 : memref<80x128xf32, #tpu.memory_space<vmem>>) offsets(%dma_start3A_704 : memref<80xi32, #tpu.memory_space<vmem>>) semaphore(%arg28 : memref<!tpu.dma_semaphore, #tpu.memory_space<semaphore_mem>>)
    } else {
    }
    %eq3A_344 = arith.constant 1 : i32
    %eq3A_345 = arith.cmpi eq, %arg0, %eq3A_344 : i32
    %convert_element_type3A_346 = arith.extui %eq3A_345 : i1 to i32
    %cond3A_347 = arith.constant 0 : i32
    %cond3A_348 = arith.cmpi ne, %convert_element_type3A_346, %cond3A_347 : i32
    scf.if %cond3A_348 {
      %dma_start3A_701 = arith.constant 1 : i32
      %dma_start3A_702 = arith.constant 0 : i32
      %dma_start3A_703 = tpu.memref_slice %arg25[%dma_start3A_701, %dma_start3A_702] : memref<3x80xi32, #tpu.memory_space<vmem>> -> memref<1x80xi32, #tpu.memory_space<vmem>>
      %dma_start3A_704 = tpu.memref_squeeze %dma_start3A_703 : memref<1x80xi32, #tpu.memory_space<vmem>> -> memref<80xi32, #tpu.memory_space<vmem>>
      %dma_start3A_705 = arith.constant 0 : i32
      %dma_start3A_706 = arith.constant 0 : i32
      %dma_start3A_707 = tpu.memref_slice %arg7[%dma_start3A_705, %dma_start3A_706] : memref<10000x128xf32, #tpu.memory_space<hbm>> -> memref<10000x128xf32, #tpu.memory_space<hbm>>
      tpu.enqueue_indirect_dma source(%dma_start3A_707 : memref<10000x128xf32, #tpu.memory_space<hbm>>) target(%arg27 : memref<80x128xf32, #tpu.memory_space<vmem>>) offsets(%dma_start3A_704 : memref<80xi32, #tpu.memory_space<vmem>>) semaphore(%arg28 : memref<!tpu.dma_semaphore, #tpu.memory_space<semaphore_mem>>)
    } else {
    }
    %scan3A_349 = arith.constant 0 : i32
    %scan3A_350 = arith.constant 0 : i32
    %scan3A_351 = arith.constant 62 : i32
    %scan3A_352 = arith.addi %scan3A_350, %scan3A_351 : i32
    %scan3A_353 = arith.constant 1 : i32
    scf.for %scan3A_701 = %scan3A_350 to %scan3A_352 step %scan3A_353  : i32 {
      %mul3A_702 = arith.constant 2 : i32
      %mul3A_703 = arith.muli %mul3A_702, %scan3A_701 : i32
      %eq3A_704 = arith.constant 0 : i32
      %eq3A_705 = arith.cmpi eq, %arg0, %eq3A_704 : i32
      %convert_element_type3A_706 = arith.extui %eq3A_705 : i1 to i32
      %cond3A_707 = arith.constant 0 : i32
      %cond3A_708 = arith.cmpi ne, %convert_element_type3A_706, %cond3A_707 : i32
      scf.if %cond3A_708 {
        %dma_wait3A_894 = arith.constant 1 : i32
        %dma_wait3A_895 = arith.constant 0 : i32
        %dma_wait3A_896 = tpu.memref_slice %arg21[%dma_wait3A_894, %dma_wait3A_895] : memref<3x80xi32, #tpu.memory_space<vmem>> -> memref<1x80xi32, #tpu.memory_space<vmem>>
        %dma_wait3A_897 = tpu.memref_squeeze %dma_wait3A_896 : memref<1x80xi32, #tpu.memory_space<vmem>> -> memref<80xi32, #tpu.memory_space<vmem>>
        %dma_wait3A_898 = arith.constant 0 : i32
        %dma_wait3A_899 = arith.constant 0 : i32
        %dma_wait3A_900 = tpu.memref_slice %arg5[%dma_wait3A_898, %dma_wait3A_899] : memref<10000x128xf32, #tpu.memory_space<hbm>> -> memref<10000x128xf32, #tpu.memory_space<hbm>>
        tpu.wait_indirect_dma semaphore(%arg24 : memref<!tpu.dma_semaphore, #tpu.memory_space<semaphore_mem>>) src(%dma_wait3A_900 : memref<10000x128xf32, #tpu.memory_space<hbm>>) dst(%arg23 : memref<80x128xf32, #tpu.memory_space<vmem>>)
      } else {
      }
      %eq3A_709 = arith.constant 1 : i32
      %eq3A_710 = arith.cmpi eq, %arg0, %eq3A_709 : i32
      %convert_element_type3A_711 = arith.extui %eq3A_710 : i1 to i32
      %cond3A_712 = arith.constant 0 : i32
      %cond3A_713 = arith.cmpi ne, %convert_element_type3A_711, %cond3A_712 : i32
      scf.if %cond3A_713 {
        %dma_wait3A_894 = arith.constant 1 : i32
        %dma_wait3A_895 = arith.constant 0 : i32
        %dma_wait3A_896 = tpu.memref_slice %arg21[%dma_wait3A_894, %dma_wait3A_895] : memref<3x80xi32, #tpu.memory_space<vmem>> -> memref<1x80xi32, #tpu.memory_space<vmem>>
        %dma_wait3A_897 = tpu.memref_squeeze %dma_wait3A_896 : memref<1x80xi32, #tpu.memory_space<vmem>> -> memref<80xi32, #tpu.memory_space<vmem>>
        %dma_wait3A_898 = arith.constant 0 : i32
        %dma_wait3A_899 = arith.constant 0 : i32
        %dma_wait3A_900 = tpu.memref_slice %arg7[%dma_wait3A_898, %dma_wait3A_899] : memref<10000x128xf32, #tpu.memory_space<hbm>> -> memref<10000x128xf32, #tpu.memory_space<hbm>>
        tpu.wait_indirect_dma semaphore(%arg24 : memref<!tpu.dma_semaphore, #tpu.memory_space<semaphore_mem>>) src(%dma_wait3A_900 : memref<10000x128xf32, #tpu.memory_space<hbm>>) dst(%arg23 : memref<80x128xf32, #tpu.memory_space<vmem>>)
      } else {
      }
      %parallel_loop3A_714 = arith.constant 0 : i32
      %parallel_loop3A_715 = arith.constant 80 : i32
      %parallel_loop3A_716 = arith.constant 1 : i32
      scf.for %parallel_loop3A_894 = %parallel_loop3A_714 to %parallel_loop3A_715 step %parallel_loop3A_716  : i32 {
        %parallel_loop3A_895 = vector.broadcast %parallel_loop3A_894 : i32 to vector<16xi32>
        %parallel_loop3A_896 = tpu.vector_load_idx %arg22[%parallel_loop3A_895] : memref<80xf32, #tpu.memory_space<vmem>>[vector<16xi32>], vector<16xf32>,
        %parallel_loop3A_897 = arith.index_cast %parallel_loop3A_894 : i32 to index
        %parallel_loop3A_898 = arith.constant 0 : index
        %parallel_loop3A_899 = tpu.vector_load %arg23[%parallel_loop3A_897, %parallel_loop3A_898] {strides = array<i32>} : memref<80x128xf32, #tpu.memory_space<vmem>>, vector<16xf32>,
        %parallel_loop3A_900 = arith.mulf %parallel_loop3A_899, %parallel_loop3A_896 : vector<16xf32>
        %parallel_loop3A_901 = arith.index_cast %parallel_loop3A_894 : i32 to index
        %parallel_loop3A_902 = arith.constant 0 : index
        %parallel_loop3A_903 = tpu.vector_load %arg23[%parallel_loop3A_901, %parallel_loop3A_902] {strides = array<i32>} : memref<80x128xf32, #tpu.memory_space<vmem>>, vector<16xf32>,
        tpu.vector_store %arg23[%parallel_loop3A_901, %parallel_loop3A_902], %parallel_loop3A_900 {strides = array<i32>} : memref<80x128xf32, #tpu.memory_space<vmem>>, vector<16xf32>,
        %parallel_loop3A_904 = arith.index_cast %parallel_loop3A_894 : i32 to index
        %parallel_loop3A_905 = arith.constant 16 : index
        %parallel_loop3A_906 = tpu.vector_load %arg23[%parallel_loop3A_904, %parallel_loop3A_905] {strides = array<i32>} : memref<80x128xf32, #tpu.memory_space<vmem>>, vector<16xf32>,
        %parallel_loop3A_907 = arith.mulf %parallel_loop3A_906, %parallel_loop3A_896 : vector<16xf32>
        %parallel_loop3A_908 = arith.index_cast %parallel_loop3A_894 : i32 to index
        %parallel_loop3A_909 = arith.constant 16 : index
        %parallel_loop3A_910 = tpu.vector_load %arg23[%parallel_loop3A_908, %parallel_loop3A_909] {strides = array<i32>} : memref<80x128xf32, #tpu.memory_space<vmem>>, vector<16xf32>,
        tpu.vector_store %arg23[%parallel_loop3A_908, %parallel_loop3A_909], %parallel_loop3A_907 {strides = array<i32>} : memref<80x128xf32, #tpu.memory_space<vmem>>, vector<16xf32>,
        %parallel_loop3A_911 = arith.index_cast %parallel_loop3A_894 : i32 to index
        %parallel_loop3A_912 = arith.constant 32 : index
        %parallel_loop3A_913 = tpu.vector_load %arg23[%parallel_loop3A_911, %parallel_loop3A_912] {strides = array<i32>} : memref<80x128xf32, #tpu.memory_space<vmem>>, vector<16xf32>,
        %parallel_loop3A_914 = arith.mulf %parallel_loop3A_913, %parallel_loop3A_896 : vector<16xf32>
        %parallel_loop3A_915 = arith.index_cast %parallel_loop3A_894 : i32 to index
        %parallel_loop3A_916 = arith.constant 32 : index
        %parallel_loop3A_917 = tpu.vector_load %arg23[%parallel_loop3A_915, %parallel_loop3A_916] {strides = array<i32>} : memref<80x128xf32, #tpu.memory_space<vmem>>, vector<16xf32>,
        tpu.vector_store %arg23[%parallel_loop3A_915, %parallel_loop3A_916], %parallel_loop3A_914 {strides = array<i32>} : memref<80x128xf32, #tpu.memory_space<vmem>>, vector<16xf32>,
        %parallel_loop3A_918 = arith.index_cast %parallel_loop3A_894 : i32 to index
        %parallel_loop3A_919 = arith.constant 48 : index
        %parallel_loop3A_920 = tpu.vector_load %arg23[%parallel_loop3A_918, %parallel_loop3A_919] {strides = array<i32>} : memref<80x128xf32, #tpu.memory_space<vmem>>, vector<16xf32>,
        %parallel_loop3A_921 = arith.mulf %parallel_loop3A_920, %parallel_loop3A_896 : vector<16xf32>
        %parallel_loop3A_922 = arith.index_cast %parallel_loop3A_894 : i32 to index
        %parallel_loop3A_923 = arith.constant 48 : index
        %parallel_loop3A_924 = tpu.vector_load %arg23[%parallel_loop3A_922, %parallel_loop3A_923] {strides = array<i32>} : memref<80x128xf32, #tpu.memory_space<vmem>>, vector<16xf32>,
        tpu.vector_store %arg23[%parallel_loop3A_922, %parallel_loop3A_923], %parallel_loop3A_921 {strides = array<i32>} : memref<80x128xf32, #tpu.memory_space<vmem>>, vector<16xf32>,
        %parallel_loop3A_925 = arith.index_cast %parallel_loop3A_894 : i32 to index
        %parallel_loop3A_926 = arith.constant 64 : index
        %parallel_loop3A_927 = tpu.vector_load %arg23[%parallel_loop3A_925, %parallel_loop3A_926] {strides = array<i32>} : memref<80x128xf32, #tpu.memory_space<vmem>>, vector<16xf32>,
        %parallel_loop3A_928 = arith.mulf %parallel_loop3A_927, %parallel_loop3A_896 : vector<16xf32>
        %parallel_loop3A_929 = arith.index_cast %parallel_loop3A_894 : i32 to index
        %parallel_loop3A_930 = arith.constant 64 : index
        %parallel_loop3A_931 = tpu.vector_load %arg23[%parallel_loop3A_929, %parallel_loop3A_930] {strides = array<i32>} : memref<80x128xf32, #tpu.memory_space<vmem>>, vector<16xf32>,
        tpu.vector_store %arg23[%parallel_loop3A_929, %parallel_loop3A_930], %parallel_loop3A_928 {strides = array<i32>} : memref<80x128xf32, #tpu.memory_space<vmem>>, vector<16xf32>,
        %parallel_loop3A_932 = arith.index_cast %parallel_loop3A_894 : i32 to index
        %parallel_loop3A_933 = arith.constant 80 : index
        %parallel_loop3A_934 = tpu.vector_load %arg23[%parallel_loop3A_932, %parallel_loop3A_933] {strides = array<i32>} : memref<80x128xf32, #tpu.memory_space<vmem>>, vector<16xf32>,
        %parallel_loop3A_935 = arith.mulf %parallel_loop3A_934, %parallel_loop3A_896 : vector<16xf32>
        %parallel_loop3A_936 = arith.index_cast %parallel_loop3A_894 : i32 to index
        %parallel_loop3A_937 = arith.constant 80 : index
        %parallel_loop3A_938 = tpu.vector_load %arg23[%parallel_loop3A_936, %parallel_loop3A_937] {strides = array<i32>} : memref<80x128xf32, #tpu.memory_space<vmem>>, vector<16xf32>,
        tpu.vector_store %arg23[%parallel_loop3A_936, %parallel_loop3A_937], %parallel_loop3A_935 {strides = array<i32>} : memref<80x128xf32, #tpu.memory_space<vmem>>, vector<16xf32>,
        %parallel_loop3A_939 = arith.index_cast %parallel_loop3A_894 : i32 to index
        %parallel_loop3A_940 = arith.constant 96 : index
        %parallel_loop3A_941 = tpu.vector_load %arg23[%parallel_loop3A_939, %parallel_loop3A_940] {strides = array<i32>} : memref<80x128xf32, #tpu.memory_space<vmem>>, vector<16xf32>,
        %parallel_loop3A_942 = arith.mulf %parallel_loop3A_941, %parallel_loop3A_896 : vector<16xf32>
        %parallel_loop3A_943 = arith.index_cast %parallel_loop3A_894 : i32 to index
        %parallel_loop3A_944 = arith.constant 96 : index
        %parallel_loop3A_945 = tpu.vector_load %arg23[%parallel_loop3A_943, %parallel_loop3A_944] {strides = array<i32>} : memref<80x128xf32, #tpu.memory_space<vmem>>, vector<16xf32>,
        tpu.vector_store %arg23[%parallel_loop3A_943, %parallel_loop3A_944], %parallel_loop3A_942 {strides = array<i32>} : memref<80x128xf32, #tpu.memory_space<vmem>>, vector<16xf32>,
      } {sc.loop_unroll_factor = 4 : i64, sc.parallel_access}
      %dma_start3A_717 = arith.constant 0 : i32
      %dma_start3A_718 = arith.constant 0 : i32
      %dma_start3A_719 = tpu.memref_slice %arg21[%dma_start3A_717, %dma_start3A_718] : memref<3x80xi32, #tpu.memory_space<vmem>> -> memref<1x80xi32, #tpu.memory_space<vmem>>
      %dma_start3A_720 = tpu.memref_squeeze %dma_start3A_719 : memref<1x80xi32, #tpu.memory_space<vmem>> -> memref<80xi32, #tpu.memory_space<vmem>>
      %dma_start3A_721 = arith.constant 0 : i32
      %dma_start3A_722 = arith.constant 0 : i32
      %dma_start3A_723 = tpu.memref_slice %arg16[%dma_start3A_721, %dma_start3A_722] : memref<10240x128xf32, #tpu.memory_space<vmem_shared>> -> memref<10240x128xf32, #tpu.memory_space<vmem_shared>>
      tpu.enqueue_indirect_dma source(%arg23 : memref<80x128xf32, #tpu.memory_space<vmem>>) target(%dma_start3A_723 : memref<10240x128xf32, #tpu.memory_space<vmem_shared>>) offsets(%dma_start3A_720 : memref<80xi32, #tpu.memory_space<vmem>>) semaphore(%arg29 : memref<!tpu.dma_semaphore, #tpu.memory_space<semaphore_mem>>) {add = true}
      %eq3A_724 = arith.constant 0 : i32
      %eq3A_725 = arith.cmpi eq, %arg0, %eq3A_724 : i32
      %convert_element_type3A_726 = arith.extui %eq3A_725 : i1 to i32
      %cond3A_727 = arith.constant 0 : i32
      %cond3A_728 = arith.cmpi ne, %convert_element_type3A_726, %cond3A_727 : i32
      scf.if %cond3A_728 {
        %dma_wait3A_894 = arith.constant 1 : i32
        %dma_wait3A_895 = arith.constant 0 : i32
        %dma_wait3A_896 = tpu.memref_slice %arg25[%dma_wait3A_894, %dma_wait3A_895] : memref<3x80xi32, #tpu.memory_space<vmem>> -> memref<1x80xi32, #tpu.memory_space<vmem>>
        %dma_wait3A_897 = tpu.memref_squeeze %dma_wait3A_896 : memref<1x80xi32, #tpu.memory_space<vmem>> -> memref<80xi32, #tpu.memory_space<vmem>>
        %dma_wait3A_898 = arith.constant 0 : i32
        %dma_wait3A_899 = arith.constant 0 : i32
        %dma_wait3A_900 = tpu.memref_slice %arg5[%dma_wait3A_898, %dma_wait3A_899] : memref<10000x128xf32, #tpu.memory_space<hbm>> -> memref<10000x128xf32, #tpu.memory_space<hbm>>
        tpu.wait_indirect_dma semaphore(%arg28 : memref<!tpu.dma_semaphore, #tpu.memory_space<semaphore_mem>>) src(%dma_wait3A_900 : memref<10000x128xf32, #tpu.memory_space<hbm>>) dst(%arg27 : memref<80x128xf32, #tpu.memory_space<vmem>>)
      } else {
      }
      %eq3A_729 = arith.constant 1 : i32
      %eq3A_730 = arith.cmpi eq, %arg0, %eq3A_729 : i32
      %convert_element_type3A_731 = arith.extui %eq3A_730 : i1 to i32
      %cond3A_732 = arith.constant 0 : i32
      %cond3A_733 = arith.cmpi ne, %convert_element_type3A_731, %cond3A_732 : i32
      scf.if %cond3A_733 {
        %dma_wait3A_894 = arith.constant 1 : i32
        %dma_wait3A_895 = arith.constant 0 : i32
        %dma_wait3A_896 = tpu.memref_slice %arg25[%dma_wait3A_894, %dma_wait3A_895] : memref<3x80xi32, #tpu.memory_space<vmem>> -> memref<1x80xi32, #tpu.memory_space<vmem>>
        %dma_wait3A_897 = tpu.memref_squeeze %dma_wait3A_896 : memref<1x80xi32, #tpu.memory_space<vmem>> -> memref<80xi32, #tpu.memory_space<vmem>>
        %dma_wait3A_898 = arith.constant 0 : i32
        %dma_wait3A_899 = arith.constant 0 : i32
        %dma_wait3A_900 = tpu.memref_slice %arg7[%dma_wait3A_898, %dma_wait3A_899] : memref<10000x128xf32, #tpu.memory_space<hbm>> -> memref<10000x128xf32, #tpu.memory_space<hbm>>
        tpu.wait_indirect_dma semaphore(%arg28 : memref<!tpu.dma_semaphore, #tpu.memory_space<semaphore_mem>>) src(%dma_wait3A_900 : memref<10000x128xf32, #tpu.memory_space<hbm>>) dst(%arg27 : memref<80x128xf32, #tpu.memory_space<vmem>>)
      } else {
      }
      %parallel_loop3A_734 = arith.constant 0 : i32
      %parallel_loop3A_735 = arith.constant 80 : i32
      %parallel_loop3A_736 = arith.constant 1 : i32
      scf.for %parallel_loop3A_894 = %parallel_loop3A_734 to %parallel_loop3A_735 step %parallel_loop3A_736  : i32 {
        %parallel_loop3A_895 = vector.broadcast %parallel_loop3A_894 : i32 to vector<16xi32>
        %parallel_loop3A_896 = tpu.vector_load_idx %arg26[%parallel_loop3A_895] : memref<80xf32, #tpu.memory_space<vmem>>[vector<16xi32>], vector<16xf32>,
        %parallel_loop3A_897 = arith.index_cast %parallel_loop3A_894 : i32 to index
        %parallel_loop3A_898 = arith.constant 0 : index
        %parallel_loop3A_899 = tpu.vector_load %arg27[%parallel_loop3A_897, %parallel_loop3A_898] {strides = array<i32>} : memref<80x128xf32, #tpu.memory_space<vmem>>, vector<16xf32>,
        %parallel_loop3A_900 = arith.mulf %parallel_loop3A_899, %parallel_loop3A_896 : vector<16xf32>
        %parallel_loop3A_901 = arith.index_cast %parallel_loop3A_894 : i32 to index
        %parallel_loop3A_902 = arith.constant 0 : index
        %parallel_loop3A_903 = tpu.vector_load %arg27[%parallel_loop3A_901, %parallel_loop3A_902] {strides = array<i32>} : memref<80x128xf32, #tpu.memory_space<vmem>>, vector<16xf32>,
        tpu.vector_store %arg27[%parallel_loop3A_901, %parallel_loop3A_902], %parallel_loop3A_900 {strides = array<i32>} : memref<80x128xf32, #tpu.memory_space<vmem>>, vector<16xf32>,
        %parallel_loop3A_904 = arith.index_cast %parallel_loop3A_894 : i32 to index
        %parallel_loop3A_905 = arith.constant 16 : index
        %parallel_loop3A_906 = tpu.vector_load %arg27[%parallel_loop3A_904, %parallel_loop3A_905] {strides = array<i32>} : memref<80x128xf32, #tpu.memory_space<vmem>>, vector<16xf32>,
        %parallel_loop3A_907 = arith.mulf %parallel_loop3A_906, %parallel_loop3A_896 : vector<16xf32>
        %parallel_loop3A_908 = arith.index_cast %parallel_loop3A_894 : i32 to index
        %parallel_loop3A_909 = arith.constant 16 : index
        %parallel_loop3A_910 = tpu.vector_load %arg27[%parallel_loop3A_908, %parallel_loop3A_909] {strides = array<i32>} : memref<80x128xf32, #tpu.memory_space<vmem>>, vector<16xf32>,
        tpu.vector_store %arg27[%parallel_loop3A_908, %parallel_loop3A_909], %parallel_loop3A_907 {strides = array<i32>} : memref<80x128xf32, #tpu.memory_space<vmem>>, vector<16xf32>,
        %parallel_loop3A_911 = arith.index_cast %parallel_loop3A_894 : i32 to index
        %parallel_loop3A_912 = arith.constant 32 : index
        %parallel_loop3A_913 = tpu.vector_load %arg27[%parallel_loop3A_911, %parallel_loop3A_912] {strides = array<i32>} : memref<80x128xf32, #tpu.memory_space<vmem>>, vector<16xf32>,
        %parallel_loop3A_914 = arith.mulf %parallel_loop3A_913, %parallel_loop3A_896 : vector<16xf32>
        %parallel_loop3A_915 = arith.index_cast %parallel_loop3A_894 : i32 to index
        %parallel_loop3A_916 = arith.constant 32 : index
        %parallel_loop3A_917 = tpu.vector_load %arg27[%parallel_loop3A_915, %parallel_loop3A_916] {strides = array<i32>} : memref<80x128xf32, #tpu.memory_space<vmem>>, vector<16xf32>,
        tpu.vector_store %arg27[%parallel_loop3A_915, %parallel_loop3A_916], %parallel_loop3A_914 {strides = array<i32>} : memref<80x128xf32, #tpu.memory_space<vmem>>, vector<16xf32>,
        %parallel_loop3A_918 = arith.index_cast %parallel_loop3A_894 : i32 to index
        %parallel_loop3A_919 = arith.constant 48 : index
        %parallel_loop3A_920 = tpu.vector_load %arg27[%parallel_loop3A_918, %parallel_loop3A_919] {strides = array<i32>} : memref<80x128xf32, #tpu.memory_space<vmem>>, vector<16xf32>,
        %parallel_loop3A_921 = arith.mulf %parallel_loop3A_920, %parallel_loop3A_896 : vector<16xf32>
        %parallel_loop3A_922 = arith.index_cast %parallel_loop3A_894 : i32 to index
        %parallel_loop3A_923 = arith.constant 48 : index
        %parallel_loop3A_924 = tpu.vector_load %arg27[%parallel_loop3A_922, %parallel_loop3A_923] {strides = array<i32>} : memref<80x128xf32, #tpu.memory_space<vmem>>, vector<16xf32>,
        tpu.vector_store %arg27[%parallel_loop3A_922, %parallel_loop3A_923], %parallel_loop3A_921 {strides = array<i32>} : memref<80x128xf32, #tpu.memory_space<vmem>>, vector<16xf32>,
        %parallel_loop3A_925 = arith.index_cast %parallel_loop3A_894 : i32 to index
        %parallel_loop3A_926 = arith.constant 64 : index
        %parallel_loop3A_927 = tpu.vector_load %arg27[%parallel_loop3A_925, %parallel_loop3A_926] {strides = array<i32>} : memref<80x128xf32, #tpu.memory_space<vmem>>, vector<16xf32>,
        %parallel_loop3A_928 = arith.mulf %parallel_loop3A_927, %parallel_loop3A_896 : vector<16xf32>
        %parallel_loop3A_929 = arith.index_cast %parallel_loop3A_894 : i32 to index
        %parallel_loop3A_930 = arith.constant 64 : index
        %parallel_loop3A_931 = tpu.vector_load %arg27[%parallel_loop3A_929, %parallel_loop3A_930] {strides = array<i32>} : memref<80x128xf32, #tpu.memory_space<vmem>>, vector<16xf32>,
        tpu.vector_store %arg27[%parallel_loop3A_929, %parallel_loop3A_930], %parallel_loop3A_928 {strides = array<i32>} : memref<80x128xf32, #tpu.memory_space<vmem>>, vector<16xf32>,
        %parallel_loop3A_932 = arith.index_cast %parallel_loop3A_894 : i32 to index
        %parallel_loop3A_933 = arith.constant 80 : index
        %parallel_loop3A_934 = tpu.vector_load %arg27[%parallel_loop3A_932, %parallel_loop3A_933] {strides = array<i32>} : memref<80x128xf32, #tpu.memory_space<vmem>>, vector<16xf32>,
        %parallel_loop3A_935 = arith.mulf %parallel_loop3A_934, %parallel_loop3A_896 : vector<16xf32>
        %parallel_loop3A_936 = arith.index_cast %parallel_loop3A_894 : i32 to index
        %parallel_loop3A_937 = arith.constant 80 : index
        %parallel_loop3A_938 = tpu.vector_load %arg27[%parallel_loop3A_936, %parallel_loop3A_937] {strides = array<i32>} : memref<80x128xf32, #tpu.memory_space<vmem>>, vector<16xf32>,
        tpu.vector_store %arg27[%parallel_loop3A_936, %parallel_loop3A_937], %parallel_loop3A_935 {strides = array<i32>} : memref<80x128xf32, #tpu.memory_space<vmem>>, vector<16xf32>,
        %parallel_loop3A_939 = arith.index_cast %parallel_loop3A_894 : i32 to index
        %parallel_loop3A_940 = arith.constant 96 : index
        %parallel_loop3A_941 = tpu.vector_load %arg27[%parallel_loop3A_939, %parallel_loop3A_940] {strides = array<i32>} : memref<80x128xf32, #tpu.memory_space<vmem>>, vector<16xf32>,
        %parallel_loop3A_942 = arith.mulf %parallel_loop3A_941, %parallel_loop3A_896 : vector<16xf32>
        %parallel_loop3A_943 = arith.index_cast %parallel_loop3A_894 : i32 to index
        %parallel_loop3A_944 = arith.constant 96 : index
        %parallel_loop3A_945 = tpu.vector_load %arg27[%parallel_loop3A_943, %parallel_loop3A_944] {strides = array<i32>} : memref<80x128xf32, #tpu.memory_space<vmem>>, vector<16xf32>,
        tpu.vector_store %arg27[%parallel_loop3A_943, %parallel_loop3A_944], %parallel_loop3A_942 {strides = array<i32>} : memref<80x128xf32, #tpu.memory_space<vmem>>, vector<16xf32>,
      } {sc.loop_unroll_factor = 4 : i64, sc.parallel_access}
      %dma_start3A_737 = arith.constant 0 : i32
      %dma_start3A_738 = arith.constant 0 : i32
      %dma_start3A_739 = tpu.memref_slice %arg25[%dma_start3A_737, %dma_start3A_738] : memref<3x80xi32, #tpu.memory_space<vmem>> -> memref<1x80xi32, #tpu.memory_space<vmem>>
      %dma_start3A_740 = tpu.memref_squeeze %dma_start3A_739 : memref<1x80xi32, #tpu.memory_space<vmem>> -> memref<80xi32, #tpu.memory_space<vmem>>
      %dma_start3A_741 = arith.constant 0 : i32
      %dma_start3A_742 = arith.constant 0 : i32
      %dma_start3A_743 = tpu.memref_slice %arg16[%dma_start3A_741, %dma_start3A_742] : memref<10240x128xf32, #tpu.memory_space<vmem_shared>> -> memref<10240x128xf32, #tpu.memory_space<vmem_shared>>
      tpu.enqueue_indirect_dma source(%arg27 : memref<80x128xf32, #tpu.memory_space<vmem>>) target(%dma_start3A_743 : memref<10240x128xf32, #tpu.memory_space<vmem_shared>>) offsets(%dma_start3A_740 : memref<80xi32, #tpu.memory_space<vmem>>) semaphore(%arg30 : memref<!tpu.dma_semaphore, #tpu.memory_space<semaphore_mem>>) {add = true}
      %dma_wait3A_744 = arith.constant 0 : i32
      %dma_wait3A_745 = arith.constant 0 : i32
      %dma_wait3A_746 = tpu.memref_slice %arg21[%dma_wait3A_744, %dma_wait3A_745] : memref<3x80xi32, #tpu.memory_space<vmem>> -> memref<1x80xi32, #tpu.memory_space<vmem>>
      %dma_wait3A_747 = tpu.memref_squeeze %dma_wait3A_746 : memref<1x80xi32, #tpu.memory_space<vmem>> -> memref<80xi32, #tpu.memory_space<vmem>>
      %dma_wait3A_748 = arith.constant 0 : i32
      %dma_wait3A_749 = arith.constant 0 : i32
      %dma_wait3A_750 = tpu.memref_slice %arg16[%dma_wait3A_748, %dma_wait3A_749] : memref<10240x128xf32, #tpu.memory_space<vmem_shared>> -> memref<10240x128xf32, #tpu.memory_space<vmem_shared>>
      tpu.wait_indirect_dma semaphore(%arg29 : memref<!tpu.dma_semaphore, #tpu.memory_space<semaphore_mem>>) src(%arg23 : memref<80x128xf32, #tpu.memory_space<vmem>>) dst(%dma_wait3A_750 : memref<10240x128xf32, #tpu.memory_space<vmem_shared>>)
      %add3A_751 = arith.constant 2 : i32
      %add3A_752 = arith.addi %mul3A_703, %add3A_751 : i32
      %mul3A_753 = arith.constant 125 : i32
      %mul3A_754 = arith.muli %arg1, %mul3A_753 : i32
      %add3A_755 = arith.addi %mul3A_754, %add3A_752 : i32
      "tpu.region"() ({
        %run_scoped3A = tpu.sem_alloc : memref<!tpu.dma_semaphore, #tpu.memory_space<semaphore_mem>>
        %dma_start3A_894 = arith.constant 0 : i32
        %dma_start3A_895 = arith.constant 0 : i32
        %dma_start3A_896 = tpu.memref_slice %arg2[%add3A_755, %dma_start3A_894, %dma_start3A_895] : memref<2000x3x80xi32, #tpu.memory_space<hbm>> -> memref<1x3x80xi32, #tpu.memory_space<hbm>>
        %dma_start3A_897 = tpu.memref_squeeze %dma_start3A_896 : memref<1x3x80xi32, #tpu.memory_space<hbm>> -> memref<3x80xi32, #tpu.memory_space<hbm>>
        %dma_start3A_898 = arith.constant 0 : i32
        %dma_start3A_899 = arith.constant 0 : i32
        %dma_start3A_900 = tpu.memref_slice %arg2[%add3A_755, %dma_start3A_898, %dma_start3A_899] : memref<2000x3x80xi32, #tpu.memory_space<hbm>> -> memref<1x3x80xi32, #tpu.memory_space<hbm>>
        %dma_start3A_901 = tpu.memref_squeeze %dma_start3A_900 : memref<1x3x80xi32, #tpu.memory_space<hbm>> -> memref<3x80xi32, #tpu.memory_space<hbm>>
        tpu.enqueue_dma source(%dma_start3A_901 : memref<3x80xi32, #tpu.memory_space<hbm>>) target(%arg21 : memref<3x80xi32, #tpu.memory_space<vmem>>) target_semaphore(%run_scoped3A : memref<!tpu.dma_semaphore, #tpu.memory_space<semaphore_mem>>)
        %dma_wait3A_902 = arith.constant 0 : i32
        %dma_wait3A_903 = arith.constant 0 : i32
        %dma_wait3A_904 = tpu.memref_slice %arg2[%add3A_755, %dma_wait3A_902, %dma_wait3A_903] : memref<2000x3x80xi32, #tpu.memory_space<hbm>> -> memref<1x3x80xi32, #tpu.memory_space<hbm>>
        %dma_wait3A_905 = tpu.memref_squeeze %dma_wait3A_904 : memref<1x3x80xi32, #tpu.memory_space<hbm>> -> memref<3x80xi32, #tpu.memory_space<hbm>>
        %dma_wait3A_906 = arith.constant 0 : i32
        %dma_wait3A_907 = arith.constant 0 : i32
        %dma_wait3A_908 = tpu.memref_slice %arg2[%add3A_755, %dma_wait3A_906, %dma_wait3A_907] : memref<2000x3x80xi32, #tpu.memory_space<hbm>> -> memref<1x3x80xi32, #tpu.memory_space<hbm>>
        %dma_wait3A_909 = tpu.memref_squeeze %dma_wait3A_908 : memref<1x3x80xi32, #tpu.memory_space<hbm>> -> memref<3x80xi32, #tpu.memory_space<hbm>>
        tpu.wait_dma2 semaphore(%run_scoped3A : memref<!tpu.dma_semaphore, #tpu.memory_space<semaphore_mem>>) src(%dma_wait3A_909 : memref<3x80xi32, #tpu.memory_space<hbm>>) dst(%arg21 : memref<3x80xi32, #tpu.memory_space<vmem>>)
        tpu.yield
      }) : () -> ()
      %get3A_756 = arith.constant 1 : i32
      %get3A_757 = arith.index_cast %get3A_756 : i32 to index
      %get3A_758 = arith.constant 0 : index
      %get3A_759 = tpu.vector_load %arg21[%get3A_757, %get3A_758] {strides = array<i32>} : memref<3x80xi32, #tpu.memory_space<vmem>>, vector<16xi32>,
      %gather3A_760 = tpu.vector_load_idx %arg18[%get3A_759] : memref<10000xf32, #tpu.memory_space<vmem>>[vector<16xi32>], vector<16xf32>,
      %get3A_761 = arith.constant 2 : i32
      %get3A_762 = arith.index_cast %get3A_761 : i32 to index
      %get3A_763 = arith.constant 0 : index
      %get3A_764 = tpu.vector_load %arg21[%get3A_762, %get3A_763] {strides = array<i32>} : memref<3x80xi32, #tpu.memory_space<vmem>>, vector<16xi32>,
      %gather3A_765 = tpu.vector_load_idx %arg19[%get3A_764] : memref<1000xf32, #tpu.memory_space<vmem>>[vector<16xi32>], vector<16xf32>,
      %get3A_766 = arith.constant 0 : i32
      %get3A_767 = arith.index_cast %get3A_766 : i32 to index
      %get3A_768 = arith.constant 0 : index
      %get3A_769 = tpu.vector_load %arg21[%get3A_767, %get3A_768] {strides = array<i32>} : memref<3x80xi32, #tpu.memory_space<vmem>>, vector<16xi32>,
      %gather3A_770 = tpu.vector_load_idx %arg20[%get3A_769] : memref<10240xf32, #tpu.memory_space<vmem>>[vector<16xi32>], vector<16xf32>,
      %add3A_771 = arith.addf %gather3A_765, %gather3A_760 : vector<16xf32>
      %exp3A_772 = math.exp %add3A_771 : vector<16xf32>
      %add3A_773 = arith.constant 1.000000e-16 : f32
      %add3A_774 = vector.broadcast %add3A_773 : f32 to vector<16xf32>
      %add3A_775 = arith.addf %gather3A_770, %add3A_774 : vector<16xf32>
      %div3A_776 = arith.divf %exp3A_772, %add3A_775 : vector<16xf32>
      %swap3A_777 = arith.constant 0 : index
      %swap3A_778 = tpu.vector_load %arg22[%swap3A_777] {strides = array<i32>} : memref<80xf32, #tpu.memory_space<vmem>>, vector<16xf32>,
      tpu.vector_store %arg22[%swap3A_777], %div3A_776 {strides = array<i32>} : memref<80xf32, #tpu.memory_space<vmem>>, vector<16xf32>,
      %get3A_779 = arith.constant 1 : i32
      %get3A_780 = arith.index_cast %get3A_779 : i32 to index
      %get3A_781 = arith.constant 16 : index
      %get3A_782 = tpu.vector_load %arg21[%get3A_780, %get3A_781] {strides = array<i32>} : memref<3x80xi32, #tpu.memory_space<vmem>>, vector<16xi32>,
      %gather3A_783 = tpu.vector_load_idx %arg18[%get3A_782] : memref<10000xf32, #tpu.memory_space<vmem>>[vector<16xi32>], vector<16xf32>,
      %get3A_784 = arith.constant 2 : i32
      %get3A_785 = arith.index_cast %get3A_784 : i32 to index
      %get3A_786 = arith.constant 16 : index
      %get3A_787 = tpu.vector_load %arg21[%get3A_785, %get3A_786] {strides = array<i32>} : memref<3x80xi32, #tpu.memory_space<vmem>>, vector<16xi32>,
      %gather3A_788 = tpu.vector_load_idx %arg19[%get3A_787] : memref<1000xf32, #tpu.memory_space<vmem>>[vector<16xi32>], vector<16xf32>,
      %get3A_789 = arith.constant 0 : i32
      %get3A_790 = arith.index_cast %get3A_789 : i32 to index
      %get3A_791 = arith.constant 16 : index
      %get3A_792 = tpu.vector_load %arg21[%get3A_790, %get3A_791] {strides = array<i32>} : memref<3x80xi32, #tpu.memory_space<vmem>>, vector<16xi32>,
      %gather3A_793 = tpu.vector_load_idx %arg20[%get3A_792] : memref<10240xf32, #tpu.memory_space<vmem>>[vector<16xi32>], vector<16xf32>,
      %add3A_794 = arith.addf %gather3A_788, %gather3A_783 : vector<16xf32>
      %exp3A_795 = math.exp %add3A_794 : vector<16xf32>
      %add3A_796 = arith.constant 1.000000e-16 : f32
      %add3A_797 = vector.broadcast %add3A_796 : f32 to vector<16xf32>
      %add3A_798 = arith.addf %gather3A_793, %add3A_797 : vector<16xf32>
      %div3A_799 = arith.divf %exp3A_795, %add3A_798 : vector<16xf32>
      %swap3A_800 = arith.constant 16 : index
      %swap3A_801 = tpu.vector_load %arg22[%swap3A_800] {strides = array<i32>} : memref<80xf32, #tpu.memory_space<vmem>>, vector<16xf32>,
      tpu.vector_store %arg22[%swap3A_800], %div3A_799 {strides = array<i32>} : memref<80xf32, #tpu.memory_space<vmem>>, vector<16xf32>,
      %get3A_802 = arith.constant 1 : i32
      %get3A_803 = arith.index_cast %get3A_802 : i32 to index
      %get3A_804 = arith.constant 32 : index
      %get3A_805 = tpu.vector_load %arg21[%get3A_803, %get3A_804] {strides = array<i32>} : memref<3x80xi32, #tpu.memory_space<vmem>>, vector<16xi32>,
      %gather3A_806 = tpu.vector_load_idx %arg18[%get3A_805] : memref<10000xf32, #tpu.memory_space<vmem>>[vector<16xi32>], vector<16xf32>,
      %get3A_807 = arith.constant 2 : i32
      %get3A_808 = arith.index_cast %get3A_807 : i32 to index
      %get3A_809 = arith.constant 32 : index
      %get3A_810 = tpu.vector_load %arg21[%get3A_808, %get3A_809] {strides = array<i32>} : memref<3x80xi32, #tpu.memory_space<vmem>>, vector<16xi32>,
      %gather3A_811 = tpu.vector_load_idx %arg19[%get3A_810] : memref<1000xf32, #tpu.memory_space<vmem>>[vector<16xi32>], vector<16xf32>,
      %get3A_812 = arith.constant 0 : i32
      %get3A_813 = arith.index_cast %get3A_812 : i32 to index
      %get3A_814 = arith.constant 32 : index
      %get3A_815 = tpu.vector_load %arg21[%get3A_813, %get3A_814] {strides = array<i32>} : memref<3x80xi32, #tpu.memory_space<vmem>>, vector<16xi32>,
      %gather3A_816 = tpu.vector_load_idx %arg20[%get3A_815] : memref<10240xf32, #tpu.memory_space<vmem>>[vector<16xi32>], vector<16xf32>,
      %add3A_817 = arith.addf %gather3A_811, %gather3A_806 : vector<16xf32>
      %exp3A_818 = math.exp %add3A_817 : vector<16xf32>
      %add3A_819 = arith.constant 1.000000e-16 : f32
      %add3A_820 = vector.broadcast %add3A_819 : f32 to vector<16xf32>
      %add3A_821 = arith.addf %gather3A_816, %add3A_820 : vector<16xf32>
      %div3A_822 = arith.divf %exp3A_818, %add3A_821 : vector<16xf32>
      %swap3A_823 = arith.constant 32 : index
      %swap3A_824 = tpu.vector_load %arg22[%swap3A_823] {strides = array<i32>} : memref<80xf32, #tpu.memory_space<vmem>>, vector<16xf32>,
      tpu.vector_store %arg22[%swap3A_823], %div3A_822 {strides = array<i32>} : memref<80xf32, #tpu.memory_space<vmem>>, vector<16xf32>,
      %get3A_825 = arith.constant 1 : i32
      %get3A_826 = arith.index_cast %get3A_825 : i32 to index
      %get3A_827 = arith.constant 48 : index
      %get3A_828 = tpu.vector_load %arg21[%get3A_826, %get3A_827] {strides = array<i32>} : memref<3x80xi32, #tpu.memory_space<vmem>>, vector<16xi32>,
      %gather3A_829 = tpu.vector_load_idx %arg18[%get3A_828] : memref<10000xf32, #tpu.memory_space<vmem>>[vector<16xi32>], vector<16xf32>,
      %get3A_830 = arith.constant 2 : i32
      %get3A_831 = arith.index_cast %get3A_830 : i32 to index
      %get3A_832 = arith.constant 48 : index
      %get3A_833 = tpu.vector_load %arg21[%get3A_831, %get3A_832] {strides = array<i32>} : memref<3x80xi32, #tpu.memory_space<vmem>>, vector<16xi32>,
      %gather3A_834 = tpu.vector_load_idx %arg19[%get3A_833] : memref<1000xf32, #tpu.memory_space<vmem>>[vector<16xi32>], vector<16xf32>,
      %get3A_835 = arith.constant 0 : i32
      %get3A_836 = arith.index_cast %get3A_835 : i32 to index
      %get3A_837 = arith.constant 48 : index
      %get3A_838 = tpu.vector_load %arg21[%get3A_836, %get3A_837] {strides = array<i32>} : memref<3x80xi32, #tpu.memory_space<vmem>>, vector<16xi32>,
      %gather3A_839 = tpu.vector_load_idx %arg20[%get3A_838] : memref<10240xf32, #tpu.memory_space<vmem>>[vector<16xi32>], vector<16xf32>,
      %add3A_840 = arith.addf %gather3A_834, %gather3A_829 : vector<16xf32>
      %exp3A_841 = math.exp %add3A_840 : vector<16xf32>
      %add3A_842 = arith.constant 1.000000e-16 : f32
      %add3A_843 = vector.broadcast %add3A_842 : f32 to vector<16xf32>
      %add3A_844 = arith.addf %gather3A_839, %add3A_843 : vector<16xf32>
      %div3A_845 = arith.divf %exp3A_841, %add3A_844 : vector<16xf32>
      %swap3A_846 = arith.constant 48 : index
      %swap3A_847 = tpu.vector_load %arg22[%swap3A_846] {strides = array<i32>} : memref<80xf32, #tpu.memory_space<vmem>>, vector<16xf32>,
      tpu.vector_store %arg22[%swap3A_846], %div3A_845 {strides = array<i32>} : memref<80xf32, #tpu.memory_space<vmem>>, vector<16xf32>,
      %get3A_848 = arith.constant 1 : i32
      %get3A_849 = arith.index_cast %get3A_848 : i32 to index
      %get3A_850 = arith.constant 64 : index
      %get3A_851 = tpu.vector_load %arg21[%get3A_849, %get3A_850] {strides = array<i32>} : memref<3x80xi32, #tpu.memory_space<vmem>>, vector<16xi32>,
      %gather3A_852 = tpu.vector_load_idx %arg18[%get3A_851] : memref<10000xf32, #tpu.memory_space<vmem>>[vector<16xi32>], vector<16xf32>,
      %get3A_853 = arith.constant 2 : i32
      %get3A_854 = arith.index_cast %get3A_853 : i32 to index
      %get3A_855 = arith.constant 64 : index
      %get3A_856 = tpu.vector_load %arg21[%get3A_854, %get3A_855] {strides = array<i32>} : memref<3x80xi32, #tpu.memory_space<vmem>>, vector<16xi32>,
      %gather3A_857 = tpu.vector_load_idx %arg19[%get3A_856] : memref<1000xf32, #tpu.memory_space<vmem>>[vector<16xi32>], vector<16xf32>,
      %get3A_858 = arith.constant 0 : i32
      %get3A_859 = arith.index_cast %get3A_858 : i32 to index
      %get3A_860 = arith.constant 64 : index
      %get3A_861 = tpu.vector_load %arg21[%get3A_859, %get3A_860] {strides = array<i32>} : memref<3x80xi32, #tpu.memory_space<vmem>>, vector<16xi32>,
      %gather3A_862 = tpu.vector_load_idx %arg20[%get3A_861] : memref<10240xf32, #tpu.memory_space<vmem>>[vector<16xi32>], vector<16xf32>,
      %add3A_863 = arith.addf %gather3A_857, %gather3A_852 : vector<16xf32>
      %exp3A_864 = math.exp %add3A_863 : vector<16xf32>
      %add3A_865 = arith.constant 1.000000e-16 : f32
      %add3A_866 = vector.broadcast %add3A_865 : f32 to vector<16xf32>
      %add3A_867 = arith.addf %gather3A_862, %add3A_866 : vector<16xf32>
      %div3A_868 = arith.divf %exp3A_864, %add3A_867 : vector<16xf32>
      %swap3A_869 = arith.constant 64 : index
      %swap3A_870 = tpu.vector_load %arg22[%swap3A_869] {strides = array<i32>} : memref<80xf32, #tpu.memory_space<vmem>>, vector<16xf32>,
      tpu.vector_store %arg22[%swap3A_869], %div3A_868 {strides = array<i32>} : memref<80xf32, #tpu.memory_space<vmem>>, vector<16xf32>,
      %eq3A_871 = arith.constant 0 : i32
      %eq3A_872 = arith.cmpi eq, %arg0, %eq3A_871 : i32
      %convert_element_type3A_873 = arith.extui %eq3A_872 : i1 to i32
      %cond3A_874 = arith.constant 0 : i32
      %cond3A_875 = arith.cmpi ne, %convert_element_type3A_873, %cond3A_874 : i32
      scf.if %cond3A_875 {
        %dma_start3A_894 = arith.constant 1 : i32
        %dma_start3A_895 = arith.constant 0 : i32
        %dma_start3A_896 = tpu.memref_slice %arg21[%dma_start3A_894, %dma_start3A_895] : memref<3x80xi32, #tpu.memory_space<vmem>> -> memref<1x80xi32, #tpu.memory_space<vmem>>
        %dma_start3A_897 = tpu.memref_squeeze %dma_start3A_896 : memref<1x80xi32, #tpu.memory_space<vmem>> -> memref<80xi32, #tpu.memory_space<vmem>>
        %dma_start3A_898 = arith.constant 0 : i32
        %dma_start3A_899 = arith.constant 0 : i32
        %dma_start3A_900 = tpu.memref_slice %arg5[%dma_start3A_898, %dma_start3A_899] : memref<10000x128xf32, #tpu.memory_space<hbm>> -> memref<10000x128xf32, #tpu.memory_space<hbm>>
        tpu.enqueue_indirect_dma source(%dma_start3A_900 : memref<10000x128xf32, #tpu.memory_space<hbm>>) target(%arg23 : memref<80x128xf32, #tpu.memory_space<vmem>>) offsets(%dma_start3A_897 : memref<80xi32, #tpu.memory_space<vmem>>) semaphore(%arg24 : memref<!tpu.dma_semaphore, #tpu.memory_space<semaphore_mem>>)
      } else {
      }
      %eq3A_876 = arith.constant 1 : i32
      %eq3A_877 = arith.cmpi eq, %arg0, %eq3A_876 : i32
      %convert_element_type3A_878 = arith.extui %eq3A_877 : i1 to i32
      %cond3A_879 = arith.constant 0 : i32
      %cond3A_880 = arith.cmpi ne, %convert_element_type3A_878, %cond3A_879 : i32
      scf.if %cond3A_880 {
        %dma_start3A_894 = arith.constant 1 : i32
        %dma_start3A_895 = arith.constant 0 : i32
        %dma_start3A_896 = tpu.memref_slice %arg21[%dma_start3A_894, %dma_start3A_895] : memref<3x80xi32, #tpu.memory_space<vmem>> -> memref<1x80xi32, #tpu.memory_space<vmem>>
        %dma_start3A_897 = tpu.memref_squeeze %dma_start3A_896 : memref<1x80xi32, #tpu.memory_space<vmem>> -> memref<80xi32, #tpu.memory_space<vmem>>
        %dma_start3A_898 = arith.constant 0 : i32
        %dma_start3A_899 = arith.constant 0 : i32
        %dma_start3A_900 = tpu.memref_slice %arg7[%dma_start3A_898, %dma_start3A_899] : memref<10000x128xf32, #tpu.memory_space<hbm>> -> memref<10000x128xf32, #tpu.memory_space<hbm>>
        tpu.enqueue_indirect_dma source(%dma_start3A_900 : memref<10000x128xf32, #tpu.memory_space<hbm>>) target(%arg23 : memref<80x128xf32, #tpu.memory_space<vmem>>) offsets(%dma_start3A_897 : memref<80xi32, #tpu.memory_space<vmem>>) semaphore(%arg24 : memref<!tpu.dma_semaphore, #tpu.memory_space<semaphore_mem>>)
      } else {
      }
      %dma_wait3A_881 = arith.constant 0 : i32
      %dma_wait3A_882 = arith.constant 0 : i32
      %dma_wait3A_883 = tpu.memref_slice %arg25[%dma_wait3A_881, %dma_wait3A_882] : memref<3x80xi32, #tpu.memory_space<vmem>> -> memref<1x80xi32, #tpu.memory_space<vmem>>
      %dma_wait3A_884 = tpu.memref_squeeze %dma_wait3A_883 : memref<1x80xi32, #tpu.memory_space<vmem>> -> memref<80xi32, #tpu.memory_space<vmem>>
      %dma_wait3A_885 = arith.constant 0 : i32
      %dma_wait3A_886 = arith.constant 0 : i32
      %dma_wait3A_887 = tpu.memref_slice %arg16[%dma_wait3A_885, %dma_wait3A_886] : memref<10240x128xf32, #tpu.memory_space<vmem_shared>> -> memref<10240x128xf32, #tpu.memory_space<vmem_shared>>
      tpu.wait_indirect_dma semaphore(%arg30 : memref<!tpu.dma_semaphore, #tpu.memory_space<semaphore_mem>>) src(%arg27 : memref<80x128xf32, #tpu.memory_space<vmem>>) dst(%dma_wait3A_887 : memref<10240x128xf32, #tpu.memory_space<vmem_shared>>)
      %add3A_888 = arith.constant 3 : i32
      %add3A_889 = arith.addi %mul3A_703, %add3A_888 : i32
      %lt3A = arith.constant 125 : i32
      %lt3A_890 = arith.cmpi slt, %add3A_889, %lt3A : i32
      %convert_element_type3A_891 = arith.extui %lt3A_890 : i1 to i32
      %cond3A_892 = arith.constant 0 : i32
      %cond3A_893 = arith.cmpi ne, %convert_element_type3A_891, %cond3A_892 : i32
      scf.if %cond3A_893 {
        %add3A_894 = arith.constant 3 : i32
        %add3A_895 = arith.addi %mul3A_703, %add3A_894 : i32
        %mul3A_896 = arith.constant 125 : i32
        %mul3A_897 = arith.muli %arg1, %mul3A_896 : i32
        %add3A_898 = arith.addi %mul3A_897, %add3A_895 : i32
        "tpu.region"() ({
          %run_scoped3A = tpu.sem_alloc : memref<!tpu.dma_semaphore, #tpu.memory_space<semaphore_mem>>
          %dma_start3A_1024 = arith.constant 0 : i32
          %dma_start3A_1025 = arith.constant 0 : i32
          %dma_start3A_1026 = tpu.memref_slice %arg2[%add3A_898, %dma_start3A_1024, %dma_start3A_1025] : memref<2000x3x80xi32, #tpu.memory_space<hbm>> -> memref<1x3x80xi32, #tpu.memory_space<hbm>>
          %dma_start3A_1027 = tpu.memref_squeeze %dma_start3A_1026 : memref<1x3x80xi32, #tpu.memory_space<hbm>> -> memref<3x80xi32, #tpu.memory_space<hbm>>
          %dma_start3A_1028 = arith.constant 0 : i32
          %dma_start3A_1029 = arith.constant 0 : i32
          %dma_start3A_1030 = tpu.memref_slice %arg2[%add3A_898, %dma_start3A_1028, %dma_start3A_1029] : memref<2000x3x80xi32, #tpu.memory_space<hbm>> -> memref<1x3x80xi32, #tpu.memory_space<hbm>>
          %dma_start3A_1031 = tpu.memref_squeeze %dma_start3A_1030 : memref<1x3x80xi32, #tpu.memory_space<hbm>> -> memref<3x80xi32, #tpu.memory_space<hbm>>
          tpu.enqueue_dma source(%dma_start3A_1031 : memref<3x80xi32, #tpu.memory_space<hbm>>) target(%arg25 : memref<3x80xi32, #tpu.memory_space<vmem>>) target_semaphore(%run_scoped3A : memref<!tpu.dma_semaphore, #tpu.memory_space<semaphore_mem>>)
          %dma_wait3A_1032 = arith.constant 0 : i32
          %dma_wait3A_1033 = arith.constant 0 : i32
          %dma_wait3A_1034 = tpu.memref_slice %arg2[%add3A_898, %dma_wait3A_1032, %dma_wait3A_1033] : memref<2000x3x80xi32, #tpu.memory_space<hbm>> -> memref<1x3x80xi32, #tpu.memory_space<hbm>>
          %dma_wait3A_1035 = tpu.memref_squeeze %dma_wait3A_1034 : memref<1x3x80xi32, #tpu.memory_space<hbm>> -> memref<3x80xi32, #tpu.memory_space<hbm>>
          %dma_wait3A_1036 = arith.constant 0 : i32
          %dma_wait3A_1037 = arith.constant 0 : i32
          %dma_wait3A_1038 = tpu.memref_slice %arg2[%add3A_898, %dma_wait3A_1036, %dma_wait3A_1037] : memref<2000x3x80xi32, #tpu.memory_space<hbm>> -> memref<1x3x80xi32, #tpu.memory_space<hbm>>
          %dma_wait3A_1039 = tpu.memref_squeeze %dma_wait3A_1038 : memref<1x3x80xi32, #tpu.memory_space<hbm>> -> memref<3x80xi32, #tpu.memory_space<hbm>>
          tpu.wait_dma2 semaphore(%run_scoped3A : memref<!tpu.dma_semaphore, #tpu.memory_space<semaphore_mem>>) src(%dma_wait3A_1039 : memref<3x80xi32, #tpu.memory_space<hbm>>) dst(%arg25 : memref<3x80xi32, #tpu.memory_space<vmem>>)
          tpu.yield
        }) : () -> ()
        %get3A_899 = arith.constant 1 : i32
        %get3A_900 = arith.index_cast %get3A_899 : i32 to index
        %get3A_901 = arith.constant 0 : index
        %get3A_902 = tpu.vector_load %arg25[%get3A_900, %get3A_901] {strides = array<i32>} : memref<3x80xi32, #tpu.memory_space<vmem>>, vector<16xi32>,
        %gather3A_903 = tpu.vector_load_idx %arg18[%get3A_902] : memref<10000xf32, #tpu.memory_space<vmem>>[vector<16xi32>], vector<16xf32>,
        %get3A_904 = arith.constant 2 : i32
        %get3A_905 = arith.index_cast %get3A_904 : i32 to index
        %get3A_906 = arith.constant 0 : index
        %get3A_907 = tpu.vector_load %arg25[%get3A_905, %get3A_906] {strides = array<i32>} : memref<3x80xi32, #tpu.memory_space<vmem>>, vector<16xi32>,
        %gather3A_908 = tpu.vector_load_idx %arg19[%get3A_907] : memref<1000xf32, #tpu.memory_space<vmem>>[vector<16xi32>], vector<16xf32>,
        %get3A_909 = arith.constant 0 : i32
        %get3A_910 = arith.index_cast %get3A_909 : i32 to index
        %get3A_911 = arith.constant 0 : index
        %get3A_912 = tpu.vector_load %arg25[%get3A_910, %get3A_911] {strides = array<i32>} : memref<3x80xi32, #tpu.memory_space<vmem>>, vector<16xi32>,
        %gather3A_913 = tpu.vector_load_idx %arg20[%get3A_912] : memref<10240xf32, #tpu.memory_space<vmem>>[vector<16xi32>], vector<16xf32>,
        %add3A_914 = arith.addf %gather3A_908, %gather3A_903 : vector<16xf32>
        %exp3A_915 = math.exp %add3A_914 : vector<16xf32>
        %add3A_916 = arith.constant 1.000000e-16 : f32
        %add3A_917 = vector.broadcast %add3A_916 : f32 to vector<16xf32>
        %add3A_918 = arith.addf %gather3A_913, %add3A_917 : vector<16xf32>
        %div3A_919 = arith.divf %exp3A_915, %add3A_918 : vector<16xf32>
        %swap3A_920 = arith.constant 0 : index
        %swap3A_921 = tpu.vector_load %arg26[%swap3A_920] {strides = array<i32>} : memref<80xf32, #tpu.memory_space<vmem>>, vector<16xf32>,
        tpu.vector_store %arg26[%swap3A_920], %div3A_919 {strides = array<i32>} : memref<80xf32, #tpu.memory_space<vmem>>, vector<16xf32>,
        %get3A_922 = arith.constant 1 : i32
        %get3A_923 = arith.index_cast %get3A_922 : i32 to index
        %get3A_924 = arith.constant 16 : index
        %get3A_925 = tpu.vector_load %arg25[%get3A_923, %get3A_924] {strides = array<i32>} : memref<3x80xi32, #tpu.memory_space<vmem>>, vector<16xi32>,
        %gather3A_926 = tpu.vector_load_idx %arg18[%get3A_925] : memref<10000xf32, #tpu.memory_space<vmem>>[vector<16xi32>], vector<16xf32>,
        %get3A_927 = arith.constant 2 : i32
        %get3A_928 = arith.index_cast %get3A_927 : i32 to index
        %get3A_929 = arith.constant 16 : index
        %get3A_930 = tpu.vector_load %arg25[%get3A_928, %get3A_929] {strides = array<i32>} : memref<3x80xi32, #tpu.memory_space<vmem>>, vector<16xi32>,
        %gather3A_931 = tpu.vector_load_idx %arg19[%get3A_930] : memref<1000xf32, #tpu.memory_space<vmem>>[vector<16xi32>], vector<16xf32>,
        %get3A_932 = arith.constant 0 : i32
        %get3A_933 = arith.index_cast %get3A_932 : i32 to index
        %get3A_934 = arith.constant 16 : index
        %get3A_935 = tpu.vector_load %arg25[%get3A_933, %get3A_934] {strides = array<i32>} : memref<3x80xi32, #tpu.memory_space<vmem>>, vector<16xi32>,
        %gather3A_936 = tpu.vector_load_idx %arg20[%get3A_935] : memref<10240xf32, #tpu.memory_space<vmem>>[vector<16xi32>], vector<16xf32>,
        %add3A_937 = arith.addf %gather3A_931, %gather3A_926 : vector<16xf32>
        %exp3A_938 = math.exp %add3A_937 : vector<16xf32>
        %add3A_939 = arith.constant 1.000000e-16 : f32
        %add3A_940 = vector.broadcast %add3A_939 : f32 to vector<16xf32>
        %add3A_941 = arith.addf %gather3A_936, %add3A_940 : vector<16xf32>
        %div3A_942 = arith.divf %exp3A_938, %add3A_941 : vector<16xf32>
        %swap3A_943 = arith.constant 16 : index
        %swap3A_944 = tpu.vector_load %arg26[%swap3A_943] {strides = array<i32>} : memref<80xf32, #tpu.memory_space<vmem>>, vector<16xf32>,
        tpu.vector_store %arg26[%swap3A_943], %div3A_942 {strides = array<i32>} : memref<80xf32, #tpu.memory_space<vmem>>, vector<16xf32>,
        %get3A_945 = arith.constant 1 : i32
        %get3A_946 = arith.index_cast %get3A_945 : i32 to index
        %get3A_947 = arith.constant 32 : index
        %get3A_948 = tpu.vector_load %arg25[%get3A_946, %get3A_947] {strides = array<i32>} : memref<3x80xi32, #tpu.memory_space<vmem>>, vector<16xi32>,
        %gather3A_949 = tpu.vector_load_idx %arg18[%get3A_948] : memref<10000xf32, #tpu.memory_space<vmem>>[vector<16xi32>], vector<16xf32>,
        %get3A_950 = arith.constant 2 : i32
        %get3A_951 = arith.index_cast %get3A_950 : i32 to index
        %get3A_952 = arith.constant 32 : index
        %get3A_953 = tpu.vector_load %arg25[%get3A_951, %get3A_952] {strides = array<i32>} : memref<3x80xi32, #tpu.memory_space<vmem>>, vector<16xi32>,
        %gather3A_954 = tpu.vector_load_idx %arg19[%get3A_953] : memref<1000xf32, #tpu.memory_space<vmem>>[vector<16xi32>], vector<16xf32>,
        %get3A_955 = arith.constant 0 : i32
        %get3A_956 = arith.index_cast %get3A_955 : i32 to index
        %get3A_957 = arith.constant 32 : index
        %get3A_958 = tpu.vector_load %arg25[%get3A_956, %get3A_957] {strides = array<i32>} : memref<3x80xi32, #tpu.memory_space<vmem>>, vector<16xi32>,
        %gather3A_959 = tpu.vector_load_idx %arg20[%get3A_958] : memref<10240xf32, #tpu.memory_space<vmem>>[vector<16xi32>], vector<16xf32>,
        %add3A_960 = arith.addf %gather3A_954, %gather3A_949 : vector<16xf32>
        %exp3A_961 = math.exp %add3A_960 : vector<16xf32>
        %add3A_962 = arith.constant 1.000000e-16 : f32
        %add3A_963 = vector.broadcast %add3A_962 : f32 to vector<16xf32>
        %add3A_964 = arith.addf %gather3A_959, %add3A_963 : vector<16xf32>
        %div3A_965 = arith.divf %exp3A_961, %add3A_964 : vector<16xf32>
        %swap3A_966 = arith.constant 32 : index
        %swap3A_967 = tpu.vector_load %arg26[%swap3A_966] {strides = array<i32>} : memref<80xf32, #tpu.memory_space<vmem>>, vector<16xf32>,
        tpu.vector_store %arg26[%swap3A_966], %div3A_965 {strides = array<i32>} : memref<80xf32, #tpu.memory_space<vmem>>, vector<16xf32>,
        %get3A_968 = arith.constant 1 : i32
        %get3A_969 = arith.index_cast %get3A_968 : i32 to index
        %get3A_970 = arith.constant 48 : index
        %get3A_971 = tpu.vector_load %arg25[%get3A_969, %get3A_970] {strides = array<i32>} : memref<3x80xi32, #tpu.memory_space<vmem>>, vector<16xi32>,
        %gather3A_972 = tpu.vector_load_idx %arg18[%get3A_971] : memref<10000xf32, #tpu.memory_space<vmem>>[vector<16xi32>], vector<16xf32>,
        %get3A_973 = arith.constant 2 : i32
        %get3A_974 = arith.index_cast %get3A_973 : i32 to index
        %get3A_975 = arith.constant 48 : index
        %get3A_976 = tpu.vector_load %arg25[%get3A_974, %get3A_975] {strides = array<i32>} : memref<3x80xi32, #tpu.memory_space<vmem>>, vector<16xi32>,
        %gather3A_977 = tpu.vector_load_idx %arg19[%get3A_976] : memref<1000xf32, #tpu.memory_space<vmem>>[vector<16xi32>], vector<16xf32>,
        %get3A_978 = arith.constant 0 : i32
        %get3A_979 = arith.index_cast %get3A_978 : i32 to index
        %get3A_980 = arith.constant 48 : index
        %get3A_981 = tpu.vector_load %arg25[%get3A_979, %get3A_980] {strides = array<i32>} : memref<3x80xi32, #tpu.memory_space<vmem>>, vector<16xi32>,
        %gather3A_982 = tpu.vector_load_idx %arg20[%get3A_981] : memref<10240xf32, #tpu.memory_space<vmem>>[vector<16xi32>], vector<16xf32>,
        %add3A_983 = arith.addf %gather3A_977, %gather3A_972 : vector<16xf32>
        %exp3A_984 = math.exp %add3A_983 : vector<16xf32>
        %add3A_985 = arith.constant 1.000000e-16 : f32
        %add3A_986 = vector.broadcast %add3A_985 : f32 to vector<16xf32>
        %add3A_987 = arith.addf %gather3A_982, %add3A_986 : vector<16xf32>
        %div3A_988 = arith.divf %exp3A_984, %add3A_987 : vector<16xf32>
        %swap3A_989 = arith.constant 48 : index
        %swap3A_990 = tpu.vector_load %arg26[%swap3A_989] {strides = array<i32>} : memref<80xf32, #tpu.memory_space<vmem>>, vector<16xf32>,
        tpu.vector_store %arg26[%swap3A_989], %div3A_988 {strides = array<i32>} : memref<80xf32, #tpu.memory_space<vmem>>, vector<16xf32>,
        %get3A_991 = arith.constant 1 : i32
        %get3A_992 = arith.index_cast %get3A_991 : i32 to index
        %get3A_993 = arith.constant 64 : index
        %get3A_994 = tpu.vector_load %arg25[%get3A_992, %get3A_993] {strides = array<i32>} : memref<3x80xi32, #tpu.memory_space<vmem>>, vector<16xi32>,
        %gather3A_995 = tpu.vector_load_idx %arg18[%get3A_994] : memref<10000xf32, #tpu.memory_space<vmem>>[vector<16xi32>], vector<16xf32>,
        %get3A_996 = arith.constant 2 : i32
        %get3A_997 = arith.index_cast %get3A_996 : i32 to index
        %get3A_998 = arith.constant 64 : index
        %get3A_999 = tpu.vector_load %arg25[%get3A_997, %get3A_998] {strides = array<i32>} : memref<3x80xi32, #tpu.memory_space<vmem>>, vector<16xi32>,
        %gather3A_1000 = tpu.vector_load_idx %arg19[%get3A_999] : memref<1000xf32, #tpu.memory_space<vmem>>[vector<16xi32>], vector<16xf32>,
        %get3A_1001 = arith.constant 0 : i32
        %get3A_1002 = arith.index_cast %get3A_1001 : i32 to index
        %get3A_1003 = arith.constant 64 : index
        %get3A_1004 = tpu.vector_load %arg25[%get3A_1002, %get3A_1003] {strides = array<i32>} : memref<3x80xi32, #tpu.memory_space<vmem>>, vector<16xi32>,
        %gather3A_1005 = tpu.vector_load_idx %arg20[%get3A_1004] : memref<10240xf32, #tpu.memory_space<vmem>>[vector<16xi32>], vector<16xf32>,
        %add3A_1006 = arith.addf %gather3A_1000, %gather3A_995 : vector<16xf32>
        %exp3A_1007 = math.exp %add3A_1006 : vector<16xf32>
        %add3A_1008 = arith.constant 1.000000e-16 : f32
        %add3A_1009 = vector.broadcast %add3A_1008 : f32 to vector<16xf32>
        %add3A_1010 = arith.addf %gather3A_1005, %add3A_1009 : vector<16xf32>
        %div3A_1011 = arith.divf %exp3A_1007, %add3A_1010 : vector<16xf32>
        %swap3A_1012 = arith.constant 64 : index
        %swap3A_1013 = tpu.vector_load %arg26[%swap3A_1012] {strides = array<i32>} : memref<80xf32, #tpu.memory_space<vmem>>, vector<16xf32>,
        tpu.vector_store %arg26[%swap3A_1012], %div3A_1011 {strides = array<i32>} : memref<80xf32, #tpu.memory_space<vmem>>, vector<16xf32>,
        %eq3A_1014 = arith.constant 0 : i32
        %eq3A_1015 = arith.cmpi eq, %arg0, %eq3A_1014 : i32
        %convert_element_type3A_1016 = arith.extui %eq3A_1015 : i1 to i32
        %cond3A_1017 = arith.constant 0 : i32
        %cond3A_1018 = arith.cmpi ne, %convert_element_type3A_1016, %cond3A_1017 : i32
        scf.if %cond3A_1018 {
          %dma_start3A_1024 = arith.constant 1 : i32
          %dma_start3A_1025 = arith.constant 0 : i32
          %dma_start3A_1026 = tpu.memref_slice %arg25[%dma_start3A_1024, %dma_start3A_1025] : memref<3x80xi32, #tpu.memory_space<vmem>> -> memref<1x80xi32, #tpu.memory_space<vmem>>
          %dma_start3A_1027 = tpu.memref_squeeze %dma_start3A_1026 : memref<1x80xi32, #tpu.memory_space<vmem>> -> memref<80xi32, #tpu.memory_space<vmem>>
          %dma_start3A_1028 = arith.constant 0 : i32
          %dma_start3A_1029 = arith.constant 0 : i32
          %dma_start3A_1030 = tpu.memref_slice %arg5[%dma_start3A_1028, %dma_start3A_1029] : memref<10000x128xf32, #tpu.memory_space<hbm>> -> memref<10000x128xf32, #tpu.memory_space<hbm>>
          tpu.enqueue_indirect_dma source(%dma_start3A_1030 : memref<10000x128xf32, #tpu.memory_space<hbm>>) target(%arg27 : memref<80x128xf32, #tpu.memory_space<vmem>>) offsets(%dma_start3A_1027 : memref<80xi32, #tpu.memory_space<vmem>>) semaphore(%arg28 : memref<!tpu.dma_semaphore, #tpu.memory_space<semaphore_mem>>)
        } else {
        }
        %eq3A_1019 = arith.constant 1 : i32
        %eq3A_1020 = arith.cmpi eq, %arg0, %eq3A_1019 : i32
        %convert_element_type3A_1021 = arith.extui %eq3A_1020 : i1 to i32
        %cond3A_1022 = arith.constant 0 : i32
        %cond3A_1023 = arith.cmpi ne, %convert_element_type3A_1021, %cond3A_1022 : i32
        scf.if %cond3A_1023 {
          %dma_start3A_1024 = arith.constant 1 : i32
          %dma_start3A_1025 = arith.constant 0 : i32
          %dma_start3A_1026 = tpu.memref_slice %arg25[%dma_start3A_1024, %dma_start3A_1025] : memref<3x80xi32, #tpu.memory_space<vmem>> -> memref<1x80xi32, #tpu.memory_space<vmem>>
          %dma_start3A_1027 = tpu.memref_squeeze %dma_start3A_1026 : memref<1x80xi32, #tpu.memory_space<vmem>> -> memref<80xi32, #tpu.memory_space<vmem>>
          %dma_start3A_1028 = arith.constant 0 : i32
          %dma_start3A_1029 = arith.constant 0 : i32
          %dma_start3A_1030 = tpu.memref_slice %arg7[%dma_start3A_1028, %dma_start3A_1029] : memref<10000x128xf32, #tpu.memory_space<hbm>> -> memref<10000x128xf32, #tpu.memory_space<hbm>>
          tpu.enqueue_indirect_dma source(%dma_start3A_1030 : memref<10000x128xf32, #tpu.memory_space<hbm>>) target(%arg27 : memref<80x128xf32, #tpu.memory_space<vmem>>) offsets(%dma_start3A_1027 : memref<80xi32, #tpu.memory_space<vmem>>) semaphore(%arg28 : memref<!tpu.dma_semaphore, #tpu.memory_space<semaphore_mem>>)
        } else {
        }
      } else {
      }
    }
    %scan3A_354 = arith.constant 62 : i32
    %eq3A_355 = arith.constant 0 : i32
    %eq3A_356 = arith.cmpi eq, %arg0, %eq3A_355 : i32
    %convert_element_type3A_357 = arith.extui %eq3A_356 : i1 to i32
    %cond3A_358 = arith.constant 0 : i32
    %cond3A_359 = arith.cmpi ne, %convert_element_type3A_357, %cond3A_358 : i32
    scf.if %cond3A_359 {
      %dma_wait3A_701 = arith.constant 1 : i32
      %dma_wait3A_702 = arith.constant 0 : i32
      %dma_wait3A_703 = tpu.memref_slice %arg21[%dma_wait3A_701, %dma_wait3A_702] : memref<3x80xi32, #tpu.memory_space<vmem>> -> memref<1x80xi32, #tpu.memory_space<vmem>>
      %dma_wait3A_704 = tpu.memref_squeeze %dma_wait3A_703 : memref<1x80xi32, #tpu.memory_space<vmem>> -> memref<80xi32, #tpu.memory_space<vmem>>
      %dma_wait3A_705 = arith.constant 0 : i32
      %dma_wait3A_706 = arith.constant 0 : i32
      %dma_wait3A_707 = tpu.memref_slice %arg5[%dma_wait3A_705, %dma_wait3A_706] : memref<10000x128xf32, #tpu.memory_space<hbm>> -> memref<10000x128xf32, #tpu.memory_space<hbm>>
      tpu.wait_indirect_dma semaphore(%arg24 : memref<!tpu.dma_semaphore, #tpu.memory_space<semaphore_mem>>) src(%dma_wait3A_707 : memref<10000x128xf32, #tpu.memory_space<hbm>>) dst(%arg23 : memref<80x128xf32, #tpu.memory_space<vmem>>)
    } else {
    }
    %eq3A_360 = arith.constant 1 : i32
    %eq3A_361 = arith.cmpi eq, %arg0, %eq3A_360 : i32
    %convert_element_type3A_362 = arith.extui %eq3A_361 : i1 to i32
    %cond3A_363 = arith.constant 0 : i32
    %cond3A_364 = arith.cmpi ne, %convert_element_type3A_362, %cond3A_363 : i32
    scf.if %cond3A_364 {
      %dma_wait3A_701 = arith.constant 1 : i32
      %dma_wait3A_702 = arith.constant 0 : i32
      %dma_wait3A_703 = tpu.memref_slice %arg21[%dma_wait3A_701, %dma_wait3A_702] : memref<3x80xi32, #tpu.memory_space<vmem>> -> memref<1x80xi32, #tpu.memory_space<vmem>>
      %dma_wait3A_704 = tpu.memref_squeeze %dma_wait3A_703 : memref<1x80xi32, #tpu.memory_space<vmem>> -> memref<80xi32, #tpu.memory_space<vmem>>
      %dma_wait3A_705 = arith.constant 0 : i32
      %dma_wait3A_706 = arith.constant 0 : i32
      %dma_wait3A_707 = tpu.memref_slice %arg7[%dma_wait3A_705, %dma_wait3A_706] : memref<10000x128xf32, #tpu.memory_space<hbm>> -> memref<10000x128xf32, #tpu.memory_space<hbm>>
      tpu.wait_indirect_dma semaphore(%arg24 : memref<!tpu.dma_semaphore, #tpu.memory_space<semaphore_mem>>) src(%dma_wait3A_707 : memref<10000x128xf32, #tpu.memory_space<hbm>>) dst(%arg23 : memref<80x128xf32, #tpu.memory_space<vmem>>)
    } else {
    }
    %parallel_loop3A = arith.constant 0 : i32
    %parallel_loop3A_365 = arith.constant 80 : i32
    %parallel_loop3A_366 = arith.constant 1 : i32
    scf.for %parallel_loop3A_701 = %parallel_loop3A to %parallel_loop3A_365 step %parallel_loop3A_366  : i32 {
      %parallel_loop3A_702 = vector.broadcast %parallel_loop3A_701 : i32 to vector<16xi32>
      %parallel_loop3A_703 = tpu.vector_load_idx %arg22[%parallel_loop3A_702] : memref<80xf32, #tpu.memory_space<vmem>>[vector<16xi32>], vector<16xf32>,
      %parallel_loop3A_704 = arith.index_cast %parallel_loop3A_701 : i32 to index
      %parallel_loop3A_705 = arith.constant 0 : index
      %parallel_loop3A_706 = tpu.vector_load %arg23[%parallel_loop3A_704, %parallel_loop3A_705] {strides = array<i32>} : memref<80x128xf32, #tpu.memory_space<vmem>>, vector<16xf32>,
      %parallel_loop3A_707 = arith.mulf %parallel_loop3A_706, %parallel_loop3A_703 : vector<16xf32>
      %parallel_loop3A_708 = arith.index_cast %parallel_loop3A_701 : i32 to index
      %parallel_loop3A_709 = arith.constant 0 : index
      %parallel_loop3A_710 = tpu.vector_load %arg23[%parallel_loop3A_708, %parallel_loop3A_709] {strides = array<i32>} : memref<80x128xf32, #tpu.memory_space<vmem>>, vector<16xf32>,
      tpu.vector_store %arg23[%parallel_loop3A_708, %parallel_loop3A_709], %parallel_loop3A_707 {strides = array<i32>} : memref<80x128xf32, #tpu.memory_space<vmem>>, vector<16xf32>,
      %parallel_loop3A_711 = arith.index_cast %parallel_loop3A_701 : i32 to index
      %parallel_loop3A_712 = arith.constant 16 : index
      %parallel_loop3A_713 = tpu.vector_load %arg23[%parallel_loop3A_711, %parallel_loop3A_712] {strides = array<i32>} : memref<80x128xf32, #tpu.memory_space<vmem>>, vector<16xf32>,
      %parallel_loop3A_714 = arith.mulf %parallel_loop3A_713, %parallel_loop3A_703 : vector<16xf32>
      %parallel_loop3A_715 = arith.index_cast %parallel_loop3A_701 : i32 to index
      %parallel_loop3A_716 = arith.constant 16 : index
      %parallel_loop3A_717 = tpu.vector_load %arg23[%parallel_loop3A_715, %parallel_loop3A_716] {strides = array<i32>} : memref<80x128xf32, #tpu.memory_space<vmem>>, vector<16xf32>,
      tpu.vector_store %arg23[%parallel_loop3A_715, %parallel_loop3A_716], %parallel_loop3A_714 {strides = array<i32>} : memref<80x128xf32, #tpu.memory_space<vmem>>, vector<16xf32>,
      %parallel_loop3A_718 = arith.index_cast %parallel_loop3A_701 : i32 to index
      %parallel_loop3A_719 = arith.constant 32 : index
      %parallel_loop3A_720 = tpu.vector_load %arg23[%parallel_loop3A_718, %parallel_loop3A_719] {strides = array<i32>} : memref<80x128xf32, #tpu.memory_space<vmem>>, vector<16xf32>,
      %parallel_loop3A_721 = arith.mulf %parallel_loop3A_720, %parallel_loop3A_703 : vector<16xf32>
      %parallel_loop3A_722 = arith.index_cast %parallel_loop3A_701 : i32 to index
      %parallel_loop3A_723 = arith.constant 32 : index
      %parallel_loop3A_724 = tpu.vector_load %arg23[%parallel_loop3A_722, %parallel_loop3A_723] {strides = array<i32>} : memref<80x128xf32, #tpu.memory_space<vmem>>, vector<16xf32>,
      tpu.vector_store %arg23[%parallel_loop3A_722, %parallel_loop3A_723], %parallel_loop3A_721 {strides = array<i32>} : memref<80x128xf32, #tpu.memory_space<vmem>>, vector<16xf32>,
      %parallel_loop3A_725 = arith.index_cast %parallel_loop3A_701 : i32 to index
      %parallel_loop3A_726 = arith.constant 48 : index
      %parallel_loop3A_727 = tpu.vector_load %arg23[%parallel_loop3A_725, %parallel_loop3A_726] {strides = array<i32>} : memref<80x128xf32, #tpu.memory_space<vmem>>, vector<16xf32>,
      %parallel_loop3A_728 = arith.mulf %parallel_loop3A_727, %parallel_loop3A_703 : vector<16xf32>
      %parallel_loop3A_729 = arith.index_cast %parallel_loop3A_701 : i32 to index
      %parallel_loop3A_730 = arith.constant 48 : index
      %parallel_loop3A_731 = tpu.vector_load %arg23[%parallel_loop3A_729, %parallel_loop3A_730] {strides = array<i32>} : memref<80x128xf32, #tpu.memory_space<vmem>>, vector<16xf32>,
      tpu.vector_store %arg23[%parallel_loop3A_729, %parallel_loop3A_730], %parallel_loop3A_728 {strides = array<i32>} : memref<80x128xf32, #tpu.memory_space<vmem>>, vector<16xf32>,
      %parallel_loop3A_732 = arith.index_cast %parallel_loop3A_701 : i32 to index
      %parallel_loop3A_733 = arith.constant 64 : index
      %parallel_loop3A_734 = tpu.vector_load %arg23[%parallel_loop3A_732, %parallel_loop3A_733] {strides = array<i32>} : memref<80x128xf32, #tpu.memory_space<vmem>>, vector<16xf32>,
      %parallel_loop3A_735 = arith.mulf %parallel_loop3A_734, %parallel_loop3A_703 : vector<16xf32>
      %parallel_loop3A_736 = arith.index_cast %parallel_loop3A_701 : i32 to index
      %parallel_loop3A_737 = arith.constant 64 : index
      %parallel_loop3A_738 = tpu.vector_load %arg23[%parallel_loop3A_736, %parallel_loop3A_737] {strides = array<i32>} : memref<80x128xf32, #tpu.memory_space<vmem>>, vector<16xf32>,
      tpu.vector_store %arg23[%parallel_loop3A_736, %parallel_loop3A_737], %parallel_loop3A_735 {strides = array<i32>} : memref<80x128xf32, #tpu.memory_space<vmem>>, vector<16xf32>,
      %parallel_loop3A_739 = arith.index_cast %parallel_loop3A_701 : i32 to index
      %parallel_loop3A_740 = arith.constant 80 : index
      %parallel_loop3A_741 = tpu.vector_load %arg23[%parallel_loop3A_739, %parallel_loop3A_740] {strides = array<i32>} : memref<80x128xf32, #tpu.memory_space<vmem>>, vector<16xf32>,
      %parallel_loop3A_742 = arith.mulf %parallel_loop3A_741, %parallel_loop3A_703 : vector<16xf32>
      %parallel_loop3A_743 = arith.index_cast %parallel_loop3A_701 : i32 to index
      %parallel_loop3A_744 = arith.constant 80 : index
      %parallel_loop3A_745 = tpu.vector_load %arg23[%parallel_loop3A_743, %parallel_loop3A_744] {strides = array<i32>} : memref<80x128xf32, #tpu.memory_space<vmem>>, vector<16xf32>,
      tpu.vector_store %arg23[%parallel_loop3A_743, %parallel_loop3A_744], %parallel_loop3A_742 {strides = array<i32>} : memref<80x128xf32, #tpu.memory_space<vmem>>, vector<16xf32>,
      %parallel_loop3A_746 = arith.index_cast %parallel_loop3A_701 : i32 to index
      %parallel_loop3A_747 = arith.constant 96 : index
      %parallel_loop3A_748 = tpu.vector_load %arg23[%parallel_loop3A_746, %parallel_loop3A_747] {strides = array<i32>} : memref<80x128xf32, #tpu.memory_space<vmem>>, vector<16xf32>,
      %parallel_loop3A_749 = arith.mulf %parallel_loop3A_748, %parallel_loop3A_703 : vector<16xf32>
      %parallel_loop3A_750 = arith.index_cast %parallel_loop3A_701 : i32 to index
      %parallel_loop3A_751 = arith.constant 96 : index
      %parallel_loop3A_752 = tpu.vector_load %arg23[%parallel_loop3A_750, %parallel_loop3A_751] {strides = array<i32>} : memref<80x128xf32, #tpu.memory_space<vmem>>, vector<16xf32>,
      tpu.vector_store %arg23[%parallel_loop3A_750, %parallel_loop3A_751], %parallel_loop3A_749 {strides = array<i32>} : memref<80x128xf32, #tpu.memory_space<vmem>>, vector<16xf32>,
    } {sc.loop_unroll_factor = 4 : i64, sc.parallel_access}
    %dma_start3A_367 = arith.constant 0 : i32
    %dma_start3A_368 = arith.constant 0 : i32
    %dma_start3A_369 = tpu.memref_slice %arg21[%dma_start3A_367, %dma_start3A_368] : memref<3x80xi32, #tpu.memory_space<vmem>> -> memref<1x80xi32, #tpu.memory_space<vmem>>
    %dma_start3A_370 = tpu.memref_squeeze %dma_start3A_369 : memref<1x80xi32, #tpu.memory_space<vmem>> -> memref<80xi32, #tpu.memory_space<vmem>>
    %dma_start3A_371 = arith.constant 0 : i32
    %dma_start3A_372 = arith.constant 0 : i32
    %dma_start3A_373 = tpu.memref_slice %arg16[%dma_start3A_371, %dma_start3A_372] : memref<10240x128xf32, #tpu.memory_space<vmem_shared>> -> memref<10240x128xf32, #tpu.memory_space<vmem_shared>>
    tpu.enqueue_indirect_dma source(%arg23 : memref<80x128xf32, #tpu.memory_space<vmem>>) target(%dma_start3A_373 : memref<10240x128xf32, #tpu.memory_space<vmem_shared>>) offsets(%dma_start3A_370 : memref<80xi32, #tpu.memory_space<vmem>>) semaphore(%arg29 : memref<!tpu.dma_semaphore, #tpu.memory_space<semaphore_mem>>) {add = true}
    %dma_wait3A_374 = arith.constant 0 : i32
    %dma_wait3A_375 = arith.constant 0 : i32
    %dma_wait3A_376 = tpu.memref_slice %arg21[%dma_wait3A_374, %dma_wait3A_375] : memref<3x80xi32, #tpu.memory_space<vmem>> -> memref<1x80xi32, #tpu.memory_space<vmem>>
    %dma_wait3A_377 = tpu.memref_squeeze %dma_wait3A_376 : memref<1x80xi32, #tpu.memory_space<vmem>> -> memref<80xi32, #tpu.memory_space<vmem>>
    %dma_wait3A_378 = arith.constant 0 : i32
    %dma_wait3A_379 = arith.constant 0 : i32
    %dma_wait3A_380 = tpu.memref_slice %arg16[%dma_wait3A_378, %dma_wait3A_379] : memref<10240x128xf32, #tpu.memory_space<vmem_shared>> -> memref<10240x128xf32, #tpu.memory_space<vmem_shared>>
    tpu.wait_indirect_dma semaphore(%arg29 : memref<!tpu.dma_semaphore, #tpu.memory_space<semaphore_mem>>) src(%arg23 : memref<80x128xf32, #tpu.memory_space<vmem>>) dst(%dma_wait3A_380 : memref<10240x128xf32, #tpu.memory_space<vmem_shared>>)
    %barrier3A_381 = arith.constant 0 : index
    tpu.barrier barrier_id(%barrier3A_381)
    %mul3A_382 = arith.constant 640 : i32
    %mul3A_383 = arith.muli %arg1, %mul3A_382 : i32
    %eq3A_384 = arith.constant 0 : i32
    %eq3A_385 = arith.cmpi eq, %arg0, %eq3A_384 : i32
    %convert_element_type3A_386 = arith.extui %eq3A_385 : i1 to i32
    %cond3A_387 = arith.constant 0 : i32
    %cond3A_388 = arith.cmpi ne, %convert_element_type3A_386, %cond3A_387 : i32
    scf.if %cond3A_388 {
      "tpu.region"() ({
        %run_scoped3A = tpu.sem_alloc : memref<!tpu.dma_semaphore, #tpu.memory_space<semaphore_mem>>
        %dma_start3A_701 = arith.constant 0 : i32
        %dma_start3A_702 = tpu.memref_slice %arg11[%mul3A_383, %dma_start3A_701] : memref<10240x128xf32, #tpu.memory_space<hbm>> -> memref<640x128xf32, #tpu.memory_space<hbm>>
        %dma_start3A_703 = arith.constant 0 : i32
        %dma_start3A_704 = tpu.memref_slice %arg16[%mul3A_383, %dma_start3A_703] : memref<10240x128xf32, #tpu.memory_space<vmem_shared>> -> memref<640x128xf32, #tpu.memory_space<vmem_shared>>
        tpu.enqueue_dma source(%dma_start3A_704 : memref<640x128xf32, #tpu.memory_space<vmem_shared>>) target(%dma_start3A_702 : memref<640x128xf32, #tpu.memory_space<hbm>>) target_semaphore(%run_scoped3A : memref<!tpu.dma_semaphore, #tpu.memory_space<semaphore_mem>>)
        %dma_wait3A_705 = arith.constant 0 : i32
        %dma_wait3A_706 = tpu.memref_slice %arg11[%mul3A_383, %dma_wait3A_705] : memref<10240x128xf32, #tpu.memory_space<hbm>> -> memref<640x128xf32, #tpu.memory_space<hbm>>
        %dma_wait3A_707 = arith.constant 0 : i32
        %dma_wait3A_708 = tpu.memref_slice %arg16[%mul3A_383, %dma_wait3A_707] : memref<10240x128xf32, #tpu.memory_space<vmem_shared>> -> memref<640x128xf32, #tpu.memory_space<vmem_shared>>
        tpu.wait_dma2 semaphore(%run_scoped3A : memref<!tpu.dma_semaphore, #tpu.memory_space<semaphore_mem>>) src(%dma_wait3A_708 : memref<640x128xf32, #tpu.memory_space<vmem_shared>>) dst(%dma_wait3A_706 : memref<640x128xf32, #tpu.memory_space<hbm>>)
        tpu.yield
      }) : () -> ()
    } else {
    }
    %eq3A_389 = arith.constant 1 : i32
    %eq3A_390 = arith.cmpi eq, %arg0, %eq3A_389 : i32
    %convert_element_type3A_391 = arith.extui %eq3A_390 : i1 to i32
    %cond3A_392 = arith.constant 0 : i32
    %cond3A_393 = arith.cmpi ne, %convert_element_type3A_391, %cond3A_392 : i32
    scf.if %cond3A_393 {
      "tpu.region"() ({
        %run_scoped3A = tpu.sem_alloc : memref<!tpu.dma_semaphore, #tpu.memory_space<semaphore_mem>>
        %dma_start3A_701 = arith.constant 0 : i32
        %dma_start3A_702 = tpu.memref_slice %arg13[%mul3A_383, %dma_start3A_701] : memref<10240x128xf32, #tpu.memory_space<hbm>> -> memref<640x128xf32, #tpu.memory_space<hbm>>
        %dma_start3A_703 = arith.constant 0 : i32
        %dma_start3A_704 = tpu.memref_slice %arg16[%mul3A_383, %dma_start3A_703] : memref<10240x128xf32, #tpu.memory_space<vmem_shared>> -> memref<640x128xf32, #tpu.memory_space<vmem_shared>>
        tpu.enqueue_dma source(%dma_start3A_704 : memref<640x128xf32, #tpu.memory_space<vmem_shared>>) target(%dma_start3A_702 : memref<640x128xf32, #tpu.memory_space<hbm>>) target_semaphore(%run_scoped3A : memref<!tpu.dma_semaphore, #tpu.memory_space<semaphore_mem>>)
        %dma_wait3A_705 = arith.constant 0 : i32
        %dma_wait3A_706 = tpu.memref_slice %arg13[%mul3A_383, %dma_wait3A_705] : memref<10240x128xf32, #tpu.memory_space<hbm>> -> memref<640x128xf32, #tpu.memory_space<hbm>>
        %dma_wait3A_707 = arith.constant 0 : i32
        %dma_wait3A_708 = tpu.memref_slice %arg16[%mul3A_383, %dma_wait3A_707] : memref<10240x128xf32, #tpu.memory_space<vmem_shared>> -> memref<640x128xf32, #tpu.memory_space<vmem_shared>>
        tpu.wait_dma2 semaphore(%run_scoped3A : memref<!tpu.dma_semaphore, #tpu.memory_space<semaphore_mem>>) src(%dma_wait3A_708 : memref<640x128xf32, #tpu.memory_space<vmem_shared>>) dst(%dma_wait3A_706 : memref<640x128xf32, #tpu.memory_space<hbm>>)
        tpu.yield
      }) : () -> ()
    } else {
    }
    %mul3A_394 = arith.constant 640 : i32
    %mul3A_395 = arith.muli %arg1, %mul3A_394 : i32
    "tpu.region"() ({
      %run_scoped3A = tpu.sem_alloc : memref<!tpu.dma_semaphore, #tpu.memory_space<semaphore_mem>>
      %dma_start3A_701 = arith.constant 0 : i32
      %dma_start3A_702 = tpu.memref_slice %arg16[%mul3A_395, %dma_start3A_701] : memref<10240x128xf32, #tpu.memory_space<vmem_shared>> -> memref<640x128xf32, #tpu.memory_space<vmem_shared>>
      tpu.enqueue_dma source(%arg9 : memref<640x128xf32, #tpu.memory_space<hbm>>) target(%dma_start3A_702 : memref<640x128xf32, #tpu.memory_space<vmem_shared>>) target_semaphore(%run_scoped3A : memref<!tpu.dma_semaphore, #tpu.memory_space<semaphore_mem>>)
      %dma_wait3A_703 = arith.constant 0 : i32
      %dma_wait3A_704 = tpu.memref_slice %arg16[%mul3A_395, %dma_wait3A_703] : memref<10240x128xf32, #tpu.memory_space<vmem_shared>> -> memref<640x128xf32, #tpu.memory_space<vmem_shared>>
      tpu.wait_dma2 semaphore(%run_scoped3A : memref<!tpu.dma_semaphore, #tpu.memory_space<semaphore_mem>>) src(%arg9 : memref<640x128xf32, #tpu.memory_space<hbm>>) dst(%dma_wait3A_704 : memref<640x128xf32, #tpu.memory_space<vmem_shared>>)
      tpu.yield
    }) : () -> ()
    %barrier3A_396 = arith.constant 0 : index
    tpu.barrier barrier_id(%barrier3A_396)
    %mul3A_397 = arith.constant 125 : i32
    %mul3A_398 = arith.muli %arg1, %mul3A_397 : i32
    %add3A_399 = arith.constant 0 : i32
    %add3A_400 = arith.addi %mul3A_398, %add3A_399 : i32
    "tpu.region"() ({
      %run_scoped3A = tpu.sem_alloc : memref<!tpu.dma_semaphore, #tpu.memory_space<semaphore_mem>>
      %dma_start3A_701 = arith.constant 0 : i32
      %dma_start3A_702 = arith.constant 0 : i32
      %dma_start3A_703 = tpu.memref_slice %arg2[%add3A_400, %dma_start3A_701, %dma_start3A_702] : memref<2000x3x80xi32, #tpu.memory_space<hbm>> -> memref<1x3x80xi32, #tpu.memory_space<hbm>>
      %dma_start3A_704 = tpu.memref_squeeze %dma_start3A_703 : memref<1x3x80xi32, #tpu.memory_space<hbm>> -> memref<3x80xi32, #tpu.memory_space<hbm>>
      %dma_start3A_705 = arith.constant 0 : i32
      %dma_start3A_706 = arith.constant 0 : i32
      %dma_start3A_707 = tpu.memref_slice %arg2[%add3A_400, %dma_start3A_705, %dma_start3A_706] : memref<2000x3x80xi32, #tpu.memory_space<hbm>> -> memref<1x3x80xi32, #tpu.memory_space<hbm>>
      %dma_start3A_708 = tpu.memref_squeeze %dma_start3A_707 : memref<1x3x80xi32, #tpu.memory_space<hbm>> -> memref<3x80xi32, #tpu.memory_space<hbm>>
      tpu.enqueue_dma source(%dma_start3A_708 : memref<3x80xi32, #tpu.memory_space<hbm>>) target(%arg21 : memref<3x80xi32, #tpu.memory_space<vmem>>) target_semaphore(%run_scoped3A : memref<!tpu.dma_semaphore, #tpu.memory_space<semaphore_mem>>)
      %dma_wait3A_709 = arith.constant 0 : i32
      %dma_wait3A_710 = arith.constant 0 : i32
      %dma_wait3A_711 = tpu.memref_slice %arg2[%add3A_400, %dma_wait3A_709, %dma_wait3A_710] : memref<2000x3x80xi32, #tpu.memory_space<hbm>> -> memref<1x3x80xi32, #tpu.memory_space<hbm>>
      %dma_wait3A_712 = tpu.memref_squeeze %dma_wait3A_711 : memref<1x3x80xi32, #tpu.memory_space<hbm>> -> memref<3x80xi32, #tpu.memory_space<hbm>>
      %dma_wait3A_713 = arith.constant 0 : i32
      %dma_wait3A_714 = arith.constant 0 : i32
      %dma_wait3A_715 = tpu.memref_slice %arg2[%add3A_400, %dma_wait3A_713, %dma_wait3A_714] : memref<2000x3x80xi32, #tpu.memory_space<hbm>> -> memref<1x3x80xi32, #tpu.memory_space<hbm>>
      %dma_wait3A_716 = tpu.memref_squeeze %dma_wait3A_715 : memref<1x3x80xi32, #tpu.memory_space<hbm>> -> memref<3x80xi32, #tpu.memory_space<hbm>>
      tpu.wait_dma2 semaphore(%run_scoped3A : memref<!tpu.dma_semaphore, #tpu.memory_space<semaphore_mem>>) src(%dma_wait3A_716 : memref<3x80xi32, #tpu.memory_space<hbm>>) dst(%arg21 : memref<3x80xi32, #tpu.memory_space<vmem>>)
      tpu.yield
    }) : () -> ()
    %get3A_401 = arith.constant 1 : i32
    %get3A_402 = arith.index_cast %get3A_401 : i32 to index
    %get3A_403 = arith.constant 0 : index
    %get3A_404 = tpu.vector_load %arg21[%get3A_402, %get3A_403] {strides = array<i32>} : memref<3x80xi32, #tpu.memory_space<vmem>>, vector<16xi32>,
    %gather3A_405 = tpu.vector_load_idx %arg18[%get3A_404] : memref<10000xf32, #tpu.memory_space<vmem>>[vector<16xi32>], vector<16xf32>,
    %get3A_406 = arith.constant 2 : i32
    %get3A_407 = arith.index_cast %get3A_406 : i32 to index
    %get3A_408 = arith.constant 0 : index
    %get3A_409 = tpu.vector_load %arg21[%get3A_407, %get3A_408] {strides = array<i32>} : memref<3x80xi32, #tpu.memory_space<vmem>>, vector<16xi32>,
    %gather3A_410 = tpu.vector_load_idx %arg19[%get3A_409] : memref<1000xf32, #tpu.memory_space<vmem>>[vector<16xi32>], vector<16xf32>,
    %get3A_411 = arith.constant 0 : i32
    %get3A_412 = arith.index_cast %get3A_411 : i32 to index
    %get3A_413 = arith.constant 0 : index
    %get3A_414 = tpu.vector_load %arg21[%get3A_412, %get3A_413] {strides = array<i32>} : memref<3x80xi32, #tpu.memory_space<vmem>>, vector<16xi32>,
    %gather3A_415 = tpu.vector_load_idx %arg20[%get3A_414] : memref<10240xf32, #tpu.memory_space<vmem>>[vector<16xi32>], vector<16xf32>,
    %add3A_416 = arith.addf %gather3A_410, %gather3A_405 : vector<16xf32>
    %exp3A_417 = math.exp %add3A_416 : vector<16xf32>
    %add3A_418 = arith.constant 1.000000e-16 : f32
    %add3A_419 = vector.broadcast %add3A_418 : f32 to vector<16xf32>
    %add3A_420 = arith.addf %gather3A_415, %add3A_419 : vector<16xf32>
    %div3A_421 = arith.divf %exp3A_417, %add3A_420 : vector<16xf32>
    %swap3A_422 = arith.constant 0 : index
    %swap3A_423 = tpu.vector_load %arg22[%swap3A_422] {strides = array<i32>} : memref<80xf32, #tpu.memory_space<vmem>>, vector<16xf32>,
    tpu.vector_store %arg22[%swap3A_422], %div3A_421 {strides = array<i32>} : memref<80xf32, #tpu.memory_space<vmem>>, vector<16xf32>,
    %get3A_424 = arith.constant 1 : i32
    %get3A_425 = arith.index_cast %get3A_424 : i32 to index
    %get3A_426 = arith.constant 16 : index
    %get3A_427 = tpu.vector_load %arg21[%get3A_425, %get3A_426] {strides = array<i32>} : memref<3x80xi32, #tpu.memory_space<vmem>>, vector<16xi32>,
    %gather3A_428 = tpu.vector_load_idx %arg18[%get3A_427] : memref<10000xf32, #tpu.memory_space<vmem>>[vector<16xi32>], vector<16xf32>,
    %get3A_429 = arith.constant 2 : i32
    %get3A_430 = arith.index_cast %get3A_429 : i32 to index
    %get3A_431 = arith.constant 16 : index
    %get3A_432 = tpu.vector_load %arg21[%get3A_430, %get3A_431] {strides = array<i32>} : memref<3x80xi32, #tpu.memory_space<vmem>>, vector<16xi32>,
    %gather3A_433 = tpu.vector_load_idx %arg19[%get3A_432] : memref<1000xf32, #tpu.memory_space<vmem>>[vector<16xi32>], vector<16xf32>,
    %get3A_434 = arith.constant 0 : i32
    %get3A_435 = arith.index_cast %get3A_434 : i32 to index
    %get3A_436 = arith.constant 16 : index
    %get3A_437 = tpu.vector_load %arg21[%get3A_435, %get3A_436] {strides = array<i32>} : memref<3x80xi32, #tpu.memory_space<vmem>>, vector<16xi32>,
    %gather3A_438 = tpu.vector_load_idx %arg20[%get3A_437] : memref<10240xf32, #tpu.memory_space<vmem>>[vector<16xi32>], vector<16xf32>,
    %add3A_439 = arith.addf %gather3A_433, %gather3A_428 : vector<16xf32>
    %exp3A_440 = math.exp %add3A_439 : vector<16xf32>
    %add3A_441 = arith.constant 1.000000e-16 : f32
    %add3A_442 = vector.broadcast %add3A_441 : f32 to vector<16xf32>
    %add3A_443 = arith.addf %gather3A_438, %add3A_442 : vector<16xf32>
    %div3A_444 = arith.divf %exp3A_440, %add3A_443 : vector<16xf32>
    %swap3A_445 = arith.constant 16 : index
    %swap3A_446 = tpu.vector_load %arg22[%swap3A_445] {strides = array<i32>} : memref<80xf32, #tpu.memory_space<vmem>>, vector<16xf32>,
    tpu.vector_store %arg22[%swap3A_445], %div3A_444 {strides = array<i32>} : memref<80xf32, #tpu.memory_space<vmem>>, vector<16xf32>,
    %get3A_447 = arith.constant 1 : i32
    %get3A_448 = arith.index_cast %get3A_447 : i32 to index
    %get3A_449 = arith.constant 32 : index
    %get3A_450 = tpu.vector_load %arg21[%get3A_448, %get3A_449] {strides = array<i32>} : memref<3x80xi32, #tpu.memory_space<vmem>>, vector<16xi32>,
    %gather3A_451 = tpu.vector_load_idx %arg18[%get3A_450] : memref<10000xf32, #tpu.memory_space<vmem>>[vector<16xi32>], vector<16xf32>,
    %get3A_452 = arith.constant 2 : i32
    %get3A_453 = arith.index_cast %get3A_452 : i32 to index
    %get3A_454 = arith.constant 32 : index
    %get3A_455 = tpu.vector_load %arg21[%get3A_453, %get3A_454] {strides = array<i32>} : memref<3x80xi32, #tpu.memory_space<vmem>>, vector<16xi32>,
    %gather3A_456 = tpu.vector_load_idx %arg19[%get3A_455] : memref<1000xf32, #tpu.memory_space<vmem>>[vector<16xi32>], vector<16xf32>,
    %get3A_457 = arith.constant 0 : i32
    %get3A_458 = arith.index_cast %get3A_457 : i32 to index
    %get3A_459 = arith.constant 32 : index
    %get3A_460 = tpu.vector_load %arg21[%get3A_458, %get3A_459] {strides = array<i32>} : memref<3x80xi32, #tpu.memory_space<vmem>>, vector<16xi32>,
    %gather3A_461 = tpu.vector_load_idx %arg20[%get3A_460] : memref<10240xf32, #tpu.memory_space<vmem>>[vector<16xi32>], vector<16xf32>,
    %add3A_462 = arith.addf %gather3A_456, %gather3A_451 : vector<16xf32>
    %exp3A_463 = math.exp %add3A_462 : vector<16xf32>
    %add3A_464 = arith.constant 1.000000e-16 : f32
    %add3A_465 = vector.broadcast %add3A_464 : f32 to vector<16xf32>
    %add3A_466 = arith.addf %gather3A_461, %add3A_465 : vector<16xf32>
    %div3A_467 = arith.divf %exp3A_463, %add3A_466 : vector<16xf32>
    %swap3A_468 = arith.constant 32 : index
    %swap3A_469 = tpu.vector_load %arg22[%swap3A_468] {strides = array<i32>} : memref<80xf32, #tpu.memory_space<vmem>>, vector<16xf32>,
    tpu.vector_store %arg22[%swap3A_468], %div3A_467 {strides = array<i32>} : memref<80xf32, #tpu.memory_space<vmem>>, vector<16xf32>,
    %get3A_470 = arith.constant 1 : i32
    %get3A_471 = arith.index_cast %get3A_470 : i32 to index
    %get3A_472 = arith.constant 48 : index
    %get3A_473 = tpu.vector_load %arg21[%get3A_471, %get3A_472] {strides = array<i32>} : memref<3x80xi32, #tpu.memory_space<vmem>>, vector<16xi32>,
    %gather3A_474 = tpu.vector_load_idx %arg18[%get3A_473] : memref<10000xf32, #tpu.memory_space<vmem>>[vector<16xi32>], vector<16xf32>,
    %get3A_475 = arith.constant 2 : i32
    %get3A_476 = arith.index_cast %get3A_475 : i32 to index
    %get3A_477 = arith.constant 48 : index
    %get3A_478 = tpu.vector_load %arg21[%get3A_476, %get3A_477] {strides = array<i32>} : memref<3x80xi32, #tpu.memory_space<vmem>>, vector<16xi32>,
    %gather3A_479 = tpu.vector_load_idx %arg19[%get3A_478] : memref<1000xf32, #tpu.memory_space<vmem>>[vector<16xi32>], vector<16xf32>,
    %get3A_480 = arith.constant 0 : i32
    %get3A_481 = arith.index_cast %get3A_480 : i32 to index
    %get3A_482 = arith.constant 48 : index
    %get3A_483 = tpu.vector_load %arg21[%get3A_481, %get3A_482] {strides = array<i32>} : memref<3x80xi32, #tpu.memory_space<vmem>>, vector<16xi32>,
    %gather3A_484 = tpu.vector_load_idx %arg20[%get3A_483] : memref<10240xf32, #tpu.memory_space<vmem>>[vector<16xi32>], vector<16xf32>,
    %add3A_485 = arith.addf %gather3A_479, %gather3A_474 : vector<16xf32>
    %exp3A_486 = math.exp %add3A_485 : vector<16xf32>
    %add3A_487 = arith.constant 1.000000e-16 : f32
    %add3A_488 = vector.broadcast %add3A_487 : f32 to vector<16xf32>
    %add3A_489 = arith.addf %gather3A_484, %add3A_488 : vector<16xf32>
    %div3A_490 = arith.divf %exp3A_486, %add3A_489 : vector<16xf32>
    %swap3A_491 = arith.constant 48 : index
    %swap3A_492 = tpu.vector_load %arg22[%swap3A_491] {strides = array<i32>} : memref<80xf32, #tpu.memory_space<vmem>>, vector<16xf32>,
    tpu.vector_store %arg22[%swap3A_491], %div3A_490 {strides = array<i32>} : memref<80xf32, #tpu.memory_space<vmem>>, vector<16xf32>,
    %get3A_493 = arith.constant 1 : i32
    %get3A_494 = arith.index_cast %get3A_493 : i32 to index
    %get3A_495 = arith.constant 64 : index
    %get3A_496 = tpu.vector_load %arg21[%get3A_494, %get3A_495] {strides = array<i32>} : memref<3x80xi32, #tpu.memory_space<vmem>>, vector<16xi32>,
    %gather3A_497 = tpu.vector_load_idx %arg18[%get3A_496] : memref<10000xf32, #tpu.memory_space<vmem>>[vector<16xi32>], vector<16xf32>,
    %get3A_498 = arith.constant 2 : i32
    %get3A_499 = arith.index_cast %get3A_498 : i32 to index
    %get3A_500 = arith.constant 64 : index
    %get3A_501 = tpu.vector_load %arg21[%get3A_499, %get3A_500] {strides = array<i32>} : memref<3x80xi32, #tpu.memory_space<vmem>>, vector<16xi32>,
    %gather3A_502 = tpu.vector_load_idx %arg19[%get3A_501] : memref<1000xf32, #tpu.memory_space<vmem>>[vector<16xi32>], vector<16xf32>,
    %get3A_503 = arith.constant 0 : i32
    %get3A_504 = arith.index_cast %get3A_503 : i32 to index
    %get3A_505 = arith.constant 64 : index
    %get3A_506 = tpu.vector_load %arg21[%get3A_504, %get3A_505] {strides = array<i32>} : memref<3x80xi32, #tpu.memory_space<vmem>>, vector<16xi32>,
    %gather3A_507 = tpu.vector_load_idx %arg20[%get3A_506] : memref<10240xf32, #tpu.memory_space<vmem>>[vector<16xi32>], vector<16xf32>,
    %add3A_508 = arith.addf %gather3A_502, %gather3A_497 : vector<16xf32>
    %exp3A_509 = math.exp %add3A_508 : vector<16xf32>
    %add3A_510 = arith.constant 1.000000e-16 : f32
    %add3A_511 = vector.broadcast %add3A_510 : f32 to vector<16xf32>
    %add3A_512 = arith.addf %gather3A_507, %add3A_511 : vector<16xf32>
    %div3A_513 = arith.divf %exp3A_509, %add3A_512 : vector<16xf32>
    %swap3A_514 = arith.constant 64 : index
    %swap3A_515 = tpu.vector_load %arg22[%swap3A_514] {strides = array<i32>} : memref<80xf32, #tpu.memory_space<vmem>>, vector<16xf32>,
    tpu.vector_store %arg22[%swap3A_514], %div3A_513 {strides = array<i32>} : memref<80xf32, #tpu.memory_space<vmem>>, vector<16xf32>,
    %eq3A_516 = arith.constant 0 : i32
    %eq3A_517 = arith.cmpi eq, %arg0, %eq3A_516 : i32
    %convert_element_type3A_518 = arith.extui %eq3A_517 : i1 to i32
    %cond3A_519 = arith.constant 0 : i32
    %cond3A_520 = arith.cmpi ne, %convert_element_type3A_518, %cond3A_519 : i32
    scf.if %cond3A_520 {
      %dma_start3A_701 = arith.constant 1 : i32
      %dma_start3A_702 = arith.constant 0 : i32
      %dma_start3A_703 = tpu.memref_slice %arg21[%dma_start3A_701, %dma_start3A_702] : memref<3x80xi32, #tpu.memory_space<vmem>> -> memref<1x80xi32, #tpu.memory_space<vmem>>
      %dma_start3A_704 = tpu.memref_squeeze %dma_start3A_703 : memref<1x80xi32, #tpu.memory_space<vmem>> -> memref<80xi32, #tpu.memory_space<vmem>>
      %dma_start3A_705 = arith.constant 0 : i32
      %dma_start3A_706 = arith.constant 0 : i32
      %dma_start3A_707 = tpu.memref_slice %arg6[%dma_start3A_705, %dma_start3A_706] : memref<10000x128xf32, #tpu.memory_space<hbm>> -> memref<10000x128xf32, #tpu.memory_space<hbm>>
      tpu.enqueue_indirect_dma source(%dma_start3A_707 : memref<10000x128xf32, #tpu.memory_space<hbm>>) target(%arg23 : memref<80x128xf32, #tpu.memory_space<vmem>>) offsets(%dma_start3A_704 : memref<80xi32, #tpu.memory_space<vmem>>) semaphore(%arg24 : memref<!tpu.dma_semaphore, #tpu.memory_space<semaphore_mem>>)
    } else {
    }
    %eq3A_521 = arith.constant 1 : i32
    %eq3A_522 = arith.cmpi eq, %arg0, %eq3A_521 : i32
    %convert_element_type3A_523 = arith.extui %eq3A_522 : i1 to i32
    %cond3A_524 = arith.constant 0 : i32
    %cond3A_525 = arith.cmpi ne, %convert_element_type3A_523, %cond3A_524 : i32
    scf.if %cond3A_525 {
      %dma_start3A_701 = arith.constant 2 : i32
      %dma_start3A_702 = arith.constant 0 : i32
      %dma_start3A_703 = tpu.memref_slice %arg21[%dma_start3A_701, %dma_start3A_702] : memref<3x80xi32, #tpu.memory_space<vmem>> -> memref<1x80xi32, #tpu.memory_space<vmem>>
      %dma_start3A_704 = tpu.memref_squeeze %dma_start3A_703 : memref<1x80xi32, #tpu.memory_space<vmem>> -> memref<80xi32, #tpu.memory_space<vmem>>
      %dma_start3A_705 = arith.constant 0 : i32
      %dma_start3A_706 = arith.constant 0 : i32
      %dma_start3A_707 = tpu.memref_slice %arg8[%dma_start3A_705, %dma_start3A_706] : memref<1000x128xf32, #tpu.memory_space<hbm>> -> memref<1000x128xf32, #tpu.memory_space<hbm>>
      tpu.enqueue_indirect_dma source(%dma_start3A_707 : memref<1000x128xf32, #tpu.memory_space<hbm>>) target(%arg23 : memref<80x128xf32, #tpu.memory_space<vmem>>) offsets(%dma_start3A_704 : memref<80xi32, #tpu.memory_space<vmem>>) semaphore(%arg24 : memref<!tpu.dma_semaphore, #tpu.memory_space<semaphore_mem>>)
    } else {
    }
    %mul3A_526 = arith.constant 125 : i32
    %mul3A_527 = arith.muli %arg1, %mul3A_526 : i32
    %add3A_528 = arith.constant 1 : i32
    %add3A_529 = arith.addi %mul3A_527, %add3A_528 : i32
    "tpu.region"() ({
      %run_scoped3A = tpu.sem_alloc : memref<!tpu.dma_semaphore, #tpu.memory_space<semaphore_mem>>
      %dma_start3A_701 = arith.constant 0 : i32
      %dma_start3A_702 = arith.constant 0 : i32
      %dma_start3A_703 = tpu.memref_slice %arg2[%add3A_529, %dma_start3A_701, %dma_start3A_702] : memref<2000x3x80xi32, #tpu.memory_space<hbm>> -> memref<1x3x80xi32, #tpu.memory_space<hbm>>
      %dma_start3A_704 = tpu.memref_squeeze %dma_start3A_703 : memref<1x3x80xi32, #tpu.memory_space<hbm>> -> memref<3x80xi32, #tpu.memory_space<hbm>>
      %dma_start3A_705 = arith.constant 0 : i32
      %dma_start3A_706 = arith.constant 0 : i32
      %dma_start3A_707 = tpu.memref_slice %arg2[%add3A_529, %dma_start3A_705, %dma_start3A_706] : memref<2000x3x80xi32, #tpu.memory_space<hbm>> -> memref<1x3x80xi32, #tpu.memory_space<hbm>>
      %dma_start3A_708 = tpu.memref_squeeze %dma_start3A_707 : memref<1x3x80xi32, #tpu.memory_space<hbm>> -> memref<3x80xi32, #tpu.memory_space<hbm>>
      tpu.enqueue_dma source(%dma_start3A_708 : memref<3x80xi32, #tpu.memory_space<hbm>>) target(%arg25 : memref<3x80xi32, #tpu.memory_space<vmem>>) target_semaphore(%run_scoped3A : memref<!tpu.dma_semaphore, #tpu.memory_space<semaphore_mem>>)
      %dma_wait3A_709 = arith.constant 0 : i32
      %dma_wait3A_710 = arith.constant 0 : i32
      %dma_wait3A_711 = tpu.memref_slice %arg2[%add3A_529, %dma_wait3A_709, %dma_wait3A_710] : memref<2000x3x80xi32, #tpu.memory_space<hbm>> -> memref<1x3x80xi32, #tpu.memory_space<hbm>>
      %dma_wait3A_712 = tpu.memref_squeeze %dma_wait3A_711 : memref<1x3x80xi32, #tpu.memory_space<hbm>> -> memref<3x80xi32, #tpu.memory_space<hbm>>
      %dma_wait3A_713 = arith.constant 0 : i32
      %dma_wait3A_714 = arith.constant 0 : i32
      %dma_wait3A_715 = tpu.memref_slice %arg2[%add3A_529, %dma_wait3A_713, %dma_wait3A_714] : memref<2000x3x80xi32, #tpu.memory_space<hbm>> -> memref<1x3x80xi32, #tpu.memory_space<hbm>>
      %dma_wait3A_716 = tpu.memref_squeeze %dma_wait3A_715 : memref<1x3x80xi32, #tpu.memory_space<hbm>> -> memref<3x80xi32, #tpu.memory_space<hbm>>
      tpu.wait_dma2 semaphore(%run_scoped3A : memref<!tpu.dma_semaphore, #tpu.memory_space<semaphore_mem>>) src(%dma_wait3A_716 : memref<3x80xi32, #tpu.memory_space<hbm>>) dst(%arg25 : memref<3x80xi32, #tpu.memory_space<vmem>>)
      tpu.yield
    }) : () -> ()
    %get3A_530 = arith.constant 1 : i32
    %get3A_531 = arith.index_cast %get3A_530 : i32 to index
    %get3A_532 = arith.constant 0 : index
    %get3A_533 = tpu.vector_load %arg25[%get3A_531, %get3A_532] {strides = array<i32>} : memref<3x80xi32, #tpu.memory_space<vmem>>, vector<16xi32>,
    %gather3A_534 = tpu.vector_load_idx %arg18[%get3A_533] : memref<10000xf32, #tpu.memory_space<vmem>>[vector<16xi32>], vector<16xf32>,
    %get3A_535 = arith.constant 2 : i32
    %get3A_536 = arith.index_cast %get3A_535 : i32 to index
    %get3A_537 = arith.constant 0 : index
    %get3A_538 = tpu.vector_load %arg25[%get3A_536, %get3A_537] {strides = array<i32>} : memref<3x80xi32, #tpu.memory_space<vmem>>, vector<16xi32>,
    %gather3A_539 = tpu.vector_load_idx %arg19[%get3A_538] : memref<1000xf32, #tpu.memory_space<vmem>>[vector<16xi32>], vector<16xf32>,
    %get3A_540 = arith.constant 0 : i32
    %get3A_541 = arith.index_cast %get3A_540 : i32 to index
    %get3A_542 = arith.constant 0 : index
    %get3A_543 = tpu.vector_load %arg25[%get3A_541, %get3A_542] {strides = array<i32>} : memref<3x80xi32, #tpu.memory_space<vmem>>, vector<16xi32>,
    %gather3A_544 = tpu.vector_load_idx %arg20[%get3A_543] : memref<10240xf32, #tpu.memory_space<vmem>>[vector<16xi32>], vector<16xf32>,
    %add3A_545 = arith.addf %gather3A_539, %gather3A_534 : vector<16xf32>
    %exp3A_546 = math.exp %add3A_545 : vector<16xf32>
    %add3A_547 = arith.constant 1.000000e-16 : f32
    %add3A_548 = vector.broadcast %add3A_547 : f32 to vector<16xf32>
    %add3A_549 = arith.addf %gather3A_544, %add3A_548 : vector<16xf32>
    %div3A_550 = arith.divf %exp3A_546, %add3A_549 : vector<16xf32>
    %swap3A_551 = arith.constant 0 : index
    %swap3A_552 = tpu.vector_load %arg26[%swap3A_551] {strides = array<i32>} : memref<80xf32, #tpu.memory_space<vmem>>, vector<16xf32>,
    tpu.vector_store %arg26[%swap3A_551], %div3A_550 {strides = array<i32>} : memref<80xf32, #tpu.memory_space<vmem>>, vector<16xf32>,
    %get3A_553 = arith.constant 1 : i32
    %get3A_554 = arith.index_cast %get3A_553 : i32 to index
    %get3A_555 = arith.constant 16 : index
    %get3A_556 = tpu.vector_load %arg25[%get3A_554, %get3A_555] {strides = array<i32>} : memref<3x80xi32, #tpu.memory_space<vmem>>, vector<16xi32>,
    %gather3A_557 = tpu.vector_load_idx %arg18[%get3A_556] : memref<10000xf32, #tpu.memory_space<vmem>>[vector<16xi32>], vector<16xf32>,
    %get3A_558 = arith.constant 2 : i32
    %get3A_559 = arith.index_cast %get3A_558 : i32 to index
    %get3A_560 = arith.constant 16 : index
    %get3A_561 = tpu.vector_load %arg25[%get3A_559, %get3A_560] {strides = array<i32>} : memref<3x80xi32, #tpu.memory_space<vmem>>, vector<16xi32>,
    %gather3A_562 = tpu.vector_load_idx %arg19[%get3A_561] : memref<1000xf32, #tpu.memory_space<vmem>>[vector<16xi32>], vector<16xf32>,
    %get3A_563 = arith.constant 0 : i32
    %get3A_564 = arith.index_cast %get3A_563 : i32 to index
    %get3A_565 = arith.constant 16 : index
    %get3A_566 = tpu.vector_load %arg25[%get3A_564, %get3A_565] {strides = array<i32>} : memref<3x80xi32, #tpu.memory_space<vmem>>, vector<16xi32>,
    %gather3A_567 = tpu.vector_load_idx %arg20[%get3A_566] : memref<10240xf32, #tpu.memory_space<vmem>>[vector<16xi32>], vector<16xf32>,
    %add3A_568 = arith.addf %gather3A_562, %gather3A_557 : vector<16xf32>
    %exp3A_569 = math.exp %add3A_568 : vector<16xf32>
    %add3A_570 = arith.constant 1.000000e-16 : f32
    %add3A_571 = vector.broadcast %add3A_570 : f32 to vector<16xf32>
    %add3A_572 = arith.addf %gather3A_567, %add3A_571 : vector<16xf32>
    %div3A_573 = arith.divf %exp3A_569, %add3A_572 : vector<16xf32>
    %swap3A_574 = arith.constant 16 : index
    %swap3A_575 = tpu.vector_load %arg26[%swap3A_574] {strides = array<i32>} : memref<80xf32, #tpu.memory_space<vmem>>, vector<16xf32>,
    tpu.vector_store %arg26[%swap3A_574], %div3A_573 {strides = array<i32>} : memref<80xf32, #tpu.memory_space<vmem>>, vector<16xf32>,
    %get3A_576 = arith.constant 1 : i32
    %get3A_577 = arith.index_cast %get3A_576 : i32 to index
    %get3A_578 = arith.constant 32 : index
    %get3A_579 = tpu.vector_load %arg25[%get3A_577, %get3A_578] {strides = array<i32>} : memref<3x80xi32, #tpu.memory_space<vmem>>, vector<16xi32>,
    %gather3A_580 = tpu.vector_load_idx %arg18[%get3A_579] : memref<10000xf32, #tpu.memory_space<vmem>>[vector<16xi32>], vector<16xf32>,
    %get3A_581 = arith.constant 2 : i32
    %get3A_582 = arith.index_cast %get3A_581 : i32 to index
    %get3A_583 = arith.constant 32 : index
    %get3A_584 = tpu.vector_load %arg25[%get3A_582, %get3A_583] {strides = array<i32>} : memref<3x80xi32, #tpu.memory_space<vmem>>, vector<16xi32>,
    %gather3A_585 = tpu.vector_load_idx %arg19[%get3A_584] : memref<1000xf32, #tpu.memory_space<vmem>>[vector<16xi32>], vector<16xf32>,
    %get3A_586 = arith.constant 0 : i32
    %get3A_587 = arith.index_cast %get3A_586 : i32 to index
    %get3A_588 = arith.constant 32 : index
    %get3A_589 = tpu.vector_load %arg25[%get3A_587, %get3A_588] {strides = array<i32>} : memref<3x80xi32, #tpu.memory_space<vmem>>, vector<16xi32>,
    %gather3A_590 = tpu.vector_load_idx %arg20[%get3A_589] : memref<10240xf32, #tpu.memory_space<vmem>>[vector<16xi32>], vector<16xf32>,
    %add3A_591 = arith.addf %gather3A_585, %gather3A_580 : vector<16xf32>
    %exp3A_592 = math.exp %add3A_591 : vector<16xf32>
    %add3A_593 = arith.constant 1.000000e-16 : f32
    %add3A_594 = vector.broadcast %add3A_593 : f32 to vector<16xf32>
    %add3A_595 = arith.addf %gather3A_590, %add3A_594 : vector<16xf32>
    %div3A_596 = arith.divf %exp3A_592, %add3A_595 : vector<16xf32>
    %swap3A_597 = arith.constant 32 : index
    %swap3A_598 = tpu.vector_load %arg26[%swap3A_597] {strides = array<i32>} : memref<80xf32, #tpu.memory_space<vmem>>, vector<16xf32>,
    tpu.vector_store %arg26[%swap3A_597], %div3A_596 {strides = array<i32>} : memref<80xf32, #tpu.memory_space<vmem>>, vector<16xf32>,
    %get3A_599 = arith.constant 1 : i32
    %get3A_600 = arith.index_cast %get3A_599 : i32 to index
    %get3A_601 = arith.constant 48 : index
    %get3A_602 = tpu.vector_load %arg25[%get3A_600, %get3A_601] {strides = array<i32>} : memref<3x80xi32, #tpu.memory_space<vmem>>, vector<16xi32>,
    %gather3A_603 = tpu.vector_load_idx %arg18[%get3A_602] : memref<10000xf32, #tpu.memory_space<vmem>>[vector<16xi32>], vector<16xf32>,
    %get3A_604 = arith.constant 2 : i32
    %get3A_605 = arith.index_cast %get3A_604 : i32 to index
    %get3A_606 = arith.constant 48 : index
    %get3A_607 = tpu.vector_load %arg25[%get3A_605, %get3A_606] {strides = array<i32>} : memref<3x80xi32, #tpu.memory_space<vmem>>, vector<16xi32>,
    %gather3A_608 = tpu.vector_load_idx %arg19[%get3A_607] : memref<1000xf32, #tpu.memory_space<vmem>>[vector<16xi32>], vector<16xf32>,
    %get3A_609 = arith.constant 0 : i32
    %get3A_610 = arith.index_cast %get3A_609 : i32 to index
    %get3A_611 = arith.constant 48 : index
    %get3A_612 = tpu.vector_load %arg25[%get3A_610, %get3A_611] {strides = array<i32>} : memref<3x80xi32, #tpu.memory_space<vmem>>, vector<16xi32>,
    %gather3A_613 = tpu.vector_load_idx %arg20[%get3A_612] : memref<10240xf32, #tpu.memory_space<vmem>>[vector<16xi32>], vector<16xf32>,
    %add3A_614 = arith.addf %gather3A_608, %gather3A_603 : vector<16xf32>
    %exp3A_615 = math.exp %add3A_614 : vector<16xf32>
    %add3A_616 = arith.constant 1.000000e-16 : f32
    %add3A_617 = vector.broadcast %add3A_616 : f32 to vector<16xf32>
    %add3A_618 = arith.addf %gather3A_613, %add3A_617 : vector<16xf32>
    %div3A_619 = arith.divf %exp3A_615, %add3A_618 : vector<16xf32>
    %swap3A_620 = arith.constant 48 : index
    %swap3A_621 = tpu.vector_load %arg26[%swap3A_620] {strides = array<i32>} : memref<80xf32, #tpu.memory_space<vmem>>, vector<16xf32>,
    tpu.vector_store %arg26[%swap3A_620], %div3A_619 {strides = array<i32>} : memref<80xf32, #tpu.memory_space<vmem>>, vector<16xf32>,
    %get3A_622 = arith.constant 1 : i32
    %get3A_623 = arith.index_cast %get3A_622 : i32 to index
    %get3A_624 = arith.constant 64 : index
    %get3A_625 = tpu.vector_load %arg25[%get3A_623, %get3A_624] {strides = array<i32>} : memref<3x80xi32, #tpu.memory_space<vmem>>, vector<16xi32>,
    %gather3A_626 = tpu.vector_load_idx %arg18[%get3A_625] : memref<10000xf32, #tpu.memory_space<vmem>>[vector<16xi32>], vector<16xf32>,
    %get3A_627 = arith.constant 2 : i32
    %get3A_628 = arith.index_cast %get3A_627 : i32 to index
    %get3A_629 = arith.constant 64 : index
    %get3A_630 = tpu.vector_load %arg25[%get3A_628, %get3A_629] {strides = array<i32>} : memref<3x80xi32, #tpu.memory_space<vmem>>, vector<16xi32>,
    %gather3A_631 = tpu.vector_load_idx %arg19[%get3A_630] : memref<1000xf32, #tpu.memory_space<vmem>>[vector<16xi32>], vector<16xf32>,
    %get3A_632 = arith.constant 0 : i32
    %get3A_633 = arith.index_cast %get3A_632 : i32 to index
    %get3A_634 = arith.constant 64 : index
    %get3A_635 = tpu.vector_load %arg25[%get3A_633, %get3A_634] {strides = array<i32>} : memref<3x80xi32, #tpu.memory_space<vmem>>, vector<16xi32>,
    %gather3A_636 = tpu.vector_load_idx %arg20[%get3A_635] : memref<10240xf32, #tpu.memory_space<vmem>>[vector<16xi32>], vector<16xf32>,
    %add3A_637 = arith.addf %gather3A_631, %gather3A_626 : vector<16xf32>
    %exp3A_638 = math.exp %add3A_637 : vector<16xf32>
    %add3A_639 = arith.constant 1.000000e-16 : f32
    %add3A_640 = vector.broadcast %add3A_639 : f32 to vector<16xf32>
    %add3A_641 = arith.addf %gather3A_636, %add3A_640 : vector<16xf32>
    %div3A_642 = arith.divf %exp3A_638, %add3A_641 : vector<16xf32>
    %swap3A_643 = arith.constant 64 : index
    %swap3A_644 = tpu.vector_load %arg26[%swap3A_643] {strides = array<i32>} : memref<80xf32, #tpu.memory_space<vmem>>, vector<16xf32>,
    tpu.vector_store %arg26[%swap3A_643], %div3A_642 {strides = array<i32>} : memref<80xf32, #tpu.memory_space<vmem>>, vector<16xf32>,
    %eq3A_645 = arith.constant 0 : i32
    %eq3A_646 = arith.cmpi eq, %arg0, %eq3A_645 : i32
    %convert_element_type3A_647 = arith.extui %eq3A_646 : i1 to i32
    %cond3A_648 = arith.constant 0 : i32
    %cond3A_649 = arith.cmpi ne, %convert_element_type3A_647, %cond3A_648 : i32
    scf.if %cond3A_649 {
      %dma_start3A_701 = arith.constant 1 : i32
      %dma_start3A_702 = arith.constant 0 : i32
      %dma_start3A_703 = tpu.memref_slice %arg25[%dma_start3A_701, %dma_start3A_702] : memref<3x80xi32, #tpu.memory_space<vmem>> -> memref<1x80xi32, #tpu.memory_space<vmem>>
      %dma_start3A_704 = tpu.memref_squeeze %dma_start3A_703 : memref<1x80xi32, #tpu.memory_space<vmem>> -> memref<80xi32, #tpu.memory_space<vmem>>
      %dma_start3A_705 = arith.constant 0 : i32
      %dma_start3A_706 = arith.constant 0 : i32
      %dma_start3A_707 = tpu.memref_slice %arg6[%dma_start3A_705, %dma_start3A_706] : memref<10000x128xf32, #tpu.memory_space<hbm>> -> memref<10000x128xf32, #tpu.memory_space<hbm>>
      tpu.enqueue_indirect_dma source(%dma_start3A_707 : memref<10000x128xf32, #tpu.memory_space<hbm>>) target(%arg27 : memref<80x128xf32, #tpu.memory_space<vmem>>) offsets(%dma_start3A_704 : memref<80xi32, #tpu.memory_space<vmem>>) semaphore(%arg28 : memref<!tpu.dma_semaphore, #tpu.memory_space<semaphore_mem>>)
    } else {
    }
    %eq3A_650 = arith.constant 1 : i32
    %eq3A_651 = arith.cmpi eq, %arg0, %eq3A_650 : i32
    %convert_element_type3A_652 = arith.extui %eq3A_651 : i1 to i32
    %cond3A_653 = arith.constant 0 : i32
    %cond3A_654 = arith.cmpi ne, %convert_element_type3A_652, %cond3A_653 : i32
    scf.if %cond3A_654 {
      %dma_start3A_701 = arith.constant 2 : i32
      %dma_start3A_702 = arith.constant 0 : i32
      %dma_start3A_703 = tpu.memref_slice %arg25[%dma_start3A_701, %dma_start3A_702] : memref<3x80xi32, #tpu.memory_space<vmem>> -> memref<1x80xi32, #tpu.memory_space<vmem>>
      %dma_start3A_704 = tpu.memref_squeeze %dma_start3A_703 : memref<1x80xi32, #tpu.memory_space<vmem>> -> memref<80xi32, #tpu.memory_space<vmem>>
      %dma_start3A_705 = arith.constant 0 : i32
      %dma_start3A_706 = arith.constant 0 : i32
      %dma_start3A_707 = tpu.memref_slice %arg8[%dma_start3A_705, %dma_start3A_706] : memref<1000x128xf32, #tpu.memory_space<hbm>> -> memref<1000x128xf32, #tpu.memory_space<hbm>>
      tpu.enqueue_indirect_dma source(%dma_start3A_707 : memref<1000x128xf32, #tpu.memory_space<hbm>>) target(%arg27 : memref<80x128xf32, #tpu.memory_space<vmem>>) offsets(%dma_start3A_704 : memref<80xi32, #tpu.memory_space<vmem>>) semaphore(%arg28 : memref<!tpu.dma_semaphore, #tpu.memory_space<semaphore_mem>>)
    } else {
    }
    %scan3A_655 = arith.constant 0 : i32
    %scan3A_656 = arith.constant 0 : i32
    %scan3A_657 = arith.constant 62 : i32
    %scan3A_658 = arith.addi %scan3A_656, %scan3A_657 : i32
    %scan3A_659 = arith.constant 1 : i32
    scf.for %scan3A_701 = %scan3A_656 to %scan3A_658 step %scan3A_659  : i32 {
      %mul3A_702 = arith.constant 2 : i32
      %mul3A_703 = arith.muli %mul3A_702, %scan3A_701 : i32
      %eq3A_704 = arith.constant 0 : i32
      %eq3A_705 = arith.cmpi eq, %arg0, %eq3A_704 : i32
      %convert_element_type3A_706 = arith.extui %eq3A_705 : i1 to i32
      %cond3A_707 = arith.constant 0 : i32
      %cond3A_708 = arith.cmpi ne, %convert_element_type3A_706, %cond3A_707 : i32
      scf.if %cond3A_708 {
        %dma_wait3A_894 = arith.constant 1 : i32
        %dma_wait3A_895 = arith.constant 0 : i32
        %dma_wait3A_896 = tpu.memref_slice %arg21[%dma_wait3A_894, %dma_wait3A_895] : memref<3x80xi32, #tpu.memory_space<vmem>> -> memref<1x80xi32, #tpu.memory_space<vmem>>
        %dma_wait3A_897 = tpu.memref_squeeze %dma_wait3A_896 : memref<1x80xi32, #tpu.memory_space<vmem>> -> memref<80xi32, #tpu.memory_space<vmem>>
        %dma_wait3A_898 = arith.constant 0 : i32
        %dma_wait3A_899 = arith.constant 0 : i32
        %dma_wait3A_900 = tpu.memref_slice %arg6[%dma_wait3A_898, %dma_wait3A_899] : memref<10000x128xf32, #tpu.memory_space<hbm>> -> memref<10000x128xf32, #tpu.memory_space<hbm>>
        tpu.wait_indirect_dma semaphore(%arg24 : memref<!tpu.dma_semaphore, #tpu.memory_space<semaphore_mem>>) src(%dma_wait3A_900 : memref<10000x128xf32, #tpu.memory_space<hbm>>) dst(%arg23 : memref<80x128xf32, #tpu.memory_space<vmem>>)
      } else {
      }
      %eq3A_709 = arith.constant 1 : i32
      %eq3A_710 = arith.cmpi eq, %arg0, %eq3A_709 : i32
      %convert_element_type3A_711 = arith.extui %eq3A_710 : i1 to i32
      %cond3A_712 = arith.constant 0 : i32
      %cond3A_713 = arith.cmpi ne, %convert_element_type3A_711, %cond3A_712 : i32
      scf.if %cond3A_713 {
        %dma_wait3A_894 = arith.constant 2 : i32
        %dma_wait3A_895 = arith.constant 0 : i32
        %dma_wait3A_896 = tpu.memref_slice %arg21[%dma_wait3A_894, %dma_wait3A_895] : memref<3x80xi32, #tpu.memory_space<vmem>> -> memref<1x80xi32, #tpu.memory_space<vmem>>
        %dma_wait3A_897 = tpu.memref_squeeze %dma_wait3A_896 : memref<1x80xi32, #tpu.memory_space<vmem>> -> memref<80xi32, #tpu.memory_space<vmem>>
        %dma_wait3A_898 = arith.constant 0 : i32
        %dma_wait3A_899 = arith.constant 0 : i32
        %dma_wait3A_900 = tpu.memref_slice %arg8[%dma_wait3A_898, %dma_wait3A_899] : memref<1000x128xf32, #tpu.memory_space<hbm>> -> memref<1000x128xf32, #tpu.memory_space<hbm>>
        tpu.wait_indirect_dma semaphore(%arg24 : memref<!tpu.dma_semaphore, #tpu.memory_space<semaphore_mem>>) src(%dma_wait3A_900 : memref<1000x128xf32, #tpu.memory_space<hbm>>) dst(%arg23 : memref<80x128xf32, #tpu.memory_space<vmem>>)
      } else {
      }
      %parallel_loop3A_714 = arith.constant 0 : i32
      %parallel_loop3A_715 = arith.constant 80 : i32
      %parallel_loop3A_716 = arith.constant 1 : i32
      scf.for %parallel_loop3A_894 = %parallel_loop3A_714 to %parallel_loop3A_715 step %parallel_loop3A_716  : i32 {
        %parallel_loop3A_895 = vector.broadcast %parallel_loop3A_894 : i32 to vector<16xi32>
        %parallel_loop3A_896 = tpu.vector_load_idx %arg22[%parallel_loop3A_895] : memref<80xf32, #tpu.memory_space<vmem>>[vector<16xi32>], vector<16xf32>,
        %parallel_loop3A_897 = arith.index_cast %parallel_loop3A_894 : i32 to index
        %parallel_loop3A_898 = arith.constant 0 : index
        %parallel_loop3A_899 = tpu.vector_load %arg23[%parallel_loop3A_897, %parallel_loop3A_898] {strides = array<i32>} : memref<80x128xf32, #tpu.memory_space<vmem>>, vector<16xf32>,
        %parallel_loop3A_900 = arith.mulf %parallel_loop3A_899, %parallel_loop3A_896 : vector<16xf32>
        %parallel_loop3A_901 = arith.index_cast %parallel_loop3A_894 : i32 to index
        %parallel_loop3A_902 = arith.constant 0 : index
        %parallel_loop3A_903 = tpu.vector_load %arg23[%parallel_loop3A_901, %parallel_loop3A_902] {strides = array<i32>} : memref<80x128xf32, #tpu.memory_space<vmem>>, vector<16xf32>,
        tpu.vector_store %arg23[%parallel_loop3A_901, %parallel_loop3A_902], %parallel_loop3A_900 {strides = array<i32>} : memref<80x128xf32, #tpu.memory_space<vmem>>, vector<16xf32>,
        %parallel_loop3A_904 = arith.index_cast %parallel_loop3A_894 : i32 to index
        %parallel_loop3A_905 = arith.constant 16 : index
        %parallel_loop3A_906 = tpu.vector_load %arg23[%parallel_loop3A_904, %parallel_loop3A_905] {strides = array<i32>} : memref<80x128xf32, #tpu.memory_space<vmem>>, vector<16xf32>,
        %parallel_loop3A_907 = arith.mulf %parallel_loop3A_906, %parallel_loop3A_896 : vector<16xf32>
        %parallel_loop3A_908 = arith.index_cast %parallel_loop3A_894 : i32 to index
        %parallel_loop3A_909 = arith.constant 16 : index
        %parallel_loop3A_910 = tpu.vector_load %arg23[%parallel_loop3A_908, %parallel_loop3A_909] {strides = array<i32>} : memref<80x128xf32, #tpu.memory_space<vmem>>, vector<16xf32>,
        tpu.vector_store %arg23[%parallel_loop3A_908, %parallel_loop3A_909], %parallel_loop3A_907 {strides = array<i32>} : memref<80x128xf32, #tpu.memory_space<vmem>>, vector<16xf32>,
        %parallel_loop3A_911 = arith.index_cast %parallel_loop3A_894 : i32 to index
        %parallel_loop3A_912 = arith.constant 32 : index
        %parallel_loop3A_913 = tpu.vector_load %arg23[%parallel_loop3A_911, %parallel_loop3A_912] {strides = array<i32>} : memref<80x128xf32, #tpu.memory_space<vmem>>, vector<16xf32>,
        %parallel_loop3A_914 = arith.mulf %parallel_loop3A_913, %parallel_loop3A_896 : vector<16xf32>
        %parallel_loop3A_915 = arith.index_cast %parallel_loop3A_894 : i32 to index
        %parallel_loop3A_916 = arith.constant 32 : index
        %parallel_loop3A_917 = tpu.vector_load %arg23[%parallel_loop3A_915, %parallel_loop3A_916] {strides = array<i32>} : memref<80x128xf32, #tpu.memory_space<vmem>>, vector<16xf32>,
        tpu.vector_store %arg23[%parallel_loop3A_915, %parallel_loop3A_916], %parallel_loop3A_914 {strides = array<i32>} : memref<80x128xf32, #tpu.memory_space<vmem>>, vector<16xf32>,
        %parallel_loop3A_918 = arith.index_cast %parallel_loop3A_894 : i32 to index
        %parallel_loop3A_919 = arith.constant 48 : index
        %parallel_loop3A_920 = tpu.vector_load %arg23[%parallel_loop3A_918, %parallel_loop3A_919] {strides = array<i32>} : memref<80x128xf32, #tpu.memory_space<vmem>>, vector<16xf32>,
        %parallel_loop3A_921 = arith.mulf %parallel_loop3A_920, %parallel_loop3A_896 : vector<16xf32>
        %parallel_loop3A_922 = arith.index_cast %parallel_loop3A_894 : i32 to index
        %parallel_loop3A_923 = arith.constant 48 : index
        %parallel_loop3A_924 = tpu.vector_load %arg23[%parallel_loop3A_922, %parallel_loop3A_923] {strides = array<i32>} : memref<80x128xf32, #tpu.memory_space<vmem>>, vector<16xf32>,
        tpu.vector_store %arg23[%parallel_loop3A_922, %parallel_loop3A_923], %parallel_loop3A_921 {strides = array<i32>} : memref<80x128xf32, #tpu.memory_space<vmem>>, vector<16xf32>,
        %parallel_loop3A_925 = arith.index_cast %parallel_loop3A_894 : i32 to index
        %parallel_loop3A_926 = arith.constant 64 : index
        %parallel_loop3A_927 = tpu.vector_load %arg23[%parallel_loop3A_925, %parallel_loop3A_926] {strides = array<i32>} : memref<80x128xf32, #tpu.memory_space<vmem>>, vector<16xf32>,
        %parallel_loop3A_928 = arith.mulf %parallel_loop3A_927, %parallel_loop3A_896 : vector<16xf32>
        %parallel_loop3A_929 = arith.index_cast %parallel_loop3A_894 : i32 to index
        %parallel_loop3A_930 = arith.constant 64 : index
        %parallel_loop3A_931 = tpu.vector_load %arg23[%parallel_loop3A_929, %parallel_loop3A_930] {strides = array<i32>} : memref<80x128xf32, #tpu.memory_space<vmem>>, vector<16xf32>,
        tpu.vector_store %arg23[%parallel_loop3A_929, %parallel_loop3A_930], %parallel_loop3A_928 {strides = array<i32>} : memref<80x128xf32, #tpu.memory_space<vmem>>, vector<16xf32>,
        %parallel_loop3A_932 = arith.index_cast %parallel_loop3A_894 : i32 to index
        %parallel_loop3A_933 = arith.constant 80 : index
        %parallel_loop3A_934 = tpu.vector_load %arg23[%parallel_loop3A_932, %parallel_loop3A_933] {strides = array<i32>} : memref<80x128xf32, #tpu.memory_space<vmem>>, vector<16xf32>,
        %parallel_loop3A_935 = arith.mulf %parallel_loop3A_934, %parallel_loop3A_896 : vector<16xf32>
        %parallel_loop3A_936 = arith.index_cast %parallel_loop3A_894 : i32 to index
        %parallel_loop3A_937 = arith.constant 80 : index
        %parallel_loop3A_938 = tpu.vector_load %arg23[%parallel_loop3A_936, %parallel_loop3A_937] {strides = array<i32>} : memref<80x128xf32, #tpu.memory_space<vmem>>, vector<16xf32>,
        tpu.vector_store %arg23[%parallel_loop3A_936, %parallel_loop3A_937], %parallel_loop3A_935 {strides = array<i32>} : memref<80x128xf32, #tpu.memory_space<vmem>>, vector<16xf32>,
        %parallel_loop3A_939 = arith.index_cast %parallel_loop3A_894 : i32 to index
        %parallel_loop3A_940 = arith.constant 96 : index
        %parallel_loop3A_941 = tpu.vector_load %arg23[%parallel_loop3A_939, %parallel_loop3A_940] {strides = array<i32>} : memref<80x128xf32, #tpu.memory_space<vmem>>, vector<16xf32>,
        %parallel_loop3A_942 = arith.mulf %parallel_loop3A_941, %parallel_loop3A_896 : vector<16xf32>
        %parallel_loop3A_943 = arith.index_cast %parallel_loop3A_894 : i32 to index
        %parallel_loop3A_944 = arith.constant 96 : index
        %parallel_loop3A_945 = tpu.vector_load %arg23[%parallel_loop3A_943, %parallel_loop3A_944] {strides = array<i32>} : memref<80x128xf32, #tpu.memory_space<vmem>>, vector<16xf32>,
        tpu.vector_store %arg23[%parallel_loop3A_943, %parallel_loop3A_944], %parallel_loop3A_942 {strides = array<i32>} : memref<80x128xf32, #tpu.memory_space<vmem>>, vector<16xf32>,
      } {sc.loop_unroll_factor = 4 : i64, sc.parallel_access}
      %dma_start3A_717 = arith.constant 0 : i32
      %dma_start3A_718 = arith.constant 0 : i32
      %dma_start3A_719 = tpu.memref_slice %arg21[%dma_start3A_717, %dma_start3A_718] : memref<3x80xi32, #tpu.memory_space<vmem>> -> memref<1x80xi32, #tpu.memory_space<vmem>>
      %dma_start3A_720 = tpu.memref_squeeze %dma_start3A_719 : memref<1x80xi32, #tpu.memory_space<vmem>> -> memref<80xi32, #tpu.memory_space<vmem>>
      %dma_start3A_721 = arith.constant 0 : i32
      %dma_start3A_722 = arith.constant 0 : i32
      %dma_start3A_723 = tpu.memref_slice %arg16[%dma_start3A_721, %dma_start3A_722] : memref<10240x128xf32, #tpu.memory_space<vmem_shared>> -> memref<10240x128xf32, #tpu.memory_space<vmem_shared>>
      tpu.enqueue_indirect_dma source(%arg23 : memref<80x128xf32, #tpu.memory_space<vmem>>) target(%dma_start3A_723 : memref<10240x128xf32, #tpu.memory_space<vmem_shared>>) offsets(%dma_start3A_720 : memref<80xi32, #tpu.memory_space<vmem>>) semaphore(%arg29 : memref<!tpu.dma_semaphore, #tpu.memory_space<semaphore_mem>>) {add = true}
      %eq3A_724 = arith.constant 0 : i32
      %eq3A_725 = arith.cmpi eq, %arg0, %eq3A_724 : i32
      %convert_element_type3A_726 = arith.extui %eq3A_725 : i1 to i32
      %cond3A_727 = arith.constant 0 : i32
      %cond3A_728 = arith.cmpi ne, %convert_element_type3A_726, %cond3A_727 : i32
      scf.if %cond3A_728 {
        %dma_wait3A_894 = arith.constant 1 : i32
        %dma_wait3A_895 = arith.constant 0 : i32
        %dma_wait3A_896 = tpu.memref_slice %arg25[%dma_wait3A_894, %dma_wait3A_895] : memref<3x80xi32, #tpu.memory_space<vmem>> -> memref<1x80xi32, #tpu.memory_space<vmem>>
        %dma_wait3A_897 = tpu.memref_squeeze %dma_wait3A_896 : memref<1x80xi32, #tpu.memory_space<vmem>> -> memref<80xi32, #tpu.memory_space<vmem>>
        %dma_wait3A_898 = arith.constant 0 : i32
        %dma_wait3A_899 = arith.constant 0 : i32
        %dma_wait3A_900 = tpu.memref_slice %arg6[%dma_wait3A_898, %dma_wait3A_899] : memref<10000x128xf32, #tpu.memory_space<hbm>> -> memref<10000x128xf32, #tpu.memory_space<hbm>>
        tpu.wait_indirect_dma semaphore(%arg28 : memref<!tpu.dma_semaphore, #tpu.memory_space<semaphore_mem>>) src(%dma_wait3A_900 : memref<10000x128xf32, #tpu.memory_space<hbm>>) dst(%arg27 : memref<80x128xf32, #tpu.memory_space<vmem>>)
      } else {
      }
      %eq3A_729 = arith.constant 1 : i32
      %eq3A_730 = arith.cmpi eq, %arg0, %eq3A_729 : i32
      %convert_element_type3A_731 = arith.extui %eq3A_730 : i1 to i32
      %cond3A_732 = arith.constant 0 : i32
      %cond3A_733 = arith.cmpi ne, %convert_element_type3A_731, %cond3A_732 : i32
      scf.if %cond3A_733 {
        %dma_wait3A_894 = arith.constant 2 : i32
        %dma_wait3A_895 = arith.constant 0 : i32
        %dma_wait3A_896 = tpu.memref_slice %arg25[%dma_wait3A_894, %dma_wait3A_895] : memref<3x80xi32, #tpu.memory_space<vmem>> -> memref<1x80xi32, #tpu.memory_space<vmem>>
        %dma_wait3A_897 = tpu.memref_squeeze %dma_wait3A_896 : memref<1x80xi32, #tpu.memory_space<vmem>> -> memref<80xi32, #tpu.memory_space<vmem>>
        %dma_wait3A_898 = arith.constant 0 : i32
        %dma_wait3A_899 = arith.constant 0 : i32
        %dma_wait3A_900 = tpu.memref_slice %arg8[%dma_wait3A_898, %dma_wait3A_899] : memref<1000x128xf32, #tpu.memory_space<hbm>> -> memref<1000x128xf32, #tpu.memory_space<hbm>>
        tpu.wait_indirect_dma semaphore(%arg28 : memref<!tpu.dma_semaphore, #tpu.memory_space<semaphore_mem>>) src(%dma_wait3A_900 : memref<1000x128xf32, #tpu.memory_space<hbm>>) dst(%arg27 : memref<80x128xf32, #tpu.memory_space<vmem>>)
      } else {
      }
      %parallel_loop3A_734 = arith.constant 0 : i32
      %parallel_loop3A_735 = arith.constant 80 : i32
      %parallel_loop3A_736 = arith.constant 1 : i32
      scf.for %parallel_loop3A_894 = %parallel_loop3A_734 to %parallel_loop3A_735 step %parallel_loop3A_736  : i32 {
        %parallel_loop3A_895 = vector.broadcast %parallel_loop3A_894 : i32 to vector<16xi32>
        %parallel_loop3A_896 = tpu.vector_load_idx %arg26[%parallel_loop3A_895] : memref<80xf32, #tpu.memory_space<vmem>>[vector<16xi32>], vector<16xf32>,
        %parallel_loop3A_897 = arith.index_cast %parallel_loop3A_894 : i32 to index
        %parallel_loop3A_898 = arith.constant 0 : index
        %parallel_loop3A_899 = tpu.vector_load %arg27[%parallel_loop3A_897, %parallel_loop3A_898] {strides = array<i32>} : memref<80x128xf32, #tpu.memory_space<vmem>>, vector<16xf32>,
        %parallel_loop3A_900 = arith.mulf %parallel_loop3A_899, %parallel_loop3A_896 : vector<16xf32>
        %parallel_loop3A_901 = arith.index_cast %parallel_loop3A_894 : i32 to index
        %parallel_loop3A_902 = arith.constant 0 : index
        %parallel_loop3A_903 = tpu.vector_load %arg27[%parallel_loop3A_901, %parallel_loop3A_902] {strides = array<i32>} : memref<80x128xf32, #tpu.memory_space<vmem>>, vector<16xf32>,
        tpu.vector_store %arg27[%parallel_loop3A_901, %parallel_loop3A_902], %parallel_loop3A_900 {strides = array<i32>} : memref<80x128xf32, #tpu.memory_space<vmem>>, vector<16xf32>,
        %parallel_loop3A_904 = arith.index_cast %parallel_loop3A_894 : i32 to index
        %parallel_loop3A_905 = arith.constant 16 : index
        %parallel_loop3A_906 = tpu.vector_load %arg27[%parallel_loop3A_904, %parallel_loop3A_905] {strides = array<i32>} : memref<80x128xf32, #tpu.memory_space<vmem>>, vector<16xf32>,
        %parallel_loop3A_907 = arith.mulf %parallel_loop3A_906, %parallel_loop3A_896 : vector<16xf32>
        %parallel_loop3A_908 = arith.index_cast %parallel_loop3A_894 : i32 to index
        %parallel_loop3A_909 = arith.constant 16 : index
        %parallel_loop3A_910 = tpu.vector_load %arg27[%parallel_loop3A_908, %parallel_loop3A_909] {strides = array<i32>} : memref<80x128xf32, #tpu.memory_space<vmem>>, vector<16xf32>,
        tpu.vector_store %arg27[%parallel_loop3A_908, %parallel_loop3A_909], %parallel_loop3A_907 {strides = array<i32>} : memref<80x128xf32, #tpu.memory_space<vmem>>, vector<16xf32>,
        %parallel_loop3A_911 = arith.index_cast %parallel_loop3A_894 : i32 to index
        %parallel_loop3A_912 = arith.constant 32 : index
        %parallel_loop3A_913 = tpu.vector_load %arg27[%parallel_loop3A_911, %parallel_loop3A_912] {strides = array<i32>} : memref<80x128xf32, #tpu.memory_space<vmem>>, vector<16xf32>,
        %parallel_loop3A_914 = arith.mulf %parallel_loop3A_913, %parallel_loop3A_896 : vector<16xf32>
        %parallel_loop3A_915 = arith.index_cast %parallel_loop3A_894 : i32 to index
        %parallel_loop3A_916 = arith.constant 32 : index
        %parallel_loop3A_917 = tpu.vector_load %arg27[%parallel_loop3A_915, %parallel_loop3A_916] {strides = array<i32>} : memref<80x128xf32, #tpu.memory_space<vmem>>, vector<16xf32>,
        tpu.vector_store %arg27[%parallel_loop3A_915, %parallel_loop3A_916], %parallel_loop3A_914 {strides = array<i32>} : memref<80x128xf32, #tpu.memory_space<vmem>>, vector<16xf32>,
        %parallel_loop3A_918 = arith.index_cast %parallel_loop3A_894 : i32 to index
        %parallel_loop3A_919 = arith.constant 48 : index
        %parallel_loop3A_920 = tpu.vector_load %arg27[%parallel_loop3A_918, %parallel_loop3A_919] {strides = array<i32>} : memref<80x128xf32, #tpu.memory_space<vmem>>, vector<16xf32>,
        %parallel_loop3A_921 = arith.mulf %parallel_loop3A_920, %parallel_loop3A_896 : vector<16xf32>
        %parallel_loop3A_922 = arith.index_cast %parallel_loop3A_894 : i32 to index
        %parallel_loop3A_923 = arith.constant 48 : index
        %parallel_loop3A_924 = tpu.vector_load %arg27[%parallel_loop3A_922, %parallel_loop3A_923] {strides = array<i32>} : memref<80x128xf32, #tpu.memory_space<vmem>>, vector<16xf32>,
        tpu.vector_store %arg27[%parallel_loop3A_922, %parallel_loop3A_923], %parallel_loop3A_921 {strides = array<i32>} : memref<80x128xf32, #tpu.memory_space<vmem>>, vector<16xf32>,
        %parallel_loop3A_925 = arith.index_cast %parallel_loop3A_894 : i32 to index
        %parallel_loop3A_926 = arith.constant 64 : index
        %parallel_loop3A_927 = tpu.vector_load %arg27[%parallel_loop3A_925, %parallel_loop3A_926] {strides = array<i32>} : memref<80x128xf32, #tpu.memory_space<vmem>>, vector<16xf32>,
        %parallel_loop3A_928 = arith.mulf %parallel_loop3A_927, %parallel_loop3A_896 : vector<16xf32>
        %parallel_loop3A_929 = arith.index_cast %parallel_loop3A_894 : i32 to index
        %parallel_loop3A_930 = arith.constant 64 : index
        %parallel_loop3A_931 = tpu.vector_load %arg27[%parallel_loop3A_929, %parallel_loop3A_930] {strides = array<i32>} : memref<80x128xf32, #tpu.memory_space<vmem>>, vector<16xf32>,
        tpu.vector_store %arg27[%parallel_loop3A_929, %parallel_loop3A_930], %parallel_loop3A_928 {strides = array<i32>} : memref<80x128xf32, #tpu.memory_space<vmem>>, vector<16xf32>,
        %parallel_loop3A_932 = arith.index_cast %parallel_loop3A_894 : i32 to index
        %parallel_loop3A_933 = arith.constant 80 : index
        %parallel_loop3A_934 = tpu.vector_load %arg27[%parallel_loop3A_932, %parallel_loop3A_933] {strides = array<i32>} : memref<80x128xf32, #tpu.memory_space<vmem>>, vector<16xf32>,
        %parallel_loop3A_935 = arith.mulf %parallel_loop3A_934, %parallel_loop3A_896 : vector<16xf32>
        %parallel_loop3A_936 = arith.index_cast %parallel_loop3A_894 : i32 to index
        %parallel_loop3A_937 = arith.constant 80 : index
        %parallel_loop3A_938 = tpu.vector_load %arg27[%parallel_loop3A_936, %parallel_loop3A_937] {strides = array<i32>} : memref<80x128xf32, #tpu.memory_space<vmem>>, vector<16xf32>,
        tpu.vector_store %arg27[%parallel_loop3A_936, %parallel_loop3A_937], %parallel_loop3A_935 {strides = array<i32>} : memref<80x128xf32, #tpu.memory_space<vmem>>, vector<16xf32>,
        %parallel_loop3A_939 = arith.index_cast %parallel_loop3A_894 : i32 to index
        %parallel_loop3A_940 = arith.constant 96 : index
        %parallel_loop3A_941 = tpu.vector_load %arg27[%parallel_loop3A_939, %parallel_loop3A_940] {strides = array<i32>} : memref<80x128xf32, #tpu.memory_space<vmem>>, vector<16xf32>,
        %parallel_loop3A_942 = arith.mulf %parallel_loop3A_941, %parallel_loop3A_896 : vector<16xf32>
        %parallel_loop3A_943 = arith.index_cast %parallel_loop3A_894 : i32 to index
        %parallel_loop3A_944 = arith.constant 96 : index
        %parallel_loop3A_945 = tpu.vector_load %arg27[%parallel_loop3A_943, %parallel_loop3A_944] {strides = array<i32>} : memref<80x128xf32, #tpu.memory_space<vmem>>, vector<16xf32>,
        tpu.vector_store %arg27[%parallel_loop3A_943, %parallel_loop3A_944], %parallel_loop3A_942 {strides = array<i32>} : memref<80x128xf32, #tpu.memory_space<vmem>>, vector<16xf32>,
      } {sc.loop_unroll_factor = 4 : i64, sc.parallel_access}
      %dma_start3A_737 = arith.constant 0 : i32
      %dma_start3A_738 = arith.constant 0 : i32
      %dma_start3A_739 = tpu.memref_slice %arg25[%dma_start3A_737, %dma_start3A_738] : memref<3x80xi32, #tpu.memory_space<vmem>> -> memref<1x80xi32, #tpu.memory_space<vmem>>
      %dma_start3A_740 = tpu.memref_squeeze %dma_start3A_739 : memref<1x80xi32, #tpu.memory_space<vmem>> -> memref<80xi32, #tpu.memory_space<vmem>>
      %dma_start3A_741 = arith.constant 0 : i32
      %dma_start3A_742 = arith.constant 0 : i32
      %dma_start3A_743 = tpu.memref_slice %arg16[%dma_start3A_741, %dma_start3A_742] : memref<10240x128xf32, #tpu.memory_space<vmem_shared>> -> memref<10240x128xf32, #tpu.memory_space<vmem_shared>>
      tpu.enqueue_indirect_dma source(%arg27 : memref<80x128xf32, #tpu.memory_space<vmem>>) target(%dma_start3A_743 : memref<10240x128xf32, #tpu.memory_space<vmem_shared>>) offsets(%dma_start3A_740 : memref<80xi32, #tpu.memory_space<vmem>>) semaphore(%arg30 : memref<!tpu.dma_semaphore, #tpu.memory_space<semaphore_mem>>) {add = true}
      %dma_wait3A_744 = arith.constant 0 : i32
      %dma_wait3A_745 = arith.constant 0 : i32
      %dma_wait3A_746 = tpu.memref_slice %arg21[%dma_wait3A_744, %dma_wait3A_745] : memref<3x80xi32, #tpu.memory_space<vmem>> -> memref<1x80xi32, #tpu.memory_space<vmem>>
      %dma_wait3A_747 = tpu.memref_squeeze %dma_wait3A_746 : memref<1x80xi32, #tpu.memory_space<vmem>> -> memref<80xi32, #tpu.memory_space<vmem>>
      %dma_wait3A_748 = arith.constant 0 : i32
      %dma_wait3A_749 = arith.constant 0 : i32
      %dma_wait3A_750 = tpu.memref_slice %arg16[%dma_wait3A_748, %dma_wait3A_749] : memref<10240x128xf32, #tpu.memory_space<vmem_shared>> -> memref<10240x128xf32, #tpu.memory_space<vmem_shared>>
      tpu.wait_indirect_dma semaphore(%arg29 : memref<!tpu.dma_semaphore, #tpu.memory_space<semaphore_mem>>) src(%arg23 : memref<80x128xf32, #tpu.memory_space<vmem>>) dst(%dma_wait3A_750 : memref<10240x128xf32, #tpu.memory_space<vmem_shared>>)
      %add3A_751 = arith.constant 2 : i32
      %add3A_752 = arith.addi %mul3A_703, %add3A_751 : i32
      %mul3A_753 = arith.constant 125 : i32
      %mul3A_754 = arith.muli %arg1, %mul3A_753 : i32
      %add3A_755 = arith.addi %mul3A_754, %add3A_752 : i32
      "tpu.region"() ({
        %run_scoped3A = tpu.sem_alloc : memref<!tpu.dma_semaphore, #tpu.memory_space<semaphore_mem>>
        %dma_start3A_894 = arith.constant 0 : i32
        %dma_start3A_895 = arith.constant 0 : i32
        %dma_start3A_896 = tpu.memref_slice %arg2[%add3A_755, %dma_start3A_894, %dma_start3A_895] : memref<2000x3x80xi32, #tpu.memory_space<hbm>> -> memref<1x3x80xi32, #tpu.memory_space<hbm>>
        %dma_start3A_897 = tpu.memref_squeeze %dma_start3A_896 : memref<1x3x80xi32, #tpu.memory_space<hbm>> -> memref<3x80xi32, #tpu.memory_space<hbm>>
        %dma_start3A_898 = arith.constant 0 : i32
        %dma_start3A_899 = arith.constant 0 : i32
        %dma_start3A_900 = tpu.memref_slice %arg2[%add3A_755, %dma_start3A_898, %dma_start3A_899] : memref<2000x3x80xi32, #tpu.memory_space<hbm>> -> memref<1x3x80xi32, #tpu.memory_space<hbm>>
        %dma_start3A_901 = tpu.memref_squeeze %dma_start3A_900 : memref<1x3x80xi32, #tpu.memory_space<hbm>> -> memref<3x80xi32, #tpu.memory_space<hbm>>
        tpu.enqueue_dma source(%dma_start3A_901 : memref<3x80xi32, #tpu.memory_space<hbm>>) target(%arg21 : memref<3x80xi32, #tpu.memory_space<vmem>>) target_semaphore(%run_scoped3A : memref<!tpu.dma_semaphore, #tpu.memory_space<semaphore_mem>>)
        %dma_wait3A_902 = arith.constant 0 : i32
        %dma_wait3A_903 = arith.constant 0 : i32
        %dma_wait3A_904 = tpu.memref_slice %arg2[%add3A_755, %dma_wait3A_902, %dma_wait3A_903] : memref<2000x3x80xi32, #tpu.memory_space<hbm>> -> memref<1x3x80xi32, #tpu.memory_space<hbm>>
        %dma_wait3A_905 = tpu.memref_squeeze %dma_wait3A_904 : memref<1x3x80xi32, #tpu.memory_space<hbm>> -> memref<3x80xi32, #tpu.memory_space<hbm>>
        %dma_wait3A_906 = arith.constant 0 : i32
        %dma_wait3A_907 = arith.constant 0 : i32
        %dma_wait3A_908 = tpu.memref_slice %arg2[%add3A_755, %dma_wait3A_906, %dma_wait3A_907] : memref<2000x3x80xi32, #tpu.memory_space<hbm>> -> memref<1x3x80xi32, #tpu.memory_space<hbm>>
        %dma_wait3A_909 = tpu.memref_squeeze %dma_wait3A_908 : memref<1x3x80xi32, #tpu.memory_space<hbm>> -> memref<3x80xi32, #tpu.memory_space<hbm>>
        tpu.wait_dma2 semaphore(%run_scoped3A : memref<!tpu.dma_semaphore, #tpu.memory_space<semaphore_mem>>) src(%dma_wait3A_909 : memref<3x80xi32, #tpu.memory_space<hbm>>) dst(%arg21 : memref<3x80xi32, #tpu.memory_space<vmem>>)
        tpu.yield
      }) : () -> ()
      %get3A_756 = arith.constant 1 : i32
      %get3A_757 = arith.index_cast %get3A_756 : i32 to index
      %get3A_758 = arith.constant 0 : index
      %get3A_759 = tpu.vector_load %arg21[%get3A_757, %get3A_758] {strides = array<i32>} : memref<3x80xi32, #tpu.memory_space<vmem>>, vector<16xi32>,
      %gather3A_760 = tpu.vector_load_idx %arg18[%get3A_759] : memref<10000xf32, #tpu.memory_space<vmem>>[vector<16xi32>], vector<16xf32>,
      %get3A_761 = arith.constant 2 : i32
      %get3A_762 = arith.index_cast %get3A_761 : i32 to index
      %get3A_763 = arith.constant 0 : index
      %get3A_764 = tpu.vector_load %arg21[%get3A_762, %get3A_763] {strides = array<i32>} : memref<3x80xi32, #tpu.memory_space<vmem>>, vector<16xi32>,
      %gather3A_765 = tpu.vector_load_idx %arg19[%get3A_764] : memref<1000xf32, #tpu.memory_space<vmem>>[vector<16xi32>], vector<16xf32>,
      %get3A_766 = arith.constant 0 : i32
      %get3A_767 = arith.index_cast %get3A_766 : i32 to index
      %get3A_768 = arith.constant 0 : index
      %get3A_769 = tpu.vector_load %arg21[%get3A_767, %get3A_768] {strides = array<i32>} : memref<3x80xi32, #tpu.memory_space<vmem>>, vector<16xi32>,
      %gather3A_770 = tpu.vector_load_idx %arg20[%get3A_769] : memref<10240xf32, #tpu.memory_space<vmem>>[vector<16xi32>], vector<16xf32>,
      %add3A_771 = arith.addf %gather3A_765, %gather3A_760 : vector<16xf32>
      %exp3A_772 = math.exp %add3A_771 : vector<16xf32>
      %add3A_773 = arith.constant 1.000000e-16 : f32
      %add3A_774 = vector.broadcast %add3A_773 : f32 to vector<16xf32>
      %add3A_775 = arith.addf %gather3A_770, %add3A_774 : vector<16xf32>
      %div3A_776 = arith.divf %exp3A_772, %add3A_775 : vector<16xf32>
      %swap3A_777 = arith.constant 0 : index
      %swap3A_778 = tpu.vector_load %arg22[%swap3A_777] {strides = array<i32>} : memref<80xf32, #tpu.memory_space<vmem>>, vector<16xf32>,
      tpu.vector_store %arg22[%swap3A_777], %div3A_776 {strides = array<i32>} : memref<80xf32, #tpu.memory_space<vmem>>, vector<16xf32>,
      %get3A_779 = arith.constant 1 : i32
      %get3A_780 = arith.index_cast %get3A_779 : i32 to index
      %get3A_781 = arith.constant 16 : index
      %get3A_782 = tpu.vector_load %arg21[%get3A_780, %get3A_781] {strides = array<i32>} : memref<3x80xi32, #tpu.memory_space<vmem>>, vector<16xi32>,
      %gather3A_783 = tpu.vector_load_idx %arg18[%get3A_782] : memref<10000xf32, #tpu.memory_space<vmem>>[vector<16xi32>], vector<16xf32>,
      %get3A_784 = arith.constant 2 : i32
      %get3A_785 = arith.index_cast %get3A_784 : i32 to index
      %get3A_786 = arith.constant 16 : index
      %get3A_787 = tpu.vector_load %arg21[%get3A_785, %get3A_786] {strides = array<i32>} : memref<3x80xi32, #tpu.memory_space<vmem>>, vector<16xi32>,
      %gather3A_788 = tpu.vector_load_idx %arg19[%get3A_787] : memref<1000xf32, #tpu.memory_space<vmem>>[vector<16xi32>], vector<16xf32>,
      %get3A_789 = arith.constant 0 : i32
      %get3A_790 = arith.index_cast %get3A_789 : i32 to index
      %get3A_791 = arith.constant 16 : index
      %get3A_792 = tpu.vector_load %arg21[%get3A_790, %get3A_791] {strides = array<i32>} : memref<3x80xi32, #tpu.memory_space<vmem>>, vector<16xi32>,
      %gather3A_793 = tpu.vector_load_idx %arg20[%get3A_792] : memref<10240xf32, #tpu.memory_space<vmem>>[vector<16xi32>], vector<16xf32>,
      %add3A_794 = arith.addf %gather3A_788, %gather3A_783 : vector<16xf32>
      %exp3A_795 = math.exp %add3A_794 : vector<16xf32>
      %add3A_796 = arith.constant 1.000000e-16 : f32
      %add3A_797 = vector.broadcast %add3A_796 : f32 to vector<16xf32>
      %add3A_798 = arith.addf %gather3A_793, %add3A_797 : vector<16xf32>
      %div3A_799 = arith.divf %exp3A_795, %add3A_798 : vector<16xf32>
      %swap3A_800 = arith.constant 16 : index
      %swap3A_801 = tpu.vector_load %arg22[%swap3A_800] {strides = array<i32>} : memref<80xf32, #tpu.memory_space<vmem>>, vector<16xf32>,
      tpu.vector_store %arg22[%swap3A_800], %div3A_799 {strides = array<i32>} : memref<80xf32, #tpu.memory_space<vmem>>, vector<16xf32>,
      %get3A_802 = arith.constant 1 : i32
      %get3A_803 = arith.index_cast %get3A_802 : i32 to index
      %get3A_804 = arith.constant 32 : index
      %get3A_805 = tpu.vector_load %arg21[%get3A_803, %get3A_804] {strides = array<i32>} : memref<3x80xi32, #tpu.memory_space<vmem>>, vector<16xi32>,
      %gather3A_806 = tpu.vector_load_idx %arg18[%get3A_805] : memref<10000xf32, #tpu.memory_space<vmem>>[vector<16xi32>], vector<16xf32>,
      %get3A_807 = arith.constant 2 : i32
      %get3A_808 = arith.index_cast %get3A_807 : i32 to index
      %get3A_809 = arith.constant 32 : index
      %get3A_810 = tpu.vector_load %arg21[%get3A_808, %get3A_809] {strides = array<i32>} : memref<3x80xi32, #tpu.memory_space<vmem>>, vector<16xi32>,
      %gather3A_811 = tpu.vector_load_idx %arg19[%get3A_810] : memref<1000xf32, #tpu.memory_space<vmem>>[vector<16xi32>], vector<16xf32>,
      %get3A_812 = arith.constant 0 : i32
      %get3A_813 = arith.index_cast %get3A_812 : i32 to index
      %get3A_814 = arith.constant 32 : index
      %get3A_815 = tpu.vector_load %arg21[%get3A_813, %get3A_814] {strides = array<i32>} : memref<3x80xi32, #tpu.memory_space<vmem>>, vector<16xi32>,
      %gather3A_816 = tpu.vector_load_idx %arg20[%get3A_815] : memref<10240xf32, #tpu.memory_space<vmem>>[vector<16xi32>], vector<16xf32>,
      %add3A_817 = arith.addf %gather3A_811, %gather3A_806 : vector<16xf32>
      %exp3A_818 = math.exp %add3A_817 : vector<16xf32>
      %add3A_819 = arith.constant 1.000000e-16 : f32
      %add3A_820 = vector.broadcast %add3A_819 : f32 to vector<16xf32>
      %add3A_821 = arith.addf %gather3A_816, %add3A_820 : vector<16xf32>
      %div3A_822 = arith.divf %exp3A_818, %add3A_821 : vector<16xf32>
      %swap3A_823 = arith.constant 32 : index
      %swap3A_824 = tpu.vector_load %arg22[%swap3A_823] {strides = array<i32>} : memref<80xf32, #tpu.memory_space<vmem>>, vector<16xf32>,
      tpu.vector_store %arg22[%swap3A_823], %div3A_822 {strides = array<i32>} : memref<80xf32, #tpu.memory_space<vmem>>, vector<16xf32>,
      %get3A_825 = arith.constant 1 : i32
      %get3A_826 = arith.index_cast %get3A_825 : i32 to index
      %get3A_827 = arith.constant 48 : index
      %get3A_828 = tpu.vector_load %arg21[%get3A_826, %get3A_827] {strides = array<i32>} : memref<3x80xi32, #tpu.memory_space<vmem>>, vector<16xi32>,
      %gather3A_829 = tpu.vector_load_idx %arg18[%get3A_828] : memref<10000xf32, #tpu.memory_space<vmem>>[vector<16xi32>], vector<16xf32>,
      %get3A_830 = arith.constant 2 : i32
      %get3A_831 = arith.index_cast %get3A_830 : i32 to index
      %get3A_832 = arith.constant 48 : index
      %get3A_833 = tpu.vector_load %arg21[%get3A_831, %get3A_832] {strides = array<i32>} : memref<3x80xi32, #tpu.memory_space<vmem>>, vector<16xi32>,
      %gather3A_834 = tpu.vector_load_idx %arg19[%get3A_833] : memref<1000xf32, #tpu.memory_space<vmem>>[vector<16xi32>], vector<16xf32>,
      %get3A_835 = arith.constant 0 : i32
      %get3A_836 = arith.index_cast %get3A_835 : i32 to index
      %get3A_837 = arith.constant 48 : index
      %get3A_838 = tpu.vector_load %arg21[%get3A_836, %get3A_837] {strides = array<i32>} : memref<3x80xi32, #tpu.memory_space<vmem>>, vector<16xi32>,
      %gather3A_839 = tpu.vector_load_idx %arg20[%get3A_838] : memref<10240xf32, #tpu.memory_space<vmem>>[vector<16xi32>], vector<16xf32>,
      %add3A_840 = arith.addf %gather3A_834, %gather3A_829 : vector<16xf32>
      %exp3A_841 = math.exp %add3A_840 : vector<16xf32>
      %add3A_842 = arith.constant 1.000000e-16 : f32
      %add3A_843 = vector.broadcast %add3A_842 : f32 to vector<16xf32>
      %add3A_844 = arith.addf %gather3A_839, %add3A_843 : vector<16xf32>
      %div3A_845 = arith.divf %exp3A_841, %add3A_844 : vector<16xf32>
      %swap3A_846 = arith.constant 48 : index
      %swap3A_847 = tpu.vector_load %arg22[%swap3A_846] {strides = array<i32>} : memref<80xf32, #tpu.memory_space<vmem>>, vector<16xf32>,
      tpu.vector_store %arg22[%swap3A_846], %div3A_845 {strides = array<i32>} : memref<80xf32, #tpu.memory_space<vmem>>, vector<16xf32>,
      %get3A_848 = arith.constant 1 : i32
      %get3A_849 = arith.index_cast %get3A_848 : i32 to index
      %get3A_850 = arith.constant 64 : index
      %get3A_851 = tpu.vector_load %arg21[%get3A_849, %get3A_850] {strides = array<i32>} : memref<3x80xi32, #tpu.memory_space<vmem>>, vector<16xi32>,
      %gather3A_852 = tpu.vector_load_idx %arg18[%get3A_851] : memref<10000xf32, #tpu.memory_space<vmem>>[vector<16xi32>], vector<16xf32>,
      %get3A_853 = arith.constant 2 : i32
      %get3A_854 = arith.index_cast %get3A_853 : i32 to index
      %get3A_855 = arith.constant 64 : index
      %get3A_856 = tpu.vector_load %arg21[%get3A_854, %get3A_855] {strides = array<i32>} : memref<3x80xi32, #tpu.memory_space<vmem>>, vector<16xi32>,
      %gather3A_857 = tpu.vector_load_idx %arg19[%get3A_856] : memref<1000xf32, #tpu.memory_space<vmem>>[vector<16xi32>], vector<16xf32>,
      %get3A_858 = arith.constant 0 : i32
      %get3A_859 = arith.index_cast %get3A_858 : i32 to index
      %get3A_860 = arith.constant 64 : index
      %get3A_861 = tpu.vector_load %arg21[%get3A_859, %get3A_860] {strides = array<i32>} : memref<3x80xi32, #tpu.memory_space<vmem>>, vector<16xi32>,
      %gather3A_862 = tpu.vector_load_idx %arg20[%get3A_861] : memref<10240xf32, #tpu.memory_space<vmem>>[vector<16xi32>], vector<16xf32>,
      %add3A_863 = arith.addf %gather3A_857, %gather3A_852 : vector<16xf32>
      %exp3A_864 = math.exp %add3A_863 : vector<16xf32>
      %add3A_865 = arith.constant 1.000000e-16 : f32
      %add3A_866 = vector.broadcast %add3A_865 : f32 to vector<16xf32>
      %add3A_867 = arith.addf %gather3A_862, %add3A_866 : vector<16xf32>
      %div3A_868 = arith.divf %exp3A_864, %add3A_867 : vector<16xf32>
      %swap3A_869 = arith.constant 64 : index
      %swap3A_870 = tpu.vector_load %arg22[%swap3A_869] {strides = array<i32>} : memref<80xf32, #tpu.memory_space<vmem>>, vector<16xf32>,
      tpu.vector_store %arg22[%swap3A_869], %div3A_868 {strides = array<i32>} : memref<80xf32, #tpu.memory_space<vmem>>, vector<16xf32>,
      %eq3A_871 = arith.constant 0 : i32
      %eq3A_872 = arith.cmpi eq, %arg0, %eq3A_871 : i32
      %convert_element_type3A_873 = arith.extui %eq3A_872 : i1 to i32
      %cond3A_874 = arith.constant 0 : i32
      %cond3A_875 = arith.cmpi ne, %convert_element_type3A_873, %cond3A_874 : i32
      scf.if %cond3A_875 {
        %dma_start3A_894 = arith.constant 1 : i32
        %dma_start3A_895 = arith.constant 0 : i32
        %dma_start3A_896 = tpu.memref_slice %arg21[%dma_start3A_894, %dma_start3A_895] : memref<3x80xi32, #tpu.memory_space<vmem>> -> memref<1x80xi32, #tpu.memory_space<vmem>>
        %dma_start3A_897 = tpu.memref_squeeze %dma_start3A_896 : memref<1x80xi32, #tpu.memory_space<vmem>> -> memref<80xi32, #tpu.memory_space<vmem>>
        %dma_start3A_898 = arith.constant 0 : i32
        %dma_start3A_899 = arith.constant 0 : i32
        %dma_start3A_900 = tpu.memref_slice %arg6[%dma_start3A_898, %dma_start3A_899] : memref<10000x128xf32, #tpu.memory_space<hbm>> -> memref<10000x128xf32, #tpu.memory_space<hbm>>
        tpu.enqueue_indirect_dma source(%dma_start3A_900 : memref<10000x128xf32, #tpu.memory_space<hbm>>) target(%arg23 : memref<80x128xf32, #tpu.memory_space<vmem>>) offsets(%dma_start3A_897 : memref<80xi32, #tpu.memory_space<vmem>>) semaphore(%arg24 : memref<!tpu.dma_semaphore, #tpu.memory_space<semaphore_mem>>)
      } else {
      }
      %eq3A_876 = arith.constant 1 : i32
      %eq3A_877 = arith.cmpi eq, %arg0, %eq3A_876 : i32
      %convert_element_type3A_878 = arith.extui %eq3A_877 : i1 to i32
      %cond3A_879 = arith.constant 0 : i32
      %cond3A_880 = arith.cmpi ne, %convert_element_type3A_878, %cond3A_879 : i32
      scf.if %cond3A_880 {
        %dma_start3A_894 = arith.constant 2 : i32
        %dma_start3A_895 = arith.constant 0 : i32
        %dma_start3A_896 = tpu.memref_slice %arg21[%dma_start3A_894, %dma_start3A_895] : memref<3x80xi32, #tpu.memory_space<vmem>> -> memref<1x80xi32, #tpu.memory_space<vmem>>
        %dma_start3A_897 = tpu.memref_squeeze %dma_start3A_896 : memref<1x80xi32, #tpu.memory_space<vmem>> -> memref<80xi32, #tpu.memory_space<vmem>>
        %dma_start3A_898 = arith.constant 0 : i32
        %dma_start3A_899 = arith.constant 0 : i32
        %dma_start3A_900 = tpu.memref_slice %arg8[%dma_start3A_898, %dma_start3A_899] : memref<1000x128xf32, #tpu.memory_space<hbm>> -> memref<1000x128xf32, #tpu.memory_space<hbm>>
        tpu.enqueue_indirect_dma source(%dma_start3A_900 : memref<1000x128xf32, #tpu.memory_space<hbm>>) target(%arg23 : memref<80x128xf32, #tpu.memory_space<vmem>>) offsets(%dma_start3A_897 : memref<80xi32, #tpu.memory_space<vmem>>) semaphore(%arg24 : memref<!tpu.dma_semaphore, #tpu.memory_space<semaphore_mem>>)
      } else {
      }
      %dma_wait3A_881 = arith.constant 0 : i32
      %dma_wait3A_882 = arith.constant 0 : i32
      %dma_wait3A_883 = tpu.memref_slice %arg25[%dma_wait3A_881, %dma_wait3A_882] : memref<3x80xi32, #tpu.memory_space<vmem>> -> memref<1x80xi32, #tpu.memory_space<vmem>>
      %dma_wait3A_884 = tpu.memref_squeeze %dma_wait3A_883 : memref<1x80xi32, #tpu.memory_space<vmem>> -> memref<80xi32, #tpu.memory_space<vmem>>
      %dma_wait3A_885 = arith.constant 0 : i32
      %dma_wait3A_886 = arith.constant 0 : i32
      %dma_wait3A_887 = tpu.memref_slice %arg16[%dma_wait3A_885, %dma_wait3A_886] : memref<10240x128xf32, #tpu.memory_space<vmem_shared>> -> memref<10240x128xf32, #tpu.memory_space<vmem_shared>>
      tpu.wait_indirect_dma semaphore(%arg30 : memref<!tpu.dma_semaphore, #tpu.memory_space<semaphore_mem>>) src(%arg27 : memref<80x128xf32, #tpu.memory_space<vmem>>) dst(%dma_wait3A_887 : memref<10240x128xf32, #tpu.memory_space<vmem_shared>>)
      %add3A_888 = arith.constant 3 : i32
      %add3A_889 = arith.addi %mul3A_703, %add3A_888 : i32
      %lt3A = arith.constant 125 : i32
      %lt3A_890 = arith.cmpi slt, %add3A_889, %lt3A : i32
      %convert_element_type3A_891 = arith.extui %lt3A_890 : i1 to i32
      %cond3A_892 = arith.constant 0 : i32
      %cond3A_893 = arith.cmpi ne, %convert_element_type3A_891, %cond3A_892 : i32
      scf.if %cond3A_893 {
        %add3A_894 = arith.constant 3 : i32
        %add3A_895 = arith.addi %mul3A_703, %add3A_894 : i32
        %mul3A_896 = arith.constant 125 : i32
        %mul3A_897 = arith.muli %arg1, %mul3A_896 : i32
        %add3A_898 = arith.addi %mul3A_897, %add3A_895 : i32
        "tpu.region"() ({
          %run_scoped3A = tpu.sem_alloc : memref<!tpu.dma_semaphore, #tpu.memory_space<semaphore_mem>>
          %dma_start3A_1024 = arith.constant 0 : i32
          %dma_start3A_1025 = arith.constant 0 : i32
          %dma_start3A_1026 = tpu.memref_slice %arg2[%add3A_898, %dma_start3A_1024, %dma_start3A_1025] : memref<2000x3x80xi32, #tpu.memory_space<hbm>> -> memref<1x3x80xi32, #tpu.memory_space<hbm>>
          %dma_start3A_1027 = tpu.memref_squeeze %dma_start3A_1026 : memref<1x3x80xi32, #tpu.memory_space<hbm>> -> memref<3x80xi32, #tpu.memory_space<hbm>>
          %dma_start3A_1028 = arith.constant 0 : i32
          %dma_start3A_1029 = arith.constant 0 : i32
          %dma_start3A_1030 = tpu.memref_slice %arg2[%add3A_898, %dma_start3A_1028, %dma_start3A_1029] : memref<2000x3x80xi32, #tpu.memory_space<hbm>> -> memref<1x3x80xi32, #tpu.memory_space<hbm>>
          %dma_start3A_1031 = tpu.memref_squeeze %dma_start3A_1030 : memref<1x3x80xi32, #tpu.memory_space<hbm>> -> memref<3x80xi32, #tpu.memory_space<hbm>>
          tpu.enqueue_dma source(%dma_start3A_1031 : memref<3x80xi32, #tpu.memory_space<hbm>>) target(%arg25 : memref<3x80xi32, #tpu.memory_space<vmem>>) target_semaphore(%run_scoped3A : memref<!tpu.dma_semaphore, #tpu.memory_space<semaphore_mem>>)
          %dma_wait3A_1032 = arith.constant 0 : i32
          %dma_wait3A_1033 = arith.constant 0 : i32
          %dma_wait3A_1034 = tpu.memref_slice %arg2[%add3A_898, %dma_wait3A_1032, %dma_wait3A_1033] : memref<2000x3x80xi32, #tpu.memory_space<hbm>> -> memref<1x3x80xi32, #tpu.memory_space<hbm>>
          %dma_wait3A_1035 = tpu.memref_squeeze %dma_wait3A_1034 : memref<1x3x80xi32, #tpu.memory_space<hbm>> -> memref<3x80xi32, #tpu.memory_space<hbm>>
          %dma_wait3A_1036 = arith.constant 0 : i32
          %dma_wait3A_1037 = arith.constant 0 : i32
          %dma_wait3A_1038 = tpu.memref_slice %arg2[%add3A_898, %dma_wait3A_1036, %dma_wait3A_1037] : memref<2000x3x80xi32, #tpu.memory_space<hbm>> -> memref<1x3x80xi32, #tpu.memory_space<hbm>>
          %dma_wait3A_1039 = tpu.memref_squeeze %dma_wait3A_1038 : memref<1x3x80xi32, #tpu.memory_space<hbm>> -> memref<3x80xi32, #tpu.memory_space<hbm>>
          tpu.wait_dma2 semaphore(%run_scoped3A : memref<!tpu.dma_semaphore, #tpu.memory_space<semaphore_mem>>) src(%dma_wait3A_1039 : memref<3x80xi32, #tpu.memory_space<hbm>>) dst(%arg25 : memref<3x80xi32, #tpu.memory_space<vmem>>)
          tpu.yield
        }) : () -> ()
        %get3A_899 = arith.constant 1 : i32
        %get3A_900 = arith.index_cast %get3A_899 : i32 to index
        %get3A_901 = arith.constant 0 : index
        %get3A_902 = tpu.vector_load %arg25[%get3A_900, %get3A_901] {strides = array<i32>} : memref<3x80xi32, #tpu.memory_space<vmem>>, vector<16xi32>,
        %gather3A_903 = tpu.vector_load_idx %arg18[%get3A_902] : memref<10000xf32, #tpu.memory_space<vmem>>[vector<16xi32>], vector<16xf32>,
        %get3A_904 = arith.constant 2 : i32
        %get3A_905 = arith.index_cast %get3A_904 : i32 to index
        %get3A_906 = arith.constant 0 : index
        %get3A_907 = tpu.vector_load %arg25[%get3A_905, %get3A_906] {strides = array<i32>} : memref<3x80xi32, #tpu.memory_space<vmem>>, vector<16xi32>,
        %gather3A_908 = tpu.vector_load_idx %arg19[%get3A_907] : memref<1000xf32, #tpu.memory_space<vmem>>[vector<16xi32>], vector<16xf32>,
        %get3A_909 = arith.constant 0 : i32
        %get3A_910 = arith.index_cast %get3A_909 : i32 to index
        %get3A_911 = arith.constant 0 : index
        %get3A_912 = tpu.vector_load %arg25[%get3A_910, %get3A_911] {strides = array<i32>} : memref<3x80xi32, #tpu.memory_space<vmem>>, vector<16xi32>,
        %gather3A_913 = tpu.vector_load_idx %arg20[%get3A_912] : memref<10240xf32, #tpu.memory_space<vmem>>[vector<16xi32>], vector<16xf32>,
        %add3A_914 = arith.addf %gather3A_908, %gather3A_903 : vector<16xf32>
        %exp3A_915 = math.exp %add3A_914 : vector<16xf32>
        %add3A_916 = arith.constant 1.000000e-16 : f32
        %add3A_917 = vector.broadcast %add3A_916 : f32 to vector<16xf32>
        %add3A_918 = arith.addf %gather3A_913, %add3A_917 : vector<16xf32>
        %div3A_919 = arith.divf %exp3A_915, %add3A_918 : vector<16xf32>
        %swap3A_920 = arith.constant 0 : index
        %swap3A_921 = tpu.vector_load %arg26[%swap3A_920] {strides = array<i32>} : memref<80xf32, #tpu.memory_space<vmem>>, vector<16xf32>,
        tpu.vector_store %arg26[%swap3A_920], %div3A_919 {strides = array<i32>} : memref<80xf32, #tpu.memory_space<vmem>>, vector<16xf32>,
        %get3A_922 = arith.constant 1 : i32
        %get3A_923 = arith.index_cast %get3A_922 : i32 to index
        %get3A_924 = arith.constant 16 : index
        %get3A_925 = tpu.vector_load %arg25[%get3A_923, %get3A_924] {strides = array<i32>} : memref<3x80xi32, #tpu.memory_space<vmem>>, vector<16xi32>,
        %gather3A_926 = tpu.vector_load_idx %arg18[%get3A_925] : memref<10000xf32, #tpu.memory_space<vmem>>[vector<16xi32>], vector<16xf32>,
        %get3A_927 = arith.constant 2 : i32
        %get3A_928 = arith.index_cast %get3A_927 : i32 to index
        %get3A_929 = arith.constant 16 : index
        %get3A_930 = tpu.vector_load %arg25[%get3A_928, %get3A_929] {strides = array<i32>} : memref<3x80xi32, #tpu.memory_space<vmem>>, vector<16xi32>,
        %gather3A_931 = tpu.vector_load_idx %arg19[%get3A_930] : memref<1000xf32, #tpu.memory_space<vmem>>[vector<16xi32>], vector<16xf32>,
        %get3A_932 = arith.constant 0 : i32
        %get3A_933 = arith.index_cast %get3A_932 : i32 to index
        %get3A_934 = arith.constant 16 : index
        %get3A_935 = tpu.vector_load %arg25[%get3A_933, %get3A_934] {strides = array<i32>} : memref<3x80xi32, #tpu.memory_space<vmem>>, vector<16xi32>,
        %gather3A_936 = tpu.vector_load_idx %arg20[%get3A_935] : memref<10240xf32, #tpu.memory_space<vmem>>[vector<16xi32>], vector<16xf32>,
        %add3A_937 = arith.addf %gather3A_931, %gather3A_926 : vector<16xf32>
        %exp3A_938 = math.exp %add3A_937 : vector<16xf32>
        %add3A_939 = arith.constant 1.000000e-16 : f32
        %add3A_940 = vector.broadcast %add3A_939 : f32 to vector<16xf32>
        %add3A_941 = arith.addf %gather3A_936, %add3A_940 : vector<16xf32>
        %div3A_942 = arith.divf %exp3A_938, %add3A_941 : vector<16xf32>
        %swap3A_943 = arith.constant 16 : index
        %swap3A_944 = tpu.vector_load %arg26[%swap3A_943] {strides = array<i32>} : memref<80xf32, #tpu.memory_space<vmem>>, vector<16xf32>,
        tpu.vector_store %arg26[%swap3A_943], %div3A_942 {strides = array<i32>} : memref<80xf32, #tpu.memory_space<vmem>>, vector<16xf32>,
        %get3A_945 = arith.constant 1 : i32
        %get3A_946 = arith.index_cast %get3A_945 : i32 to index
        %get3A_947 = arith.constant 32 : index
        %get3A_948 = tpu.vector_load %arg25[%get3A_946, %get3A_947] {strides = array<i32>} : memref<3x80xi32, #tpu.memory_space<vmem>>, vector<16xi32>,
        %gather3A_949 = tpu.vector_load_idx %arg18[%get3A_948] : memref<10000xf32, #tpu.memory_space<vmem>>[vector<16xi32>], vector<16xf32>,
        %get3A_950 = arith.constant 2 : i32
        %get3A_951 = arith.index_cast %get3A_950 : i32 to index
        %get3A_952 = arith.constant 32 : index
        %get3A_953 = tpu.vector_load %arg25[%get3A_951, %get3A_952] {strides = array<i32>} : memref<3x80xi32, #tpu.memory_space<vmem>>, vector<16xi32>,
        %gather3A_954 = tpu.vector_load_idx %arg19[%get3A_953] : memref<1000xf32, #tpu.memory_space<vmem>>[vector<16xi32>], vector<16xf32>,
        %get3A_955 = arith.constant 0 : i32
        %get3A_956 = arith.index_cast %get3A_955 : i32 to index
        %get3A_957 = arith.constant 32 : index
        %get3A_958 = tpu.vector_load %arg25[%get3A_956, %get3A_957] {strides = array<i32>} : memref<3x80xi32, #tpu.memory_space<vmem>>, vector<16xi32>,
        %gather3A_959 = tpu.vector_load_idx %arg20[%get3A_958] : memref<10240xf32, #tpu.memory_space<vmem>>[vector<16xi32>], vector<16xf32>,
        %add3A_960 = arith.addf %gather3A_954, %gather3A_949 : vector<16xf32>
        %exp3A_961 = math.exp %add3A_960 : vector<16xf32>
        %add3A_962 = arith.constant 1.000000e-16 : f32
        %add3A_963 = vector.broadcast %add3A_962 : f32 to vector<16xf32>
        %add3A_964 = arith.addf %gather3A_959, %add3A_963 : vector<16xf32>
        %div3A_965 = arith.divf %exp3A_961, %add3A_964 : vector<16xf32>
        %swap3A_966 = arith.constant 32 : index
        %swap3A_967 = tpu.vector_load %arg26[%swap3A_966] {strides = array<i32>} : memref<80xf32, #tpu.memory_space<vmem>>, vector<16xf32>,
        tpu.vector_store %arg26[%swap3A_966], %div3A_965 {strides = array<i32>} : memref<80xf32, #tpu.memory_space<vmem>>, vector<16xf32>,
        %get3A_968 = arith.constant 1 : i32
        %get3A_969 = arith.index_cast %get3A_968 : i32 to index
        %get3A_970 = arith.constant 48 : index
        %get3A_971 = tpu.vector_load %arg25[%get3A_969, %get3A_970] {strides = array<i32>} : memref<3x80xi32, #tpu.memory_space<vmem>>, vector<16xi32>,
        %gather3A_972 = tpu.vector_load_idx %arg18[%get3A_971] : memref<10000xf32, #tpu.memory_space<vmem>>[vector<16xi32>], vector<16xf32>,
        %get3A_973 = arith.constant 2 : i32
        %get3A_974 = arith.index_cast %get3A_973 : i32 to index
        %get3A_975 = arith.constant 48 : index
        %get3A_976 = tpu.vector_load %arg25[%get3A_974, %get3A_975] {strides = array<i32>} : memref<3x80xi32, #tpu.memory_space<vmem>>, vector<16xi32>,
        %gather3A_977 = tpu.vector_load_idx %arg19[%get3A_976] : memref<1000xf32, #tpu.memory_space<vmem>>[vector<16xi32>], vector<16xf32>,
        %get3A_978 = arith.constant 0 : i32
        %get3A_979 = arith.index_cast %get3A_978 : i32 to index
        %get3A_980 = arith.constant 48 : index
        %get3A_981 = tpu.vector_load %arg25[%get3A_979, %get3A_980] {strides = array<i32>} : memref<3x80xi32, #tpu.memory_space<vmem>>, vector<16xi32>,
        %gather3A_982 = tpu.vector_load_idx %arg20[%get3A_981] : memref<10240xf32, #tpu.memory_space<vmem>>[vector<16xi32>], vector<16xf32>,
        %add3A_983 = arith.addf %gather3A_977, %gather3A_972 : vector<16xf32>
        %exp3A_984 = math.exp %add3A_983 : vector<16xf32>
        %add3A_985 = arith.constant 1.000000e-16 : f32
        %add3A_986 = vector.broadcast %add3A_985 : f32 to vector<16xf32>
        %add3A_987 = arith.addf %gather3A_982, %add3A_986 : vector<16xf32>
        %div3A_988 = arith.divf %exp3A_984, %add3A_987 : vector<16xf32>
        %swap3A_989 = arith.constant 48 : index
        %swap3A_990 = tpu.vector_load %arg26[%swap3A_989] {strides = array<i32>} : memref<80xf32, #tpu.memory_space<vmem>>, vector<16xf32>,
        tpu.vector_store %arg26[%swap3A_989], %div3A_988 {strides = array<i32>} : memref<80xf32, #tpu.memory_space<vmem>>, vector<16xf32>,
        %get3A_991 = arith.constant 1 : i32
        %get3A_992 = arith.index_cast %get3A_991 : i32 to index
        %get3A_993 = arith.constant 64 : index
        %get3A_994 = tpu.vector_load %arg25[%get3A_992, %get3A_993] {strides = array<i32>} : memref<3x80xi32, #tpu.memory_space<vmem>>, vector<16xi32>,
        %gather3A_995 = tpu.vector_load_idx %arg18[%get3A_994] : memref<10000xf32, #tpu.memory_space<vmem>>[vector<16xi32>], vector<16xf32>,
        %get3A_996 = arith.constant 2 : i32
        %get3A_997 = arith.index_cast %get3A_996 : i32 to index
        %get3A_998 = arith.constant 64 : index
        %get3A_999 = tpu.vector_load %arg25[%get3A_997, %get3A_998] {strides = array<i32>} : memref<3x80xi32, #tpu.memory_space<vmem>>, vector<16xi32>,
        %gather3A_1000 = tpu.vector_load_idx %arg19[%get3A_999] : memref<1000xf32, #tpu.memory_space<vmem>>[vector<16xi32>], vector<16xf32>,
        %get3A_1001 = arith.constant 0 : i32
        %get3A_1002 = arith.index_cast %get3A_1001 : i32 to index
        %get3A_1003 = arith.constant 64 : index
        %get3A_1004 = tpu.vector_load %arg25[%get3A_1002, %get3A_1003] {strides = array<i32>} : memref<3x80xi32, #tpu.memory_space<vmem>>, vector<16xi32>,
        %gather3A_1005 = tpu.vector_load_idx %arg20[%get3A_1004] : memref<10240xf32, #tpu.memory_space<vmem>>[vector<16xi32>], vector<16xf32>,
        %add3A_1006 = arith.addf %gather3A_1000, %gather3A_995 : vector<16xf32>
        %exp3A_1007 = math.exp %add3A_1006 : vector<16xf32>
        %add3A_1008 = arith.constant 1.000000e-16 : f32
        %add3A_1009 = vector.broadcast %add3A_1008 : f32 to vector<16xf32>
        %add3A_1010 = arith.addf %gather3A_1005, %add3A_1009 : vector<16xf32>
        %div3A_1011 = arith.divf %exp3A_1007, %add3A_1010 : vector<16xf32>
        %swap3A_1012 = arith.constant 64 : index
        %swap3A_1013 = tpu.vector_load %arg26[%swap3A_1012] {strides = array<i32>} : memref<80xf32, #tpu.memory_space<vmem>>, vector<16xf32>,
        tpu.vector_store %arg26[%swap3A_1012], %div3A_1011 {strides = array<i32>} : memref<80xf32, #tpu.memory_space<vmem>>, vector<16xf32>,
        %eq3A_1014 = arith.constant 0 : i32
        %eq3A_1015 = arith.cmpi eq, %arg0, %eq3A_1014 : i32
        %convert_element_type3A_1016 = arith.extui %eq3A_1015 : i1 to i32
        %cond3A_1017 = arith.constant 0 : i32
        %cond3A_1018 = arith.cmpi ne, %convert_element_type3A_1016, %cond3A_1017 : i32
        scf.if %cond3A_1018 {
          %dma_start3A_1024 = arith.constant 1 : i32
          %dma_start3A_1025 = arith.constant 0 : i32
          %dma_start3A_1026 = tpu.memref_slice %arg25[%dma_start3A_1024, %dma_start3A_1025] : memref<3x80xi32, #tpu.memory_space<vmem>> -> memref<1x80xi32, #tpu.memory_space<vmem>>
          %dma_start3A_1027 = tpu.memref_squeeze %dma_start3A_1026 : memref<1x80xi32, #tpu.memory_space<vmem>> -> memref<80xi32, #tpu.memory_space<vmem>>
          %dma_start3A_1028 = arith.constant 0 : i32
          %dma_start3A_1029 = arith.constant 0 : i32
          %dma_start3A_1030 = tpu.memref_slice %arg6[%dma_start3A_1028, %dma_start3A_1029] : memref<10000x128xf32, #tpu.memory_space<hbm>> -> memref<10000x128xf32, #tpu.memory_space<hbm>>
          tpu.enqueue_indirect_dma source(%dma_start3A_1030 : memref<10000x128xf32, #tpu.memory_space<hbm>>) target(%arg27 : memref<80x128xf32, #tpu.memory_space<vmem>>) offsets(%dma_start3A_1027 : memref<80xi32, #tpu.memory_space<vmem>>) semaphore(%arg28 : memref<!tpu.dma_semaphore, #tpu.memory_space<semaphore_mem>>)
        } else {
        }
        %eq3A_1019 = arith.constant 1 : i32
        %eq3A_1020 = arith.cmpi eq, %arg0, %eq3A_1019 : i32
        %convert_element_type3A_1021 = arith.extui %eq3A_1020 : i1 to i32
        %cond3A_1022 = arith.constant 0 : i32
        %cond3A_1023 = arith.cmpi ne, %convert_element_type3A_1021, %cond3A_1022 : i32
        scf.if %cond3A_1023 {
          %dma_start3A_1024 = arith.constant 2 : i32
          %dma_start3A_1025 = arith.constant 0 : i32
          %dma_start3A_1026 = tpu.memref_slice %arg25[%dma_start3A_1024, %dma_start3A_1025] : memref<3x80xi32, #tpu.memory_space<vmem>> -> memref<1x80xi32, #tpu.memory_space<vmem>>
          %dma_start3A_1027 = tpu.memref_squeeze %dma_start3A_1026 : memref<1x80xi32, #tpu.memory_space<vmem>> -> memref<80xi32, #tpu.memory_space<vmem>>
          %dma_start3A_1028 = arith.constant 0 : i32
          %dma_start3A_1029 = arith.constant 0 : i32
          %dma_start3A_1030 = tpu.memref_slice %arg8[%dma_start3A_1028, %dma_start3A_1029] : memref<1000x128xf32, #tpu.memory_space<hbm>> -> memref<1000x128xf32, #tpu.memory_space<hbm>>
          tpu.enqueue_indirect_dma source(%dma_start3A_1030 : memref<1000x128xf32, #tpu.memory_space<hbm>>) target(%arg27 : memref<80x128xf32, #tpu.memory_space<vmem>>) offsets(%dma_start3A_1027 : memref<80xi32, #tpu.memory_space<vmem>>) semaphore(%arg28 : memref<!tpu.dma_semaphore, #tpu.memory_space<semaphore_mem>>)
        } else {
        }
      } else {
      }
    }
    %scan3A_660 = arith.constant 62 : i32
    %eq3A_661 = arith.constant 0 : i32
    %eq3A_662 = arith.cmpi eq, %arg0, %eq3A_661 : i32
    %convert_element_type3A_663 = arith.extui %eq3A_662 : i1 to i32
    %cond3A_664 = arith.constant 0 : i32
    %cond3A_665 = arith.cmpi ne, %convert_element_type3A_663, %cond3A_664 : i32
    scf.if %cond3A_665 {
      %dma_wait3A_701 = arith.constant 1 : i32
      %dma_wait3A_702 = arith.constant 0 : i32
      %dma_wait3A_703 = tpu.memref_slice %arg21[%dma_wait3A_701, %dma_wait3A_702] : memref<3x80xi32, #tpu.memory_space<vmem>> -> memref<1x80xi32, #tpu.memory_space<vmem>>
      %dma_wait3A_704 = tpu.memref_squeeze %dma_wait3A_703 : memref<1x80xi32, #tpu.memory_space<vmem>> -> memref<80xi32, #tpu.memory_space<vmem>>
      %dma_wait3A_705 = arith.constant 0 : i32
      %dma_wait3A_706 = arith.constant 0 : i32
      %dma_wait3A_707 = tpu.memref_slice %arg6[%dma_wait3A_705, %dma_wait3A_706] : memref<10000x128xf32, #tpu.memory_space<hbm>> -> memref<10000x128xf32, #tpu.memory_space<hbm>>
      tpu.wait_indirect_dma semaphore(%arg24 : memref<!tpu.dma_semaphore, #tpu.memory_space<semaphore_mem>>) src(%dma_wait3A_707 : memref<10000x128xf32, #tpu.memory_space<hbm>>) dst(%arg23 : memref<80x128xf32, #tpu.memory_space<vmem>>)
    } else {
    }
    %eq3A_666 = arith.constant 1 : i32
    %eq3A_667 = arith.cmpi eq, %arg0, %eq3A_666 : i32
    %convert_element_type3A_668 = arith.extui %eq3A_667 : i1 to i32
    %cond3A_669 = arith.constant 0 : i32
    %cond3A_670 = arith.cmpi ne, %convert_element_type3A_668, %cond3A_669 : i32
    scf.if %cond3A_670 {
      %dma_wait3A_701 = arith.constant 2 : i32
      %dma_wait3A_702 = arith.constant 0 : i32
      %dma_wait3A_703 = tpu.memref_slice %arg21[%dma_wait3A_701, %dma_wait3A_702] : memref<3x80xi32, #tpu.memory_space<vmem>> -> memref<1x80xi32, #tpu.memory_space<vmem>>
      %dma_wait3A_704 = tpu.memref_squeeze %dma_wait3A_703 : memref<1x80xi32, #tpu.memory_space<vmem>> -> memref<80xi32, #tpu.memory_space<vmem>>
      %dma_wait3A_705 = arith.constant 0 : i32
      %dma_wait3A_706 = arith.constant 0 : i32
      %dma_wait3A_707 = tpu.memref_slice %arg8[%dma_wait3A_705, %dma_wait3A_706] : memref<1000x128xf32, #tpu.memory_space<hbm>> -> memref<1000x128xf32, #tpu.memory_space<hbm>>
      tpu.wait_indirect_dma semaphore(%arg24 : memref<!tpu.dma_semaphore, #tpu.memory_space<semaphore_mem>>) src(%dma_wait3A_707 : memref<1000x128xf32, #tpu.memory_space<hbm>>) dst(%arg23 : memref<80x128xf32, #tpu.memory_space<vmem>>)
    } else {
    }
    %parallel_loop3A_671 = arith.constant 0 : i32
    %parallel_loop3A_672 = arith.constant 80 : i32
    %parallel_loop3A_673 = arith.constant 1 : i32
    scf.for %parallel_loop3A_701 = %parallel_loop3A_671 to %parallel_loop3A_672 step %parallel_loop3A_673  : i32 {
      %parallel_loop3A_702 = vector.broadcast %parallel_loop3A_701 : i32 to vector<16xi32>
      %parallel_loop3A_703 = tpu.vector_load_idx %arg22[%parallel_loop3A_702] : memref<80xf32, #tpu.memory_space<vmem>>[vector<16xi32>], vector<16xf32>,
      %parallel_loop3A_704 = arith.index_cast %parallel_loop3A_701 : i32 to index
      %parallel_loop3A_705 = arith.constant 0 : index
      %parallel_loop3A_706 = tpu.vector_load %arg23[%parallel_loop3A_704, %parallel_loop3A_705] {strides = array<i32>} : memref<80x128xf32, #tpu.memory_space<vmem>>, vector<16xf32>,
      %parallel_loop3A_707 = arith.mulf %parallel_loop3A_706, %parallel_loop3A_703 : vector<16xf32>
      %parallel_loop3A_708 = arith.index_cast %parallel_loop3A_701 : i32 to index
      %parallel_loop3A_709 = arith.constant 0 : index
      %parallel_loop3A_710 = tpu.vector_load %arg23[%parallel_loop3A_708, %parallel_loop3A_709] {strides = array<i32>} : memref<80x128xf32, #tpu.memory_space<vmem>>, vector<16xf32>,
      tpu.vector_store %arg23[%parallel_loop3A_708, %parallel_loop3A_709], %parallel_loop3A_707 {strides = array<i32>} : memref<80x128xf32, #tpu.memory_space<vmem>>, vector<16xf32>,
      %parallel_loop3A_711 = arith.index_cast %parallel_loop3A_701 : i32 to index
      %parallel_loop3A_712 = arith.constant 16 : index
      %parallel_loop3A_713 = tpu.vector_load %arg23[%parallel_loop3A_711, %parallel_loop3A_712] {strides = array<i32>} : memref<80x128xf32, #tpu.memory_space<vmem>>, vector<16xf32>,
      %parallel_loop3A_714 = arith.mulf %parallel_loop3A_713, %parallel_loop3A_703 : vector<16xf32>
      %parallel_loop3A_715 = arith.index_cast %parallel_loop3A_701 : i32 to index
      %parallel_loop3A_716 = arith.constant 16 : index
      %parallel_loop3A_717 = tpu.vector_load %arg23[%parallel_loop3A_715, %parallel_loop3A_716] {strides = array<i32>} : memref<80x128xf32, #tpu.memory_space<vmem>>, vector<16xf32>,
      tpu.vector_store %arg23[%parallel_loop3A_715, %parallel_loop3A_716], %parallel_loop3A_714 {strides = array<i32>} : memref<80x128xf32, #tpu.memory_space<vmem>>, vector<16xf32>,
      %parallel_loop3A_718 = arith.index_cast %parallel_loop3A_701 : i32 to index
      %parallel_loop3A_719 = arith.constant 32 : index
      %parallel_loop3A_720 = tpu.vector_load %arg23[%parallel_loop3A_718, %parallel_loop3A_719] {strides = array<i32>} : memref<80x128xf32, #tpu.memory_space<vmem>>, vector<16xf32>,
      %parallel_loop3A_721 = arith.mulf %parallel_loop3A_720, %parallel_loop3A_703 : vector<16xf32>
      %parallel_loop3A_722 = arith.index_cast %parallel_loop3A_701 : i32 to index
      %parallel_loop3A_723 = arith.constant 32 : index
      %parallel_loop3A_724 = tpu.vector_load %arg23[%parallel_loop3A_722, %parallel_loop3A_723] {strides = array<i32>} : memref<80x128xf32, #tpu.memory_space<vmem>>, vector<16xf32>,
      tpu.vector_store %arg23[%parallel_loop3A_722, %parallel_loop3A_723], %parallel_loop3A_721 {strides = array<i32>} : memref<80x128xf32, #tpu.memory_space<vmem>>, vector<16xf32>,
      %parallel_loop3A_725 = arith.index_cast %parallel_loop3A_701 : i32 to index
      %parallel_loop3A_726 = arith.constant 48 : index
      %parallel_loop3A_727 = tpu.vector_load %arg23[%parallel_loop3A_725, %parallel_loop3A_726] {strides = array<i32>} : memref<80x128xf32, #tpu.memory_space<vmem>>, vector<16xf32>,
      %parallel_loop3A_728 = arith.mulf %parallel_loop3A_727, %parallel_loop3A_703 : vector<16xf32>
      %parallel_loop3A_729 = arith.index_cast %parallel_loop3A_701 : i32 to index
      %parallel_loop3A_730 = arith.constant 48 : index
      %parallel_loop3A_731 = tpu.vector_load %arg23[%parallel_loop3A_729, %parallel_loop3A_730] {strides = array<i32>} : memref<80x128xf32, #tpu.memory_space<vmem>>, vector<16xf32>,
      tpu.vector_store %arg23[%parallel_loop3A_729, %parallel_loop3A_730], %parallel_loop3A_728 {strides = array<i32>} : memref<80x128xf32, #tpu.memory_space<vmem>>, vector<16xf32>,
      %parallel_loop3A_732 = arith.index_cast %parallel_loop3A_701 : i32 to index
      %parallel_loop3A_733 = arith.constant 64 : index
      %parallel_loop3A_734 = tpu.vector_load %arg23[%parallel_loop3A_732, %parallel_loop3A_733] {strides = array<i32>} : memref<80x128xf32, #tpu.memory_space<vmem>>, vector<16xf32>,
      %parallel_loop3A_735 = arith.mulf %parallel_loop3A_734, %parallel_loop3A_703 : vector<16xf32>
      %parallel_loop3A_736 = arith.index_cast %parallel_loop3A_701 : i32 to index
      %parallel_loop3A_737 = arith.constant 64 : index
      %parallel_loop3A_738 = tpu.vector_load %arg23[%parallel_loop3A_736, %parallel_loop3A_737] {strides = array<i32>} : memref<80x128xf32, #tpu.memory_space<vmem>>, vector<16xf32>,
      tpu.vector_store %arg23[%parallel_loop3A_736, %parallel_loop3A_737], %parallel_loop3A_735 {strides = array<i32>} : memref<80x128xf32, #tpu.memory_space<vmem>>, vector<16xf32>,
      %parallel_loop3A_739 = arith.index_cast %parallel_loop3A_701 : i32 to index
      %parallel_loop3A_740 = arith.constant 80 : index
      %parallel_loop3A_741 = tpu.vector_load %arg23[%parallel_loop3A_739, %parallel_loop3A_740] {strides = array<i32>} : memref<80x128xf32, #tpu.memory_space<vmem>>, vector<16xf32>,
      %parallel_loop3A_742 = arith.mulf %parallel_loop3A_741, %parallel_loop3A_703 : vector<16xf32>
      %parallel_loop3A_743 = arith.index_cast %parallel_loop3A_701 : i32 to index
      %parallel_loop3A_744 = arith.constant 80 : index
      %parallel_loop3A_745 = tpu.vector_load %arg23[%parallel_loop3A_743, %parallel_loop3A_744] {strides = array<i32>} : memref<80x128xf32, #tpu.memory_space<vmem>>, vector<16xf32>,
      tpu.vector_store %arg23[%parallel_loop3A_743, %parallel_loop3A_744], %parallel_loop3A_742 {strides = array<i32>} : memref<80x128xf32, #tpu.memory_space<vmem>>, vector<16xf32>,
      %parallel_loop3A_746 = arith.index_cast %parallel_loop3A_701 : i32 to index
      %parallel_loop3A_747 = arith.constant 96 : index
      %parallel_loop3A_748 = tpu.vector_load %arg23[%parallel_loop3A_746, %parallel_loop3A_747] {strides = array<i32>} : memref<80x128xf32, #tpu.memory_space<vmem>>, vector<16xf32>,
      %parallel_loop3A_749 = arith.mulf %parallel_loop3A_748, %parallel_loop3A_703 : vector<16xf32>
      %parallel_loop3A_750 = arith.index_cast %parallel_loop3A_701 : i32 to index
      %parallel_loop3A_751 = arith.constant 96 : index
      %parallel_loop3A_752 = tpu.vector_load %arg23[%parallel_loop3A_750, %parallel_loop3A_751] {strides = array<i32>} : memref<80x128xf32, #tpu.memory_space<vmem>>, vector<16xf32>,
      tpu.vector_store %arg23[%parallel_loop3A_750, %parallel_loop3A_751], %parallel_loop3A_749 {strides = array<i32>} : memref<80x128xf32, #tpu.memory_space<vmem>>, vector<16xf32>,
    } {sc.loop_unroll_factor = 4 : i64, sc.parallel_access}
    %dma_start3A_674 = arith.constant 0 : i32
    %dma_start3A_675 = arith.constant 0 : i32
    %dma_start3A_676 = tpu.memref_slice %arg21[%dma_start3A_674, %dma_start3A_675] : memref<3x80xi32, #tpu.memory_space<vmem>> -> memref<1x80xi32, #tpu.memory_space<vmem>>
    %dma_start3A_677 = tpu.memref_squeeze %dma_start3A_676 : memref<1x80xi32, #tpu.memory_space<vmem>> -> memref<80xi32, #tpu.memory_space<vmem>>
    %dma_start3A_678 = arith.constant 0 : i32
    %dma_start3A_679 = arith.constant 0 : i32
    %dma_start3A_680 = tpu.memref_slice %arg16[%dma_start3A_678, %dma_start3A_679] : memref<10240x128xf32, #tpu.memory_space<vmem_shared>> -> memref<10240x128xf32, #tpu.memory_space<vmem_shared>>
    tpu.enqueue_indirect_dma source(%arg23 : memref<80x128xf32, #tpu.memory_space<vmem>>) target(%dma_start3A_680 : memref<10240x128xf32, #tpu.memory_space<vmem_shared>>) offsets(%dma_start3A_677 : memref<80xi32, #tpu.memory_space<vmem>>) semaphore(%arg29 : memref<!tpu.dma_semaphore, #tpu.memory_space<semaphore_mem>>) {add = true}
    %dma_wait3A_681 = arith.constant 0 : i32
    %dma_wait3A_682 = arith.constant 0 : i32
    %dma_wait3A_683 = tpu.memref_slice %arg21[%dma_wait3A_681, %dma_wait3A_682] : memref<3x80xi32, #tpu.memory_space<vmem>> -> memref<1x80xi32, #tpu.memory_space<vmem>>
    %dma_wait3A_684 = tpu.memref_squeeze %dma_wait3A_683 : memref<1x80xi32, #tpu.memory_space<vmem>> -> memref<80xi32, #tpu.memory_space<vmem>>
    %dma_wait3A_685 = arith.constant 0 : i32
    %dma_wait3A_686 = arith.constant 0 : i32
    %dma_wait3A_687 = tpu.memref_slice %arg16[%dma_wait3A_685, %dma_wait3A_686] : memref<10240x128xf32, #tpu.memory_space<vmem_shared>> -> memref<10240x128xf32, #tpu.memory_space<vmem_shared>>
    tpu.wait_indirect_dma semaphore(%arg29 : memref<!tpu.dma_semaphore, #tpu.memory_space<semaphore_mem>>) src(%arg23 : memref<80x128xf32, #tpu.memory_space<vmem>>) dst(%dma_wait3A_687 : memref<10240x128xf32, #tpu.memory_space<vmem_shared>>)
    %barrier3A_688 = arith.constant 0 : index
    tpu.barrier barrier_id(%barrier3A_688)
    %mul3A_689 = arith.constant 640 : i32
    %mul3A_690 = arith.muli %arg1, %mul3A_689 : i32
    %eq3A_691 = arith.constant 0 : i32
    %eq3A_692 = arith.cmpi eq, %arg0, %eq3A_691 : i32
    %convert_element_type3A_693 = arith.extui %eq3A_692 : i1 to i32
    %cond3A_694 = arith.constant 0 : i32
    %cond3A_695 = arith.cmpi ne, %convert_element_type3A_693, %cond3A_694 : i32
    scf.if %cond3A_695 {
      "tpu.region"() ({
        %run_scoped3A = tpu.sem_alloc : memref<!tpu.dma_semaphore, #tpu.memory_space<semaphore_mem>>
        %dma_start3A_701 = arith.constant 0 : i32
        %dma_start3A_702 = tpu.memref_slice %arg12[%mul3A_690, %dma_start3A_701] : memref<10240x128xf32, #tpu.memory_space<hbm>> -> memref<640x128xf32, #tpu.memory_space<hbm>>
        %dma_start3A_703 = arith.constant 0 : i32
        %dma_start3A_704 = tpu.memref_slice %arg16[%mul3A_690, %dma_start3A_703] : memref<10240x128xf32, #tpu.memory_space<vmem_shared>> -> memref<640x128xf32, #tpu.memory_space<vmem_shared>>
        tpu.enqueue_dma source(%dma_start3A_704 : memref<640x128xf32, #tpu.memory_space<vmem_shared>>) target(%dma_start3A_702 : memref<640x128xf32, #tpu.memory_space<hbm>>) target_semaphore(%run_scoped3A : memref<!tpu.dma_semaphore, #tpu.memory_space<semaphore_mem>>)
        %dma_wait3A_705 = arith.constant 0 : i32
        %dma_wait3A_706 = tpu.memref_slice %arg12[%mul3A_690, %dma_wait3A_705] : memref<10240x128xf32, #tpu.memory_space<hbm>> -> memref<640x128xf32, #tpu.memory_space<hbm>>
        %dma_wait3A_707 = arith.constant 0 : i32
        %dma_wait3A_708 = tpu.memref_slice %arg16[%mul3A_690, %dma_wait3A_707] : memref<10240x128xf32, #tpu.memory_space<vmem_shared>> -> memref<640x128xf32, #tpu.memory_space<vmem_shared>>
        tpu.wait_dma2 semaphore(%run_scoped3A : memref<!tpu.dma_semaphore, #tpu.memory_space<semaphore_mem>>) src(%dma_wait3A_708 : memref<640x128xf32, #tpu.memory_space<vmem_shared>>) dst(%dma_wait3A_706 : memref<640x128xf32, #tpu.memory_space<hbm>>)
        tpu.yield
      }) : () -> ()
    } else {
    }
    %eq3A_696 = arith.constant 1 : i32
    %eq3A_697 = arith.cmpi eq, %arg0, %eq3A_696 : i32
    %convert_element_type3A_698 = arith.extui %eq3A_697 : i1 to i32
    %cond3A_699 = arith.constant 0 : i32
    %cond3A_700 = arith.cmpi ne, %convert_element_type3A_698, %cond3A_699 : i32
    scf.if %cond3A_700 {
      "tpu.region"() ({
        %run_scoped3A = tpu.sem_alloc : memref<!tpu.dma_semaphore, #tpu.memory_space<semaphore_mem>>
        %dma_start3A_701 = arith.constant 0 : i32
        %dma_start3A_702 = tpu.memref_slice %arg14[%mul3A_690, %dma_start3A_701] : memref<10240x128xf32, #tpu.memory_space<hbm>> -> memref<640x128xf32, #tpu.memory_space<hbm>>
        %dma_start3A_703 = arith.constant 0 : i32
        %dma_start3A_704 = tpu.memref_slice %arg16[%mul3A_690, %dma_start3A_703] : memref<10240x128xf32, #tpu.memory_space<vmem_shared>> -> memref<640x128xf32, #tpu.memory_space<vmem_shared>>
        tpu.enqueue_dma source(%dma_start3A_704 : memref<640x128xf32, #tpu.memory_space<vmem_shared>>) target(%dma_start3A_702 : memref<640x128xf32, #tpu.memory_space<hbm>>) target_semaphore(%run_scoped3A : memref<!tpu.dma_semaphore, #tpu.memory_space<semaphore_mem>>)
        %dma_wait3A_705 = arith.constant 0 : i32
        %dma_wait3A_706 = tpu.memref_slice %arg14[%mul3A_690, %dma_wait3A_705] : memref<10240x128xf32, #tpu.memory_space<hbm>> -> memref<640x128xf32, #tpu.memory_space<hbm>>
        %dma_wait3A_707 = arith.constant 0 : i32
        %dma_wait3A_708 = tpu.memref_slice %arg16[%mul3A_690, %dma_wait3A_707] : memref<10240x128xf32, #tpu.memory_space<vmem_shared>> -> memref<640x128xf32, #tpu.memory_space<vmem_shared>>
        tpu.wait_dma2 semaphore(%run_scoped3A : memref<!tpu.dma_semaphore, #tpu.memory_space<semaphore_mem>>) src(%dma_wait3A_708 : memref<640x128xf32, #tpu.memory_space<vmem_shared>>) dst(%dma_wait3A_706 : memref<640x128xf32, #tpu.memory_space<hbm>>)
        tpu.yield
      }) : () -> ()
    } else {
    }
    return
  }
}

module attributes {stable_mosaic.version = 14 : i64} {
  func.func @_prep_body(%arg0: memref<10000x300xf32, #tpu.memory_space<vmem>>, %arg1: memref<1000x100xf32, #tpu.memory_space<vmem>>, %arg2: memref<1x700xf32, #tpu.memory_space<vmem>>, %arg3: memref<10000x128xf32, #tpu.memory_space<vmem>>, %arg4: memref<10000x128xf32, #tpu.memory_space<vmem>>, %arg5: memref<10000x128xf32, #tpu.memory_space<vmem>>, %arg6: memref<1000x128xf32, #tpu.memory_space<vmem>>, %arg7: memref<10000x1xf32, #tpu.memory_space<vmem>>, %arg8: memref<1000x1xf32, #tpu.memory_space<vmem>>) attributes {dimension_semantics = [], scalar_prefetch = 0 : i64, scratch_operands = 0 : i64, tpu.core_type = #tpu.core_type<tc>} {
    %get3A = arith.constant 0 : index
    %get3A_0 = arith.constant 0 : index
    %get3A_1 = vector.load %arg0[%get3A, %get3A_0] : memref<10000x300xf32, #tpu.memory_space<vmem>>, vector<10000x300xf32>
    %ge3A = arith.constant 0.000000e+00 : f32
    %ge3A_2 = vector.broadcast %ge3A : f32 to vector<10000x300xf32>
    %ge3A_3 = arith.cmpf oge, %get3A_1, %ge3A_2 : vector<10000x300xf32>
    %mul3A = arith.constant 0.00999999977 : f32
    %mul3A_4 = vector.broadcast %mul3A : f32 to vector<10000x300xf32>
    %mul3A_5 = arith.mulf %mul3A_4, %get3A_1 : vector<10000x300xf32>
    %select_n3A = arith.select %ge3A_3, %get3A_1, %mul3A_5 : vector<10000x300xi1>, vector<10000x300xf32>
    %broadcast_in_dim3A = arith.constant 0.000000e+00 : f32
    %broadcast_in_dim3A_6 = vector.broadcast %broadcast_in_dim3A : f32 to vector<10000x28xf32>
    %slice3A = vector.extract_strided_slice %select_n3A {offsets = [0, 0], sizes = [10000, 100], strides = [1, 1]} : vector<10000x300xf32> to vector<10000x100xf32>
    %concatenate3A = tpu.concatenate %slice3A, %broadcast_in_dim3A_6 in 1 : vector<10000x100xf32>, vector<10000x28xf32> -> vector<10000x128xf32>
    %swap3A = arith.constant 0 : index
    %swap3A_7 = arith.constant 0 : index
    %swap3A_8 = vector.load %arg3[%swap3A, %swap3A_7] : memref<10000x128xf32, #tpu.memory_space<vmem>>, vector<10000x128xf32>
    tpu.vector_store %arg3[%swap3A, %swap3A_7], %concatenate3A {strides = array<i32>} : memref<10000x128xf32, #tpu.memory_space<vmem>>, vector<10000x128xf32>,
    %slice3A_9 = vector.extract_strided_slice %select_n3A {offsets = [0, 100], sizes = [10000, 100], strides = [1, 1]} : vector<10000x300xf32> to vector<10000x100xf32>
    %concatenate3A_10 = tpu.concatenate %slice3A_9, %broadcast_in_dim3A_6 in 1 : vector<10000x100xf32>, vector<10000x28xf32> -> vector<10000x128xf32>
    %swap3A_11 = arith.constant 0 : index
    %swap3A_12 = arith.constant 0 : index
    %swap3A_13 = vector.load %arg4[%swap3A_11, %swap3A_12] : memref<10000x128xf32, #tpu.memory_space<vmem>>, vector<10000x128xf32>
    tpu.vector_store %arg4[%swap3A_11, %swap3A_12], %concatenate3A_10 {strides = array<i32>} : memref<10000x128xf32, #tpu.memory_space<vmem>>, vector<10000x128xf32>,
    %slice3A_14 = vector.extract_strided_slice %select_n3A {offsets = [0, 200], sizes = [10000, 100], strides = [1, 1]} : vector<10000x300xf32> to vector<10000x100xf32>
    %concatenate3A_15 = tpu.concatenate %slice3A_14, %broadcast_in_dim3A_6 in 1 : vector<10000x100xf32>, vector<10000x28xf32> -> vector<10000x128xf32>
    %swap3A_16 = arith.constant 0 : index
    %swap3A_17 = arith.constant 0 : index
    %swap3A_18 = vector.load %arg5[%swap3A_16, %swap3A_17] : memref<10000x128xf32, #tpu.memory_space<vmem>>, vector<10000x128xf32>
    tpu.vector_store %arg5[%swap3A_16, %swap3A_17], %concatenate3A_15 {strides = array<i32>} : memref<10000x128xf32, #tpu.memory_space<vmem>>, vector<10000x128xf32>,
    %get3A_19 = arith.constant 0 : index
    %get3A_20 = arith.constant 0 : index
    %get3A_21 = vector.load %arg2[%get3A_19, %get3A_20] : memref<1x700xf32, #tpu.memory_space<vmem>>, vector<1x700xf32>
    %slice3A_22 = vector.extract_strided_slice %get3A_21 {offsets = [0, 400], sizes = [1, 300], strides = [1, 1]} : vector<1x700xf32> to vector<1x300xf32>
    %transpose3A = tpu.transpose %slice3A_22, [1, 0] : vector<1x300xf32> -> vector<300x1xf32>
    %dot_general3A = arith.constant dense<0.000000e+00> : vector<10000x1xf32>
    %dot_general3A_23 = tpu.matmul %select_n3A, %transpose3A, %dot_general3A {dimension_numbers = #tpu.dot_dimension_numbers<[1], [0], [0], [1], [0, 0, 1, 1], [], []>, transpose_lhs_hint = false} : vector<10000x300xf32>, vector<300x1xf32>, vector<10000x1xf32> -> vector<10000x1xf32>
    %reduce_max3A = vector.shape_cast %dot_general3A_23 : vector<10000x1xf32> to vector<1x10000x1xf32>
    %reduce_max3A_24 = arith.constant dense<0xFF800000> : vector<1xf32>
    %reduce_max3A_25 = vector.multi_reduction <maximumf>, %reduce_max3A, %reduce_max3A_24 [1, 2] : vector<1x10000x1xf32> to vector<1xf32>
    %reduce_max3A_26 = vector.shape_cast %reduce_max3A_25 : vector<1xf32> to vector<1x1x1xf32>
    %reduce_max3A_27 = vector.extract %reduce_max3A_26[0, 0, 0] : f32 from vector<1x1x1xf32>
    %sub3A = vector.broadcast %reduce_max3A_27 : f32 to vector<10000x1xf32>
    %sub3A_28 = arith.subf %dot_general3A_23, %sub3A : vector<10000x1xf32>
    %swap3A_29 = arith.constant 0 : index
    %swap3A_30 = arith.constant 0 : index
    %swap3A_31 = vector.load %arg7[%swap3A_29, %swap3A_30] : memref<10000x1xf32, #tpu.memory_space<vmem>>, vector<10000x1xf32>
    tpu.vector_store %arg7[%swap3A_29, %swap3A_30], %sub3A_28 {strides = array<i32>} : memref<10000x1xf32, #tpu.memory_space<vmem>>, vector<10000x1xf32>,
    %get3A_32 = arith.constant 0 : index
    %get3A_33 = arith.constant 0 : index
    %get3A_34 = vector.load %arg1[%get3A_32, %get3A_33] : memref<1000x100xf32, #tpu.memory_space<vmem>>, vector<1000x100xf32>
    %ge3A_35 = arith.constant 0.000000e+00 : f32
    %ge3A_36 = vector.broadcast %ge3A_35 : f32 to vector<1000x100xf32>
    %ge3A_37 = arith.cmpf oge, %get3A_34, %ge3A_36 : vector<1000x100xf32>
    %mul3A_38 = arith.constant 0.00999999977 : f32
    %mul3A_39 = vector.broadcast %mul3A_38 : f32 to vector<1000x100xf32>
    %mul3A_40 = arith.mulf %mul3A_39, %get3A_34 : vector<1000x100xf32>
    %select_n3A_41 = arith.select %ge3A_37, %get3A_34, %mul3A_40 : vector<1000x100xi1>, vector<1000x100xf32>
    %broadcast_in_dim3A_42 = arith.constant 0.000000e+00 : f32
    %broadcast_in_dim3A_43 = vector.broadcast %broadcast_in_dim3A_42 : f32 to vector<1000x28xf32>
    %concatenate3A_44 = tpu.concatenate %select_n3A_41, %broadcast_in_dim3A_43 in 1 : vector<1000x100xf32>, vector<1000x28xf32> -> vector<1000x128xf32>
    %swap3A_45 = arith.constant 0 : index
    %swap3A_46 = arith.constant 0 : index
    %swap3A_47 = vector.load %arg6[%swap3A_45, %swap3A_46] : memref<1000x128xf32, #tpu.memory_space<vmem>>, vector<1000x128xf32>
    tpu.vector_store %arg6[%swap3A_45, %swap3A_46], %concatenate3A_44 {strides = array<i32>} : memref<1000x128xf32, #tpu.memory_space<vmem>>, vector<1000x128xf32>,
    %slice3A_48 = vector.extract_strided_slice %get3A_21 {offsets = [0, 300], sizes = [1, 100], strides = [1, 1]} : vector<1x700xf32> to vector<1x100xf32>
    %transpose3A_49 = tpu.transpose %slice3A_48, [1, 0] : vector<1x100xf32> -> vector<100x1xf32>
    %dot_general3A_50 = arith.constant dense<0.000000e+00> : vector<1000x1xf32>
    %dot_general3A_51 = tpu.matmul %select_n3A_41, %transpose3A_49, %dot_general3A_50 {dimension_numbers = #tpu.dot_dimension_numbers<[1], [0], [0], [1], [0, 0, 1, 1], [], []>, transpose_lhs_hint = false} : vector<1000x100xf32>, vector<100x1xf32>, vector<1000x1xf32> -> vector<1000x1xf32>
    %reduce_max3A_52 = vector.shape_cast %dot_general3A_51 : vector<1000x1xf32> to vector<1x1000x1xf32>
    %reduce_max3A_53 = arith.constant dense<0xFF800000> : vector<1xf32>
    %reduce_max3A_54 = vector.multi_reduction <maximumf>, %reduce_max3A_52, %reduce_max3A_53 [1, 2] : vector<1x1000x1xf32> to vector<1xf32>
    %reduce_max3A_55 = vector.shape_cast %reduce_max3A_54 : vector<1xf32> to vector<1x1x1xf32>
    %reduce_max3A_56 = vector.extract %reduce_max3A_55[0, 0, 0] : f32 from vector<1x1x1xf32>
    %sub3A_57 = vector.broadcast %reduce_max3A_56 : f32 to vector<1000x1xf32>
    %sub3A_58 = arith.subf %dot_general3A_51, %sub3A_57 : vector<1000x1xf32>
    %swap3A_59 = arith.constant 0 : index
    %swap3A_60 = arith.constant 0 : index
    %swap3A_61 = vector.load %arg8[%swap3A_59, %swap3A_60] : memref<1000x1xf32, #tpu.memory_space<vmem>>, vector<1000x1xf32>
    tpu.vector_store %arg8[%swap3A_59, %swap3A_60], %sub3A_58 {strides = array<i32>} : memref<1000x1xf32, #tpu.memory_space<vmem>>, vector<1000x1xf32>,
    return
  }
}

module attributes {stable_mosaic.version = 14 : i64} {
  func.func @_head_body(%arg0: memref<10000x128xf32, #tpu.memory_space<vmem>>, %arg1: memref<10000x128xf32, #tpu.memory_space<vmem>>, %arg2: memref<10000x128xf32, #tpu.memory_space<vmem>>, %arg3: memref<10000x1xf32, #tpu.memory_space<vmem>>, %arg4: memref<10000x300xf32, #tpu.memory_space<vmem>>) attributes {dimension_semantics = [], scalar_prefetch = 0 : i64, scratch_operands = 0 : i64, tpu.core_type = #tpu.core_type<tc>} {
    %get3A = arith.constant 0 : index
    %get3A_0 = arith.constant 0 : index
    %get3A_1 = vector.load %arg3[%get3A, %get3A_0] : memref<10000x1xf32, #tpu.memory_space<vmem>>, vector<10000x1xf32>
    %add3A = arith.constant 1.000000e-16 : f32
    %add3A_2 = vector.broadcast %add3A : f32 to vector<10000x1xf32>
    %add3A_3 = arith.addf %get3A_1, %add3A_2 : vector<10000x1xf32>
    %div3A = arith.divf %get3A_1, %add3A_3 : vector<10000x1xf32>
    %get3A_4 = arith.constant 0 : index
    %get3A_5 = arith.constant 0 : index
    %get3A_6 = vector.load %arg0[%get3A_4, %get3A_5] : memref<10000x128xf32, #tpu.memory_space<vmem>>, vector<10000x100xf32>
    %mul3A = vector.broadcast %div3A : vector<10000x1xf32> to vector<10000x100xf32>
    %mul3A_7 = arith.mulf %get3A_6, %mul3A : vector<10000x100xf32>
    %swap3A = arith.constant 0 : index
    %swap3A_8 = arith.constant 0 : index
    %swap3A_9 = vector.load %arg4[%swap3A, %swap3A_8] : memref<10000x300xf32, #tpu.memory_space<vmem>>, vector<10000x100xf32>
    tpu.vector_store %arg4[%swap3A, %swap3A_8], %mul3A_7 {strides = array<i32>} : memref<10000x300xf32, #tpu.memory_space<vmem>>, vector<10000x100xf32>,
    %get3A_10 = arith.constant 0 : index
    %get3A_11 = arith.constant 0 : index
    %get3A_12 = vector.load %arg1[%get3A_10, %get3A_11] : memref<10000x128xf32, #tpu.memory_space<vmem>>, vector<10000x100xf32>
    %mul3A_13 = vector.broadcast %div3A : vector<10000x1xf32> to vector<10000x100xf32>
    %mul3A_14 = arith.mulf %get3A_12, %mul3A_13 : vector<10000x100xf32>
    %swap3A_15 = arith.constant 0 : index
    %swap3A_16 = arith.constant 100 : index
    %swap3A_17 = vector.load %arg4[%swap3A_15, %swap3A_16] : memref<10000x300xf32, #tpu.memory_space<vmem>>, vector<10000x100xf32>
    tpu.vector_store %arg4[%swap3A_15, %swap3A_16], %mul3A_14 {strides = array<i32>} : memref<10000x300xf32, #tpu.memory_space<vmem>>, vector<10000x100xf32>,
    %get3A_18 = arith.constant 0 : index
    %get3A_19 = arith.constant 0 : index
    %get3A_20 = vector.load %arg2[%get3A_18, %get3A_19] : memref<10000x128xf32, #tpu.memory_space<vmem>>, vector<10000x100xf32>
    %mul3A_21 = vector.broadcast %div3A : vector<10000x1xf32> to vector<10000x100xf32>
    %mul3A_22 = arith.mulf %get3A_20, %mul3A_21 : vector<10000x100xf32>
    %swap3A_23 = arith.constant 0 : index
    %swap3A_24 = arith.constant 200 : index
    %swap3A_25 = vector.load %arg4[%swap3A_23, %swap3A_24] : memref<10000x300xf32, #tpu.memory_space<vmem>>, vector<10000x100xf32>
    tpu.vector_store %arg4[%swap3A_23, %swap3A_24], %mul3A_22 {strides = array<i32>} : memref<10000x300xf32, #tpu.memory_space<vmem>>, vector<10000x100xf32>,
    return
  }
}

</mosaic_0001>

<sc_bundles>
// kernel: kernel.5.cloned.1.call-start
scs
__scs_entry_jumppad:
0x0: {  	(pc) =	sbr.rel $0x88, $3  }
0x1: {  	(tag) =	ssettag $0x0;
	lr =	simm.s32 $0x1  }
0x2: {  	[smem:$0x3F9C] =	sst lr;
	_ =	strace $0xD0000000  }
0x3: {  	_ = 	snop  }
0x4: {  	_ = 	snop  }
0x5: {  	_ = 	snop  }
0x6: {  	_ = 	snop  }
0x7: {  	_ = 	snop  }
__scs_overlays_trampoline_lowered:
0x8: {  	[smem:$0x3FAB] =	sst s0  }
0x9: {  	[smem:$0x3FAC] =	sst s1  }
0xa: {  	[smem:$0x3FAD] =	sst s2  }
0xb: {  	[smem:$0x3FAE] =	sst s3  }
0xc: {  	[smem:$0x3FAF] =	sst s4  }
0xd: {  	[smem:$0x3FB0] =	sst s5  }
0xe: {  	[smem:$0x3FB1] =	sst s6  }
0xf: {  	[smem:$0x3FB2] =	sst s7  }
0x10: {  	[smem:$0x3FB3] =	sst s8  }
0x11: {  	[smem:$0x3FB4] =	sst s9;
	s0 =	simm.s32 @!p0 $0x0  }
0x12: {  	s1 =	sld [smem:$0x3F9A];
	s0 =	simm.s32 @p0 $0x1  }
0x13: {  	[smem:$0x3FB5] =	sst s0;
	s0 =	simm.s32 @!p1 $0x0  }
0x14: {  	s2 =	sld [smem:$0x3F99];
	s0 =	simm.s32 @p1 $0x1  }
0x15: {  	[smem:$0x3FB6] =	sst s0;
	s0 =	simm.s32 @!p2 $0x0  }
0x16: {  	s3 =	sld [smem:$0x3FDB];
	s0 =	simm.s32 @p2 $0x1  }
0x17: {  	s4 =	simm.s32 $0x1BF5;
	[smem:$0x3FB8] =	sst s0  }
0x18: {  	s0 =	sld [smem:$0x3F9B];
	_ =	swait.ge [sflag:s4], $0x0  }
0x19: {  	s7 =	sld [smem:$0x3F9C]  }
0x1a: {  	s8 =	sadd.s32 $0xFFFFE003, lr  }
0x1b: {  	s9 =	sadd.s32 $0xFFFFFEF7, lr;
	s5 =	simm.s32 $0xFFFFFFFF;
	p2 =	slt.u32 s8, $0xFFFFF086  }
0x1c: {  	p1 =	slt.u32 s9, $0xF7A;
	s5 =	simm.s32 @!p2 $0x0  }
0x1d: {  	s5 =	simm.s32 @p1 $0x1;
	p0 =	seq.s32 s7, s2  }
0x1e: {  	s7 =	smul.u32 @!p0 $0xF7A, s2;
	p2 =	seq.s32 @!p0 s5, $0x0  }
0x1f: {  	s9 =	smul.u32 $0xF7A, s1;
	s8 =	simm.s32 @!p0 $0x1BF5;
	p2 =	por !p2, p0  }
0x20: {  	[sflag:s8] =	ssyncset.s32 @!p0 $0xFFFFF086;
	s6 =	sadd.s32 @!p0 s3, s7;
	s7 =	simm.s32 @!p0 $0x108  }
0x21: {  	s3 =	sadd.s32 s3, s9;
	s6 =	sadd.s32 @!p0 $0x88, s6;
	s7 =	simm.s32 @p2 $0x1082  }
0x22: {  	[simem:s7], [sflag:s8] =	dma.local @!p0 [hbm:s6], $0xF7A  }
0x23: {  	s9 =	sor.u32 $0xD0000000, s2;
	s6 =	simm.s32 $0x108;
	_ =	swait.ge @!p0 [sflag:s8], $0x0  }
0x24: {  	s3 =	sadd.s32 $0x88, s3;
	s6 =	simm.s32 @!p1 $0x1082;
	[sflag:s4] =	ssyncset.s32 $0xFFFFF086  }
0x25: {  	[simem:s6], [sflag:s4] =	dma.local [hbm:s3], $0xF7A  }
0x26: {  	[smem:$0x3F9C] =	sst s1;
	(tag) =	ssettag s2;
	_ =	strace s9  }
0x27: {  	s1 =	sld [smem:$0x3FAC]  }
0x28: {  	s2 =	sld [smem:$0x3FAD]  }
0x29: {  	s4 =	sld [smem:$0x3FAF]  }
0x2a: {  	p0 =	seq.s32 s5, $0x0;
	s5 =	sld [smem:$0x3FB0]  }
0x2b: {  	s6 =	sld [smem:$0x3FB1]  }
0x2c: {  	s7 =	sld [smem:$0x3FB2]  }
0x2d: {  	s3 =	simm.s32 $0x108;
	s8 =	sld [smem:$0x3FB3]  }
0x2e: {  	s3 =	simm.s32 @!p0 $0x1082;
	s9 =	sld [smem:$0x3FB4]  }
0x2f: {  	lr =	sadd.s32 s0, s3;
	s0 =	sld [smem:$0x3FAB]  }
0x30: {  	s3 =	sld [smem:$0x3FAE]  }
0x31: {  	[smem:$0x3FB7] =	sst s10  }
0x32: {  	s10 =	sld [smem:$0x3FB5];
	_ =	sdelay $0x3  }
0x33: {  	p0 =	seq.s32 s10, $0x1;
	s10 =	sld [smem:$0x3FB7];
	_ =	sdelay $0x3  }
0x34: {  	[smem:$0x3FB7] =	sst s10  }
0x35: {  	s10 =	sld [smem:$0x3FB6];
	_ =	sdelay $0x3  }
0x36: {  	p1 =	seq.s32 s10, $0x1;
	s10 =	sld [smem:$0x3FB7];
	_ =	sdelay $0x3  }
0x37: {  	[smem:$0x3FB7] =	sst s10  }
0x38: {  	s10 =	sld [smem:$0x3FB8]  }
0x39: {  	_ = 	snop;
	(pc) =	sbr.ind lr, $3  }
0x3a: {  	_ = 	snop  }
0x3b: {  	_ = 	snop  }
0x3c: {  	p2 =	seq.s32 s10, $0x1;
	s10 =	sld [smem:$0x3FB7]  }
0x3d: {  	_ =	shalt  }
0x3e: {  	_ =	shalt  }
0x3f: {  	_ =	shalt  }
0x40: {  	_ =	shalt  }
0x41: {  	_ =	shalt  }
0x42: {  	_ =	shalt  }
0x43: {  	_ =	shalt  }
0x44: {  	_ =	shalt  }
0x45: {  	_ =	shalt  }
0x46: {  	_ =	shalt  }
0x47: {  	_ =	shalt  }
0x48: {  	_ =	shalt  }
0x49: {  	_ =	shalt  }
0x4a: {  	_ =	shalt  }
0x4b: {  	_ =	shalt  }
0x4c: {  	_ =	shalt  }
0x4d: {  	_ =	shalt  }
0x4e: {  	_ =	shalt  }
0x4f: {  	_ =	shalt  }
0x50: {  	_ =	shalt  }
0x51: {  	_ =	shalt  }
0x52: {  	_ =	shalt  }
0x53: {  	_ =	shalt  }
0x54: {  	_ =	shalt  }
0x55: {  	_ =	shalt  }
0x56: {  	_ =	shalt  }
0x57: {  	_ =	shalt  }
0x58: {  	_ =	shalt  }
0x59: {  	_ =	shalt  }
0x5a: {  	_ =	shalt  }
0x5b: {  	_ =	shalt  }
0x5c: {  	_ =	shalt  }
0x5d: {  	_ =	shalt  }
0x5e: {  	_ =	shalt  }
0x5f: {  	_ =	shalt  }
0x60: {  	_ =	shalt  }
0x61: {  	_ =	shalt  }
0x62: {  	_ =	shalt  }
0x63: {  	_ =	shalt  }
0x64: {  	_ =	shalt  }
0x65: {  	_ =	shalt  }
0x66: {  	_ =	shalt  }
0x67: {  	_ =	shalt  }
0x68: {  	_ =	shalt  }
0x69: {  	_ =	shalt  }
0x6a: {  	_ =	shalt  }
0x6b: {  	_ =	shalt  }
0x6c: {  	_ =	shalt  }
0x6d: {  	_ =	shalt  }
0x6e: {  	_ =	shalt  }
0x6f: {  	_ =	shalt  }
0x70: {  	_ =	shalt  }
0x71: {  	_ =	shalt  }
0x72: {  	_ =	shalt  }
0x73: {  	_ =	shalt  }
0x74: {  	_ =	shalt  }
0x75: {  	_ =	shalt  }
0x76: {  	_ =	shalt  }
0x77: {  	_ =	shalt  }
0x78: {  	_ =	shalt  }
0x79: {  	_ =	shalt  }
0x7a: {  	_ =	shalt  }
0x7b: {  	_ =	shalt  }
0x7c: {  	_ =	shalt  }
0x7d: {  	_ =	shalt  }
0x7e: {  	_ =	shalt  }
0x7f: {  	_ =	shalt  }
0x80: {  	_ =	shalt  }
0x81: {  	_ =	shalt  }
0x82: {  	_ =	shalt  }
0x83: {  	_ =	shalt  }
0x84: {  	_ =	shalt  }
0x85: {  	_ =	shalt  }
0x86: {  	_ =	shalt  }
0x87: {  	_ =	shalt  }
.Lfunc_end0:
.L_simem_size_0:
called_computation_lowered:
.L_overlay_start_0:
0x88: {  	s2 =	sld [smem:$0x3FD9]  }
0x89: {  	s3 =	sld [smem:$0x3FFE];
	_ =	sdelay $0x1  }
0x8a: {  	s1 =	srdreg.scid  }
0x8b: {  	s0 =	sand.u32 $0x1, s1  }
0x8c: {  	s17 =	sshll.u32 s0, $0xA;
	s2 =	sadd.s32 s3, s2  }
0x8d: {  	s2 =	sadd.s32 s2, s17  }
0x8e: {  	[smem:$0x3FC3] =	sst s2  }
0x8f: {  	_ = 	snop  }
0x90: {  	s2 =	sld [smem:$0x3FD0];
	(tm) =	ssettm $0x1  }
0x91: {  	s18 =	sld [smem:$0x3FFB];
	_ =	sdelay $0x3  }
0x92: {  	_ =	strace s18  }
0x93: {  	s3 =	sld [smem:$0x3FFC];
	_ =	sdelay $0x3  }
0x94: {  	_ =	strace s3  }
0x95: {  	s3 =	sld [smem:$0x3FFD];
	_ =	sdelay $0x3  }
0x96: {  	_ =	strace s3  }
0x97: {  	_ =	strace $0x8FFFFFFF  }
0x98: {  	s19 =	sld [smem:$0x3FDB];
	_ =	sdelay $0x1  }
0x99: {  	s4 =	simm.s32 $_scs_section_size  }
0x9a: {  	s5 =	simm.s32 $_size__tile_overlayer_lowered;
	s6 =	simm.s32 $_tile_overlayer_lowered  }
0x9b: {  	s22 =	simm.s32 $0x1BFF;
	s21 =	sshll.u32 s6, $0x1;
	s3 =	sadd.s32 s4, s19  }
0x9c: {  	s7 =	simm.s32 $0x0;
	s20 =	sshll.u32 s5, $0x1;
	s5 =	sadd.s32 s21, s3  }
0x9d: {  	[timem:s7], [sflag:s22] =	dma.local [hbm:s5], s20  }
0x9e: {  	_ =	swait.ge [sflag:s22], s20  }
0x9f: {  	s4 =	ssub.s32 $0x0, s20;
	[sflag:s22] =	ssyncset.done $0x0  }
0xa0: {  	[sflag:s22] =	ssyncadd.s32 s4;
	_ =	sdelay $0x1  }
0xa1: {  	s23 =	simm.s32 $0x1B8B  }
0xa2: {  	_ =	swait.ge [sflag:s23], $0x1  }
0xa3: {  	[sflag:s23] =	ssyncset.done $0x0  }
0xa4: {  	s25 =	simm.s32 $0x1B8E;
	s24 =	sld [smem:$0x3FFE];
	[sflag:s23] =	ssyncadd.s32 $0xFFFFFFFF  }
0xa5: {  	s26 =	simm.s32 $execute0_lowered;
	[smem:$0x3FD2] =	sst s25  }
0xa6: {  	s5 =	sshll.u32 s26, $0x1;
	_ =	strace $0x80000046;
	[dreg:$0x1] =	wrdreg $0xFFFFFFFF  }
0xa7: {  	s28 =	simm.s32 $_size_execute0_lowered;
	s3 =	sadd.s32 s3, s5;
	[dreg:$0x0] =	wrdreg $0x0  }
0xa8: {  	s5 =	sshll.u32 s28, $0x1;
	[dreg:$0x2] =	wrdreg s3  }
0xa9: {  	[dreg:$0x3] =	wrdreg s5  }
0xaa: {  	[dreg:$0x4] =	wrdreg $0xC0  }
0xab: {  	_ =	task [dreg:s7], $0x5FFFF  }
0xac: {  	[dreg:$0x1] =	wrdreg $0xFFFFFFFF  }
0xad: {  	[dreg:$0x0] =	wrdreg $0x60  }
0xae: {  	[dreg:$0x2] =	wrdreg s24  }
0xaf: {  	[dreg:$0x3] =	wrdreg s2  }
0xb0: {  	[dreg:$0x4] =	wrdreg $0x0  }
0xb1: {  	[dreg:$0x5] =	wrdreg $0x140000  }
0xb2: {  	[dreg:$0x6] =	wrdreg $0x9  }
0xb3: {  	_ =	task.clear_ibuf [dreg:s7], $0x7FFFF;
	_ =	strace $0x90000046  }
0xb4: {  	s29 =	simm.s32 $0x9;
	_ =	strace $0x80000048  }
0xb5: {  	_ =	swait.ge [sflag:s29], $0x1  }
0xb6: {  	[sflag:s29] =	ssyncadd.s32 $0xFFFFFFFF  }
0xb7: {  	_ =	strace $0x90000048  }
0xb8: {  	_ =	sfence  }
0xb9: {  	s30 =	sld [smem:$0x0];
	_ =	sdelay $0x2  }
0xba: {  	s31 =	sshll.u32 s1, $0xD;
	s1 =	sshrl.u32 s1, $0x2  }
0xbb: {  	s3 =	sand.u32 $0x4000, s31;
	s1 =	sadd.s32 s1, s30  }
0xbc: {  	s0 =	sor.u32 s3, s0;
	s1 =	sshll.u32 s1, $0x11  }
0xbd: {  	s0 =	sor.u32 s1, s0  }
0xbe: {  	s0 =	sadd.s32 $0x8F2B, s0  }
0xbf: {  	[sflag:s0] =	ssyncadd.remote.s32 $0x1  }
0xc0: {  	_ =	sfence.sel $0xFFFF  }
0xc1: {  	[dreg:$0x0] =	wrdreg $0xFFFFFFFF;
	(pc) =	sbr.abs _section_cstart, $3  }
0xc2: {  	[dreg:$0x1] =	wrdreg $0xFFFFFFFF  }
0xc3: {  	_ =	task.clear_ibuf [dreg:s7], $0x2FFFF;
	_ =	strace $0x9FFFFFFF  }
0xc4: {  	(tm) =	ssettm $0x7FFFFFFF  }
0xc5: {  	_ =	shalt  }
tec
execute0_lowered:
.L_overlay_start_1:
0x0: {  	(tag) =	ssettag $0x1  }
0x1: {  	s0 =	rddreg [dreg:$0x0]  }
0x2: {  	s5 =	rddreg [dreg:$0x1]  }
0x3: {  	s1 =	rddreg [dreg:$0x2]  }
0x4: {  	s2 =	rddreg [dreg:$0x3]  }
0x5: {  	s3 =	simm.s32 $0x0;
	s16 =	stileid.u32;
	s21 =	srdreg.scid  }
0x6: {  	s28 =	simm.s32 $0x16990;
	s29 =	simm.s32 $0x19578;
	s30 =	simm.s32 $0x50  }
0x7: {  	s31 =	simm.s32 $0x19668;
	[smem:$0x7FF] =	sst s3;
	s4 =	sadd.s32 $0x3400, s0  }
0x8: {  	s6 =	sadd.s32 $0x8B600, s0;
	s19 =	sadd.s32 $0x8BC00, s0;
	s9 =	sadd.s32 $0x12000, s0  }
0x9: {  	s23 =	sadd.s32 $0x39200, s0;
	s11 =	sadd.s32 $0x87600, s0;
	s8 =	smul.u32 $0x280, s16  }
0xa: {  	s20 =	sadd.s32 $0x8C400, s0;
	s7 =	sadd.s32 $0x8F200, s0;
	s18 =	smul.u32 $0x14000, s16  }
0xb: {  	s22 =	smul.u32 $0xEA6, s16;
	_ =	strace $0x80000047;
	[dreg:$0x5] =	wrdreg s6  }
0xc: {  	s10 =	sadd.s32 $0xB7200, s0;
	s25 =	smul.u32 $0x7530, s16;
	[dreg:$0x6] =	wrdreg s19  }
0xd: {  	s12 =	sadd.s32 $0xDF200, s0;
	s26 =	smul.u32 $0x7D, s16;
	[dreg:$0x9] =	wrdreg s20  }
0xe: {  	s19 =	sadd.s32 $0x60400, s0;
	s6 =	sand.u32 $0x1, s21;
	[dreg:$0x8] =	wrdreg s23  }
0xf: {  	s13 =	ssub.s32 $0x2, s6;
	s14 =	sshrl.u32 s8, $0x3;
	s24 =	sadd.s32 s18, s1  }
0x10: {  	p0 =	seq.s32 s6, $0x0;
	s21 =	sadd.s32 s8, s2;
	s16 =	sadd.s32 s4, s22  }
0x11: {  	s20 =	sshrl.u32 s25, $0x3;
	[dreg:$0x7] =	wrdreg s19;
	s8 =	simm.s32 $0x1  }
0x12: {  	s15 =	sshrl.u32 s13, $0x1;
	s0 =	sadd.s32 s14, s0;
	[dreg:$0xa] =	wrdreg s24  }
0x13: {  	s12 =	smov.u32 @p0 s7;
	s5 =	smov.u32 @p0 s10;
	s7 =	sadd.s32 s4, s20  }
0x14: {  	s24 =	sshrl.u32 s18, $0x3;
	s20 =	sadd.s32 $0x3, s26;
	s23 =	smov.u32 @p0 s19  }
0x15: {  	p0 =	sne.s32 s6, $0x0;
	s6 =	simm.s32 $0x2;
	s18 =	simm.s32 $0x196B8  }
0x16: {  	[dreg:$0xb] =	wrdreg s21;
	s13 =	ssub.s32 s13, s15;
	s17 =	sadd.s32 $0x8BE00, s0  }
0x17: {  	s0 =	sadd.s32 $0x8EC00, s0;
	s22 =	sadd.s32 $0x1E, s7;
	[dreg:$0xc] =	wrdreg s17  }
0x18: {  	s25 =	sadd.s32 s12, s24;
	s15 =	simm.s32 $0x1BFF8;
	[dreg:$0xd] =	wrdreg s0  }
0x19: {  	s7 =	simm.s32 $0x4;
	s12 =	simm.s32 $0x0;
	[dreg:$0xe] =	wrdreg s22  }
0x1a: {  	s17 =	sadd.s32 $0x2, s26;
	[dreg:$0xf] =	wrdreg s25;
	s0 =	sadd.s32 s5, s24  }
0x1b: {  	s26 =	smax.u32 s13, $0x1;
	s25 =	simm.s32 $0x14280;
	s5 =	simm.s32 $0x1BFA8  }
0x1c: {  	s13 =	simm.s32 $0x16D78;
	s24 =	simm.s32 $0x3;
	[dreg:$0x10] =	wrdreg s0  }
0x1d: {  	[dreg:$0x11] =	wrdreg s26;
	s26 =	simm.s32 $0x5;
	s0 =	simm.s32 $0x1BEB8  }
.LBB2_1:
0x1e: {  	[dreg:$0x12] =	wrdreg s12  }
0x1f: {  	s10 =	rddreg [dreg:$0x5]  }
0x20: {  	[tilespmem:s25], [sflag:$0x5] =	stream.linear.gather [hbm4b:s10+s3], $0x2710, $0x38;
	[tilespmem:$0x1E7F8] =	vst v63  }
0x21: {  	_ =	swait.ge [sflag:s26], $0x2710  }
0x22: {  	[sflag:s26] =	ssyncset.done $0x0  }
0x23: {  	s19 =	rddreg [dreg:$0x6];
	[sflag:s26] =	ssyncadd.s32 $0xFFFFD8F0  }
0x24: {  	[tilespmem:s28], [sflag:$0x5] =	stream.linear.gather [hbm4b:s19+s3], $0x3E8, $0x38;
	[tilespmem:$0x1E7F8] =	vst v63  }
0x25: {  	s22 =	stileid.u32;
	_ =	swait.ge [sflag:s26], $0x3E8  }
0x26: {  	s10 =	sshll.u32 s22, $0x6;
	s12 =	rddreg [dreg:$0xa]  }
0x27: {  	[sflag:s26] =	ssyncset.done $0x0;
	s22 =	rddreg [dreg:$0x9];
	s19 =	sshrl.u32 s12, $0x3  }
0x28: {  	s14 =	sor.u32 $0x1C05, s10;
	[sflag:s26] =	ssyncadd.s32 $0xFFFFFC18;
	[dreg:$0x14] =	wrdreg s19  }
0x29: {  	[spmem:s19], [sflag:s14] =	dma.local [hbm:s22], $0x2800  }
0x2a: {  	_ =	swait.ge [sflag:s26], $0x2800  }
0x2b: {  	[dreg:$0x13] =	wrdreg s14;
	[sflag:s26] =	ssyncset.done $0x0  }
0x2c: {  	s19 =	sshrl.u32 s21, $0x3;
	s22 =	rddreg [dreg:$0xc];
	[sflag:s26] =	ssyncadd.s32 $0xFFFFD800  }
0x2d: {  	[spmem:s19], [sflag:s14] =	dma.local [hbm:s22], $0x50  }
0x2e: {  	_ =	swait.ge [sflag:s26], $0x50  }
0x2f: {  	[sflag:s26] =	ssyncset.done $0x0  }
0x30: {  	[sflag:s26] =	ssyncadd.s32 $0xFFFFFFB0  }
0x31: {  	[bflag:$0x0] =	sbarrier.arrive $0xFFFF  }
0x32: {  	[tilespmem:s29], [sflag:$0x5] =	stream.linear.gather [hbm4b:s16+s3], $0xF0, $0x38;
	[tilespmem:$0x1E7F8] =	vst v63  }
0x33: {  	_ =	swait.ge [sflag:s26], $0xF0  }
0x34: {  	[sflag:s26] =	ssyncset.done $0x0  }
0x35: {  	[sflag:s26] =	ssyncadd.s32 $0xFFFFFF10  }
0x36: {  	v0 =	vld [tilespmem:$0x195C8]  }
0x37: {  	v1 =	vld [tilespmem:$0x19618];
	_ =	sdelay $0x6  }
0x38: {  	v0 =	vld.idx.msk [tilespmem:v0+s25+$0x0], $0xffff  }
0x39: {  	v1 =	vld.idx.msk [tilespmem:v1+s28+$0x0], $0xffff;
	_ =	sdelay $0x4  }
0x3a: {  	v0 =	vadd.f32 v1, v0;
	_ =	sdelay $0x1  }
0x3b: {  	v0 =	vmul.f32 $1.442695020e+00, v0;
	_ =	sdelay $0x1  }
0x3c: {  	(erf) = vpow2.f32 v0;
	_ =	sdelay $0x2  }
0x3d: {  	v25 =	vld [tilespmem:$0x195D8]  }
0x3e: {  	v26 =	vld [tilespmem:$0x19628];
	_ =	sdelay $0x4  }
0x3f: {  	v2 =	vpop (erf)  }
0x40: {  	[tilespmem:$0x19668] =	vst v2  }
0x41: {  	v0 =	vld.idx.msk [tilespmem:v25+s25+$0x0], $0xffff  }
0x42: {  	v1 =	vld.idx.msk [tilespmem:v26+s28+$0x0], $0xffff;
	_ =	sdelay $0x4  }
0x43: {  	v0 =	vadd.f32 v1, v0;
	_ =	sdelay $0x1  }
0x44: {  	v0 =	vmul.f32 $1.442695020e+00, v0;
	_ =	sdelay $0x1  }
0x45: {  	(erf) = vpow2.f32 v0;
	_ =	sdelay $0x2  }
0x46: {  	v27 =	vld [tilespmem:$0x195E8]  }
0x47: {  	v28 =	vld [tilespmem:$0x19638];
	_ =	sdelay $0x4  }
0x48: {  	v29 =	vpop (erf)  }
0x49: {  	[tilespmem:$0x19678] =	vst v29  }
0x4a: {  	v0 =	vld.idx.msk [tilespmem:v27+s25+$0x0], $0xffff  }
0x4b: {  	v1 =	vld.idx.msk [tilespmem:v28+s28+$0x0], $0xffff;
	_ =	sdelay $0x4  }
0x4c: {  	v0 =	vadd.f32 v1, v0;
	_ =	sdelay $0x1  }
0x4d: {  	v0 =	vmul.f32 $1.442695020e+00, v0;
	_ =	sdelay $0x1  }
0x4e: {  	(erf) = vpow2.f32 v0;
	_ =	sdelay $0x2  }
0x4f: {  	v30 =	vld [tilespmem:$0x195F8]  }
0x50: {  	v31 =	vld [tilespmem:$0x19648];
	_ =	sdelay $0x4  }
0x51: {  	v32 =	vpop (erf)  }
0x52: {  	[tilespmem:$0x19688] =	vst v32  }
0x53: {  	v0 =	vld.idx.msk [tilespmem:v30+s25+$0x0], $0xffff  }
0x54: {  	v1 =	vld.idx.msk [tilespmem:v31+s28+$0x0], $0xffff;
	_ =	sdelay $0x4  }
0x55: {  	v0 =	vadd.f32 v1, v0;
	_ =	sdelay $0x1  }
0x56: {  	v0 =	vmul.f32 $1.442695020e+00, v0;
	_ =	sdelay $0x1  }
0x57: {  	(erf) = vpow2.f32 v0;
	_ =	sdelay $0x2  }
0x58: {  	v33 =	vld [tilespmem:$0x19608]  }
0x59: {  	v34 =	vld [tilespmem:$0x19658];
	_ =	sdelay $0x4  }
0x5a: {  	v35 =	vpop (erf)  }
0x5b: {  	[tilespmem:$0x19698] =	vst v35  }
0x5c: {  	v0 =	vld.idx.msk [tilespmem:v33+s25+$0x0], $0xffff  }
0x5d: {  	v1 =	vld.idx.msk [tilespmem:v34+s28+$0x0], $0xffff;
	_ =	sdelay $0x4  }
0x5e: {  	v0 =	vadd.f32 v1, v0;
	_ =	sdelay $0x1  }
0x5f: {  	v0 =	vmul.f32 $1.442695020e+00, v0;
	_ =	sdelay $0x1  }
0x60: {  	(erf) = vpow2.f32 v0;
	_ =	sdelay $0x8  }
0x61: {  	v0 =	vpop (erf)  }
0x62: {  	s19 =	sadd.s32 $0xFFFFF178, s16;
	[tilespmem:$0x196A8] =	vst v0  }
0x63: {  	[spmem:s2] =	stream.indirect.scatter.add.f32 [tilespmem:s31], [sflag:$0x1], $0x1, s29, s30, $0xb8;
	[tilespmem:$0x1E7F8] =	vst v63  }
0x64: {  	s22 =	sadd.s32 $0xEA6, s19  }
0x65: {  	[tilespmem:s0], [sflag:$0x5] =	stream.linear.gather [hbm4b:s22+s3], $0xF0, $0x38;
	[tilespmem:$0x1E7F8] =	vst v63  }
0x66: {  	_ =	swait.ge [sflag:s26], $0xF0  }
0x67: {  	[sflag:s26] =	ssyncset.done $0x0  }
0x68: {  	[sflag:s26] =	ssyncadd.s32 $0xFFFFFF10  }
0x69: {  	v36 =	vld [tilespmem:$0x1BF08]  }
0x6a: {  	v37 =	vld [tilespmem:$0x1BF58];
	_ =	sdelay $0x6  }
0x6b: {  	v0 =	vld.idx.msk [tilespmem:v36+s25+$0x0], $0xffff  }
0x6c: {  	v1 =	vld.idx.msk [tilespmem:v37+s28+$0x0], $0xffff;
	_ =	sdelay $0x4  }
0x6d: {  	v0 =	vadd.f32 v1, v0;
	_ =	sdelay $0x1  }
0x6e: {  	v0 =	vmul.f32 $1.442695020e+00, v0;
	_ =	sdelay $0x1  }
0x6f: {  	(erf) = vpow2.f32 v0;
	_ =	sdelay $0x2  }
0x70: {  	v38 =	vld [tilespmem:$0x1BF18]  }
0x71: {  	v39 =	vld [tilespmem:$0x1BF68];
	_ =	sdelay $0x4  }
0x72: {  	v40 =	vpop (erf)  }
0x73: {  	[tilespmem:$0x1BFA8] =	vst v40  }
0x74: {  	v0 =	vld.idx.msk [tilespmem:v38+s25+$0x0], $0xffff  }
0x75: {  	v1 =	vld.idx.msk [tilespmem:v39+s28+$0x0], $0xffff;
	_ =	sdelay $0x4  }
0x76: {  	v0 =	vadd.f32 v1, v0;
	_ =	sdelay $0x1  }
0x77: {  	v0 =	vmul.f32 $1.442695020e+00, v0;
	_ =	sdelay $0x1  }
0x78: {  	(erf) = vpow2.f32 v0;
	_ =	sdelay $0x2  }
0x79: {  	v41 =	vld [tilespmem:$0x1BF28]  }
0x7a: {  	v42 =	vld [tilespmem:$0x1BF78];
	_ =	sdelay $0x4  }
0x7b: {  	v43 =	vpop (erf)  }
0x7c: {  	[tilespmem:$0x1BFB8] =	vst v43  }
0x7d: {  	v0 =	vld.idx.msk [tilespmem:v41+s25+$0x0], $0xffff  }
0x7e: {  	v1 =	vld.idx.msk [tilespmem:v42+s28+$0x0], $0xffff;
	_ =	sdelay $0x4  }
0x7f: {  	v0 =	vadd.f32 v1, v0;
	_ =	sdelay $0x1  }
0x80: {  	v0 =	vmul.f32 $1.442695020e+00, v0;
	_ =	sdelay $0x1  }
0x81: {  	(erf) = vpow2.f32 v0;
	_ =	sdelay $0x2  }
0x82: {  	v44 =	vld [tilespmem:$0x1BF38]  }
0x83: {  	v45 =	vld [tilespmem:$0x1BF88];
	_ =	sdelay $0x4  }
0x84: {  	v46 =	vpop (erf)  }
0x85: {  	[tilespmem:$0x1BFC8] =	vst v46  }
0x86: {  	v0 =	vld.idx.msk [tilespmem:v44+s25+$0x0], $0xffff  }
0x87: {  	v1 =	vld.idx.msk [tilespmem:v45+s28+$0x0], $0xffff;
	_ =	sdelay $0x4  }
0x88: {  	v0 =	vadd.f32 v1, v0;
	_ =	sdelay $0x1  }
0x89: {  	v0 =	vmul.f32 $1.442695020e+00, v0;
	_ =	sdelay $0x1  }
0x8a: {  	(erf) = vpow2.f32 v0;
	_ =	sdelay $0x2  }
0x8b: {  	v47 =	vld [tilespmem:$0x1BF48]  }
0x8c: {  	v48 =	vld [tilespmem:$0x1BF98];
	_ =	sdelay $0x4  }
0x8d: {  	v49 =	vpop (erf)  }
0x8e: {  	[tilespmem:$0x1BFD8] =	vst v49  }
0x8f: {  	v0 =	vld.idx.msk [tilespmem:v47+s25+$0x0], $0xffff  }
0x90: {  	v1 =	vld.idx.msk [tilespmem:v48+s28+$0x0], $0xffff;
	_ =	sdelay $0x4  }
0x91: {  	v0 =	vadd.f32 v1, v0;
	_ =	sdelay $0x1  }
0x92: {  	v0 =	vmul.f32 $1.442695020e+00, v0;
	_ =	sdelay $0x1  }
0x93: {  	(erf) = vpow2.f32 v0;
	_ =	sdelay $0x8  }
0x94: {  	v0 =	vpop (erf)  }
0x95: {  	[tilespmem:$0x1BFE8] =	vst v0  }
0x96: {  	_ =	swait.ge [sflag:s8], $0x50  }
0x97: {  	[sflag:s8] =	ssyncset.done $0x0  }
0x98: {  	[sflag:s8] =	ssyncadd.s32 $0xFFFFFFB0  }
0x99: {  	[spmem:s2] =	stream.indirect.scatter.add.f32 [tilespmem:s5], [sflag:$0x2], $0x1, s0, s30, $0xb8;
	[tilespmem:$0x1E7F8] =	vst v63  }
0x9a: {  	s10 =	sadd.s32 $0xEC4, s19  }
0x9b: {  	[tilespmem:s29], [sflag:$0x5] =	stream.linear.gather [hbm4b:s10+s3], $0xF0, $0x38;
	[tilespmem:$0x1E7F8] =	vst v63  }
0x9c: {  	_ =	swait.ge [sflag:s26], $0xF0  }
0x9d: {  	[sflag:s26] =	ssyncset.done $0x0  }
0x9e: {  	[sflag:s26] =	ssyncadd.s32 $0xFFFFFF10  }
0x9f: {  	v50 =	vld [tilespmem:$0x195C8]  }
0xa0: {  	v51 =	vld [tilespmem:$0x19618];
	_ =	sdelay $0x6  }
0xa1: {  	v0 =	vld.idx.msk [tilespmem:v50+s25+$0x0], $0xffff  }
0xa2: {  	v1 =	vld.idx.msk [tilespmem:v51+s28+$0x0], $0xffff;
	_ =	sdelay $0x4  }
0xa3: {  	v0 =	vadd.f32 v1, v0;
	_ =	sdelay $0x1  }
0xa4: {  	v0 =	vmul.f32 $1.442695020e+00, v0;
	_ =	sdelay $0x1  }
0xa5: {  	(erf) = vpow2.f32 v0;
	_ =	sdelay $0x2  }
0xa6: {  	v52 =	vld [tilespmem:$0x195D8]  }
0xa7: {  	v53 =	vld [tilespmem:$0x19628];
	_ =	sdelay $0x4  }
0xa8: {  	v54 =	vpop (erf)  }
0xa9: {  	[tilespmem:$0x19668] =	vst v54  }
0xaa: {  	v0 =	vld.idx.msk [tilespmem:v52+s25+$0x0], $0xffff  }
0xab: {  	v1 =	vld.idx.msk [tilespmem:v53+s28+$0x0], $0xffff;
	_ =	sdelay $0x4  }
0xac: {  	v0 =	vadd.f32 v1, v0;
	_ =	sdelay $0x1  }
0xad: {  	v0 =	vmul.f32 $1.442695020e+00, v0;
	_ =	sdelay $0x1  }
0xae: {  	(erf) = vpow2.f32 v0;
	_ =	sdelay $0x2  }
0xaf: {  	v55 =	vld [tilespmem:$0x195E8]  }
0xb0: {  	v56 =	vld [tilespmem:$0x19638];
	_ =	sdelay $0x4  }
0xb1: {  	v57 =	vpop (erf)  }
0xb2: {  	[tilespmem:$0x19678] =	vst v57  }
0xb3: {  	v0 =	vld.idx.msk [tilespmem:v55+s25+$0x0], $0xffff  }
0xb4: {  	v1 =	vld.idx.msk [tilespmem:v56+s28+$0x0], $0xffff;
	_ =	sdelay $0x4  }
0xb5: {  	v0 =	vadd.f32 v1, v0;
	_ =	sdelay $0x1  }
0xb6: {  	v0 =	vmul.f32 $1.442695020e+00, v0;
	_ =	sdelay $0x1  }
0xb7: {  	(erf) = vpow2.f32 v0;
	_ =	sdelay $0x2  }
0xb8: {  	v58 =	vld [tilespmem:$0x195F8]  }
0xb9: {  	v59 =	vld [tilespmem:$0x19648];
	_ =	sdelay $0x4  }
0xba: {  	v60 =	vpop (erf)  }
0xbb: {  	[tilespmem:$0x19688] =	vst v60  }
0xbc: {  	v0 =	vld.idx.msk [tilespmem:v58+s25+$0x0], $0xffff  }
0xbd: {  	v1 =	vld.idx.msk [tilespmem:v59+s28+$0x0], $0xffff;
	_ =	sdelay $0x4  }
0xbe: {  	v0 =	vadd.f32 v1, v0;
	_ =	sdelay $0x1  }
0xbf: {  	v0 =	vmul.f32 $1.442695020e+00, v0;
	_ =	sdelay $0x1  }
0xc0: {  	(erf) = vpow2.f32 v0;
	_ =	sdelay $0x2  }
0xc1: {  	v61 =	vld [tilespmem:$0x19608]  }
0xc2: {  	v62 =	vld [tilespmem:$0x19658];
	_ =	sdelay $0x4  }
0xc3: {  	v63 =	vpop (erf)  }
0xc4: {  	[tilespmem:$0x19698] =	vst v63  }
0xc5: {  	v0 =	vld.idx.msk [tilespmem:v61+s25+$0x0], $0xffff  }
0xc6: {  	v1 =	vld.idx.msk [tilespmem:v62+s28+$0x0], $0xffff;
	_ =	sdelay $0x4  }
0xc7: {  	v0 =	vadd.f32 v1, v0;
	_ =	sdelay $0x1  }
0xc8: {  	v0 =	vmul.f32 $1.442695020e+00, v0;
	_ =	sdelay $0x1  }
0xc9: {  	s14 =	simm.s32 $0xFFFFF1B4;
	(erf) = vpow2.f32 v0  }
.LBB2_2:
0xca: {  	_ =	sdelay $0x1  }
0xcb: {  	p1 =	sne.s32 s14, $0xFFFFFFC4;
	s10 =	smov.u32 s14;
	s14 =	sadd.s32 $0x3C, s14  }
0xcc: {  	_ =	sdelay $0x4  }
0xcd: {  	v0 =	vpop (erf)  }
0xce: {  	[tilespmem:$0x196A8] =	vst v0  }
0xcf: {  	_ =	swait.ge [sflag:s6], $0x50  }
0xd0: {  	[sflag:s6] =	ssyncset.done $0x0  }
0xd1: {  	s10 =	sadd.s32 s10, s16;
	[sflag:s6] =	ssyncadd.s32 $0xFFFFFFB0  }
0xd2: {  	[spmem:s2] =	stream.indirect.scatter.add.f32 [tilespmem:s31], [sflag:$0x1], $0x1, s29, s30, $0xb8;
	[tilespmem:$0x1E7F8] =	vst v63  }
0xd3: {  	s12 =	sadd.s32 $0xEA6, s10  }
0xd4: {  	[tilespmem:s0], [sflag:$0x5] =	stream.linear.gather [hbm4b:s12+s3], $0xF0, $0x38;
	[tilespmem:$0x1E7F8] =	vst v63  }
0xd5: {  	_ =	swait.ge [sflag:s26], $0xF0  }
0xd6: {  	[sflag:s26] =	ssyncset.done $0x0  }
0xd7: {  	[sflag:s26] =	ssyncadd.s32 $0xFFFFFF10  }
0xd8: {  	v0 =	vld [tilespmem:$0x1BF08]  }
0xd9: {  	v1 =	vld [tilespmem:$0x1BF58]  }
0xda: {  	v2 =	vld [tilespmem:$0x1BF18]  }
0xdb: {  	v3 =	vld [tilespmem:$0x1BF68]  }
0xdc: {  	v4 =	vld [tilespmem:$0x1BF28]  }
0xdd: {  	v5 =	vld [tilespmem:$0x1BF78]  }
0xde: {  	v6 =	vld [tilespmem:$0x1BF38]  }
0xdf: {  	v7 =	vld [tilespmem:$0x1BF88]  }
0xe0: {  	v0 =	vld.idx.msk [tilespmem:v0+s25+$0x0], $0xffff  }
0xe1: {  	v1 =	vld.idx.msk [tilespmem:v1+s28+$0x0], $0xffff  }
0xe2: {  	v8 =	vld [tilespmem:$0x1BF48]  }
0xe3: {  	v9 =	vld [tilespmem:$0x1BF98];
	_ =	sdelay $0x3  }
0xe4: {  	v0 =	vadd.f32 v1, v0;
	_ =	sdelay $0x1  }
0xe5: {  	v0 =	vmul.f32 $1.442695020e+00, v0;
	_ =	sdelay $0x1  }
0xe6: {  	(erf) = vpow2.f32 v0;
	_ =	sdelay $0x8  }
0xe7: {  	v0 =	vpop (erf)  }
0xe8: {  	[tilespmem:$0x1BFA8] =	vst v0  }
0xe9: {  	v0 =	vld.idx.msk [tilespmem:v2+s25+$0x0], $0xffff  }
0xea: {  	v1 =	vld.idx.msk [tilespmem:v3+s28+$0x0], $0xffff;
	_ =	sdelay $0x5  }
0xeb: {  	v0 =	vadd.f32 v1, v0;
	_ =	sdelay $0x1  }
0xec: {  	v0 =	vmul.f32 $1.442695020e+00, v0;
	_ =	sdelay $0x1  }
0xed: {  	(erf) = vpow2.f32 v0;
	_ =	sdelay $0x8  }
0xee: {  	v0 =	vpop (erf)  }
0xef: {  	[tilespmem:$0x1BFB8] =	vst v0  }
0xf0: {  	v0 =	vld.idx.msk [tilespmem:v4+s25+$0x0], $0xffff  }
0xf1: {  	v1 =	vld.idx.msk [tilespmem:v5+s28+$0x0], $0xffff;
	_ =	sdelay $0x5  }
0xf2: {  	v0 =	vadd.f32 v1, v0;
	_ =	sdelay $0x1  }
0xf3: {  	v0 =	vmul.f32 $1.442695020e+00, v0;
	_ =	sdelay $0x1  }
0xf4: {  	(erf) = vpow2.f32 v0;
	_ =	sdelay $0x8  }
0xf5: {  	v0 =	vpop (erf)  }
0xf6: {  	[tilespmem:$0x1BFC8] =	vst v0  }
0xf7: {  	v0 =	vld.idx.msk [tilespmem:v6+s25+$0x0], $0xffff  }
0xf8: {  	v1 =	vld.idx.msk [tilespmem:v7+s28+$0x0], $0xffff;
	_ =	sdelay $0x5  }
0xf9: {  	v0 =	vadd.f32 v1, v0;
	_ =	sdelay $0x1  }
0xfa: {  	v0 =	vmul.f32 $1.442695020e+00, v0;
	_ =	sdelay $0x1  }
0xfb: {  	(erf) = vpow2.f32 v0;
	_ =	sdelay $0x8  }
0xfc: {  	v0 =	vpop (erf)  }
0xfd: {  	[tilespmem:$0x1BFD8] =	vst v0  }
0xfe: {  	v0 =	vld.idx.msk [tilespmem:v8+s25+$0x0], $0xffff  }
0xff: {  	v1 =	vld.idx.msk [tilespmem:v9+s28+$0x0], $0xffff;
	_ =	sdelay $0x5  }
0x100: {  	v0 =	vadd.f32 v1, v0;
	_ =	sdelay $0x1  }
0x101: {  	v0 =	vmul.f32 $1.442695020e+00, v0;
	_ =	sdelay $0x1  }
0x102: {  	(erf) = vpow2.f32 v0;
	_ =	sdelay $0x8  }
0x103: {  	v0 =	vpop (erf)  }
0x104: {  	s10 =	sadd.s32 $0xEC4, s10;
	[tilespmem:$0x1BFE8] =	vst v0  }
0x105: {  	_ =	swait.ge [sflag:s8], $0x50  }
0x106: {  	[sflag:s8] =	ssyncset.done $0x0  }
0x107: {  	[sflag:s8] =	ssyncadd.s32 $0xFFFFFFB0  }
0x108: {  	[spmem:s2] =	stream.indirect.scatter.add.f32 [tilespmem:s5], [sflag:$0x2], $0x1, s0, s30, $0xb8;
	[tilespmem:$0x1E7F8] =	vst v63  }
0x109: {  	_ = 	snop  }
0x10a: {  	[tilespmem:s29], [sflag:$0x5] =	stream.linear.gather [hbm4b:s10+s3], $0xF0, $0x38;
	[tilespmem:$0x1E7F8] =	vst v63  }
0x10b: {  	_ =	swait.ge [sflag:s26], $0xF0  }
0x10c: {  	[sflag:s26] =	ssyncset.done $0x0  }
0x10d: {  	[sflag:s26] =	ssyncadd.s32 $0xFFFFFF10  }
0x10e: {  	v0 =	vld [tilespmem:$0x195C8]  }
0x10f: {  	v1 =	vld [tilespmem:$0x19618]  }
0x110: {  	v2 =	vld [tilespmem:$0x195D8]  }
0x111: {  	v3 =	vld [tilespmem:$0x19628]  }
0x112: {  	v4 =	vld [tilespmem:$0x195E8]  }
0x113: {  	v5 =	vld [tilespmem:$0x19638]  }
0x114: {  	v6 =	vld [tilespmem:$0x195F8]  }
0x115: {  	v7 =	vld [tilespmem:$0x19648]  }
0x116: {  	v0 =	vld.idx.msk [tilespmem:v0+s25+$0x0], $0xffff  }
0x117: {  	v1 =	vld.idx.msk [tilespmem:v1+s28+$0x0], $0xffff  }
0x118: {  	v8 =	vld [tilespmem:$0x19608]  }
0x119: {  	v9 =	vld [tilespmem:$0x19658];
	_ =	sdelay $0x3  }
0x11a: {  	v0 =	vadd.f32 v1, v0;
	_ =	sdelay $0x1  }
0x11b: {  	v0 =	vmul.f32 $1.442695020e+00, v0;
	_ =	sdelay $0x1  }
0x11c: {  	(erf) = vpow2.f32 v0;
	_ =	sdelay $0x8  }
0x11d: {  	v0 =	vpop (erf)  }
0x11e: {  	[tilespmem:$0x19668] =	vst v0  }
0x11f: {  	v0 =	vld.idx.msk [tilespmem:v2+s25+$0x0], $0xffff  }
0x120: {  	v1 =	vld.idx.msk [tilespmem:v3+s28+$0x0], $0xffff;
	_ =	sdelay $0x5  }
0x121: {  	v0 =	vadd.f32 v1, v0;
	_ =	sdelay $0x1  }
0x122: {  	v0 =	vmul.f32 $1.442695020e+00, v0;
	_ =	sdelay $0x1  }
0x123: {  	(erf) = vpow2.f32 v0;
	_ =	sdelay $0x8  }
0x124: {  	v0 =	vpop (erf)  }
0x125: {  	[tilespmem:$0x19678] =	vst v0  }
0x126: {  	v0 =	vld.idx.msk [tilespmem:v4+s25+$0x0], $0xffff  }
0x127: {  	v1 =	vld.idx.msk [tilespmem:v5+s28+$0x0], $0xffff;
	_ =	sdelay $0x5  }
0x128: {  	v0 =	vadd.f32 v1, v0;
	_ =	sdelay $0x1  }
0x129: {  	v0 =	vmul.f32 $1.442695020e+00, v0;
	_ =	sdelay $0x1  }
0x12a: {  	(erf) = vpow2.f32 v0;
	_ =	sdelay $0x8  }
0x12b: {  	v0 =	vpop (erf)  }
0x12c: {  	[tilespmem:$0x19688] =	vst v0  }
0x12d: {  	v0 =	vld.idx.msk [tilespmem:v6+s25+$0x0], $0xffff  }
0x12e: {  	v1 =	vld.idx.msk [tilespmem:v7+s28+$0x0], $0xffff;
	_ =	sdelay $0x5  }
0x12f: {  	v0 =	vadd.f32 v1, v0;
	_ =	sdelay $0x1  }
0x130: {  	v0 =	vmul.f32 $1.442695020e+00, v0;
	_ =	sdelay $0x1  }
0x131: {  	(erf) = vpow2.f32 v0;
	_ =	sdelay $0x8  }
0x132: {  	v0 =	vpop (erf)  }
0x133: {  	[tilespmem:$0x19698] =	vst v0  }
0x134: {  	v0 =	vld.idx.msk [tilespmem:v8+s25+$0x0], $0xffff  }
0x135: {  	v1 =	vld.idx.msk [tilespmem:v9+s28+$0x0], $0xffff;
	_ =	sdelay $0x5  }
.Ltmp0:
0x136: {  	v0 =	vadd.f32 v1, v0;
	(pc) =	sbr.rel @p1 .LBB2_2-.Ltmp0, $3  }
0x137: {  	_ = 	snop  }
0x138: {  	v0 =	vmul.f32 $1.442695020e+00, v0;
	_ =	sdelay $0x1  }
0x139: {  	(erf) = vpow2.f32 v0  }
0x13a: {  	_ =	sdelay $0x7  }
0x13b: {  	v0 =	vpop (erf)  }
0x13c: {  	[tilespmem:$0x196A8] =	vst v0  }
0x13d: {  	_ =	swait.ge [sflag:s6], $0x50  }
0x13e: {  	[sflag:s6] =	ssyncset.done $0x0  }
0x13f: {  	[sflag:s6] =	ssyncadd.s32 $0xFFFFFFB0  }
0x140: {  	[spmem:s2] =	stream.indirect.scatter.add.f32 [tilespmem:s31], [sflag:$0x1], $0x1, s29, s30, $0xb8;
	[tilespmem:$0x1E7F8] =	vst v63  }
0x141: {  	_ =	swait.ge [sflag:s8], $0x50  }
0x142: {  	[sflag:s8] =	ssyncset.done $0x0  }
0x143: {  	[sflag:s8] =	ssyncadd.s32 $0xFFFFFFB0  }
0x144: {  	[bflag:$0x0] =	sbarrier.arrive $0xFFFF  }
0x145: {  	[tilespmem:s13], [sflag:$0x5] =	stream.linear.gather [spmem:s2], $0x2800, $0x38;
	[tilespmem:$0x1E7F8] =	vst v63  }
0x146: {  	_ =	swait.ge [sflag:s26], $0x2800  }
0x147: {  	[sflag:s26] =	ssyncset.done $0x0;
	s12 =	rddreg [dreg:$0xd]  }
0x148: {  	s10 =	sshrl.u32 @!p0 s21, $0x3;
	s14 =	rddreg [dreg:$0x13];
	[sflag:s26] =	ssyncadd.s32 $0xFFFFD800  }
0x149: {  	[hbm:s12], [sflag:s14] =	dma.local @!p0 [spmem:s10], $0x50  }
0x14a: {  	s10 =	simm.s32 @!p0 $0x5  }
0x14b: {  	_ =	swait.ge @!p0 [sflag:s10], $0x50  }
0x14c: {  	[sflag:s10] =	ssyncset.done @!p0 $0x0  }
0x14d: {  	s19 =	simm.s32 $0x0;
	[sflag:s10] =	ssyncadd.s32 @!p0 $0xFFFFFFB0  }
0x14e: {  	[tilespmem:s29], [sflag:$0x5] =	stream.linear.gather [hbm4b:s16+s19], $0xF0, $0x38;
	[tilespmem:$0x1E7F8] =	vst v63  }
0x14f: {  	_ =	swait.ge [sflag:s26], $0xF0  }
0x150: {  	[sflag:s26] =	ssyncset.done $0x0  }
0x151: {  	[sflag:s26] =	ssyncadd.s32 $0xFFFFFF10  }
0x152: {  	v12 =	vld [tilespmem:$0x195C8]  }
0x153: {  	v1 =	vld [tilespmem:$0x19618];
	_ =	sdelay $0x2  }
0x154: {  	v2 =	vld [tilespmem:$0x19578];
	_ =	sdelay $0x3  }
0x155: {  	v0 =	vld.idx.msk [tilespmem:v12+s25+$0x0], $0xffff  }
0x156: {  	v1 =	vld.idx.msk [tilespmem:v1+s28+$0x0], $0xffff;
	_ =	sdelay $0x2  }
0x157: {  	v2 =	vld.idx.msk [tilespmem:v2+s13+$0x0], $0xffff;
	_ =	sdelay $0x1  }
0x158: {  	v0 =	vadd.f32 v1, v0;
	_ =	sdelay $0x1  }
0x159: {  	v0 =	vmul.f32 $1.442695020e+00, v0  }
0x15a: {  	v13 =	vadd.f32 $1.000000020e-16, v2  }
0x15b: {  	(erf) = vpow2.f32 v0  }
0x15c: {  	(erf) = vrcp.f32 v13;
	_ =	sdelay $0x4  }
0x15d: {  	v14 =	vld [tilespmem:$0x195D8]  }
0x15e: {  	v15 =	vld [tilespmem:$0x19628];
	_ =	sdelay $0x1  }
0x15f: {  	v16 =	vpop (erf)  }
0x160: {  	v4 =	vld [tilespmem:$0x19588];
	v3 =	vpop (erf)  }
0x161: {  	v2 =	vmul.f32 v3, v16;
	_ =	sdelay $0x1  }
0x162: {  	[tilespmem:$0x19668] =	vst v2  }
0x163: {  	v0 =	vld.idx.msk [tilespmem:v14+s25+$0x0], $0xffff  }
0x164: {  	v1 =	vld.idx.msk [tilespmem:v15+s28+$0x0], $0xffff;
	_ =	sdelay $0x2  }
0x165: {  	v2 =	vld.idx.msk [tilespmem:v4+s13+$0x0], $0xffff;
	_ =	sdelay $0x1  }
0x166: {  	v0 =	vadd.f32 v1, v0;
	_ =	sdelay $0x1  }
0x167: {  	v0 =	vmul.f32 $1.442695020e+00, v0  }
0x168: {  	v17 =	vadd.f32 $1.000000020e-16, v2  }
0x169: {  	(erf) = vpow2.f32 v0  }
0x16a: {  	(erf) = vrcp.f32 v17;
	_ =	sdelay $0x4  }
0x16b: {  	v18 =	vld [tilespmem:$0x195E8]  }
0x16c: {  	v19 =	vld [tilespmem:$0x19638];
	_ =	sdelay $0x1  }
0x16d: {  	v20 =	vpop (erf)  }
0x16e: {  	v22 =	vld [tilespmem:$0x19598];
	v21 =	vpop (erf)  }
0x16f: {  	v2 =	vmul.f32 v21, v20;
	_ =	sdelay $0x1  }
0x170: {  	[tilespmem:$0x19678] =	vst v2  }
0x171: {  	v0 =	vld.idx.msk [tilespmem:v18+s25+$0x0], $0xffff  }
0x172: {  	v1 =	vld.idx.msk [tilespmem:v19+s28+$0x0], $0xffff;
	_ =	sdelay $0x2  }
0x173: {  	v2 =	vld.idx.msk [tilespmem:v22+s13+$0x0], $0xffff;
	_ =	sdelay $0x1  }
0x174: {  	v0 =	vadd.f32 v1, v0;
	_ =	sdelay $0x1  }
0x175: {  	v0 =	vmul.f32 $1.442695020e+00, v0  }
0x176: {  	v23 =	vadd.f32 $1.000000020e-16, v2  }
0x177: {  	(erf) = vpow2.f32 v0  }
0x178: {  	(erf) = vrcp.f32 v23;
	_ =	sdelay $0x4  }
0x179: {  	v24 =	vld [tilespmem:$0x195F8]  }
0x17a: {  	v25 =	vld [tilespmem:$0x19648];
	_ =	sdelay $0x1  }
0x17b: {  	v26 =	vpop (erf)  }
0x17c: {  	v28 =	vld [tilespmem:$0x195A8];
	v27 =	vpop (erf)  }
0x17d: {  	v2 =	vmul.f32 v27, v26;
	_ =	sdelay $0x1  }
0x17e: {  	[tilespmem:$0x19688] =	vst v2  }
0x17f: {  	v0 =	vld.idx.msk [tilespmem:v24+s25+$0x0], $0xffff  }
0x180: {  	v1 =	vld.idx.msk [tilespmem:v25+s28+$0x0], $0xffff;
	_ =	sdelay $0x2  }
0x181: {  	v2 =	vld.idx.msk [tilespmem:v28+s13+$0x0], $0xffff;
	_ =	sdelay $0x1  }
0x182: {  	v0 =	vadd.f32 v1, v0;
	_ =	sdelay $0x1  }
0x183: {  	v0 =	vmul.f32 $1.442695020e+00, v0  }
0x184: {  	v29 =	vadd.f32 $1.000000020e-16, v2  }
0x185: {  	(erf) = vpow2.f32 v0  }
0x186: {  	(erf) = vrcp.f32 v29;
	_ =	sdelay $0x4  }
0x187: {  	v30 =	vld [tilespmem:$0x19608]  }
0x188: {  	v31 =	vld [tilespmem:$0x19658];
	_ =	sdelay $0x1  }
0x189: {  	v32 =	vpop (erf)  }
0x18a: {  	v34 =	vld [tilespmem:$0x195B8];
	v33 =	vpop (erf)  }
0x18b: {  	v2 =	vmul.f32 v33, v32;
	_ =	sdelay $0x1  }
0x18c: {  	[tilespmem:$0x19698] =	vst v2  }
0x18d: {  	v0 =	vld.idx.msk [tilespmem:v30+s25+$0x0], $0xffff  }
0x18e: {  	v1 =	vld.idx.msk [tilespmem:v31+s28+$0x0], $0xffff;
	_ =	sdelay $0x2  }
0x18f: {  	v2 =	vld.idx.msk [tilespmem:v34+s13+$0x0], $0xffff;
	_ =	sdelay $0x1  }
0x190: {  	v0 =	vadd.f32 v1, v0;
	_ =	sdelay $0x1  }
0x191: {  	v0 =	vmul.f32 $1.442695020e+00, v0  }
0x192: {  	v35 =	vadd.f32 $1.000000020e-16, v2  }
0x193: {  	(erf) = vpow2.f32 v0  }
0x194: {  	(erf) = vrcp.f32 v35;
	_ =	sdelay $0x7  }
0x195: {  	v0 =	vpop (erf)  }
0x196: {  	v1 =	vpop (erf)  }
0x197: {  	s10 =	rddreg [dreg:$0x7];
	v0 =	vmul.f32 v1, v0  }
0x198: {  	s12 =	rddreg [dreg:$0x8]  }
0x199: {  	s14 =	simm.s32 $0x195C8;
	s10 =	smov.u32 @p0 s12;
	[tilespmem:$0x196A8] =	vst v0  }
0x19a: {  	[tilespmem:s18], [sflag:$0x1] =	stream.indirect.gather [hbm4b:s10+s30], $0x80, s14, s30, $0xb8;
	[tilespmem:$0x1E7F8] =	vst v63  }
0x19b: {  	s21 =	rddreg [dreg:$0xe]  }
0x19c: {  	[tilespmem:s0], [sflag:$0x5] =	stream.linear.gather [hbm4b:s21+s19], $0xF0, $0x38;
	[tilespmem:$0x1E7F8] =	vst v63  }
0x19d: {  	_ =	swait.ge [sflag:s26], $0xF0  }
0x19e: {  	[sflag:s26] =	ssyncset.done $0x0  }
0x19f: {  	[sflag:s26] =	ssyncadd.s32 $0xFFFFFF10  }
0x1a0: {  	v36 =	vld [tilespmem:$0x1BF08]  }
0x1a1: {  	v37 =	vld [tilespmem:$0x1BF58];
	_ =	sdelay $0x2  }
0x1a2: {  	v38 =	vld [tilespmem:$0x1BEB8];
	_ =	sdelay $0x3  }
0x1a3: {  	v0 =	vld.idx.msk [tilespmem:v36+s25+$0x0], $0xffff  }
0x1a4: {  	v1 =	vld.idx.msk [tilespmem:v37+s28+$0x0], $0xffff;
	_ =	sdelay $0x2  }
0x1a5: {  	v2 =	vld.idx.msk [tilespmem:v38+s13+$0x0], $0xffff;
	_ =	sdelay $0x1  }
0x1a6: {  	v0 =	vadd.f32 v1, v0;
	_ =	sdelay $0x1  }
0x1a7: {  	v0 =	vmul.f32 $1.442695020e+00, v0  }
0x1a8: {  	v39 =	vadd.f32 $1.000000020e-16, v2  }
0x1a9: {  	(erf) = vpow2.f32 v0  }
0x1aa: {  	(erf) = vrcp.f32 v39;
	_ =	sdelay $0x4  }
0x1ab: {  	v40 =	vld [tilespmem:$0x1BF18]  }
0x1ac: {  	v41 =	vld [tilespmem:$0x1BF68];
	_ =	sdelay $0x1  }
0x1ad: {  	v42 =	vpop (erf)  }
0x1ae: {  	v44 =	vld [tilespmem:$0x1BEC8];
	v43 =	vpop (erf)  }
0x1af: {  	v2 =	vmul.f32 v43, v42;
	_ =	sdelay $0x1  }
0x1b0: {  	[tilespmem:$0x1BFA8] =	vst v2  }
0x1b1: {  	v0 =	vld.idx.msk [tilespmem:v40+s25+$0x0], $0xffff  }
0x1b2: {  	v1 =	vld.idx.msk [tilespmem:v41+s28+$0x0], $0xffff;
	_ =	sdelay $0x2  }
0x1b3: {  	v2 =	vld.idx.msk [tilespmem:v44+s13+$0x0], $0xffff;
	_ =	sdelay $0x1  }
0x1b4: {  	v0 =	vadd.f32 v1, v0;
	_ =	sdelay $0x1  }
0x1b5: {  	v0 =	vmul.f32 $1.442695020e+00, v0  }
0x1b6: {  	v45 =	vadd.f32 $1.000000020e-16, v2  }
0x1b7: {  	(erf) = vpow2.f32 v0  }
0x1b8: {  	(erf) = vrcp.f32 v45;
	_ =	sdelay $0x4  }
0x1b9: {  	v46 =	vld [tilespmem:$0x1BF28]  }
0x1ba: {  	v47 =	vld [tilespmem:$0x1BF78];
	_ =	sdelay $0x1  }
0x1bb: {  	v48 =	vpop (erf)  }
0x1bc: {  	v50 =	vld [tilespmem:$0x1BED8];
	v49 =	vpop (erf)  }
0x1bd: {  	v2 =	vmul.f32 v49, v48;
	_ =	sdelay $0x1  }
0x1be: {  	[tilespmem:$0x1BFB8] =	vst v2  }
0x1bf: {  	v0 =	vld.idx.msk [tilespmem:v46+s25+$0x0], $0xffff  }
0x1c0: {  	v1 =	vld.idx.msk [tilespmem:v47+s28+$0x0], $0xffff;
	_ =	sdelay $0x2  }
0x1c1: {  	v2 =	vld.idx.msk [tilespmem:v50+s13+$0x0], $0xffff;
	_ =	sdelay $0x1  }
0x1c2: {  	v0 =	vadd.f32 v1, v0;
	_ =	sdelay $0x1  }
0x1c3: {  	v0 =	vmul.f32 $1.442695020e+00, v0  }
0x1c4: {  	v51 =	vadd.f32 $1.000000020e-16, v2  }
0x1c5: {  	(erf) = vpow2.f32 v0  }
0x1c6: {  	(erf) = vrcp.f32 v51;
	_ =	sdelay $0x4  }
0x1c7: {  	v52 =	vld [tilespmem:$0x1BF38]  }
0x1c8: {  	v53 =	vld [tilespmem:$0x1BF88];
	_ =	sdelay $0x1  }
0x1c9: {  	v54 =	vpop (erf)  }
0x1ca: {  	v56 =	vld [tilespmem:$0x1BEE8];
	v55 =	vpop (erf)  }
0x1cb: {  	v2 =	vmul.f32 v55, v54;
	_ =	sdelay $0x1  }
0x1cc: {  	[tilespmem:$0x1BFC8] =	vst v2  }
0x1cd: {  	v0 =	vld.idx.msk [tilespmem:v52+s25+$0x0], $0xffff  }
0x1ce: {  	v1 =	vld.idx.msk [tilespmem:v53+s28+$0x0], $0xffff;
	_ =	sdelay $0x2  }
0x1cf: {  	v2 =	vld.idx.msk [tilespmem:v56+s13+$0x0], $0xffff;
	_ =	sdelay $0x1  }
0x1d0: {  	v0 =	vadd.f32 v1, v0;
	_ =	sdelay $0x1  }
0x1d1: {  	v0 =	vmul.f32 $1.442695020e+00, v0  }
0x1d2: {  	v57 =	vadd.f32 $1.000000020e-16, v2  }
0x1d3: {  	(erf) = vpow2.f32 v0  }
0x1d4: {  	(erf) = vrcp.f32 v57;
	_ =	sdelay $0x4  }
0x1d5: {  	v58 =	vld [tilespmem:$0x1BF48]  }
0x1d6: {  	v59 =	vld [tilespmem:$0x1BF98];
	_ =	sdelay $0x1  }
0x1d7: {  	v60 =	vpop (erf)  }
0x1d8: {  	v62 =	vld [tilespmem:$0x1BEF8];
	v61 =	vpop (erf)  }
0x1d9: {  	v2 =	vmul.f32 v61, v60;
	_ =	sdelay $0x1  }
0x1da: {  	[tilespmem:$0x1BFD8] =	vst v2  }
0x1db: {  	v0 =	vld.idx.msk [tilespmem:v58+s25+$0x0], $0xffff  }
0x1dc: {  	v1 =	vld.idx.msk [tilespmem:v59+s28+$0x0], $0xffff;
	_ =	sdelay $0x2  }
0x1dd: {  	v2 =	vld.idx.msk [tilespmem:v62+s13+$0x0], $0xffff;
	_ =	sdelay $0x1  }
0x1de: {  	v0 =	vadd.f32 v1, v0;
	_ =	sdelay $0x1  }
0x1df: {  	v0 =	vmul.f32 $1.442695020e+00, v0  }
0x1e0: {  	v63 =	vadd.f32 $1.000000020e-16, v2  }
0x1e1: {  	(erf) = vpow2.f32 v0  }
0x1e2: {  	(erf) = vrcp.f32 v63;
	_ =	sdelay $0x7  }
0x1e3: {  	v0 =	vpop (erf)  }
0x1e4: {  	v1 =	vpop (erf)  }
0x1e5: {  	v0 =	vmul.f32 v1, v0;
	_ =	sdelay $0x1  }
0x1e6: {  	s22 =	simm.s32 $0x1BF08;
	s14 =	simm.s32 $0x0;
	[tilespmem:$0x1BFE8] =	vst v0  }
0x1e7: {  	[tilespmem:s15], [sflag:$0x2] =	stream.indirect.gather [hbm4b:s10+s30], $0x80, s22, s30, $0xb8;
	[tilespmem:$0x1E7F8] =	vst v63  }
.LBB2_4:
0x1e8: {  	v0 =	vmov s19;
	s12 =	simm.s32 $0x1  }
0x1e9: {  	s15 =	simm.s32 $0x2;
	v0 =	vand.u32 $0xFFFFFFFC, v0;
	v2 =	vmov s12  }
0x1ea: {  	s10 =	simm.s32 $0x3;
	_ =	swait.ge [sflag:s8], $0x2800;
	v3 =	vbroadcast v0, $0x0;
	v0 =	vand.u32 $0xFFFFFFFD, v2;
	v2 =	vmov s15  }
0x1eb: {  	v1 =	vmov s10;
	[sflag:s8] =	ssyncset.done $0x0;
	v4 =	vbroadcast v0, $0x0;
	v0 =	vand.u32 $0xFFFFFFFE, v2  }
0x1ec: {  	s10 =	simm.s32 $0x197B8;
	[sflag:s8] =	ssyncadd.s32 $0xFFFFD800;
	v2 =	vbroadcast v0, $0x0  }
0x1ed: {  	v5 =	vld [tilespmem:s10+$0xFFFFFF00]  }
0x1ee: {  	v6 =	vld [tilespmem:s10+$0xFFFFFF10]  }
0x1ef: {  	v7 =	vld [tilespmem:s10+$0xFFFFFF20]  }
0x1f0: {  	v0 =	vld.idx.msk [tilespmem:v1+s31+$0x0], $0xffff  }
0x1f1: {  	v3 =	vld.idx.msk [tilespmem:v3+s31+$0x0], $0xffff  }
0x1f2: {  	v1 =	vld.idx.msk [tilespmem:v2+s31+$0x0], $0xffff  }
0x1f3: {  	v2 =	vld [tilespmem:s10+$0x60]  }
0x1f4: {  	v8 =	vld [tilespmem:s10+$0xFFFFFF30]  }
0x1f5: {  	v9 =	vld [tilespmem:s10+$0xFFFFFF40]  }
0x1f6: {  	v10 =	vld [tilespmem:s10+$0xFFFFFF50];
	v5 =	vmul.f32 v5, v3  }
0x1f7: {  	v11 =	vld [tilespmem:s10+$0xFFFFFF60];
	v6 =	vmul.f32 v6, v3  }
0x1f8: {  	v4 =	vld.idx.msk [tilespmem:v4+s31+$0x0], $0xffff;
	v2 =	vmul.f32 v2, v1;
	[tilespmem:s10+$0xFFFFFF00] =	vst v5  }
0x1f9: {  	v5 =	vld [tilespmem:s10+$0xFFFFFF80];
	[tilespmem:s10+$0xFFFFFF10] =	vst v6;
	v6 =	vmul.f32 v8, v3  }
0x1fa: {  	v8 =	vld [tilespmem:s10+$0xFFFFFFA0];
	[tilespmem:s10+$0x60] =	vst v2;
	v2 =	vmul.f32 v7, v3  }
0x1fb: {  	v7 =	vld [tilespmem:s10+$0xFFFFFF90];
	[tilespmem:s10+$0xFFFFFF30] =	vst v6;
	v6 =	vmul.f32 v10, v3  }
0x1fc: {  	[tilespmem:s10+$0xFFFFFF20] =	vst v2;
	v2 =	vmul.f32 v9, v3;
	v9 =	vld [tilespmem:s10+$0xFFFFFFB0]  }
0x1fd: {  	[tilespmem:s10+$0xFFFFFF50] =	vst v6;
	v6 =	vld [tilespmem:s10+$0xFFFFFFD0]  }
0x1fe: {  	[tilespmem:s10+$0xFFFFFF40] =	vst v2;
	v2 =	vmul.f32 v11, v3  }
0x1ff: {  	v5 =	vmul.f32 v5, v4;
	v3 =	vld [tilespmem:s10+$0xFFFFFFC0]  }
0x200: {  	[tilespmem:s10+$0xFFFFFF60] =	vst v2;
	v2 =	vmul.f32 v7, v4;
	v7 =	vld [tilespmem:s10+$0xFFFFFFE0]  }
0x201: {  	[tilespmem:s10+$0xFFFFFF80] =	vst v5;
	v5 =	vmul.f32 v8, v4;
	v8 =	vld [tilespmem:s10+$0x0]  }
0x202: {  	v6 =	vmul.f32 v6, v4;
	[tilespmem:s10+$0xFFFFFF90] =	vst v2;
	v2 =	vmul.f32 v9, v4;
	v9 =	vld [tilespmem:s10+$0x10]  }
0x203: {  	v10 =	vld [tilespmem:s10+$0x20];
	[tilespmem:s10+$0xFFFFFFA0] =	vst v5  }
0x204: {  	v5 =	vmul.f32 v3, v4;
	v3 =	vld [tilespmem:s10+$0x30];
	[tilespmem:s10+$0xFFFFFFD0] =	vst v6  }
0x205: {  	s21 =	simm.s32 $0x4;
	[tilespmem:s10+$0xFFFFFFB0] =	vst v2;
	v2 =	vld [tilespmem:s10+$0x40];
	v7 =	vmul.f32 v7, v4  }
0x206: {  	s15 =	simm.s32 $0x5;
	v8 =	vmul.f32 v8, v1;
	[tilespmem:s10+$0xFFFFFFC0] =	vst v5;
	v4 =	vmov s21;
	v5 =	vld [tilespmem:s10+$0x50]  }
0x207: {  	s22 =	simm.s32 $0x7;
	v11 =	vmov s15;
	v6 =	vand.u32 $0xFFFFFFFC, v4;
	[tilespmem:s10+$0xFFFFFFE0] =	vst v7;
	v9 =	vmul.f32 v9, v1;
	v7 =	vld [tilespmem:s10+$0x80]  }
0x208: {  	s12 =	simm.s32 $0x197B8;
	s15 =	simm.s32 $0x6;
	v10 =	vmul.f32 v10, v1;
	s21 =	simm.s32 $0x8;
	v4 =	vmov s22;
	[tilespmem:s10+$0x0] =	vst v8;
	v8 =	vld [tilespmem:s10+$0x90];
	v6 =	vbroadcast v6, $0x0  }
.LBB2_5:
0x209: {  	p1 =	slt.u32 s21, $0x4C;
	v11 =	vand.u32 $0xFFFFFFFD, v11;
	v12 =	vmov s15;
	[tilespmem:s10+$0x10] =	vst v9;
	v3 =	vmul.f32 v3, v1;
	v9 =	vld [tilespmem:s10+$0xA0]  }
0x20a: {  	v11 =	vbroadcast v11, $0x0;
	v12 =	vand.u32 $0xFFFFFFFE, v12;
	[tilespmem:s10+$0x20] =	vst v10;
	v2 =	vmul.f32 v2, v1;
	v10 =	vld [tilespmem:s10+$0xB0]  }
0x20b: {  	v12 =	vbroadcast v12, $0x0;
	[tilespmem:s10+$0x30] =	vst v3;
	v1 =	vmul.f32 v5, v1;
	v3 =	vld [tilespmem:s10+$0xC0]  }
0x20c: {  	[tilespmem:s10+$0x40] =	vst v2;
	v2 =	vmul.f32 v7, v0;
	v5 =	vld [tilespmem:s10+$0xD0]  }
0x20d: {  	[tilespmem:s10+$0x50] =	vst v1;
	v1 =	vmul.f32 v8, v0;
	v7 =	vld [tilespmem:s10+$0xE0]  }
0x20e: {  	v4 =	vld.idx.msk [tilespmem:v4+s31+$0x0], $0xffff;
	[tilespmem:s10+$0x80] =	vst v2;
	v2 =	vmul.f32 v9, v0  }
0x20f: {  	v6 =	vld.idx.msk [tilespmem:v6+s31+$0x0], $0xffff;
	[tilespmem:s10+$0x90] =	vst v1;
	v8 =	vmul.f32 v10, v0  }
0x210: {  	v9 =	vld.idx.msk [tilespmem:v11+s31+$0x0], $0xffff;
	[tilespmem:s10+$0xA0] =	vst v2;
	v2 =	vmul.f32 v3, v0  }
0x211: {  	s10 =	sadd.s32 $0x200, s10;
	v1 =	vld.idx.msk [tilespmem:v12+s31+$0x0], $0xffff;
	[tilespmem:s12+$0xB0] =	vst v8;
	v3 =	vmul.f32 v5, v0  }
0x212: {  	v5 =	vld [tilespmem:s10+$0x60];
	[tilespmem:s12+$0xC0] =	vst v2;
	v7 =	vmul.f32 v7, v0  }
0x213: {  	v2 =	vld [tilespmem:s10+$0xFFFFFF00];
	[tilespmem:s12+$0xD0] =	vst v3  }
0x214: {  	v0 =	vmov v4;
	v3 =	vld [tilespmem:s10+$0xFFFFFF10];
	[tilespmem:s12+$0xE0] =	vst v7;
	s12 =	smov.u32 s10  }
0x215: {  	v4 =	vld [tilespmem:s10+$0xFFFFFF20]  }
0x216: {  	v7 =	vld [tilespmem:s10+$0xFFFFFF30]  }
0x217: {  	v8 =	vld [tilespmem:s10+$0xFFFFFF40];
	v5 =	vmul.f32 v5, v1  }
0x218: {  	v2 =	vmul.f32 v2, v6;
	v10 =	vld [tilespmem:s10+$0xFFFFFF50]  }
0x219: {  	v3 =	vmul.f32 v3, v6;
	v11 =	vld [tilespmem:s10+$0xFFFFFF60];
	[tilespmem:s10+$0x60] =	vst v5  }
0x21a: {  	[tilespmem:s10+$0xFFFFFF00] =	vst v2;
	v2 =	vmul.f32 v4, v6;
	v4 =	vld [tilespmem:s10+$0xFFFFFF80]  }
0x21b: {  	[tilespmem:s10+$0xFFFFFF10] =	vst v3;
	v3 =	vmul.f32 v7, v6;
	v5 =	vld [tilespmem:s10+$0xFFFFFF90]  }
0x21c: {  	[tilespmem:s10+$0xFFFFFF20] =	vst v2;
	v2 =	vmul.f32 v8, v6;
	v7 =	vld [tilespmem:s10+$0xFFFFFFA0]  }
0x21d: {  	[tilespmem:s10+$0xFFFFFF30] =	vst v3;
	v3 =	vmul.f32 v10, v6;
	v8 =	vld [tilespmem:s10+$0xFFFFFFB0]  }
0x21e: {  	[tilespmem:s10+$0xFFFFFF40] =	vst v2;
	v2 =	vmul.f32 v11, v6;
	v6 =	vld [tilespmem:s10+$0xFFFFFFC0]  }
0x21f: {  	[tilespmem:s10+$0xFFFFFF50] =	vst v3;
	v3 =	vmul.f32 v4, v9;
	v4 =	vld [tilespmem:s10+$0xFFFFFFD0]  }
0x220: {  	[tilespmem:s10+$0xFFFFFF60] =	vst v2;
	v2 =	vmul.f32 v5, v9;
	v5 =	vld [tilespmem:s10+$0xFFFFFFE0]  }
0x221: {  	[tilespmem:s10+$0xFFFFFF80] =	vst v3;
	v3 =	vmul.f32 v7, v9;
	v7 =	vld [tilespmem:s10+$0x0]  }
0x222: {  	[tilespmem:s10+$0xFFFFFF90] =	vst v2;
	v2 =	vmul.f32 v8, v9;
	v8 =	vld [tilespmem:s10+$0x10]  }
0x223: {  	[tilespmem:s10+$0xFFFFFFA0] =	vst v3;
	v6 =	vmul.f32 v6, v9;
	v10 =	vld [tilespmem:s10+$0x20]  }
.Ltmp1:
0x224: {  	[tilespmem:s10+$0xFFFFFFB0] =	vst v2;
	v4 =	vmul.f32 v4, v9;
	v3 =	vld [tilespmem:s10+$0x30];
	(pc) =	sbr.rel @p1 .LBB2_5-.Ltmp1, $4  }
0x225: {  	[tilespmem:s10+$0xFFFFFFC0] =	vst v6;
	v6 =	vmul.f32 v5, v9;
	v2 =	vld [tilespmem:s10+$0x40]  }
0x226: {  	s15 =	sadd.s32 $0x3, s21;
	v9 =	vmov s21;
	[tilespmem:s10+$0xFFFFFFD0] =	vst v4;
	v12 =	vmul.f32 v7, v1;
	v5 =	vld [tilespmem:s10+$0x50]  }
0x227: {  	s22 =	sadd.s32 $0x1, s21;
	v11 =	vand.u32 $0xFFFFFFFC, v9;
	v4 =	vmov s15;
	[tilespmem:s10+$0xFFFFFFE0] =	vst v6;
	v9 =	vmul.f32 v8, v1;
	v7 =	vld [tilespmem:s10+$0x80]  }
0x228: {  	s15 =	sadd.s32 $0x2, s21;
	s21 =	sadd.s32 $0x4, s21;
	v6 =	vbroadcast v11, $0x0;
	v11 =	vmov s22;
	[tilespmem:s10+$0x0] =	vst v12;
	v10 =	vmul.f32 v10, v1;
	v8 =	vld [tilespmem:s10+$0x90]  }
0x229: {  	v13 =	vld [tilespmem:s10+$0xA0]  }
0x22a: {  	v14 =	vld [tilespmem:s10+$0xB0]  }
0x22b: {  	v12 =	vmov s15;
	v15 =	vld [tilespmem:s10+$0xC0]  }
0x22c: {  	v16 =	vld [tilespmem:s10+$0xD0];
	[tilespmem:s10+$0x10] =	vst v9;
	v3 =	vmul.f32 v3, v1;
	v12 =	vand.u32 $0xFFFFFFFE, v12  }
0x22d: {  	v11 =	vand.u32 $0xFFFFFFFD, v11;
	v9 =	vld [tilespmem:s10+$0xE0];
	[tilespmem:s10+$0x20] =	vst v10;
	v2 =	vmul.f32 v2, v1;
	v12 =	vbroadcast v12, $0x0  }
0x22e: {  	v4 =	vld.idx.msk [tilespmem:v4+s31+$0x0], $0xffff;
	s21 =	sadd.s32 $0x200, s10;
	v11 =	vbroadcast v11, $0x0;
	[tilespmem:s10+$0x30] =	vst v3;
	v1 =	vmul.f32 v5, v1  }
0x22f: {  	v10 =	vld [tilespmem:s21+$0xFFFFFF10];
	[tilespmem:s10+$0x40] =	vst v2;
	v2 =	vmul.f32 v7, v0  }
0x230: {  	v3 =	vld.idx.msk [tilespmem:v6+s31+$0x0], $0xffff;
	[tilespmem:s10+$0x50] =	vst v1;
	v1 =	vmul.f32 v8, v0  }
0x231: {  	v7 =	vld [tilespmem:s21+$0x60];
	[tilespmem:s10+$0x80] =	vst v2;
	v2 =	vmul.f32 v13, v0  }
0x232: {  	v8 =	vld [tilespmem:s21+$0xFFFFFF00];
	[tilespmem:s10+$0x90] =	vst v1;
	v1 =	vmul.f32 v14, v0  }
0x233: {  	[tilespmem:s10+$0xA0] =	vst v2;
	v2 =	vmul.f32 v15, v0;
	v6 =	vld.idx.msk [tilespmem:v12+s31+$0x0], $0xffff  }
0x234: {  	v5 =	vld.idx.msk [tilespmem:v11+s31+$0x0], $0xffff;
	[tilespmem:s12+$0xB0] =	vst v1;
	v1 =	vmul.f32 v16, v0  }
0x235: {  	v11 =	vld [tilespmem:s21+$0xFFFFFF20];
	v0 =	vmul.f32 v9, v0;
	[tilespmem:s12+$0xC0] =	vst v2  }
0x236: {  	v2 =	vld [tilespmem:s21+$0xFFFFFF30];
	[tilespmem:s12+$0xD0] =	vst v1  }
0x237: {  	v1 =	vld [tilespmem:s21+$0xFFFFFF40];
	[tilespmem:s12+$0xE0] =	vst v0;
	v0 =	vmul.f32 v8, v3  }
0x238: {  	v8 =	vld [tilespmem:s21+$0xFFFFFF50];
	v7 =	vmul.f32 v7, v6  }
0x239: {  	v9 =	vmul.f32 v10, v3;
	v10 =	vld [tilespmem:s21+$0xFFFFFF60];
	[tilespmem:s21+$0xFFFFFF00] =	vst v0  }
0x23a: {  	v0 =	vmul.f32 v11, v3;
	[tilespmem:s21+$0x60] =	vst v7;
	v7 =	vld [tilespmem:s21+$0xFFFFFF80]  }
0x23b: {  	[tilespmem:s21+$0xFFFFFF10] =	vst v9;
	v9 =	vld [tilespmem:s21+$0xFFFFFF90];
	v2 =	vmul.f32 v2, v3  }
0x23c: {  	[tilespmem:s21+$0xFFFFFF20] =	vst v0;
	v0 =	vmul.f32 v1, v3;
	v1 =	vld [tilespmem:s21+$0xFFFFFFA0]  }
0x23d: {  	[tilespmem:s21+$0xFFFFFF30] =	vst v2;
	v2 =	vmul.f32 v8, v3;
	v8 =	vld [tilespmem:s21+$0xFFFFFFB0]  }
0x23e: {  	[tilespmem:s21+$0xFFFFFF40] =	vst v0;
	v0 =	vmul.f32 v10, v3;
	v3 =	vld [tilespmem:s21+$0xFFFFFFC0]  }
0x23f: {  	[tilespmem:s21+$0xFFFFFF50] =	vst v2;
	v2 =	vmul.f32 v7, v5;
	v7 =	vld [tilespmem:s21+$0xFFFFFFD0]  }
0x240: {  	[tilespmem:s21+$0xFFFFFF60] =	vst v0;
	v0 =	vmul.f32 v9, v5;
	v9 =	vld [tilespmem:s21+$0xFFFFFFE0]  }
0x241: {  	v1 =	vmul.f32 v1, v5;
	[tilespmem:s21+$0xFFFFFF80] =	vst v2;
	v2 =	vld [tilespmem:s21+$0x0]  }
0x242: {  	[tilespmem:s21+$0xFFFFFF90] =	vst v0;
	v0 =	vmul.f32 v8, v5;
	v8 =	vld [tilespmem:s21+$0x10]  }
0x243: {  	[tilespmem:s21+$0xFFFFFFA0] =	vst v1;
	v1 =	vmul.f32 v3, v5;
	v3 =	vld [tilespmem:s21+$0x20]  }
0x244: {  	[tilespmem:s21+$0xFFFFFFB0] =	vst v0;
	v0 =	vmul.f32 v7, v5;
	v7 =	vld [tilespmem:s21+$0x30]  }
0x245: {  	[tilespmem:s21+$0xFFFFFFC0] =	vst v1;
	v1 =	vmul.f32 v9, v5;
	v5 =	vld [tilespmem:s21+$0x40]  }
0x246: {  	[tilespmem:s21+$0xFFFFFFD0] =	vst v0;
	v0 =	vmul.f32 v2, v6;
	v2 =	vld [tilespmem:s21+$0x50]  }
0x247: {  	[tilespmem:s21+$0xFFFFFFE0] =	vst v1;
	v1 =	vmul.f32 v8, v6;
	v8 =	vld [tilespmem:s21+$0x80]  }
0x248: {  	[tilespmem:s21+$0x0] =	vst v0;
	v0 =	vmul.f32 v3, v6;
	v3 =	vld [tilespmem:s21+$0x90]  }
0x249: {  	[tilespmem:s21+$0x10] =	vst v1;
	v1 =	vmul.f32 v7, v6;
	v7 =	vld [tilespmem:s21+$0xA0]  }
0x24a: {  	[tilespmem:s21+$0x20] =	vst v0;
	v0 =	vmul.f32 v5, v6;
	v5 =	vld [tilespmem:s21+$0xB0]  }
0x24b: {  	[tilespmem:s21+$0x30] =	vst v1;
	v1 =	vmul.f32 v2, v6;
	v2 =	vld [tilespmem:s21+$0xC0]  }
0x24c: {  	v6 =	vld [tilespmem:s21+$0xD0];
	[tilespmem:s21+$0x40] =	vst v0;
	v0 =	vmul.f32 v8, v4  }
0x24d: {  	[tilespmem:s21+$0x50] =	vst v1;
	v1 =	vmul.f32 v3, v4;
	v3 =	vld [tilespmem:s21+$0xE0]  }
0x24e: {  	[tilespmem:s21+$0x80] =	vst v0;
	v0 =	vmul.f32 v7, v4  }
0x24f: {  	[tilespmem:s21+$0x90] =	vst v1;
	v1 =	vmul.f32 v5, v4  }
0x250: {  	[tilespmem:s21+$0xA0] =	vst v0;
	v0 =	vmul.f32 v2, v4  }
0x251: {  	[tilespmem:s21+$0xB0] =	vst v1;
	v1 =	vmul.f32 v6, v4  }
0x252: {  	s12 =	simm.s32 $0x0;
	[tilespmem:s21+$0xC0] =	vst v0;
	v0 =	vmul.f32 v3, v4  }
0x253: {  	s15 =	simm.s32 $0x3;
	v2 =	vmov s12;
	[tilespmem:s21+$0xD0] =	vst v1  }
0x254: {  	s22 =	simm.s32 $0x1;
	s12 =	simm.s32 $0x2;
	v1 =	vand.u32 $0xFFFFFFFC, v2;
	v2 =	vmov s15;
	[tilespmem:s21+$0xE0] =	vst v0  }
0x255: {  	v3 =	vmov s22;
	[spmem:s1] =	stream.indirect.scatter.add.f32 [tilespmem:s18], [sflag:$0x3], $0x80, s29, s30, $0xb8;
	[tilespmem:$0x1E7F8] =	vst v63  }
0x256: {  	v0 =	vand.u32 $0xFFFFFFFD, v3;
	v3 =	vmov s12;
	_ =	swait.ge [sflag:s6], $0x2800  }
0x257: {  	v1 =	vbroadcast v1, $0x0;
	v4 =	vbroadcast v0, $0x0;
	v0 =	vand.u32 $0xFFFFFFFE, v3;
	[sflag:s6] =	ssyncset.done $0x0  }
0x258: {  	v3 =	vbroadcast v0, $0x0;
	[sflag:s6] =	ssyncadd.s32 $0xFFFFD800  }
0x259: {  	s10 =	simm.s32 $0x1C0F8;
	v0 =	vld.idx.msk [tilespmem:v2+s5+$0x0], $0xffff  }
0x25a: {  	v5 =	vld [tilespmem:s10+$0xFFFFFF00]  }
0x25b: {  	v6 =	vld [tilespmem:s10+$0xFFFFFF10]  }
0x25c: {  	v7 =	vld [tilespmem:s10+$0xFFFFFF20]  }
0x25d: {  	v2 =	vld.idx.msk [tilespmem:v1+s5+$0x0], $0xffff  }
0x25e: {  	v1 =	vld.idx.msk [tilespmem:v3+s5+$0x0], $0xffff  }
0x25f: {  	v3 =	vld [tilespmem:s10+$0x60]  }
0x260: {  	v8 =	vld [tilespmem:s10+$0xFFFFFF30]  }
0x261: {  	v9 =	vld [tilespmem:s10+$0xFFFFFF40]  }
0x262: {  	v10 =	vld [tilespmem:s10+$0xFFFFFF50];
	v5 =	vmul.f32 v5, v2  }
0x263: {  	v11 =	vld [tilespmem:s10+$0xFFFFFF60];
	v6 =	vmul.f32 v6, v2  }
0x264: {  	v4 =	vld.idx.msk [tilespmem:v4+s5+$0x0], $0xffff;
	v3 =	vmul.f32 v3, v1;
	[tilespmem:s10+$0xFFFFFF00] =	vst v5  }
0x265: {  	v5 =	vld [tilespmem:s10+$0xFFFFFF80];
	[tilespmem:s10+$0xFFFFFF10] =	vst v6;
	v6 =	vmul.f32 v8, v2  }
0x266: {  	[tilespmem:s10+$0x60] =	vst v3;
	v3 =	vmul.f32 v7, v2;
	v7 =	vld [tilespmem:s10+$0xFFFFFF90]  }
0x267: {  	v8 =	vld [tilespmem:s10+$0xFFFFFFA0];
	[tilespmem:s10+$0xFFFFFF30] =	vst v6;
	v6 =	vmul.f32 v10, v2  }
0x268: {  	[tilespmem:s10+$0xFFFFFF20] =	vst v3;
	v3 =	vmul.f32 v9, v2;
	v9 =	vld [tilespmem:s10+$0xFFFFFFB0]  }
0x269: {  	v2 =	vmul.f32 v11, v2;
	[tilespmem:s10+$0xFFFFFF50] =	vst v6;
	v6 =	vld [tilespmem:s10+$0xFFFFFFD0]  }
0x26a: {  	v5 =	vmul.f32 v5, v4;
	[tilespmem:s10+$0xFFFFFF40] =	vst v3;
	v3 =	vld [tilespmem:s10+$0xFFFFFFC0]  }
0x26b: {  	[tilespmem:s10+$0xFFFFFF60] =	vst v2;
	v2 =	vmul.f32 v7, v4;
	v7 =	vld [tilespmem:s10+$0xFFFFFFE0]  }
0x26c: {  	[tilespmem:s10+$0xFFFFFF80] =	vst v5;
	v5 =	vmul.f32 v8, v4;
	v8 =	vld [tilespmem:s10+$0x0]  }
0x26d: {  	[tilespmem:s10+$0xFFFFFF90] =	vst v2;
	v2 =	vmul.f32 v9, v4;
	v9 =	vld [tilespmem:s10+$0x10]  }
0x26e: {  	v10 =	vld [tilespmem:s10+$0x20];
	[tilespmem:s10+$0xFFFFFFA0] =	vst v5;
	v6 =	vmul.f32 v6, v4  }
0x26f: {  	v5 =	vmul.f32 v3, v4;
	[tilespmem:s10+$0xFFFFFFB0] =	vst v2;
	v3 =	vld [tilespmem:s10+$0x30]  }
0x270: {  	s15 =	simm.s32 $0x4;
	v2 =	vld [tilespmem:s10+$0x40];
	[tilespmem:s10+$0xFFFFFFD0] =	vst v6;
	v7 =	vmul.f32 v7, v4  }
0x271: {  	s22 =	simm.s32 $0x5;
	v4 =	vmov s15;
	v8 =	vmul.f32 v8, v1;
	[tilespmem:s10+$0xFFFFFFC0] =	vst v5;
	v5 =	vld [tilespmem:s10+$0x50]  }
0x272: {  	s21 =	simm.s32 $0x7;
	v11 =	vmov s22;
	v6 =	vand.u32 $0xFFFFFFFC, v4;
	[tilespmem:s10+$0xFFFFFFE0] =	vst v7;
	v9 =	vmul.f32 v9, v1;
	v7 =	vld [tilespmem:s10+$0x80]  }
0x273: {  	s12 =	simm.s32 $0x1C0F8;
	v10 =	vmul.f32 v10, v1;
	s15 =	simm.s32 $0x6;
	v4 =	vmov s21;
	s21 =	simm.s32 $0x8;
	v6 =	vbroadcast v6, $0x0;
	[tilespmem:s10+$0x0] =	vst v8;
	v8 =	vld [tilespmem:s10+$0x90]  }
.LBB2_7:
0x274: {  	p1 =	slt.u32 s21, $0x4C;
	v11 =	vand.u32 $0xFFFFFFFD, v11;
	v12 =	vmov s15;
	[tilespmem:s10+$0x10] =	vst v9;
	v3 =	vmul.f32 v3, v1;
	v9 =	vld [tilespmem:s10+$0xA0]  }
0x275: {  	v11 =	vbroadcast v11, $0x0;
	v12 =	vand.u32 $0xFFFFFFFE, v12;
	[tilespmem:s10+$0x20] =	vst v10;
	v2 =	vmul.f32 v2, v1;
	v10 =	vld [tilespmem:s10+$0xB0]  }
0x276: {  	v12 =	vbroadcast v12, $0x0;
	[tilespmem:s10+$0x30] =	vst v3;
	v1 =	vmul.f32 v5, v1;
	v3 =	vld [tilespmem:s10+$0xC0]  }
0x277: {  	[tilespmem:s10+$0x40] =	vst v2;
	v2 =	vmul.f32 v7, v0;
	v5 =	vld [tilespmem:s10+$0xD0]  }
0x278: {  	[tilespmem:s10+$0x50] =	vst v1;
	v1 =	vmul.f32 v8, v0;
	v7 =	vld [tilespmem:s10+$0xE0]  }
0x279: {  	v4 =	vld.idx.msk [tilespmem:v4+s5+$0x0], $0xffff;
	[tilespmem:s10+$0x80] =	vst v2;
	v2 =	vmul.f32 v9, v0  }
0x27a: {  	v6 =	vld.idx.msk [tilespmem:v6+s5+$0x0], $0xffff;
	[tilespmem:s10+$0x90] =	vst v1;
	v8 =	vmul.f32 v10, v0  }
0x27b: {  	v9 =	vld.idx.msk [tilespmem:v11+s5+$0x0], $0xffff;
	[tilespmem:s10+$0xA0] =	vst v2;
	v2 =	vmul.f32 v3, v0  }
0x27c: {  	s10 =	sadd.s32 $0x200, s10;
	v1 =	vld.idx.msk [tilespmem:v12+s5+$0x0], $0xffff;
	[tilespmem:s12+$0xB0] =	vst v8;
	v3 =	vmul.f32 v5, v0  }
0x27d: {  	v5 =	vld [tilespmem:s10+$0x60];
	[tilespmem:s12+$0xC0] =	vst v2;
	v7 =	vmul.f32 v7, v0  }
0x27e: {  	v2 =	vld [tilespmem:s10+$0xFFFFFF00];
	[tilespmem:s12+$0xD0] =	vst v3  }
0x27f: {  	v0 =	vmov v4;
	v3 =	vld [tilespmem:s10+$0xFFFFFF10];
	[tilespmem:s12+$0xE0] =	vst v7;
	s12 =	smov.u32 s10  }
0x280: {  	v4 =	vld [tilespmem:s10+$0xFFFFFF20]  }
0x281: {  	v7 =	vld [tilespmem:s10+$0xFFFFFF30]  }
0x282: {  	v8 =	vld [tilespmem:s10+$0xFFFFFF40];
	v5 =	vmul.f32 v5, v1  }
0x283: {  	v2 =	vmul.f32 v2, v6;
	v10 =	vld [tilespmem:s10+$0xFFFFFF50]  }
0x284: {  	v3 =	vmul.f32 v3, v6;
	v11 =	vld [tilespmem:s10+$0xFFFFFF60];
	[tilespmem:s10+$0x60] =	vst v5  }
0x285: {  	[tilespmem:s10+$0xFFFFFF00] =	vst v2;
	v2 =	vmul.f32 v4, v6;
	v4 =	vld [tilespmem:s10+$0xFFFFFF80]  }
0x286: {  	[tilespmem:s10+$0xFFFFFF10] =	vst v3;
	v3 =	vmul.f32 v7, v6;
	v5 =	vld [tilespmem:s10+$0xFFFFFF90]  }
0x287: {  	[tilespmem:s10+$0xFFFFFF20] =	vst v2;
	v2 =	vmul.f32 v8, v6;
	v7 =	vld [tilespmem:s10+$0xFFFFFFA0]  }
0x288: {  	[tilespmem:s10+$0xFFFFFF30] =	vst v3;
	v3 =	vmul.f32 v10, v6;
	v8 =	vld [tilespmem:s10+$0xFFFFFFB0]  }
0x289: {  	[tilespmem:s10+$0xFFFFFF40] =	vst v2;
	v2 =	vmul.f32 v11, v6;
	v6 =	vld [tilespmem:s10+$0xFFFFFFC0]  }
0x28a: {  	[tilespmem:s10+$0xFFFFFF50] =	vst v3;
	v3 =	vmul.f32 v4, v9;
	v4 =	vld [tilespmem:s10+$0xFFFFFFD0]  }
0x28b: {  	[tilespmem:s10+$0xFFFFFF60] =	vst v2;
	v2 =	vmul.f32 v5, v9;
	v5 =	vld [tilespmem:s10+$0xFFFFFFE0]  }
0x28c: {  	[tilespmem:s10+$0xFFFFFF80] =	vst v3;
	v3 =	vmul.f32 v7, v9;
	v7 =	vld [tilespmem:s10+$0x0]  }
0x28d: {  	[tilespmem:s10+$0xFFFFFF90] =	vst v2;
	v2 =	vmul.f32 v8, v9;
	v8 =	vld [tilespmem:s10+$0x10]  }
0x28e: {  	[tilespmem:s10+$0xFFFFFFA0] =	vst v3;
	v6 =	vmul.f32 v6, v9;
	v10 =	vld [tilespmem:s10+$0x20]  }
.Ltmp2:
0x28f: {  	[tilespmem:s10+$0xFFFFFFB0] =	vst v2;
	v4 =	vmul.f32 v4, v9;
	v3 =	vld [tilespmem:s10+$0x30];
	(pc) =	sbr.rel @p1 .LBB2_7-.Ltmp2, $4  }
0x290: {  	[tilespmem:s10+$0xFFFFFFC0] =	vst v6;
	v6 =	vmul.f32 v5, v9;
	v2 =	vld [tilespmem:s10+$0x40]  }
0x291: {  	s15 =	sadd.s32 $0x3, s21;
	v9 =	vmov s21;
	[tilespmem:s10+$0xFFFFFFD0] =	vst v4;
	v12 =	vmul.f32 v7, v1;
	v5 =	vld [tilespmem:s10+$0x50]  }
0x292: {  	s22 =	sadd.s32 $0x1, s21;
	v11 =	vand.u32 $0xFFFFFFFC, v9;
	v4 =	vmov s15;
	[tilespmem:s10+$0xFFFFFFE0] =	vst v6;
	v9 =	vmul.f32 v8, v1;
	v7 =	vld [tilespmem:s10+$0x80]  }
0x293: {  	s15 =	sadd.s32 $0x2, s21;
	s21 =	sadd.s32 $0x4, s21;
	v6 =	vbroadcast v11, $0x0;
	v11 =	vmov s22;
	[tilespmem:s10+$0x0] =	vst v12;
	v10 =	vmul.f32 v10, v1;
	v8 =	vld [tilespmem:s10+$0x90]  }
0x294: {  	v13 =	vld [tilespmem:s10+$0xA0]  }
0x295: {  	v14 =	vld [tilespmem:s10+$0xB0]  }
0x296: {  	v15 =	vld [tilespmem:s10+$0xC0]  }
0x297: {  	v16 =	vld [tilespmem:s10+$0xD0]  }
0x298: {  	v24 =	vld [tilespmem:s10+$0xE0]  }
0x299: {  	v4 =	vld.idx.msk [tilespmem:v4+s5+$0x0], $0xffff  }
0x29a: {  	[tilespmem:s10+$0x10] =	vst v9;
	v3 =	vmul.f32 v3, v1;
	s21 =	sadd.s32 $0x200, s10;
	v26 =	vld.idx.msk [tilespmem:v6+s5+$0x0], $0xffff  }
0x29b: {  	[tilespmem:s10+$0x20] =	vst v10;
	v2 =	vmul.f32 v2, v1;
	v32 =	vld [tilespmem:s21+$0x60]  }
0x29c: {  	v34 =	vld [tilespmem:s21+$0xFFFFFF00];
	[tilespmem:s10+$0x30] =	vst v3;
	v25 =	vmul.f32 v5, v1  }
0x29d: {  	v36 =	vld [tilespmem:s21+$0xFFFFFF10];
	[tilespmem:s10+$0x40] =	vst v2;
	v27 =	vmul.f32 v7, v0  }
0x29e: {  	v38 =	vld [tilespmem:s21+$0xFFFFFF20];
	[tilespmem:s10+$0x50] =	vst v25;
	v29 =	vmul.f32 v8, v0  }
0x29f: {  	v40 =	vld [tilespmem:s21+$0xFFFFFF30];
	[tilespmem:s10+$0x80] =	vst v27;
	v31 =	vmul.f32 v13, v0  }
0x2a0: {  	v41 =	vld [tilespmem:s21+$0xFFFFFF40];
	v33 =	vmul.f32 v14, v0;
	[tilespmem:s10+$0x90] =	vst v29  }
0x2a1: {  	v43 =	vld [tilespmem:s21+$0xFFFFFF50];
	v35 =	vmul.f32 v15, v0;
	[tilespmem:s10+$0xA0] =	vst v31  }
0x2a2: {  	v45 =	vld [tilespmem:s21+$0xFFFFFF60];
	v37 =	vmul.f32 v16, v0;
	[tilespmem:s12+$0xB0] =	vst v33  }
0x2a3: {  	v11 =	vand.u32 $0xFFFFFFFD, v11;
	v47 =	vld [tilespmem:s21+$0xFFFFFF80];
	v39 =	vmul.f32 v24, v0;
	[tilespmem:s12+$0xC0] =	vst v35  }
0x2a4: {  	v11 =	vbroadcast v11, $0x0;
	v48 =	vld [tilespmem:s21+$0xFFFFFF90];
	v42 =	vmul.f32 v34, v26;
	[tilespmem:s12+$0xD0] =	vst v37  }
0x2a5: {  	v50 =	vld [tilespmem:s21+$0xFFFFFFA0];
	v44 =	vmul.f32 v36, v26;
	[tilespmem:s12+$0xE0] =	vst v39  }
0x2a6: {  	v18 =	vld [tilespmem:s21+$0x80];
	v46 =	vmul.f32 v38, v26;
	[tilespmem:s21+$0xFFFFFF00] =	vst v42  }
0x2a7: {  	v20 =	vld [tilespmem:s21+$0x90];
	v2 =	vmul.f32 v40, v26;
	[tilespmem:s21+$0xFFFFFF10] =	vst v44  }
0x2a8: {  	v22 =	vld [tilespmem:s21+$0xA0];
	v49 =	vmul.f32 v41, v26;
	[tilespmem:s21+$0xFFFFFF20] =	vst v46  }
0x2a9: {  	v12 =	vmov s15;
	v51 =	vmul.f32 v43, v26;
	v53 =	vmul.f32 v45, v26;
	v26 =	vld [tilespmem:s21+$0xC0];
	[tilespmem:s21+$0xFFFFFF30] =	vst v2  }
0x2aa: {  	v12 =	vand.u32 $0xFFFFFFFE, v12;
	v28 =	vld.idx.msk [tilespmem:v11+s5+$0x0], $0xffff;
	[tilespmem:s21+$0xFFFFFF40] =	vst v49  }
0x2ab: {  	v52 =	vld [tilespmem:s21+$0xFFFFFFB0];
	v12 =	vbroadcast v12, $0x0;
	v27 =	vmul.f32 v18, v4;
	[tilespmem:s21+$0xFFFFFF50] =	vst v51  }
0x2ac: {  	v54 =	vld [tilespmem:s21+$0xFFFFFFC0];
	v29 =	vmul.f32 v20, v4;
	[tilespmem:s21+$0xFFFFFF60] =	vst v53  }
0x2ad: {  	v56 =	vld [tilespmem:s21+$0xFFFFFFD0];
	v31 =	vmul.f32 v22, v4;
	[tilespmem:s21+$0x80] =	vst v27  }
0x2ae: {  	v58 =	vld [tilespmem:s21+$0xFFFFFFE0];
	[tilespmem:s21+$0x90] =	vst v29;
	v33 =	vmul.f32 v26, v4  }
0x2af: {  	v59 =	vld [tilespmem:s21+$0x0];
	[tilespmem:s21+$0xA0] =	vst v31;
	v55 =	vmul.f32 v47, v28  }
0x2b0: {  	v61 =	vld [tilespmem:s21+$0x10];
	v57 =	vmul.f32 v48, v28;
	[tilespmem:s21+$0xC0] =	vst v33  }
0x2b1: {  	v30 =	vld.idx.msk [tilespmem:v12+s5+$0x0], $0xffff;
	v1 =	vmul.f32 v50, v28;
	[tilespmem:s21+$0xFFFFFF80] =	vst v55  }
0x2b2: {  	v63 =	vld [tilespmem:s21+$0x20];
	v60 =	vmul.f32 v52, v28;
	[tilespmem:s21+$0xFFFFFF90] =	vst v57  }
0x2b3: {  	v14 =	vld [tilespmem:s21+$0x40];
	v62 =	vmul.f32 v54, v28;
	[tilespmem:s21+$0xFFFFFFA0] =	vst v1  }
0x2b4: {  	v12 =	vld [tilespmem:s21+$0x30];
	v11 =	vmul.f32 v56, v28;
	[tilespmem:s21+$0xFFFFFFB0] =	vst v60  }
0x2b5: {  	v16 =	vld [tilespmem:s21+$0x50];
	v13 =	vmul.f32 v58, v28;
	[tilespmem:s21+$0xFFFFFFC0] =	vst v62  }
0x2b6: {  	v7 =	vmul.f32 v32, v30;
	[tilespmem:s21+$0xFFFFFFD0] =	vst v11  }
0x2b7: {  	v15 =	vmul.f32 v59, v30;
	[tilespmem:s21+$0xFFFFFFE0] =	vst v13  }
0x2b8: {  	v24 =	vld [tilespmem:s21+$0xB0];
	v17 =	vmul.f32 v61, v30;
	[tilespmem:s21+$0x60] =	vst v7  }
0x2b9: {  	v28 =	vld [tilespmem:s21+$0xD0];
	v19 =	vmul.f32 v63, v30;
	v21 =	vmul.f32 v12, v30;
	[tilespmem:s21+$0x0] =	vst v15  }
0x2ba: {  	v23 =	vmul.f32 v14, v30;
	v25 =	vmul.f32 v16, v30;
	v30 =	vld [tilespmem:s21+$0xE0];
	[tilespmem:s21+$0x10] =	vst v17  }
0x2bb: {  	[tilespmem:s21+$0x20] =	vst v19  }
0x2bc: {  	[tilespmem:s21+$0x30] =	vst v21  }
0x2bd: {  	v32 =	vmul.f32 v24, v4;
	[tilespmem:s21+$0x40] =	vst v23  }
0x2be: {  	[tilespmem:s21+$0x50] =	vst v25;
	v34 =	vmul.f32 v28, v4  }
0x2bf: {  	[tilespmem:s21+$0xB0] =	vst v32;
	v35 =	vmul.f32 v30, v4  }
0x2c0: {  	s10 =	sshll.u32 s14, $0x1;
	[tilespmem:s21+$0xD0] =	vst v34  }
0x2c1: {  	s15 =	simm.s32 $0x1BFF8;
	[tilespmem:s21+$0xE0] =	vst v35;
	s21 =	sadd.s32 s10, s17  }
0x2c2: {  	[spmem:s1] =	stream.indirect.scatter.add.f32 [tilespmem:s15], [sflag:$0x4], $0x80, s0, s30, $0xb8;
	[tilespmem:$0x1E7F8] =	vst v63  }
0x2c3: {  	s12 =	smul.u32 $0x1E, s21;
	_ =	swait.ge [sflag:s24], $0x2800  }
0x2c4: {  	[sflag:s24] =	ssyncset.done $0x0  }
0x2c5: {  	s12 =	sadd.s32 s4, s12;
	[sflag:s24] =	ssyncadd.s32 $0xFFFFD800  }
0x2c6: {  	[tilespmem:s29], [sflag:$0x5] =	stream.linear.gather [hbm4b:s12+s3], $0xF0, $0x38;
	[tilespmem:$0x1E7F8] =	vst v63  }
0x2c7: {  	_ =	swait.ge [sflag:s26], $0xF0  }
0x2c8: {  	[sflag:s26] =	ssyncset.done $0x0  }
0x2c9: {  	[sflag:s26] =	ssyncadd.s32 $0xFFFFFF10  }
0x2ca: {  	v36 =	vld [tilespmem:$0x195C8]  }
0x2cb: {  	v37 =	vld [tilespmem:$0x19618];
	_ =	sdelay $0x2  }
0x2cc: {  	v38 =	vld [tilespmem:$0x19578];
	_ =	sdelay $0x3  }
0x2cd: {  	v0 =	vld.idx.msk [tilespmem:v36+s25+$0x0], $0xffff  }
0x2ce: {  	v1 =	vld.idx.msk [tilespmem:v37+s28+$0x0], $0xffff;
	_ =	sdelay $0x2  }
0x2cf: {  	v2 =	vld.idx.msk [tilespmem:v38+s13+$0x0], $0xffff;
	_ =	sdelay $0x1  }
0x2d0: {  	v0 =	vadd.f32 v1, v0;
	_ =	sdelay $0x1  }
0x2d1: {  	v0 =	vmul.f32 $1.442695020e+00, v0  }
0x2d2: {  	v39 =	vadd.f32 $1.000000020e-16, v2  }
0x2d3: {  	(erf) = vpow2.f32 v0  }
0x2d4: {  	(erf) = vrcp.f32 v39;
	_ =	sdelay $0x4  }
0x2d5: {  	v40 =	vld [tilespmem:$0x195D8]  }
0x2d6: {  	v41 =	vld [tilespmem:$0x19628];
	_ =	sdelay $0x1  }
0x2d7: {  	v42 =	vpop (erf)  }
0x2d8: {  	v44 =	vld [tilespmem:$0x19588];
	v43 =	vpop (erf)  }
0x2d9: {  	v2 =	vmul.f32 v43, v42;
	_ =	sdelay $0x1  }
0x2da: {  	[tilespmem:$0x19668] =	vst v2  }
0x2db: {  	v0 =	vld.idx.msk [tilespmem:v40+s25+$0x0], $0xffff  }
0x2dc: {  	v1 =	vld.idx.msk [tilespmem:v41+s28+$0x0], $0xffff;
	_ =	sdelay $0x2  }
0x2dd: {  	v2 =	vld.idx.msk [tilespmem:v44+s13+$0x0], $0xffff;
	_ =	sdelay $0x1  }
0x2de: {  	v0 =	vadd.f32 v1, v0;
	_ =	sdelay $0x1  }
0x2df: {  	v0 =	vmul.f32 $1.442695020e+00, v0  }
0x2e0: {  	v45 =	vadd.f32 $1.000000020e-16, v2  }
0x2e1: {  	(erf) = vpow2.f32 v0  }
0x2e2: {  	(erf) = vrcp.f32 v45;
	_ =	sdelay $0x4  }
0x2e3: {  	v46 =	vld [tilespmem:$0x195E8]  }
0x2e4: {  	v47 =	vld [tilespmem:$0x19638];
	_ =	sdelay $0x1  }
0x2e5: {  	v48 =	vpop (erf)  }
0x2e6: {  	v50 =	vld [tilespmem:$0x19598];
	v49 =	vpop (erf)  }
0x2e7: {  	v2 =	vmul.f32 v49, v48;
	_ =	sdelay $0x1  }
0x2e8: {  	[tilespmem:$0x19678] =	vst v2  }
0x2e9: {  	v0 =	vld.idx.msk [tilespmem:v46+s25+$0x0], $0xffff  }
0x2ea: {  	v1 =	vld.idx.msk [tilespmem:v47+s28+$0x0], $0xffff;
	_ =	sdelay $0x2  }
0x2eb: {  	v2 =	vld.idx.msk [tilespmem:v50+s13+$0x0], $0xffff;
	_ =	sdelay $0x1  }
0x2ec: {  	v0 =	vadd.f32 v1, v0;
	_ =	sdelay $0x1  }
0x2ed: {  	v0 =	vmul.f32 $1.442695020e+00, v0  }
0x2ee: {  	v51 =	vadd.f32 $1.000000020e-16, v2  }
0x2ef: {  	(erf) = vpow2.f32 v0  }
0x2f0: {  	(erf) = vrcp.f32 v51;
	_ =	sdelay $0x4  }
0x2f1: {  	v52 =	vld [tilespmem:$0x195F8]  }
0x2f2: {  	v53 =	vld [tilespmem:$0x19648];
	_ =	sdelay $0x1  }
0x2f3: {  	v54 =	vpop (erf)  }
0x2f4: {  	v56 =	vld [tilespmem:$0x195A8];
	v55 =	vpop (erf)  }
0x2f5: {  	v2 =	vmul.f32 v55, v54;
	_ =	sdelay $0x1  }
0x2f6: {  	[tilespmem:$0x19688] =	vst v2  }
0x2f7: {  	v0 =	vld.idx.msk [tilespmem:v52+s25+$0x0], $0xffff  }
0x2f8: {  	v1 =	vld.idx.msk [tilespmem:v53+s28+$0x0], $0xffff;
	_ =	sdelay $0x2  }
0x2f9: {  	v2 =	vld.idx.msk [tilespmem:v56+s13+$0x0], $0xffff;
	_ =	sdelay $0x1  }
0x2fa: {  	v0 =	vadd.f32 v1, v0;
	_ =	sdelay $0x1  }
0x2fb: {  	v0 =	vmul.f32 $1.442695020e+00, v0  }
0x2fc: {  	v57 =	vadd.f32 $1.000000020e-16, v2  }
0x2fd: {  	(erf) = vpow2.f32 v0  }
0x2fe: {  	(erf) = vrcp.f32 v57;
	_ =	sdelay $0x4  }
0x2ff: {  	v58 =	vld [tilespmem:$0x19608]  }
0x300: {  	v59 =	vld [tilespmem:$0x19658];
	_ =	sdelay $0x1  }
0x301: {  	v60 =	vpop (erf)  }
0x302: {  	v62 =	vld [tilespmem:$0x195B8];
	v61 =	vpop (erf)  }
0x303: {  	v2 =	vmul.f32 v61, v60;
	_ =	sdelay $0x1  }
0x304: {  	[tilespmem:$0x19698] =	vst v2  }
0x305: {  	v0 =	vld.idx.msk [tilespmem:v58+s25+$0x0], $0xffff  }
0x306: {  	v1 =	vld.idx.msk [tilespmem:v59+s28+$0x0], $0xffff;
	_ =	sdelay $0x2  }
0x307: {  	v2 =	vld.idx.msk [tilespmem:v62+s13+$0x0], $0xffff;
	_ =	sdelay $0x1  }
0x308: {  	v0 =	vadd.f32 v1, v0;
	_ =	sdelay $0x1  }
0x309: {  	v0 =	vmul.f32 $1.442695020e+00, v0  }
0x30a: {  	v63 =	vadd.f32 $1.000000020e-16, v2  }
0x30b: {  	(erf) = vpow2.f32 v0  }
0x30c: {  	(erf) = vrcp.f32 v63;
	_ =	sdelay $0x7  }
0x30d: {  	v0 =	vpop (erf)  }
0x30e: {  	v1 =	vpop (erf)  }
0x30f: {  	v0 =	vmul.f32 v1, v0  }
0x310: {  	p1 =	seq.s32 s14, $0x3D  }
.Ltmp3:
0x311: {  	s22 =	simm.s32 $0x195C8;
	[tilespmem:$0x196A8] =	vst v0;
	(pc) =	sbr.rel @p1 .LBB2_10-.Ltmp3, $4  }
0x312: {  	[tilespmem:s18], [sflag:$0x1] =	stream.indirect.gather [hbm4b:s23+s30], $0x80, s22, s30, $0xb8;
	[tilespmem:$0x1E7F8] =	vst v63  }
0x313: {  	_ =	swait.ge [sflag:s7], $0x2800  }
0x314: {  	[sflag:s7] =	ssyncset.done $0x0  }
0x315: {  	[sflag:s7] =	ssyncadd.s32 $0xFFFFD800  }
0x316: {  	s10 =	sadd.s32 s10, s20  }
0x317: {  	s10 =	smul.u32 $0x1E, s10;
	_ =	sdelay $0x1  }
0x318: {  	s10 =	sadd.s32 s4, s10  }
0x319: {  	[tilespmem:s0], [sflag:$0x5] =	stream.linear.gather [hbm4b:s10+s3], $0xF0, $0x38;
	[tilespmem:$0x1E7F8] =	vst v63  }
0x31a: {  	_ =	swait.ge [sflag:s26], $0xF0  }
0x31b: {  	[sflag:s26] =	ssyncset.done $0x0  }
0x31c: {  	[sflag:s26] =	ssyncadd.s32 $0xFFFFFF10  }
0x31d: {  	v0 =	vld [tilespmem:$0x1BF08]  }
0x31e: {  	v1 =	vld [tilespmem:$0x1BF58];
	_ =	sdelay $0x2  }
0x31f: {  	v2 =	vld [tilespmem:$0x1BEB8];
	_ =	sdelay $0x3  }
0x320: {  	v0 =	vld.idx.msk [tilespmem:v0+s25+$0x0], $0xffff  }
0x321: {  	v1 =	vld.idx.msk [tilespmem:v1+s28+$0x0], $0xffff;
	_ =	sdelay $0x2  }
0x322: {  	v2 =	vld.idx.msk [tilespmem:v2+s13+$0x0], $0xffff;
	_ =	sdelay $0x1  }
0x323: {  	v0 =	vadd.f32 v1, v0;
	_ =	sdelay $0x1  }
0x324: {  	v0 =	vmul.f32 $1.442695020e+00, v0  }
0x325: {  	v41 =	vadd.f32 $1.000000020e-16, v2  }
0x326: {  	(erf) = vpow2.f32 v0  }
0x327: {  	(erf) = vrcp.f32 v41;
	_ =	sdelay $0x4  }
0x328: {  	v42 =	vld [tilespmem:$0x1BF18]  }
0x329: {  	v43 =	vld [tilespmem:$0x1BF68];
	_ =	sdelay $0x1  }
0x32a: {  	v44 =	vpop (erf)  }
0x32b: {  	v4 =	vld [tilespmem:$0x1BEC8];
	v3 =	vpop (erf)  }
0x32c: {  	v2 =	vmul.f32 v3, v44;
	_ =	sdelay $0x1  }
0x32d: {  	[tilespmem:$0x1BFA8] =	vst v2  }
0x32e: {  	v0 =	vld.idx.msk [tilespmem:v42+s25+$0x0], $0xffff  }
0x32f: {  	v1 =	vld.idx.msk [tilespmem:v43+s28+$0x0], $0xffff;
	_ =	sdelay $0x2  }
0x330: {  	v2 =	vld.idx.msk [tilespmem:v4+s13+$0x0], $0xffff;
	_ =	sdelay $0x1  }
0x331: {  	v0 =	vadd.f32 v1, v0;
	_ =	sdelay $0x1  }
0x332: {  	v0 =	vmul.f32 $1.442695020e+00, v0  }
0x333: {  	v45 =	vadd.f32 $1.000000020e-16, v2  }
0x334: {  	(erf) = vpow2.f32 v0  }
0x335: {  	(erf) = vrcp.f32 v45;
	_ =	sdelay $0x4  }
0x336: {  	v46 =	vld [tilespmem:$0x1BF28]  }
0x337: {  	v47 =	vld [tilespmem:$0x1BF78];
	_ =	sdelay $0x1  }
0x338: {  	v48 =	vpop (erf)  }
0x339: {  	v50 =	vld [tilespmem:$0x1BED8];
	v49 =	vpop (erf)  }
0x33a: {  	v2 =	vmul.f32 v49, v48;
	_ =	sdelay $0x1  }
0x33b: {  	[tilespmem:$0x1BFB8] =	vst v2  }
0x33c: {  	v0 =	vld.idx.msk [tilespmem:v46+s25+$0x0], $0xffff  }
0x33d: {  	v1 =	vld.idx.msk [tilespmem:v47+s28+$0x0], $0xffff;
	_ =	sdelay $0x2  }
0x33e: {  	v2 =	vld.idx.msk [tilespmem:v50+s13+$0x0], $0xffff;
	_ =	sdelay $0x1  }
0x33f: {  	v0 =	vadd.f32 v1, v0;
	_ =	sdelay $0x1  }
0x340: {  	v0 =	vmul.f32 $1.442695020e+00, v0  }
0x341: {  	v51 =	vadd.f32 $1.000000020e-16, v2  }
0x342: {  	(erf) = vpow2.f32 v0  }
0x343: {  	(erf) = vrcp.f32 v51;
	_ =	sdelay $0x4  }
0x344: {  	v52 =	vld [tilespmem:$0x1BF38]  }
0x345: {  	v53 =	vld [tilespmem:$0x1BF88];
	_ =	sdelay $0x1  }
0x346: {  	v54 =	vpop (erf)  }
0x347: {  	v56 =	vld [tilespmem:$0x1BEE8];
	v55 =	vpop (erf)  }
0x348: {  	v2 =	vmul.f32 v55, v54;
	_ =	sdelay $0x1  }
0x349: {  	[tilespmem:$0x1BFC8] =	vst v2  }
0x34a: {  	v0 =	vld.idx.msk [tilespmem:v52+s25+$0x0], $0xffff  }
0x34b: {  	v1 =	vld.idx.msk [tilespmem:v53+s28+$0x0], $0xffff;
	_ =	sdelay $0x2  }
0x34c: {  	v2 =	vld.idx.msk [tilespmem:v56+s13+$0x0], $0xffff;
	_ =	sdelay $0x1  }
0x34d: {  	v0 =	vadd.f32 v1, v0;
	_ =	sdelay $0x1  }
0x34e: {  	v0 =	vmul.f32 $1.442695020e+00, v0  }
0x34f: {  	v57 =	vadd.f32 $1.000000020e-16, v2  }
0x350: {  	(erf) = vpow2.f32 v0  }
0x351: {  	(erf) = vrcp.f32 v57;
	_ =	sdelay $0x4  }
0x352: {  	v58 =	vld [tilespmem:$0x1BF48]  }
0x353: {  	v59 =	vld [tilespmem:$0x1BF98];
	_ =	sdelay $0x1  }
0x354: {  	v60 =	vpop (erf)  }
0x355: {  	v62 =	vld [tilespmem:$0x1BEF8];
	v61 =	vpop (erf)  }
0x356: {  	v2 =	vmul.f32 v61, v60;
	_ =	sdelay $0x1  }
0x357: {  	[tilespmem:$0x1BFD8] =	vst v2  }
0x358: {  	v0 =	vld.idx.msk [tilespmem:v58+s25+$0x0], $0xffff  }
0x359: {  	v1 =	vld.idx.msk [tilespmem:v59+s28+$0x0], $0xffff;
	_ =	sdelay $0x2  }
0x35a: {  	v2 =	vld.idx.msk [tilespmem:v62+s13+$0x0], $0xffff;
	_ =	sdelay $0x1  }
0x35b: {  	v0 =	vadd.f32 v1, v0;
	_ =	sdelay $0x1  }
0x35c: {  	v0 =	vmul.f32 $1.442695020e+00, v0  }
0x35d: {  	v63 =	vadd.f32 $1.000000020e-16, v2  }
0x35e: {  	(erf) = vpow2.f32 v0  }
0x35f: {  	(erf) = vrcp.f32 v63;
	_ =	sdelay $0x7  }
0x360: {  	v0 =	vpop (erf)  }
.Ltmp4:
0x361: {  	v1 =	vpop (erf);
	(pc) =	sbr.rel .LBB2_4-.Ltmp4, $3  }
0x362: {  	v0 =	vmul.f32 v1, v0;
	_ =	sdelay $0x1  }
0x363: {  	s22 =	simm.s32 $0x1BF08;
	s14 =	sadd.s32 $0x1, s14;
	[tilespmem:$0x1BFE8] =	vst v0  }
0x364: {  	[tilespmem:s15], [sflag:$0x2] =	stream.indirect.gather [hbm4b:s23+s30], $0x80, s22, s30, $0xb8;
	[tilespmem:$0x1E7F8] =	vst v63  }
.LBB2_10:
0x365: {  	s10 =	simm.s32 $0x0  }
0x366: {  	s12 =	simm.s32 $0x1;
	v0 =	vmov s10  }
0x367: {  	s19 =	simm.s32 $0x2;
	v2 =	vmov s12;
	v0 =	vand.u32 $0xFFFFFFFC, v0  }
0x368: {  	s15 =	simm.s32 $0x3;
	_ =	swait.ge [sflag:s8], $0x2800;
	v3 =	vbroadcast v0, $0x0;
	v0 =	vand.u32 $0xFFFFFFFD, v2;
	v2 =	vmov s19  }
0x369: {  	v1 =	vmov s15;
	[sflag:s8] =	ssyncset.done $0x0;
	v4 =	vbroadcast v0, $0x0;
	v0 =	vand.u32 $0xFFFFFFFE, v2  }
0x36a: {  	s10 =	simm.s32 $0x197B8;
	[sflag:s8] =	ssyncadd.s32 $0xFFFFD800;
	v2 =	vbroadcast v0, $0x0  }
0x36b: {  	v5 =	vld [tilespmem:s10+$0xFFFFFF00]  }
0x36c: {  	v6 =	vld [tilespmem:s10+$0xFFFFFF10]  }
0x36d: {  	v7 =	vld [tilespmem:s10+$0xFFFFFF20]  }
0x36e: {  	v0 =	vld.idx.msk [tilespmem:v1+s31+$0x0], $0xffff  }
0x36f: {  	v3 =	vld.idx.msk [tilespmem:v3+s31+$0x0], $0xffff  }
0x370: {  	v1 =	vld.idx.msk [tilespmem:v2+s31+$0x0], $0xffff  }
0x371: {  	v2 =	vld [tilespmem:s10+$0x60]  }
0x372: {  	v8 =	vld [tilespmem:s10+$0xFFFFFF30]  }
0x373: {  	v9 =	vld [tilespmem:s10+$0xFFFFFF40]  }
0x374: {  	v10 =	vld [tilespmem:s10+$0xFFFFFF50];
	v5 =	vmul.f32 v5, v3  }
0x375: {  	v11 =	vld [tilespmem:s10+$0xFFFFFF60];
	v6 =	vmul.f32 v6, v3  }
0x376: {  	v4 =	vld.idx.msk [tilespmem:v4+s31+$0x0], $0xffff;
	v2 =	vmul.f32 v2, v1;
	[tilespmem:s10+$0xFFFFFF00] =	vst v5  }
0x377: {  	v5 =	vld [tilespmem:s10+$0xFFFFFF80];
	[tilespmem:s10+$0xFFFFFF10] =	vst v6;
	v6 =	vmul.f32 v8, v3  }
0x378: {  	v8 =	vld [tilespmem:s10+$0xFFFFFFA0];
	[tilespmem:s10+$0x60] =	vst v2;
	v2 =	vmul.f32 v7, v3  }
0x379: {  	v7 =	vld [tilespmem:s10+$0xFFFFFF90];
	[tilespmem:s10+$0xFFFFFF30] =	vst v6;
	v6 =	vmul.f32 v10, v3  }
0x37a: {  	[tilespmem:s10+$0xFFFFFF20] =	vst v2;
	v2 =	vmul.f32 v9, v3;
	v9 =	vld [tilespmem:s10+$0xFFFFFFB0]  }
0x37b: {  	[tilespmem:s10+$0xFFFFFF50] =	vst v6;
	v6 =	vld [tilespmem:s10+$0xFFFFFFD0]  }
0x37c: {  	[tilespmem:s10+$0xFFFFFF40] =	vst v2;
	v2 =	vmul.f32 v11, v3  }
0x37d: {  	v5 =	vmul.f32 v5, v4;
	v3 =	vld [tilespmem:s10+$0xFFFFFFC0]  }
0x37e: {  	[tilespmem:s10+$0xFFFFFF60] =	vst v2;
	v2 =	vmul.f32 v7, v4;
	v7 =	vld [tilespmem:s10+$0xFFFFFFE0]  }
0x37f: {  	[tilespmem:s10+$0xFFFFFF80] =	vst v5;
	v5 =	vmul.f32 v8, v4;
	v8 =	vld [tilespmem:s10+$0x0]  }
0x380: {  	v6 =	vmul.f32 v6, v4;
	[tilespmem:s10+$0xFFFFFF90] =	vst v2;
	v2 =	vmul.f32 v9, v4;
	v9 =	vld [tilespmem:s10+$0x10]  }
0x381: {  	v10 =	vld [tilespmem:s10+$0x20];
	[tilespmem:s10+$0xFFFFFFA0] =	vst v5  }
0x382: {  	v5 =	vmul.f32 v3, v4;
	v3 =	vld [tilespmem:s10+$0x30];
	[tilespmem:s10+$0xFFFFFFD0] =	vst v6  }
0x383: {  	s21 =	simm.s32 $0x4;
	[tilespmem:s10+$0xFFFFFFB0] =	vst v2;
	v2 =	vld [tilespmem:s10+$0x40];
	v7 =	vmul.f32 v7, v4  }
0x384: {  	s14 =	simm.s32 $0x5;
	v8 =	vmul.f32 v8, v1;
	[tilespmem:s10+$0xFFFFFFC0] =	vst v5;
	v4 =	vmov s21;
	v5 =	vld [tilespmem:s10+$0x50]  }
0x385: {  	s22 =	simm.s32 $0x7;
	v11 =	vmov s14;
	v6 =	vand.u32 $0xFFFFFFFC, v4;
	[tilespmem:s10+$0xFFFFFFE0] =	vst v7;
	v9 =	vmul.f32 v9, v1;
	v7 =	vld [tilespmem:s10+$0x80]  }
0x386: {  	s15 =	simm.s32 $0x6;
	s12 =	simm.s32 $0x197B8;
	s14 =	simm.s32 $0x8;
	v10 =	vmul.f32 v10, v1;
	v4 =	vmov s22;
	[tilespmem:s10+$0x0] =	vst v8;
	v8 =	vld [tilespmem:s10+$0x90];
	v6 =	vbroadcast v6, $0x0  }
.LBB2_11:
0x387: {  	p1 =	slt.u32 s14, $0x4C;
	v11 =	vand.u32 $0xFFFFFFFD, v11;
	v12 =	vmov s15;
	[tilespmem:s10+$0x10] =	vst v9;
	v3 =	vmul.f32 v3, v1;
	v9 =	vld [tilespmem:s10+$0xA0]  }
0x388: {  	v11 =	vbroadcast v11, $0x0;
	v12 =	vand.u32 $0xFFFFFFFE, v12;
	[tilespmem:s10+$0x20] =	vst v10;
	v2 =	vmul.f32 v2, v1;
	v10 =	vld [tilespmem:s10+$0xB0]  }
0x389: {  	v12 =	vbroadcast v12, $0x0;
	[tilespmem:s10+$0x30] =	vst v3;
	v1 =	vmul.f32 v5, v1;
	v3 =	vld [tilespmem:s10+$0xC0]  }
0x38a: {  	[tilespmem:s10+$0x40] =	vst v2;
	v2 =	vmul.f32 v7, v0;
	v5 =	vld [tilespmem:s10+$0xD0]  }
0x38b: {  	[tilespmem:s10+$0x50] =	vst v1;
	v1 =	vmul.f32 v8, v0;
	v7 =	vld [tilespmem:s10+$0xE0]  }
0x38c: {  	v4 =	vld.idx.msk [tilespmem:v4+s31+$0x0], $0xffff;
	[tilespmem:s10+$0x80] =	vst v2;
	v2 =	vmul.f32 v9, v0  }
0x38d: {  	v6 =	vld.idx.msk [tilespmem:v6+s31+$0x0], $0xffff;
	[tilespmem:s10+$0x90] =	vst v1;
	v8 =	vmul.f32 v10, v0  }
0x38e: {  	v9 =	vld.idx.msk [tilespmem:v11+s31+$0x0], $0xffff;
	[tilespmem:s10+$0xA0] =	vst v2;
	v2 =	vmul.f32 v3, v0  }
0x38f: {  	s10 =	sadd.s32 $0x200, s10;
	v1 =	vld.idx.msk [tilespmem:v12+s31+$0x0], $0xffff;
	[tilespmem:s12+$0xB0] =	vst v8;
	v3 =	vmul.f32 v5, v0  }
0x390: {  	v5 =	vld [tilespmem:s10+$0x60];
	[tilespmem:s12+$0xC0] =	vst v2;
	v7 =	vmul.f32 v7, v0  }
0x391: {  	v2 =	vld [tilespmem:s10+$0xFFFFFF00];
	[tilespmem:s12+$0xD0] =	vst v3  }
0x392: {  	v0 =	vmov v4;
	v3 =	vld [tilespmem:s10+$0xFFFFFF10];
	[tilespmem:s12+$0xE0] =	vst v7;
	s12 =	smov.u32 s10  }
0x393: {  	v4 =	vld [tilespmem:s10+$0xFFFFFF20]  }
0x394: {  	v7 =	vld [tilespmem:s10+$0xFFFFFF30]  }
0x395: {  	v8 =	vld [tilespmem:s10+$0xFFFFFF40];
	v5 =	vmul.f32 v5, v1  }
0x396: {  	v2 =	vmul.f32 v2, v6;
	v10 =	vld [tilespmem:s10+$0xFFFFFF50]  }
0x397: {  	v3 =	vmul.f32 v3, v6;
	v11 =	vld [tilespmem:s10+$0xFFFFFF60];
	[tilespmem:s10+$0x60] =	vst v5  }
0x398: {  	[tilespmem:s10+$0xFFFFFF00] =	vst v2;
	v2 =	vmul.f32 v4, v6;
	v4 =	vld [tilespmem:s10+$0xFFFFFF80]  }
0x399: {  	[tilespmem:s10+$0xFFFFFF10] =	vst v3;
	v3 =	vmul.f32 v7, v6;
	v5 =	vld [tilespmem:s10+$0xFFFFFF90]  }
0x39a: {  	[tilespmem:s10+$0xFFFFFF20] =	vst v2;
	v2 =	vmul.f32 v8, v6;
	v7 =	vld [tilespmem:s10+$0xFFFFFFA0]  }
0x39b: {  	[tilespmem:s10+$0xFFFFFF30] =	vst v3;
	v3 =	vmul.f32 v10, v6;
	v8 =	vld [tilespmem:s10+$0xFFFFFFB0]  }
0x39c: {  	[tilespmem:s10+$0xFFFFFF40] =	vst v2;
	v2 =	vmul.f32 v11, v6;
	v6 =	vld [tilespmem:s10+$0xFFFFFFC0]  }
0x39d: {  	[tilespmem:s10+$0xFFFFFF50] =	vst v3;
	v3 =	vmul.f32 v4, v9;
	v4 =	vld [tilespmem:s10+$0xFFFFFFD0]  }
0x39e: {  	[tilespmem:s10+$0xFFFFFF60] =	vst v2;
	v2 =	vmul.f32 v5, v9;
	v5 =	vld [tilespmem:s10+$0xFFFFFFE0]  }
0x39f: {  	[tilespmem:s10+$0xFFFFFF80] =	vst v3;
	v3 =	vmul.f32 v7, v9;
	v7 =	vld [tilespmem:s10+$0x0]  }
0x3a0: {  	[tilespmem:s10+$0xFFFFFF90] =	vst v2;
	v2 =	vmul.f32 v8, v9;
	v8 =	vld [tilespmem:s10+$0x10]  }
0x3a1: {  	[tilespmem:s10+$0xFFFFFFA0] =	vst v3;
	v6 =	vmul.f32 v6, v9;
	v10 =	vld [tilespmem:s10+$0x20]  }
.Ltmp5:
0x3a2: {  	[tilespmem:s10+$0xFFFFFFB0] =	vst v2;
	v4 =	vmul.f32 v4, v9;
	v3 =	vld [tilespmem:s10+$0x30];
	(pc) =	sbr.rel @p1 .LBB2_11-.Ltmp5, $4  }
0x3a3: {  	[tilespmem:s10+$0xFFFFFFC0] =	vst v6;
	v6 =	vmul.f32 v5, v9;
	v2 =	vld [tilespmem:s10+$0x40]  }
0x3a4: {  	s15 =	sadd.s32 $0x3, s14;
	v9 =	vmov s14;
	[tilespmem:s10+$0xFFFFFFD0] =	vst v4;
	v12 =	vmul.f32 v7, v1;
	v5 =	vld [tilespmem:s10+$0x50]  }
0x3a5: {  	s19 =	sadd.s32 $0x1, s14;
	v11 =	vand.u32 $0xFFFFFFFC, v9;
	v4 =	vmov s15;
	[tilespmem:s10+$0xFFFFFFE0] =	vst v6;
	v9 =	vmul.f32 v8, v1;
	v7 =	vld [tilespmem:s10+$0x80]  }
0x3a6: {  	s15 =	sadd.s32 $0x2, s14;
	s14 =	sadd.s32 $0x4, s14;
	v6 =	vbroadcast v11, $0x0;
	v11 =	vmov s19;
	[tilespmem:s10+$0x0] =	vst v12;
	v10 =	vmul.f32 v10, v1;
	v8 =	vld [tilespmem:s10+$0x90]  }
0x3a7: {  	v13 =	vld [tilespmem:s10+$0xA0]  }
0x3a8: {  	v14 =	vld [tilespmem:s10+$0xB0]  }
0x3a9: {  	v15 =	vld [tilespmem:s10+$0xC0]  }
0x3aa: {  	v16 =	vld [tilespmem:s10+$0xD0]  }
0x3ab: {  	[tilespmem:s10+$0x10] =	vst v9;
	v3 =	vmul.f32 v3, v1;
	v54 =	vld [tilespmem:s10+$0xE0]  }
0x3ac: {  	v4 =	vld.idx.msk [tilespmem:v4+s31+$0x0], $0xffff;
	[tilespmem:s10+$0x20] =	vst v10;
	v2 =	vmul.f32 v2, v1  }
0x3ad: {  	s14 =	sadd.s32 $0x200, s10;
	v56 =	vld.idx.msk [tilespmem:v6+s31+$0x0], $0xffff;
	[tilespmem:s10+$0x30] =	vst v3;
	v55 =	vmul.f32 v5, v1  }
0x3ae: {  	v62 =	vld [tilespmem:s14+$0x60];
	[tilespmem:s10+$0x40] =	vst v2;
	v57 =	vmul.f32 v7, v0  }
0x3af: {  	v18 =	vld [tilespmem:s14+$0xFFFFFF30];
	[tilespmem:s10+$0x50] =	vst v55;
	v59 =	vmul.f32 v8, v0  }
0x3b0: {  	v19 =	vld [tilespmem:s14+$0xFFFFFF40];
	[tilespmem:s10+$0x80] =	vst v57;
	v61 =	vmul.f32 v13, v0  }
0x3b1: {  	v21 =	vld [tilespmem:s14+$0xFFFFFF50];
	v63 =	vmul.f32 v14, v0;
	[tilespmem:s10+$0x90] =	vst v59  }
0x3b2: {  	v11 =	vand.u32 $0xFFFFFFFD, v11;
	v23 =	vld [tilespmem:s14+$0xFFFFFF60];
	v13 =	vmul.f32 v15, v0;
	[tilespmem:s10+$0xA0] =	vst v61  }
0x3b3: {  	v11 =	vbroadcast v11, $0x0;
	v25 =	vld [tilespmem:s14+$0xFFFFFF80];
	v15 =	vmul.f32 v16, v0;
	[tilespmem:s12+$0xB0] =	vst v63  }
0x3b4: {  	v55 =	vld [tilespmem:s14+$0xB0];
	v17 =	vmul.f32 v54, v0;
	[tilespmem:s12+$0xC0] =	vst v13  }
0x3b5: {  	v14 =	vld [tilespmem:s14+$0xFFFFFF10];
	v2 =	vmul.f32 v18, v56;
	[tilespmem:s12+$0xD0] =	vst v15  }
0x3b6: {  	v16 =	vld [tilespmem:s14+$0xFFFFFF20];
	v27 =	vmul.f32 v19, v56;
	[tilespmem:s12+$0xE0] =	vst v17  }
0x3b7: {  	v57 =	vld [tilespmem:s14+$0xC0];
	v29 =	vmul.f32 v21, v56;
	[tilespmem:s14+$0xFFFFFF30] =	vst v2  }
0x3b8: {  	v31 =	vmul.f32 v23, v56;
	v59 =	vld [tilespmem:s14+$0xD0];
	[tilespmem:s14+$0xFFFFFF40] =	vst v27  }
0x3b9: {  	v12 =	vmov s15;
	v58 =	vld.idx.msk [tilespmem:v11+s31+$0x0], $0xffff;
	[tilespmem:s14+$0xFFFFFF50] =	vst v29;
	v63 =	vmul.f32 v55, v4  }
0x3ba: {  	v12 =	vand.u32 $0xFFFFFFFE, v12;
	v26 =	vld [tilespmem:s14+$0xFFFFFF90];
	[tilespmem:s14+$0xFFFFFF60] =	vst v31;
	v22 =	vmul.f32 v14, v56  }
0x3bb: {  	v28 =	vld [tilespmem:s14+$0xFFFFFFA0];
	v12 =	vbroadcast v12, $0x0;
	v24 =	vmul.f32 v16, v56;
	[tilespmem:s14+$0xB0] =	vst v63  }
0x3bc: {  	v30 =	vld [tilespmem:s14+$0xFFFFFFB0];
	v5 =	vmul.f32 v57, v4;
	[tilespmem:s14+$0xFFFFFF10] =	vst v22  }
0x3bd: {  	v32 =	vld [tilespmem:s14+$0xFFFFFFC0];
	v6 =	vmul.f32 v59, v4;
	[tilespmem:s14+$0xFFFFFF20] =	vst v24  }
0x3be: {  	v34 =	vld [tilespmem:s14+$0xFFFFFFD0];
	v33 =	vmul.f32 v25, v58;
	[tilespmem:s14+$0xC0] =	vst v5  }
0x3bf: {  	v36 =	vld [tilespmem:s14+$0xFFFFFFE0];
	v35 =	vmul.f32 v26, v58;
	[tilespmem:s14+$0xD0] =	vst v6  }
0x3c0: {  	v49 =	vld [tilespmem:s14+$0x80];
	v1 =	vmul.f32 v28, v58;
	[tilespmem:s14+$0xFFFFFF80] =	vst v33  }
0x3c1: {  	v60 =	vld.idx.msk [tilespmem:v12+s31+$0x0], $0xffff;
	v38 =	vmul.f32 v30, v58;
	[tilespmem:s14+$0xFFFFFF90] =	vst v35  }
0x3c2: {  	v12 =	vld [tilespmem:s14+$0xFFFFFF00];
	v40 =	vmul.f32 v32, v58;
	[tilespmem:s14+$0xFFFFFFA0] =	vst v1  }
0x3c3: {  	v37 =	vld [tilespmem:s14+$0x0];
	v42 =	vmul.f32 v34, v58;
	[tilespmem:s14+$0xFFFFFFB0] =	vst v38  }
0x3c4: {  	v39 =	vld [tilespmem:s14+$0x10];
	v44 =	vmul.f32 v36, v58;
	[tilespmem:s14+$0xFFFFFFC0] =	vst v40  }
0x3c5: {  	v41 =	vld [tilespmem:s14+$0x20];
	v58 =	vmul.f32 v49, v4;
	[tilespmem:s14+$0xFFFFFFD0] =	vst v42  }
0x3c6: {  	v43 =	vld [tilespmem:s14+$0x30];
	v7 =	vmul.f32 v62, v60;
	[tilespmem:s14+$0xFFFFFFE0] =	vst v44  }
0x3c7: {  	v45 =	vld [tilespmem:s14+$0x40];
	v20 =	vmul.f32 v12, v56;
	[tilespmem:s14+$0x80] =	vst v58  }
0x3c8: {  	v47 =	vld [tilespmem:s14+$0x50];
	v46 =	vmul.f32 v37, v60;
	[tilespmem:s14+$0x60] =	vst v7  }
0x3c9: {  	v51 =	vld [tilespmem:s14+$0x90];
	v48 =	vmul.f32 v39, v60;
	[tilespmem:s14+$0xFFFFFF00] =	vst v20  }
0x3ca: {  	v53 =	vld [tilespmem:s14+$0xA0];
	v50 =	vmul.f32 v41, v60;
	[tilespmem:s14+$0x0] =	vst v46  }
0x3cb: {  	v61 =	vld [tilespmem:s14+$0xE0];
	v52 =	vmul.f32 v43, v60;
	[tilespmem:s14+$0x10] =	vst v48  }
0x3cc: {  	v54 =	vmul.f32 v45, v60;
	[tilespmem:s14+$0x20] =	vst v50  }
0x3cd: {  	v56 =	vmul.f32 v47, v60;
	[tilespmem:s14+$0x30] =	vst v52  }
0x3ce: {  	v60 =	vmul.f32 v51, v4;
	[tilespmem:s14+$0x40] =	vst v54  }
0x3cf: {  	v62 =	vmul.f32 v53, v4;
	[tilespmem:s14+$0x50] =	vst v56  }
0x3d0: {  	[tilespmem:s14+$0x90] =	vst v60;
	v7 =	vmul.f32 v61, v4  }
0x3d1: {  	[tilespmem:s14+$0xA0] =	vst v62  }
0x3d2: {  	[tilespmem:s14+$0xE0] =	vst v7  }
0x3d3: {  	[spmem:s1] =	stream.indirect.scatter.add.f32 [tilespmem:s18], [sflag:$0x3], $0x80, s29, s30, $0xb8;
	[tilespmem:$0x1E7F8] =	vst v63  }
0x3d4: {  	_ =	swait.ge [sflag:s24], $0x2800  }
0x3d5: {  	[sflag:s24] =	ssyncset.done $0x0  }
0x3d6: {  	[sflag:s24] =	ssyncadd.s32 $0xFFFFD800  }
0x3d7: {  	[bflag:$0x0] =	sbarrier.arrive $0xFFFF  }
0x3d8: {  	s14 =	rddreg [dreg:$0xf]  }
0x3d9: {  	s15 =	rddreg [dreg:$0x13]  }
0x3da: {  	s19 =	rddreg [dreg:$0x14]  }
0x3db: {  	[hbm:s14], [sflag:s15] =	dma.local [spmem:s19], $0x2800  }
0x3dc: {  	_ =	swait.ge [sflag:s26], $0x2800  }
0x3dd: {  	[sflag:s26] =	ssyncset.done $0x0  }
0x3de: {  	s21 =	rddreg [dreg:$0x9];
	[sflag:s26] =	ssyncadd.s32 $0xFFFFD800  }
0x3df: {  	[spmem:s19], [sflag:s15] =	dma.local [hbm:s21], $0x2800  }
0x3e0: {  	_ =	swait.ge [sflag:s26], $0x2800  }
0x3e1: {  	[sflag:s26] =	ssyncset.done $0x0  }
0x3e2: {  	[sflag:s26] =	ssyncadd.s32 $0xFFFFD800  }
0x3e3: {  	[bflag:$0x0] =	sbarrier.arrive $0xFFFF  }
0x3e4: {  	[tilespmem:s29], [sflag:$0x5] =	stream.linear.gather [hbm4b:s16+s3], $0xF0, $0x38;
	[tilespmem:$0x1E7F8] =	vst v63  }
0x3e5: {  	_ =	swait.ge [sflag:s26], $0xF0  }
0x3e6: {  	[sflag:s26] =	ssyncset.done $0x0  }
0x3e7: {  	[sflag:s26] =	ssyncadd.s32 $0xFFFFFF10  }
0x3e8: {  	v8 =	vld [tilespmem:$0x195C8]  }
0x3e9: {  	v9 =	vld [tilespmem:$0x19618];
	_ =	sdelay $0x2  }
0x3ea: {  	v10 =	vld [tilespmem:$0x19578];
	_ =	sdelay $0x3  }
0x3eb: {  	v0 =	vld.idx.msk [tilespmem:v8+s25+$0x0], $0xffff  }
0x3ec: {  	v1 =	vld.idx.msk [tilespmem:v9+s28+$0x0], $0xffff;
	_ =	sdelay $0x2  }
0x3ed: {  	v2 =	vld.idx.msk [tilespmem:v10+s13+$0x0], $0xffff;
	_ =	sdelay $0x1  }
0x3ee: {  	v0 =	vadd.f32 v1, v0;
	_ =	sdelay $0x1  }
0x3ef: {  	v0 =	vmul.f32 $1.442695020e+00, v0  }
0x3f0: {  	v11 =	vadd.f32 $1.000000020e-16, v2  }
0x3f1: {  	(erf) = vpow2.f32 v0  }
0x3f2: {  	(erf) = vrcp.f32 v11;
	_ =	sdelay $0x4  }
0x3f3: {  	v12 =	vld [tilespmem:$0x195D8]  }
0x3f4: {  	v13 =	vld [tilespmem:$0x19628];
	_ =	sdelay $0x1  }
0x3f5: {  	v14 =	vpop (erf)  }
0x3f6: {  	v16 =	vld [tilespmem:$0x19588];
	v15 =	vpop (erf)  }
0x3f7: {  	v2 =	vmul.f32 v15, v14;
	_ =	sdelay $0x1  }
0x3f8: {  	[tilespmem:$0x19668] =	vst v2  }
0x3f9: {  	v0 =	vld.idx.msk [tilespmem:v12+s25+$0x0], $0xffff  }
0x3fa: {  	v1 =	vld.idx.msk [tilespmem:v13+s28+$0x0], $0xffff;
	_ =	sdelay $0x2  }
0x3fb: {  	v2 =	vld.idx.msk [tilespmem:v16+s13+$0x0], $0xffff;
	_ =	sdelay $0x1  }
0x3fc: {  	v0 =	vadd.f32 v1, v0;
	_ =	sdelay $0x1  }
0x3fd: {  	v0 =	vmul.f32 $1.442695020e+00, v0  }
0x3fe: {  	v17 =	vadd.f32 $1.000000020e-16, v2  }
0x3ff: {  	(erf) = vpow2.f32 v0  }
0x400: {  	(erf) = vrcp.f32 v17;
	_ =	sdelay $0x4  }
0x401: {  	v18 =	vld [tilespmem:$0x195E8]  }
0x402: {  	v19 =	vld [tilespmem:$0x19638];
	_ =	sdelay $0x1  }
0x403: {  	v20 =	vpop (erf)  }
0x404: {  	v22 =	vld [tilespmem:$0x19598];
	v21 =	vpop (erf)  }
0x405: {  	v2 =	vmul.f32 v21, v20;
	_ =	sdelay $0x1  }
0x406: {  	[tilespmem:$0x19678] =	vst v2  }
0x407: {  	v0 =	vld.idx.msk [tilespmem:v18+s25+$0x0], $0xffff  }
0x408: {  	v1 =	vld.idx.msk [tilespmem:v19+s28+$0x0], $0xffff;
	_ =	sdelay $0x2  }
0x409: {  	v2 =	vld.idx.msk [tilespmem:v22+s13+$0x0], $0xffff;
	_ =	sdelay $0x1  }
0x40a: {  	v0 =	vadd.f32 v1, v0;
	_ =	sdelay $0x1  }
0x40b: {  	v0 =	vmul.f32 $1.442695020e+00, v0  }
0x40c: {  	v23 =	vadd.f32 $1.000000020e-16, v2  }
0x40d: {  	(erf) = vpow2.f32 v0  }
0x40e: {  	(erf) = vrcp.f32 v23;
	_ =	sdelay $0x4  }
0x40f: {  	v24 =	vld [tilespmem:$0x195F8]  }
0x410: {  	v25 =	vld [tilespmem:$0x19648];
	_ =	sdelay $0x1  }
0x411: {  	v26 =	vpop (erf)  }
0x412: {  	v28 =	vld [tilespmem:$0x195A8];
	v27 =	vpop (erf)  }
0x413: {  	v2 =	vmul.f32 v27, v26;
	_ =	sdelay $0x1  }
0x414: {  	[tilespmem:$0x19688] =	vst v2  }
0x415: {  	v0 =	vld.idx.msk [tilespmem:v24+s25+$0x0], $0xffff  }
0x416: {  	v1 =	vld.idx.msk [tilespmem:v25+s28+$0x0], $0xffff;
	_ =	sdelay $0x2  }
0x417: {  	v2 =	vld.idx.msk [tilespmem:v28+s13+$0x0], $0xffff;
	_ =	sdelay $0x1  }
0x418: {  	v0 =	vadd.f32 v1, v0;
	_ =	sdelay $0x1  }
0x419: {  	v0 =	vmul.f32 $1.442695020e+00, v0  }
0x41a: {  	v29 =	vadd.f32 $1.000000020e-16, v2  }
0x41b: {  	(erf) = vpow2.f32 v0  }
0x41c: {  	(erf) = vrcp.f32 v29;
	_ =	sdelay $0x4  }
0x41d: {  	v30 =	vld [tilespmem:$0x19608]  }
0x41e: {  	v31 =	vld [tilespmem:$0x19658];
	_ =	sdelay $0x1  }
0x41f: {  	v32 =	vpop (erf)  }
0x420: {  	v34 =	vld [tilespmem:$0x195B8];
	v33 =	vpop (erf)  }
0x421: {  	v2 =	vmul.f32 v33, v32;
	_ =	sdelay $0x1  }
0x422: {  	[tilespmem:$0x19698] =	vst v2  }
0x423: {  	v0 =	vld.idx.msk [tilespmem:v30+s25+$0x0], $0xffff  }
0x424: {  	v1 =	vld.idx.msk [tilespmem:v31+s28+$0x0], $0xffff;
	_ =	sdelay $0x2  }
0x425: {  	v2 =	vld.idx.msk [tilespmem:v34+s13+$0x0], $0xffff;
	_ =	sdelay $0x1  }
0x426: {  	v0 =	vadd.f32 v1, v0;
	_ =	sdelay $0x1  }
0x427: {  	v0 =	vmul.f32 $1.442695020e+00, v0  }
0x428: {  	v35 =	vadd.f32 $1.000000020e-16, v2  }
0x429: {  	(erf) = vpow2.f32 v0  }
0x42a: {  	(erf) = vrcp.f32 v35;
	_ =	sdelay $0x7  }
0x42b: {  	v0 =	vpop (erf)  }
0x42c: {  	v1 =	vpop (erf)  }
0x42d: {  	v0 =	vmul.f32 v1, v0;
	_ =	sdelay $0x1  }
0x42e: {  	s10 =	simm.s32 @p0 $0x50;
	s12 =	simm.s32 @p0 $0x19618;
	s14 =	simm.s32 @p0 $0x196B8;
	[tilespmem:$0x196A8] =	vst v0  }
0x42f: {  	[tilespmem:s14], [sflag:$0x1] =	stream.indirect.gather @p0 [hbm4b:s11+s10], $0x80, s12, s10, $0xb8;
	[tilespmem:$0x1E7F8] =	vst v63  }
0x430: {  	s15 =	simm.s32 @!p0 $0x196B8;
	s12 =	simm.s32 @!p0 $0x50;
	s14 =	simm.s32 @!p0 $0x195C8  }
0x431: {  	[tilespmem:s15], [sflag:$0x1] =	stream.indirect.gather @!p0 [hbm4b:s9+s12], $0x80, s14, s12, $0xb8;
	[tilespmem:$0x1E7F8] =	vst v63  }
0x432: {  	s22 =	rddreg [dreg:$0xe]  }
0x433: {  	[tilespmem:s0], [sflag:$0x5] =	stream.linear.gather [hbm4b:s22+s3], $0xF0, $0x38;
	[tilespmem:$0x1E7F8] =	vst v63  }
0x434: {  	_ =	swait.ge [sflag:s26], $0xF0  }
0x435: {  	[sflag:s26] =	ssyncset.done $0x0  }
0x436: {  	[sflag:s26] =	ssyncadd.s32 $0xFFFFFF10  }
0x437: {  	v36 =	vld [tilespmem:$0x1BF08]  }
0x438: {  	v37 =	vld [tilespmem:$0x1BF58];
	_ =	sdelay $0x2  }
0x439: {  	v38 =	vld [tilespmem:$0x1BEB8];
	_ =	sdelay $0x3  }
0x43a: {  	v0 =	vld.idx.msk [tilespmem:v36+s25+$0x0], $0xffff  }
0x43b: {  	v1 =	vld.idx.msk [tilespmem:v37+s28+$0x0], $0xffff;
	_ =	sdelay $0x2  }
0x43c: {  	v2 =	vld.idx.msk [tilespmem:v38+s13+$0x0], $0xffff;
	_ =	sdelay $0x1  }
0x43d: {  	v0 =	vadd.f32 v1, v0;
	_ =	sdelay $0x1  }
0x43e: {  	v0 =	vmul.f32 $1.442695020e+00, v0  }
0x43f: {  	v39 =	vadd.f32 $1.000000020e-16, v2  }
0x440: {  	(erf) = vpow2.f32 v0  }
0x441: {  	(erf) = vrcp.f32 v39;
	_ =	sdelay $0x4  }
0x442: {  	v40 =	vld [tilespmem:$0x1BF18]  }
0x443: {  	v41 =	vld [tilespmem:$0x1BF68];
	_ =	sdelay $0x1  }
0x444: {  	v42 =	vpop (erf)  }
0x445: {  	v44 =	vld [tilespmem:$0x1BEC8];
	v43 =	vpop (erf)  }
0x446: {  	v2 =	vmul.f32 v43, v42;
	_ =	sdelay $0x1  }
0x447: {  	[tilespmem:$0x1BFA8] =	vst v2  }
0x448: {  	v0 =	vld.idx.msk [tilespmem:v40+s25+$0x0], $0xffff  }
0x449: {  	v1 =	vld.idx.msk [tilespmem:v41+s28+$0x0], $0xffff;
	_ =	sdelay $0x2  }
0x44a: {  	v2 =	vld.idx.msk [tilespmem:v44+s13+$0x0], $0xffff;
	_ =	sdelay $0x1  }
0x44b: {  	v0 =	vadd.f32 v1, v0;
	_ =	sdelay $0x1  }
0x44c: {  	v0 =	vmul.f32 $1.442695020e+00, v0  }
0x44d: {  	v45 =	vadd.f32 $1.000000020e-16, v2  }
0x44e: {  	(erf) = vpow2.f32 v0  }
0x44f: {  	(erf) = vrcp.f32 v45;
	_ =	sdelay $0x4  }
0x450: {  	v46 =	vld [tilespmem:$0x1BF28]  }
0x451: {  	v47 =	vld [tilespmem:$0x1BF78];
	_ =	sdelay $0x1  }
0x452: {  	v48 =	vpop (erf)  }
0x453: {  	v50 =	vld [tilespmem:$0x1BED8];
	v49 =	vpop (erf)  }
0x454: {  	v2 =	vmul.f32 v49, v48;
	_ =	sdelay $0x1  }
0x455: {  	[tilespmem:$0x1BFB8] =	vst v2  }
0x456: {  	v0 =	vld.idx.msk [tilespmem:v46+s25+$0x0], $0xffff  }
0x457: {  	v1 =	vld.idx.msk [tilespmem:v47+s28+$0x0], $0xffff;
	_ =	sdelay $0x2  }
0x458: {  	v2 =	vld.idx.msk [tilespmem:v50+s13+$0x0], $0xffff;
	_ =	sdelay $0x1  }
0x459: {  	v0 =	vadd.f32 v1, v0;
	_ =	sdelay $0x1  }
0x45a: {  	v0 =	vmul.f32 $1.442695020e+00, v0  }
0x45b: {  	v51 =	vadd.f32 $1.000000020e-16, v2  }
0x45c: {  	(erf) = vpow2.f32 v0  }
0x45d: {  	(erf) = vrcp.f32 v51;
	_ =	sdelay $0x4  }
0x45e: {  	v52 =	vld [tilespmem:$0x1BF38]  }
0x45f: {  	v53 =	vld [tilespmem:$0x1BF88];
	_ =	sdelay $0x1  }
0x460: {  	v54 =	vpop (erf)  }
0x461: {  	v56 =	vld [tilespmem:$0x1BEE8];
	v55 =	vpop (erf)  }
0x462: {  	v2 =	vmul.f32 v55, v54;
	_ =	sdelay $0x1  }
0x463: {  	[tilespmem:$0x1BFC8] =	vst v2  }
0x464: {  	v0 =	vld.idx.msk [tilespmem:v52+s25+$0x0], $0xffff  }
0x465: {  	v1 =	vld.idx.msk [tilespmem:v53+s28+$0x0], $0xffff;
	_ =	sdelay $0x2  }
0x466: {  	v2 =	vld.idx.msk [tilespmem:v56+s13+$0x0], $0xffff;
	_ =	sdelay $0x1  }
0x467: {  	v0 =	vadd.f32 v1, v0;
	_ =	sdelay $0x1  }
0x468: {  	v0 =	vmul.f32 $1.442695020e+00, v0  }
0x469: {  	v57 =	vadd.f32 $1.000000020e-16, v2  }
0x46a: {  	(erf) = vpow2.f32 v0  }
0x46b: {  	(erf) = vrcp.f32 v57;
	_ =	sdelay $0x4  }
0x46c: {  	v58 =	vld [tilespmem:$0x1BF48]  }
0x46d: {  	v59 =	vld [tilespmem:$0x1BF98];
	_ =	sdelay $0x1  }
0x46e: {  	v60 =	vpop (erf)  }
0x46f: {  	v62 =	vld [tilespmem:$0x1BEF8];
	v61 =	vpop (erf)  }
0x470: {  	v2 =	vmul.f32 v61, v60;
	_ =	sdelay $0x1  }
0x471: {  	[tilespmem:$0x1BFD8] =	vst v2  }
0x472: {  	v0 =	vld.idx.msk [tilespmem:v58+s25+$0x0], $0xffff  }
0x473: {  	v1 =	vld.idx.msk [tilespmem:v59+s28+$0x0], $0xffff;
	_ =	sdelay $0x2  }
0x474: {  	v2 =	vld.idx.msk [tilespmem:v62+s13+$0x0], $0xffff;
	_ =	sdelay $0x1  }
0x475: {  	v0 =	vadd.f32 v1, v0;
	_ =	sdelay $0x1  }
0x476: {  	v0 =	vmul.f32 $1.442695020e+00, v0  }
0x477: {  	v63 =	vadd.f32 $1.000000020e-16, v2  }
0x478: {  	(erf) = vpow2.f32 v0  }
0x479: {  	(erf) = vrcp.f32 v63;
	_ =	sdelay $0x7  }
0x47a: {  	v0 =	vpop (erf)  }
0x47b: {  	v1 =	vpop (erf)  }
0x47c: {  	v0 =	vmul.f32 v1, v0;
	_ =	sdelay $0x1  }
0x47d: {  	s14 =	simm.s32 @p0 $0x1BF58;
	s15 =	simm.s32 @p0 $0x1BFF8;
	[tilespmem:$0x1BFE8] =	vst v0  }
0x47e: {  	[tilespmem:s15], [sflag:$0x2] =	stream.indirect.gather @p0 [hbm4b:s11+s10], $0x80, s14, s10, $0xb8;
	[tilespmem:$0x1E7F8] =	vst v63  }
0x47f: {  	s10 =	simm.s32 @!p0 $0x1BF08;
	s14 =	simm.s32 @!p0 $0x1BFF8  }
0x480: {  	[tilespmem:s14], [sflag:$0x2] =	stream.indirect.gather @!p0 [hbm4b:s9+s12], $0x80, s10, s12, $0xb8;
	[tilespmem:$0x1E7F8] =	vst v63  }
0x481: {  	s19 =	simm.s32 $0x0;
	s14 =	simm.s32 $0x0  }
.LBB2_13:
0x482: {  	v0 =	vmov s19;
	s12 =	simm.s32 $0x1  }
0x483: {  	s15 =	simm.s32 $0x2;
	v0 =	vand.u32 $0xFFFFFFFC, v0;
	v2 =	vmov s12  }
0x484: {  	s10 =	simm.s32 $0x3;
	_ =	swait.ge [sflag:s8], $0x2800;
	v3 =	vbroadcast v0, $0x0;
	v0 =	vand.u32 $0xFFFFFFFD, v2;
	v2 =	vmov s15  }
0x485: {  	v1 =	vmov s10;
	[sflag:s8] =	ssyncset.done $0x0;
	v4 =	vbroadcast v0, $0x0;
	v0 =	vand.u32 $0xFFFFFFFE, v2  }
0x486: {  	s10 =	simm.s32 $0x197B8;
	[sflag:s8] =	ssyncadd.s32 $0xFFFFD800;
	v2 =	vbroadcast v0, $0x0  }
0x487: {  	v5 =	vld [tilespmem:s10+$0xFFFFFF00]  }
0x488: {  	v6 =	vld [tilespmem:s10+$0xFFFFFF10]  }
0x489: {  	v7 =	vld [tilespmem:s10+$0xFFFFFF20]  }
0x48a: {  	v0 =	vld.idx.msk [tilespmem:v1+s31+$0x0], $0xffff  }
0x48b: {  	v3 =	vld.idx.msk [tilespmem:v3+s31+$0x0], $0xffff  }
0x48c: {  	v1 =	vld.idx.msk [tilespmem:v2+s31+$0x0], $0xffff  }
0x48d: {  	v2 =	vld [tilespmem:s10+$0x60]  }
0x48e: {  	v8 =	vld [tilespmem:s10+$0xFFFFFF30]  }
0x48f: {  	v9 =	vld [tilespmem:s10+$0xFFFFFF40]  }
0x490: {  	v10 =	vld [tilespmem:s10+$0xFFFFFF50];
	v5 =	vmul.f32 v5, v3  }
0x491: {  	v11 =	vld [tilespmem:s10+$0xFFFFFF60];
	v6 =	vmul.f32 v6, v3  }
0x492: {  	v4 =	vld.idx.msk [tilespmem:v4+s31+$0x0], $0xffff;
	v2 =	vmul.f32 v2, v1;
	[tilespmem:s10+$0xFFFFFF00] =	vst v5  }
0x493: {  	v5 =	vld [tilespmem:s10+$0xFFFFFF80];
	[tilespmem:s10+$0xFFFFFF10] =	vst v6;
	v6 =	vmul.f32 v8, v3  }
0x494: {  	v8 =	vld [tilespmem:s10+$0xFFFFFFA0];
	[tilespmem:s10+$0x60] =	vst v2;
	v2 =	vmul.f32 v7, v3  }
0x495: {  	v7 =	vld [tilespmem:s10+$0xFFFFFF90];
	[tilespmem:s10+$0xFFFFFF30] =	vst v6;
	v6 =	vmul.f32 v10, v3  }
0x496: {  	[tilespmem:s10+$0xFFFFFF20] =	vst v2;
	v2 =	vmul.f32 v9, v3;
	v9 =	vld [tilespmem:s10+$0xFFFFFFB0]  }
0x497: {  	[tilespmem:s10+$0xFFFFFF50] =	vst v6;
	v6 =	vld [tilespmem:s10+$0xFFFFFFD0]  }
0x498: {  	[tilespmem:s10+$0xFFFFFF40] =	vst v2;
	v2 =	vmul.f32 v11, v3  }
0x499: {  	v5 =	vmul.f32 v5, v4;
	v3 =	vld [tilespmem:s10+$0xFFFFFFC0]  }
0x49a: {  	[tilespmem:s10+$0xFFFFFF60] =	vst v2;
	v2 =	vmul.f32 v7, v4;
	v7 =	vld [tilespmem:s10+$0xFFFFFFE0]  }
0x49b: {  	[tilespmem:s10+$0xFFFFFF80] =	vst v5;
	v5 =	vmul.f32 v8, v4;
	v8 =	vld [tilespmem:s10+$0x0]  }
0x49c: {  	v6 =	vmul.f32 v6, v4;
	[tilespmem:s10+$0xFFFFFF90] =	vst v2;
	v2 =	vmul.f32 v9, v4;
	v9 =	vld [tilespmem:s10+$0x10]  }
0x49d: {  	v10 =	vld [tilespmem:s10+$0x20];
	[tilespmem:s10+$0xFFFFFFA0] =	vst v5  }
0x49e: {  	v5 =	vmul.f32 v3, v4;
	v3 =	vld [tilespmem:s10+$0x30];
	[tilespmem:s10+$0xFFFFFFD0] =	vst v6  }
0x49f: {  	s21 =	simm.s32 $0x4;
	[tilespmem:s10+$0xFFFFFFB0] =	vst v2;
	v2 =	vld [tilespmem:s10+$0x40];
	v7 =	vmul.f32 v7, v4  }
0x4a0: {  	s15 =	simm.s32 $0x5;
	v8 =	vmul.f32 v8, v1;
	[tilespmem:s10+$0xFFFFFFC0] =	vst v5;
	v4 =	vmov s21;
	v5 =	vld [tilespmem:s10+$0x50]  }
0x4a1: {  	s22 =	simm.s32 $0x7;
	v11 =	vmov s15;
	v6 =	vand.u32 $0xFFFFFFFC, v4;
	[tilespmem:s10+$0xFFFFFFE0] =	vst v7;
	v9 =	vmul.f32 v9, v1;
	v7 =	vld [tilespmem:s10+$0x80]  }
0x4a2: {  	s12 =	simm.s32 $0x197B8;
	s15 =	simm.s32 $0x6;
	v10 =	vmul.f32 v10, v1;
	s21 =	simm.s32 $0x8;
	v4 =	vmov s22;
	[tilespmem:s10+$0x0] =	vst v8;
	v8 =	vld [tilespmem:s10+$0x90];
	v6 =	vbroadcast v6, $0x0  }
.LBB2_14:
0x4a3: {  	p1 =	slt.u32 s21, $0x4C;
	v11 =	vand.u32 $0xFFFFFFFD, v11;
	v12 =	vmov s15;
	[tilespmem:s10+$0x10] =	vst v9;
	v3 =	vmul.f32 v3, v1;
	v9 =	vld [tilespmem:s10+$0xA0]  }
0x4a4: {  	v11 =	vbroadcast v11, $0x0;
	v12 =	vand.u32 $0xFFFFFFFE, v12;
	[tilespmem:s10+$0x20] =	vst v10;
	v2 =	vmul.f32 v2, v1;
	v10 =	vld [tilespmem:s10+$0xB0]  }
0x4a5: {  	v12 =	vbroadcast v12, $0x0;
	[tilespmem:s10+$0x30] =	vst v3;
	v1 =	vmul.f32 v5, v1;
	v3 =	vld [tilespmem:s10+$0xC0]  }
0x4a6: {  	[tilespmem:s10+$0x40] =	vst v2;
	v2 =	vmul.f32 v7, v0;
	v5 =	vld [tilespmem:s10+$0xD0]  }
0x4a7: {  	[tilespmem:s10+$0x50] =	vst v1;
	v1 =	vmul.f32 v8, v0;
	v7 =	vld [tilespmem:s10+$0xE0]  }
0x4a8: {  	v4 =	vld.idx.msk [tilespmem:v4+s31+$0x0], $0xffff;
	[tilespmem:s10+$0x80] =	vst v2;
	v2 =	vmul.f32 v9, v0  }
0x4a9: {  	v6 =	vld.idx.msk [tilespmem:v6+s31+$0x0], $0xffff;
	[tilespmem:s10+$0x90] =	vst v1;
	v8 =	vmul.f32 v10, v0  }
0x4aa: {  	v9 =	vld.idx.msk [tilespmem:v11+s31+$0x0], $0xffff;
	[tilespmem:s10+$0xA0] =	vst v2;
	v2 =	vmul.f32 v3, v0  }
0x4ab: {  	s10 =	sadd.s32 $0x200, s10;
	v1 =	vld.idx.msk [tilespmem:v12+s31+$0x0], $0xffff;
	[tilespmem:s12+$0xB0] =	vst v8;
	v3 =	vmul.f32 v5, v0  }
0x4ac: {  	v5 =	vld [tilespmem:s10+$0x60];
	[tilespmem:s12+$0xC0] =	vst v2;
	v7 =	vmul.f32 v7, v0  }
0x4ad: {  	v2 =	vld [tilespmem:s10+$0xFFFFFF00];
	[tilespmem:s12+$0xD0] =	vst v3  }
0x4ae: {  	v0 =	vmov v4;
	v3 =	vld [tilespmem:s10+$0xFFFFFF10];
	[tilespmem:s12+$0xE0] =	vst v7;
	s12 =	smov.u32 s10  }
0x4af: {  	v4 =	vld [tilespmem:s10+$0xFFFFFF20]  }
0x4b0: {  	v7 =	vld [tilespmem:s10+$0xFFFFFF30]  }
0x4b1: {  	v8 =	vld [tilespmem:s10+$0xFFFFFF40];
	v5 =	vmul.f32 v5, v1  }
0x4b2: {  	v2 =	vmul.f32 v2, v6;
	v10 =	vld [tilespmem:s10+$0xFFFFFF50]  }
0x4b3: {  	v3 =	vmul.f32 v3, v6;
	v11 =	vld [tilespmem:s10+$0xFFFFFF60];
	[tilespmem:s10+$0x60] =	vst v5  }
0x4b4: {  	[tilespmem:s10+$0xFFFFFF00] =	vst v2;
	v2 =	vmul.f32 v4, v6;
	v4 =	vld [tilespmem:s10+$0xFFFFFF80]  }
0x4b5: {  	[tilespmem:s10+$0xFFFFFF10] =	vst v3;
	v3 =	vmul.f32 v7, v6;
	v5 =	vld [tilespmem:s10+$0xFFFFFF90]  }
0x4b6: {  	[tilespmem:s10+$0xFFFFFF20] =	vst v2;
	v2 =	vmul.f32 v8, v6;
	v7 =	vld [tilespmem:s10+$0xFFFFFFA0]  }
0x4b7: {  	[tilespmem:s10+$0xFFFFFF30] =	vst v3;
	v3 =	vmul.f32 v10, v6;
	v8 =	vld [tilespmem:s10+$0xFFFFFFB0]  }
0x4b8: {  	[tilespmem:s10+$0xFFFFFF40] =	vst v2;
	v2 =	vmul.f32 v11, v6;
	v6 =	vld [tilespmem:s10+$0xFFFFFFC0]  }
0x4b9: {  	[tilespmem:s10+$0xFFFFFF50] =	vst v3;
	v3 =	vmul.f32 v4, v9;
	v4 =	vld [tilespmem:s10+$0xFFFFFFD0]  }
0x4ba: {  	[tilespmem:s10+$0xFFFFFF60] =	vst v2;
	v2 =	vmul.f32 v5, v9;
	v5 =	vld [tilespmem:s10+$0xFFFFFFE0]  }
0x4bb: {  	[tilespmem:s10+$0xFFFFFF80] =	vst v3;
	v3 =	vmul.f32 v7, v9;
	v7 =	vld [tilespmem:s10+$0x0]  }
0x4bc: {  	[tilespmem:s10+$0xFFFFFF90] =	vst v2;
	v2 =	vmul.f32 v8, v9;
	v8 =	vld [tilespmem:s10+$0x10]  }
0x4bd: {  	[tilespmem:s10+$0xFFFFFFA0] =	vst v3;
	v6 =	vmul.f32 v6, v9;
	v10 =	vld [tilespmem:s10+$0x20]  }
.Ltmp6:
0x4be: {  	[tilespmem:s10+$0xFFFFFFB0] =	vst v2;
	v4 =	vmul.f32 v4, v9;
	v3 =	vld [tilespmem:s10+$0x30];
	(pc) =	sbr.rel @p1 .LBB2_14-.Ltmp6, $4  }
0x4bf: {  	[tilespmem:s10+$0xFFFFFFC0] =	vst v6;
	v6 =	vmul.f32 v5, v9;
	v2 =	vld [tilespmem:s10+$0x40]  }
0x4c0: {  	s15 =	sadd.s32 $0x3, s21;
	v9 =	vmov s21;
	[tilespmem:s10+$0xFFFFFFD0] =	vst v4;
	v12 =	vmul.f32 v7, v1;
	v5 =	vld [tilespmem:s10+$0x50]  }
0x4c1: {  	s22 =	sadd.s32 $0x1, s21;
	v11 =	vand.u32 $0xFFFFFFFC, v9;
	v4 =	vmov s15;
	[tilespmem:s10+$0xFFFFFFE0] =	vst v6;
	v9 =	vmul.f32 v8, v1;
	v7 =	vld [tilespmem:s10+$0x80]  }
0x4c2: {  	s15 =	sadd.s32 $0x2, s21;
	s21 =	sadd.s32 $0x4, s21;
	v6 =	vbroadcast v11, $0x0;
	v11 =	vmov s22;
	[tilespmem:s10+$0x0] =	vst v12;
	v10 =	vmul.f32 v10, v1;
	v8 =	vld [tilespmem:s10+$0x90]  }
0x4c3: {  	v13 =	vld [tilespmem:s10+$0xA0]  }
0x4c4: {  	v14 =	vld [tilespmem:s10+$0xB0]  }
0x4c5: {  	v12 =	vmov s15;
	v15 =	vld [tilespmem:s10+$0xC0]  }
0x4c6: {  	v16 =	vld [tilespmem:s10+$0xD0];
	[tilespmem:s10+$0x10] =	vst v9;
	v3 =	vmul.f32 v3, v1;
	v12 =	vand.u32 $0xFFFFFFFE, v12  }
0x4c7: {  	v11 =	vand.u32 $0xFFFFFFFD, v11;
	v9 =	vld [tilespmem:s10+$0xE0];
	[tilespmem:s10+$0x20] =	vst v10;
	v2 =	vmul.f32 v2, v1;
	v12 =	vbroadcast v12, $0x0  }
0x4c8: {  	v4 =	vld.idx.msk [tilespmem:v4+s31+$0x0], $0xffff;
	s21 =	sadd.s32 $0x200, s10;
	v11 =	vbroadcast v11, $0x0;
	[tilespmem:s10+$0x30] =	vst v3;
	v1 =	vmul.f32 v5, v1  }
0x4c9: {  	v10 =	vld [tilespmem:s21+$0xFFFFFF10];
	[tilespmem:s10+$0x40] =	vst v2;
	v2 =	vmul.f32 v7, v0  }
0x4ca: {  	v3 =	vld.idx.msk [tilespmem:v6+s31+$0x0], $0xffff;
	[tilespmem:s10+$0x50] =	vst v1;
	v1 =	vmul.f32 v8, v0  }
0x4cb: {  	v7 =	vld [tilespmem:s21+$0x60];
	[tilespmem:s10+$0x80] =	vst v2;
	v2 =	vmul.f32 v13, v0  }
0x4cc: {  	v8 =	vld [tilespmem:s21+$0xFFFFFF00];
	[tilespmem:s10+$0x90] =	vst v1;
	v1 =	vmul.f32 v14, v0  }
0x4cd: {  	[tilespmem:s10+$0xA0] =	vst v2;
	v2 =	vmul.f32 v15, v0;
	v6 =	vld.idx.msk [tilespmem:v12+s31+$0x0], $0xffff  }
0x4ce: {  	v5 =	vld.idx.msk [tilespmem:v11+s31+$0x0], $0xffff;
	[tilespmem:s12+$0xB0] =	vst v1;
	v1 =	vmul.f32 v16, v0  }
0x4cf: {  	v11 =	vld [tilespmem:s21+$0xFFFFFF20];
	v0 =	vmul.f32 v9, v0;
	[tilespmem:s12+$0xC0] =	vst v2  }
0x4d0: {  	v2 =	vld [tilespmem:s21+$0xFFFFFF30];
	[tilespmem:s12+$0xD0] =	vst v1  }
0x4d1: {  	v1 =	vld [tilespmem:s21+$0xFFFFFF40];
	[tilespmem:s12+$0xE0] =	vst v0;
	v0 =	vmul.f32 v8, v3  }
0x4d2: {  	v8 =	vld [tilespmem:s21+$0xFFFFFF50];
	v7 =	vmul.f32 v7, v6  }
0x4d3: {  	v9 =	vmul.f32 v10, v3;
	v10 =	vld [tilespmem:s21+$0xFFFFFF60];
	[tilespmem:s21+$0xFFFFFF00] =	vst v0  }
0x4d4: {  	v0 =	vmul.f32 v11, v3;
	[tilespmem:s21+$0x60] =	vst v7;
	v7 =	vld [tilespmem:s21+$0xFFFFFF80]  }
0x4d5: {  	[tilespmem:s21+$0xFFFFFF10] =	vst v9;
	v9 =	vld [tilespmem:s21+$0xFFFFFF90];
	v2 =	vmul.f32 v2, v3  }
0x4d6: {  	[tilespmem:s21+$0xFFFFFF20] =	vst v0;
	v0 =	vmul.f32 v1, v3;
	v1 =	vld [tilespmem:s21+$0xFFFFFFA0]  }
0x4d7: {  	[tilespmem:s21+$0xFFFFFF30] =	vst v2;
	v2 =	vmul.f32 v8, v3;
	v8 =	vld [tilespmem:s21+$0xFFFFFFB0]  }
0x4d8: {  	[tilespmem:s21+$0xFFFFFF40] =	vst v0;
	v0 =	vmul.f32 v10, v3;
	v3 =	vld [tilespmem:s21+$0xFFFFFFC0]  }
0x4d9: {  	[tilespmem:s21+$0xFFFFFF50] =	vst v2;
	v2 =	vmul.f32 v7, v5;
	v7 =	vld [tilespmem:s21+$0xFFFFFFD0]  }
0x4da: {  	[tilespmem:s21+$0xFFFFFF60] =	vst v0;
	v0 =	vmul.f32 v9, v5;
	v9 =	vld [tilespmem:s21+$0xFFFFFFE0]  }
0x4db: {  	v1 =	vmul.f32 v1, v5;
	[tilespmem:s21+$0xFFFFFF80] =	vst v2;
	v2 =	vld [tilespmem:s21+$0x0]  }
0x4dc: {  	[tilespmem:s21+$0xFFFFFF90] =	vst v0;
	v0 =	vmul.f32 v8, v5;
	v8 =	vld [tilespmem:s21+$0x10]  }
0x4dd: {  	[tilespmem:s21+$0xFFFFFFA0] =	vst v1;
	v1 =	vmul.f32 v3, v5;
	v3 =	vld [tilespmem:s21+$0x20]  }
0x4de: {  	[tilespmem:s21+$0xFFFFFFB0] =	vst v0;
	v0 =	vmul.f32 v7, v5;
	v7 =	vld [tilespmem:s21+$0x30]  }
0x4df: {  	[tilespmem:s21+$0xFFFFFFC0] =	vst v1;
	v1 =	vmul.f32 v9, v5;
	v5 =	vld [tilespmem:s21+$0x40]  }
0x4e0: {  	[tilespmem:s21+$0xFFFFFFD0] =	vst v0;
	v0 =	vmul.f32 v2, v6;
	v2 =	vld [tilespmem:s21+$0x50]  }
0x4e1: {  	[tilespmem:s21+$0xFFFFFFE0] =	vst v1;
	v1 =	vmul.f32 v8, v6;
	v8 =	vld [tilespmem:s21+$0x80]  }
0x4e2: {  	[tilespmem:s21+$0x0] =	vst v0;
	v0 =	vmul.f32 v3, v6;
	v3 =	vld [tilespmem:s21+$0x90]  }
0x4e3: {  	[tilespmem:s21+$0x10] =	vst v1;
	v1 =	vmul.f32 v7, v6;
	v7 =	vld [tilespmem:s21+$0xA0]  }
0x4e4: {  	[tilespmem:s21+$0x20] =	vst v0;
	v0 =	vmul.f32 v5, v6;
	v5 =	vld [tilespmem:s21+$0xB0]  }
0x4e5: {  	[tilespmem:s21+$0x30] =	vst v1;
	v1 =	vmul.f32 v2, v6;
	v2 =	vld [tilespmem:s21+$0xC0]  }
0x4e6: {  	v6 =	vld [tilespmem:s21+$0xD0];
	[tilespmem:s21+$0x40] =	vst v0;
	v0 =	vmul.f32 v8, v4  }
0x4e7: {  	[tilespmem:s21+$0x50] =	vst v1;
	v1 =	vmul.f32 v3, v4;
	v3 =	vld [tilespmem:s21+$0xE0]  }
0x4e8: {  	[tilespmem:s21+$0x80] =	vst v0;
	v0 =	vmul.f32 v7, v4  }
0x4e9: {  	[tilespmem:s21+$0x90] =	vst v1;
	v1 =	vmul.f32 v5, v4  }
0x4ea: {  	[tilespmem:s21+$0xA0] =	vst v0;
	v0 =	vmul.f32 v2, v4  }
0x4eb: {  	[tilespmem:s21+$0xB0] =	vst v1;
	v1 =	vmul.f32 v6, v4  }
0x4ec: {  	s12 =	simm.s32 $0x0;
	[tilespmem:s21+$0xC0] =	vst v0;
	v0 =	vmul.f32 v3, v4  }
0x4ed: {  	s15 =	simm.s32 $0x3;
	v2 =	vmov s12;
	[tilespmem:s21+$0xD0] =	vst v1  }
0x4ee: {  	s22 =	simm.s32 $0x1;
	s12 =	simm.s32 $0x2;
	v1 =	vand.u32 $0xFFFFFFFC, v2;
	v2 =	vmov s15;
	[tilespmem:s21+$0xE0] =	vst v0  }
0x4ef: {  	v3 =	vmov s22;
	[spmem:s1] =	stream.indirect.scatter.add.f32 [tilespmem:s18], [sflag:$0x3], $0x80, s29, s30, $0xb8;
	[tilespmem:$0x1E7F8] =	vst v63  }
0x4f0: {  	v0 =	vand.u32 $0xFFFFFFFD, v3;
	v3 =	vmov s12;
	_ =	swait.ge [sflag:s6], $0x2800  }
0x4f1: {  	v1 =	vbroadcast v1, $0x0;
	v4 =	vbroadcast v0, $0x0;
	v0 =	vand.u32 $0xFFFFFFFE, v3;
	[sflag:s6] =	ssyncset.done $0x0  }
0x4f2: {  	v3 =	vbroadcast v0, $0x0;
	[sflag:s6] =	ssyncadd.s32 $0xFFFFD800  }
0x4f3: {  	s10 =	simm.s32 $0x1C0F8;
	v0 =	vld.idx.msk [tilespmem:v2+s5+$0x0], $0xffff  }
0x4f4: {  	v5 =	vld [tilespmem:s10+$0xFFFFFF00]  }
0x4f5: {  	v6 =	vld [tilespmem:s10+$0xFFFFFF10]  }
0x4f6: {  	v7 =	vld [tilespmem:s10+$0xFFFFFF20]  }
0x4f7: {  	v2 =	vld.idx.msk [tilespmem:v1+s5+$0x0], $0xffff  }
0x4f8: {  	v1 =	vld.idx.msk [tilespmem:v3+s5+$0x0], $0xffff  }
0x4f9: {  	v3 =	vld [tilespmem:s10+$0x60]  }
0x4fa: {  	v8 =	vld [tilespmem:s10+$0xFFFFFF30]  }
0x4fb: {  	v9 =	vld [tilespmem:s10+$0xFFFFFF40]  }
0x4fc: {  	v10 =	vld [tilespmem:s10+$0xFFFFFF50];
	v5 =	vmul.f32 v5, v2  }
0x4fd: {  	v11 =	vld [tilespmem:s10+$0xFFFFFF60];
	v6 =	vmul.f32 v6, v2  }
0x4fe: {  	v4 =	vld.idx.msk [tilespmem:v4+s5+$0x0], $0xffff;
	v3 =	vmul.f32 v3, v1;
	[tilespmem:s10+$0xFFFFFF00] =	vst v5  }
0x4ff: {  	v5 =	vld [tilespmem:s10+$0xFFFFFF80];
	[tilespmem:s10+$0xFFFFFF10] =	vst v6;
	v6 =	vmul.f32 v8, v2  }
0x500: {  	[tilespmem:s10+$0x60] =	vst v3;
	v3 =	vmul.f32 v7, v2;
	v7 =	vld [tilespmem:s10+$0xFFFFFF90]  }
0x501: {  	v8 =	vld [tilespmem:s10+$0xFFFFFFA0];
	[tilespmem:s10+$0xFFFFFF30] =	vst v6;
	v6 =	vmul.f32 v10, v2  }
0x502: {  	[tilespmem:s10+$0xFFFFFF20] =	vst v3;
	v3 =	vmul.f32 v9, v2;
	v9 =	vld [tilespmem:s10+$0xFFFFFFB0]  }
0x503: {  	v2 =	vmul.f32 v11, v2;
	[tilespmem:s10+$0xFFFFFF50] =	vst v6;
	v6 =	vld [tilespmem:s10+$0xFFFFFFD0]  }
0x504: {  	v5 =	vmul.f32 v5, v4;
	[tilespmem:s10+$0xFFFFFF40] =	vst v3;
	v3 =	vld [tilespmem:s10+$0xFFFFFFC0]  }
0x505: {  	[tilespmem:s10+$0xFFFFFF60] =	vst v2;
	v2 =	vmul.f32 v7, v4;
	v7 =	vld [tilespmem:s10+$0xFFFFFFE0]  }
0x506: {  	[tilespmem:s10+$0xFFFFFF80] =	vst v5;
	v5 =	vmul.f32 v8, v4;
	v8 =	vld [tilespmem:s10+$0x0]  }
0x507: {  	[tilespmem:s10+$0xFFFFFF90] =	vst v2;
	v2 =	vmul.f32 v9, v4;
	v9 =	vld [tilespmem:s10+$0x10]  }
0x508: {  	v10 =	vld [tilespmem:s10+$0x20];
	[tilespmem:s10+$0xFFFFFFA0] =	vst v5;
	v6 =	vmul.f32 v6, v4  }
0x509: {  	v5 =	vmul.f32 v3, v4;
	[tilespmem:s10+$0xFFFFFFB0] =	vst v2;
	v3 =	vld [tilespmem:s10+$0x30]  }
0x50a: {  	s15 =	simm.s32 $0x4;
	v2 =	vld [tilespmem:s10+$0x40];
	[tilespmem:s10+$0xFFFFFFD0] =	vst v6;
	v7 =	vmul.f32 v7, v4  }
0x50b: {  	s22 =	simm.s32 $0x5;
	v4 =	vmov s15;
	v8 =	vmul.f32 v8, v1;
	[tilespmem:s10+$0xFFFFFFC0] =	vst v5;
	v5 =	vld [tilespmem:s10+$0x50]  }
0x50c: {  	s21 =	simm.s32 $0x7;
	v11 =	vmov s22;
	v6 =	vand.u32 $0xFFFFFFFC, v4;
	[tilespmem:s10+$0xFFFFFFE0] =	vst v7;
	v9 =	vmul.f32 v9, v1;
	v7 =	vld [tilespmem:s10+$0x80]  }
0x50d: {  	s12 =	simm.s32 $0x1C0F8;
	v10 =	vmul.f32 v10, v1;
	s15 =	simm.s32 $0x6;
	v4 =	vmov s21;
	s21 =	simm.s32 $0x8;
	v6 =	vbroadcast v6, $0x0;
	[tilespmem:s10+$0x0] =	vst v8;
	v8 =	vld [tilespmem:s10+$0x90]  }
.LBB2_16:
0x50e: {  	p1 =	slt.u32 s21, $0x4C;
	v11 =	vand.u32 $0xFFFFFFFD, v11;
	v12 =	vmov s15;
	[tilespmem:s10+$0x10] =	vst v9;
	v3 =	vmul.f32 v3, v1;
	v9 =	vld [tilespmem:s10+$0xA0]  }
0x50f: {  	v11 =	vbroadcast v11, $0x0;
	v12 =	vand.u32 $0xFFFFFFFE, v12;
	[tilespmem:s10+$0x20] =	vst v10;
	v2 =	vmul.f32 v2, v1;
	v10 =	vld [tilespmem:s10+$0xB0]  }
0x510: {  	v12 =	vbroadcast v12, $0x0;
	[tilespmem:s10+$0x30] =	vst v3;
	v1 =	vmul.f32 v5, v1;
	v3 =	vld [tilespmem:s10+$0xC0]  }
0x511: {  	[tilespmem:s10+$0x40] =	vst v2;
	v2 =	vmul.f32 v7, v0;
	v5 =	vld [tilespmem:s10+$0xD0]  }
0x512: {  	[tilespmem:s10+$0x50] =	vst v1;
	v1 =	vmul.f32 v8, v0;
	v7 =	vld [tilespmem:s10+$0xE0]  }
0x513: {  	v4 =	vld.idx.msk [tilespmem:v4+s5+$0x0], $0xffff;
	[tilespmem:s10+$0x80] =	vst v2;
	v2 =	vmul.f32 v9, v0  }
0x514: {  	v6 =	vld.idx.msk [tilespmem:v6+s5+$0x0], $0xffff;
	[tilespmem:s10+$0x90] =	vst v1;
	v8 =	vmul.f32 v10, v0  }
0x515: {  	v9 =	vld.idx.msk [tilespmem:v11+s5+$0x0], $0xffff;
	[tilespmem:s10+$0xA0] =	vst v2;
	v2 =	vmul.f32 v3, v0  }
0x516: {  	s10 =	sadd.s32 $0x200, s10;
	v1 =	vld.idx.msk [tilespmem:v12+s5+$0x0], $0xffff;
	[tilespmem:s12+$0xB0] =	vst v8;
	v3 =	vmul.f32 v5, v0  }
0x517: {  	v5 =	vld [tilespmem:s10+$0x60];
	[tilespmem:s12+$0xC0] =	vst v2;
	v7 =	vmul.f32 v7, v0  }
0x518: {  	v2 =	vld [tilespmem:s10+$0xFFFFFF00];
	[tilespmem:s12+$0xD0] =	vst v3  }
0x519: {  	v0 =	vmov v4;
	v3 =	vld [tilespmem:s10+$0xFFFFFF10];
	[tilespmem:s12+$0xE0] =	vst v7;
	s12 =	smov.u32 s10  }
0x51a: {  	v4 =	vld [tilespmem:s10+$0xFFFFFF20]  }
0x51b: {  	v7 =	vld [tilespmem:s10+$0xFFFFFF30]  }
0x51c: {  	v8 =	vld [tilespmem:s10+$0xFFFFFF40];
	v5 =	vmul.f32 v5, v1  }
0x51d: {  	v2 =	vmul.f32 v2, v6;
	v10 =	vld [tilespmem:s10+$0xFFFFFF50]  }
0x51e: {  	v3 =	vmul.f32 v3, v6;
	v11 =	vld [tilespmem:s10+$0xFFFFFF60];
	[tilespmem:s10+$0x60] =	vst v5  }
0x51f: {  	[tilespmem:s10+$0xFFFFFF00] =	vst v2;
	v2 =	vmul.f32 v4, v6;
	v4 =	vld [tilespmem:s10+$0xFFFFFF80]  }
0x520: {  	[tilespmem:s10+$0xFFFFFF10] =	vst v3;
	v3 =	vmul.f32 v7, v6;
	v5 =	vld [tilespmem:s10+$0xFFFFFF90]  }
0x521: {  	[tilespmem:s10+$0xFFFFFF20] =	vst v2;
	v2 =	vmul.f32 v8, v6;
	v7 =	vld [tilespmem:s10+$0xFFFFFFA0]  }
0x522: {  	[tilespmem:s10+$0xFFFFFF30] =	vst v3;
	v3 =	vmul.f32 v10, v6;
	v8 =	vld [tilespmem:s10+$0xFFFFFFB0]  }
0x523: {  	[tilespmem:s10+$0xFFFFFF40] =	vst v2;
	v2 =	vmul.f32 v11, v6;
	v6 =	vld [tilespmem:s10+$0xFFFFFFC0]  }
0x524: {  	[tilespmem:s10+$0xFFFFFF50] =	vst v3;
	v3 =	vmul.f32 v4, v9;
	v4 =	vld [tilespmem:s10+$0xFFFFFFD0]  }
0x525: {  	[tilespmem:s10+$0xFFFFFF60] =	vst v2;
	v2 =	vmul.f32 v5, v9;
	v5 =	vld [tilespmem:s10+$0xFFFFFFE0]  }
0x526: {  	[tilespmem:s10+$0xFFFFFF80] =	vst v3;
	v3 =	vmul.f32 v7, v9;
	v7 =	vld [tilespmem:s10+$0x0]  }
0x527: {  	[tilespmem:s10+$0xFFFFFF90] =	vst v2;
	v2 =	vmul.f32 v8, v9;
	v8 =	vld [tilespmem:s10+$0x10]  }
0x528: {  	[tilespmem:s10+$0xFFFFFFA0] =	vst v3;
	v6 =	vmul.f32 v6, v9;
	v10 =	vld [tilespmem:s10+$0x20]  }
.Ltmp7:
0x529: {  	[tilespmem:s10+$0xFFFFFFB0] =	vst v2;
	v4 =	vmul.f32 v4, v9;
	v3 =	vld [tilespmem:s10+$0x30];
	(pc) =	sbr.rel @p1 .LBB2_16-.Ltmp7, $4  }
0x52a: {  	[tilespmem:s10+$0xFFFFFFC0] =	vst v6;
	v6 =	vmul.f32 v5, v9;
	v2 =	vld [tilespmem:s10+$0x40]  }
0x52b: {  	s15 =	sadd.s32 $0x3, s21;
	v9 =	vmov s21;
	[tilespmem:s10+$0xFFFFFFD0] =	vst v4;
	v12 =	vmul.f32 v7, v1;
	v5 =	vld [tilespmem:s10+$0x50]  }
0x52c: {  	s22 =	sadd.s32 $0x1, s21;
	v11 =	vand.u32 $0xFFFFFFFC, v9;
	v4 =	vmov s15;
	[tilespmem:s10+$0xFFFFFFE0] =	vst v6;
	v9 =	vmul.f32 v8, v1;
	v7 =	vld [tilespmem:s10+$0x80]  }
0x52d: {  	s15 =	sadd.s32 $0x2, s21;
	s21 =	sadd.s32 $0x4, s21;
	v6 =	vbroadcast v11, $0x0;
	v11 =	vmov s22;
	[tilespmem:s10+$0x0] =	vst v12;
	v10 =	vmul.f32 v10, v1;
	v8 =	vld [tilespmem:s10+$0x90]  }
0x52e: {  	v13 =	vld [tilespmem:s10+$0xA0]  }
0x52f: {  	v14 =	vld [tilespmem:s10+$0xB0]  }
0x530: {  	v15 =	vld [tilespmem:s10+$0xC0]  }
0x531: {  	v16 =	vld [tilespmem:s10+$0xD0]  }
0x532: {  	v24 =	vld [tilespmem:s10+$0xE0]  }
0x533: {  	v4 =	vld.idx.msk [tilespmem:v4+s5+$0x0], $0xffff  }
0x534: {  	[tilespmem:s10+$0x10] =	vst v9;
	v3 =	vmul.f32 v3, v1;
	s21 =	sadd.s32 $0x200, s10;
	v26 =	vld.idx.msk [tilespmem:v6+s5+$0x0], $0xffff  }
0x535: {  	[tilespmem:s10+$0x20] =	vst v10;
	v2 =	vmul.f32 v2, v1;
	v32 =	vld [tilespmem:s21+$0x60]  }
0x536: {  	v34 =	vld [tilespmem:s21+$0xFFFFFF00];
	[tilespmem:s10+$0x30] =	vst v3;
	v25 =	vmul.f32 v5, v1  }
0x537: {  	v36 =	vld [tilespmem:s21+$0xFFFFFF10];
	[tilespmem:s10+$0x40] =	vst v2;
	v27 =	vmul.f32 v7, v0  }
0x538: {  	v38 =	vld [tilespmem:s21+$0xFFFFFF20];
	[tilespmem:s10+$0x50] =	vst v25;
	v29 =	vmul.f32 v8, v0  }
0x539: {  	v40 =	vld [tilespmem:s21+$0xFFFFFF30];
	[tilespmem:s10+$0x80] =	vst v27;
	v31 =	vmul.f32 v13, v0  }
0x53a: {  	v41 =	vld [tilespmem:s21+$0xFFFFFF40];
	v33 =	vmul.f32 v14, v0;
	[tilespmem:s10+$0x90] =	vst v29  }
0x53b: {  	v43 =	vld [tilespmem:s21+$0xFFFFFF50];
	v35 =	vmul.f32 v15, v0;
	[tilespmem:s10+$0xA0] =	vst v31  }
0x53c: {  	v45 =	vld [tilespmem:s21+$0xFFFFFF60];
	v37 =	vmul.f32 v16, v0;
	[tilespmem:s12+$0xB0] =	vst v33  }
0x53d: {  	v11 =	vand.u32 $0xFFFFFFFD, v11;
	v47 =	vld [tilespmem:s21+$0xFFFFFF80];
	v39 =	vmul.f32 v24, v0;
	[tilespmem:s12+$0xC0] =	vst v35  }
0x53e: {  	v11 =	vbroadcast v11, $0x0;
	v48 =	vld [tilespmem:s21+$0xFFFFFF90];
	v42 =	vmul.f32 v34, v26;
	[tilespmem:s12+$0xD0] =	vst v37  }
0x53f: {  	v50 =	vld [tilespmem:s21+$0xFFFFFFA0];
	v44 =	vmul.f32 v36, v26;
	[tilespmem:s12+$0xE0] =	vst v39  }
0x540: {  	v18 =	vld [tilespmem:s21+$0x80];
	v46 =	vmul.f32 v38, v26;
	[tilespmem:s21+$0xFFFFFF00] =	vst v42  }
0x541: {  	v20 =	vld [tilespmem:s21+$0x90];
	v2 =	vmul.f32 v40, v26;
	[tilespmem:s21+$0xFFFFFF10] =	vst v44  }
0x542: {  	v22 =	vld [tilespmem:s21+$0xA0];
	v49 =	vmul.f32 v41, v26;
	[tilespmem:s21+$0xFFFFFF20] =	vst v46  }
0x543: {  	v12 =	vmov s15;
	v51 =	vmul.f32 v43, v26;
	v53 =	vmul.f32 v45, v26;
	v26 =	vld [tilespmem:s21+$0xC0];
	[tilespmem:s21+$0xFFFFFF30] =	vst v2  }
0x544: {  	v12 =	vand.u32 $0xFFFFFFFE, v12;
	v28 =	vld.idx.msk [tilespmem:v11+s5+$0x0], $0xffff;
	[tilespmem:s21+$0xFFFFFF40] =	vst v49  }
0x545: {  	v52 =	vld [tilespmem:s21+$0xFFFFFFB0];
	v12 =	vbroadcast v12, $0x0;
	v27 =	vmul.f32 v18, v4;
	[tilespmem:s21+$0xFFFFFF50] =	vst v51  }
0x546: {  	v54 =	vld [tilespmem:s21+$0xFFFFFFC0];
	v29 =	vmul.f32 v20, v4;
	[tilespmem:s21+$0xFFFFFF60] =	vst v53  }
0x547: {  	v56 =	vld [tilespmem:s21+$0xFFFFFFD0];
	v31 =	vmul.f32 v22, v4;
	[tilespmem:s21+$0x80] =	vst v27  }
0x548: {  	v58 =	vld [tilespmem:s21+$0xFFFFFFE0];
	[tilespmem:s21+$0x90] =	vst v29;
	v33 =	vmul.f32 v26, v4  }
0x549: {  	v59 =	vld [tilespmem:s21+$0x0];
	[tilespmem:s21+$0xA0] =	vst v31;
	v55 =	vmul.f32 v47, v28  }
0x54a: {  	v61 =	vld [tilespmem:s21+$0x10];
	v57 =	vmul.f32 v48, v28;
	[tilespmem:s21+$0xC0] =	vst v33  }
0x54b: {  	v30 =	vld.idx.msk [tilespmem:v12+s5+$0x0], $0xffff;
	v1 =	vmul.f32 v50, v28;
	[tilespmem:s21+$0xFFFFFF80] =	vst v55  }
0x54c: {  	v63 =	vld [tilespmem:s21+$0x20];
	v60 =	vmul.f32 v52, v28;
	[tilespmem:s21+$0xFFFFFF90] =	vst v57  }
0x54d: {  	v14 =	vld [tilespmem:s21+$0x40];
	v62 =	vmul.f32 v54, v28;
	[tilespmem:s21+$0xFFFFFFA0] =	vst v1  }
0x54e: {  	v12 =	vld [tilespmem:s21+$0x30];
	v11 =	vmul.f32 v56, v28;
	[tilespmem:s21+$0xFFFFFFB0] =	vst v60  }
0x54f: {  	v16 =	vld [tilespmem:s21+$0x50];
	v13 =	vmul.f32 v58, v28;
	[tilespmem:s21+$0xFFFFFFC0] =	vst v62  }
0x550: {  	v7 =	vmul.f32 v32, v30;
	[tilespmem:s21+$0xFFFFFFD0] =	vst v11  }
0x551: {  	v15 =	vmul.f32 v59, v30;
	[tilespmem:s21+$0xFFFFFFE0] =	vst v13  }
0x552: {  	v24 =	vld [tilespmem:s21+$0xB0];
	v17 =	vmul.f32 v61, v30;
	[tilespmem:s21+$0x60] =	vst v7  }
0x553: {  	v28 =	vld [tilespmem:s21+$0xD0];
	v19 =	vmul.f32 v63, v30;
	v21 =	vmul.f32 v12, v30;
	[tilespmem:s21+$0x0] =	vst v15  }
0x554: {  	v23 =	vmul.f32 v14, v30;
	v25 =	vmul.f32 v16, v30;
	v30 =	vld [tilespmem:s21+$0xE0];
	[tilespmem:s21+$0x10] =	vst v17  }
0x555: {  	[tilespmem:s21+$0x20] =	vst v19  }
0x556: {  	[tilespmem:s21+$0x30] =	vst v21  }
0x557: {  	v32 =	vmul.f32 v24, v4;
	[tilespmem:s21+$0x40] =	vst v23  }
0x558: {  	[tilespmem:s21+$0x50] =	vst v25;
	v34 =	vmul.f32 v28, v4  }
0x559: {  	[tilespmem:s21+$0xB0] =	vst v32;
	v35 =	vmul.f32 v30, v4  }
0x55a: {  	s10 =	sshll.u32 s14, $0x1;
	[tilespmem:s21+$0xD0] =	vst v34  }
0x55b: {  	s22 =	sadd.s32 s10, s17;
	[tilespmem:s21+$0xE0] =	vst v35;
	s21 =	simm.s32 $0x1BFF8  }
0x55c: {  	[spmem:s1] =	stream.indirect.scatter.add.f32 [tilespmem:s21], [sflag:$0x4], $0x80, s0, s30, $0xb8;
	[tilespmem:$0x1E7F8] =	vst v63  }
0x55d: {  	s12 =	smul.u32 $0x1E, s22;
	_ =	swait.ge [sflag:s24], $0x2800  }
0x55e: {  	[sflag:s24] =	ssyncset.done $0x0  }
0x55f: {  	s12 =	sadd.s32 s4, s12;
	[sflag:s24] =	ssyncadd.s32 $0xFFFFD800  }
0x560: {  	[tilespmem:s29], [sflag:$0x5] =	stream.linear.gather [hbm4b:s12+s3], $0xF0, $0x38;
	[tilespmem:$0x1E7F8] =	vst v63  }
0x561: {  	_ =	swait.ge [sflag:s26], $0xF0  }
0x562: {  	[sflag:s26] =	ssyncset.done $0x0  }
0x563: {  	[sflag:s26] =	ssyncadd.s32 $0xFFFFFF10  }
0x564: {  	v36 =	vld [tilespmem:$0x195C8]  }
0x565: {  	v37 =	vld [tilespmem:$0x19618];
	_ =	sdelay $0x2  }
0x566: {  	v38 =	vld [tilespmem:$0x19578];
	_ =	sdelay $0x3  }
0x567: {  	v0 =	vld.idx.msk [tilespmem:v36+s25+$0x0], $0xffff  }
0x568: {  	v1 =	vld.idx.msk [tilespmem:v37+s28+$0x0], $0xffff;
	_ =	sdelay $0x2  }
0x569: {  	v2 =	vld.idx.msk [tilespmem:v38+s13+$0x0], $0xffff;
	_ =	sdelay $0x1  }
0x56a: {  	v0 =	vadd.f32 v1, v0;
	_ =	sdelay $0x1  }
0x56b: {  	v0 =	vmul.f32 $1.442695020e+00, v0  }
0x56c: {  	v39 =	vadd.f32 $1.000000020e-16, v2  }
0x56d: {  	(erf) = vpow2.f32 v0  }
0x56e: {  	(erf) = vrcp.f32 v39;
	_ =	sdelay $0x4  }
0x56f: {  	v40 =	vld [tilespmem:$0x195D8]  }
0x570: {  	v41 =	vld [tilespmem:$0x19628];
	_ =	sdelay $0x1  }
0x571: {  	v42 =	vpop (erf)  }
0x572: {  	v44 =	vld [tilespmem:$0x19588];
	v43 =	vpop (erf)  }
0x573: {  	v2 =	vmul.f32 v43, v42;
	_ =	sdelay $0x1  }
0x574: {  	[tilespmem:$0x19668] =	vst v2  }
0x575: {  	v0 =	vld.idx.msk [tilespmem:v40+s25+$0x0], $0xffff  }
0x576: {  	v1 =	vld.idx.msk [tilespmem:v41+s28+$0x0], $0xffff;
	_ =	sdelay $0x2  }
0x577: {  	v2 =	vld.idx.msk [tilespmem:v44+s13+$0x0], $0xffff;
	_ =	sdelay $0x1  }
0x578: {  	v0 =	vadd.f32 v1, v0;
	_ =	sdelay $0x1  }
0x579: {  	v0 =	vmul.f32 $1.442695020e+00, v0  }
0x57a: {  	v45 =	vadd.f32 $1.000000020e-16, v2  }
0x57b: {  	(erf) = vpow2.f32 v0  }
0x57c: {  	(erf) = vrcp.f32 v45;
	_ =	sdelay $0x4  }
0x57d: {  	v46 =	vld [tilespmem:$0x195E8]  }
0x57e: {  	v47 =	vld [tilespmem:$0x19638];
	_ =	sdelay $0x1  }
0x57f: {  	v48 =	vpop (erf)  }
0x580: {  	v50 =	vld [tilespmem:$0x19598];
	v49 =	vpop (erf)  }
0x581: {  	v2 =	vmul.f32 v49, v48;
	_ =	sdelay $0x1  }
0x582: {  	[tilespmem:$0x19678] =	vst v2  }
0x583: {  	v0 =	vld.idx.msk [tilespmem:v46+s25+$0x0], $0xffff  }
0x584: {  	v1 =	vld.idx.msk [tilespmem:v47+s28+$0x0], $0xffff;
	_ =	sdelay $0x2  }
0x585: {  	v2 =	vld.idx.msk [tilespmem:v50+s13+$0x0], $0xffff;
	_ =	sdelay $0x1  }
0x586: {  	v0 =	vadd.f32 v1, v0;
	_ =	sdelay $0x1  }
0x587: {  	v0 =	vmul.f32 $1.442695020e+00, v0  }
0x588: {  	v51 =	vadd.f32 $1.000000020e-16, v2  }
0x589: {  	(erf) = vpow2.f32 v0  }
0x58a: {  	(erf) = vrcp.f32 v51;
	_ =	sdelay $0x4  }
0x58b: {  	v52 =	vld [tilespmem:$0x195F8]  }
0x58c: {  	v53 =	vld [tilespmem:$0x19648];
	_ =	sdelay $0x1  }
0x58d: {  	v54 =	vpop (erf)  }
0x58e: {  	v56 =	vld [tilespmem:$0x195A8];
	v55 =	vpop (erf)  }
0x58f: {  	v2 =	vmul.f32 v55, v54;
	_ =	sdelay $0x1  }
0x590: {  	[tilespmem:$0x19688] =	vst v2  }
0x591: {  	v0 =	vld.idx.msk [tilespmem:v52+s25+$0x0], $0xffff  }
0x592: {  	v1 =	vld.idx.msk [tilespmem:v53+s28+$0x0], $0xffff;
	_ =	sdelay $0x2  }
0x593: {  	v2 =	vld.idx.msk [tilespmem:v56+s13+$0x0], $0xffff;
	_ =	sdelay $0x1  }
0x594: {  	v0 =	vadd.f32 v1, v0;
	_ =	sdelay $0x1  }
0x595: {  	v0 =	vmul.f32 $1.442695020e+00, v0  }
0x596: {  	v57 =	vadd.f32 $1.000000020e-16, v2  }
0x597: {  	(erf) = vpow2.f32 v0  }
0x598: {  	(erf) = vrcp.f32 v57;
	_ =	sdelay $0x4  }
0x599: {  	v58 =	vld [tilespmem:$0x19608]  }
0x59a: {  	v59 =	vld [tilespmem:$0x19658];
	_ =	sdelay $0x1  }
0x59b: {  	v60 =	vpop (erf)  }
0x59c: {  	v62 =	vld [tilespmem:$0x195B8];
	v61 =	vpop (erf)  }
0x59d: {  	v2 =	vmul.f32 v61, v60;
	_ =	sdelay $0x1  }
0x59e: {  	[tilespmem:$0x19698] =	vst v2  }
0x59f: {  	v0 =	vld.idx.msk [tilespmem:v58+s25+$0x0], $0xffff  }
0x5a0: {  	v1 =	vld.idx.msk [tilespmem:v59+s28+$0x0], $0xffff;
	_ =	sdelay $0x2  }
0x5a1: {  	v2 =	vld.idx.msk [tilespmem:v62+s13+$0x0], $0xffff;
	_ =	sdelay $0x1  }
0x5a2: {  	v0 =	vadd.f32 v1, v0;
	_ =	sdelay $0x1  }
0x5a3: {  	v0 =	vmul.f32 $1.442695020e+00, v0  }
0x5a4: {  	v63 =	vadd.f32 $1.000000020e-16, v2  }
0x5a5: {  	(erf) = vpow2.f32 v0  }
0x5a6: {  	(erf) = vrcp.f32 v63;
	_ =	sdelay $0x7  }
0x5a7: {  	v0 =	vpop (erf)  }
0x5a8: {  	v1 =	vpop (erf)  }
0x5a9: {  	v0 =	vmul.f32 v1, v0  }
0x5aa: {  	s15 =	simm.s32 @p0 $0x19618;
	p1 =	seq.s32 s14, $0x3D  }
0x5ab: {  	s22 =	simm.s32 @!p0 $0x196B8;
	s21 =	simm.s32 @p0 $0x196B8;
	s12 =	simm.s32 @p0 $0x50;
	[tilespmem:$0x196A8] =	vst v0  }
0x5ac: {  	[tilespmem:s21], [sflag:$0x1] =	stream.indirect.gather @p0 [hbm4b:s11+s12], $0x80, s15, s12, $0xb8;
	[tilespmem:$0x1E7F8] =	vst v63  }
.Ltmp8:
0x5ad: {  	s21 =	simm.s32 @!p0 $0x50;
	s15 =	simm.s32 @!p0 $0x195C8;
	(pc) =	sbr.rel @p1 .LBB2_19-.Ltmp8, $4  }
0x5ae: {  	[tilespmem:s22], [sflag:$0x1] =	stream.indirect.gather @!p0 [hbm4b:s9+s21], $0x80, s15, s21, $0xb8;
	[tilespmem:$0x1E7F8] =	vst v63  }
0x5af: {  	_ =	swait.ge [sflag:s7], $0x2800  }
0x5b0: {  	[sflag:s7] =	ssyncset.done $0x0  }
0x5b1: {  	[sflag:s7] =	ssyncadd.s32 $0xFFFFD800  }
0x5b2: {  	s10 =	sadd.s32 s10, s20  }
0x5b3: {  	s10 =	smul.u32 $0x1E, s10;
	_ =	sdelay $0x1  }
0x5b4: {  	s10 =	sadd.s32 s4, s10  }
0x5b5: {  	[tilespmem:s0], [sflag:$0x5] =	stream.linear.gather [hbm4b:s10+s3], $0xF0, $0x38;
	[tilespmem:$0x1E7F8] =	vst v63  }
0x5b6: {  	_ =	swait.ge [sflag:s26], $0xF0  }
0x5b7: {  	[sflag:s26] =	ssyncset.done $0x0  }
0x5b8: {  	[sflag:s26] =	ssyncadd.s32 $0xFFFFFF10  }
0x5b9: {  	v0 =	vld [tilespmem:$0x1BF08]  }
0x5ba: {  	v1 =	vld [tilespmem:$0x1BF58];
	_ =	sdelay $0x2  }
0x5bb: {  	v2 =	vld [tilespmem:$0x1BEB8];
	_ =	sdelay $0x3  }
0x5bc: {  	v0 =	vld.idx.msk [tilespmem:v0+s25+$0x0], $0xffff  }
0x5bd: {  	v1 =	vld.idx.msk [tilespmem:v1+s28+$0x0], $0xffff;
	_ =	sdelay $0x2  }
0x5be: {  	v2 =	vld.idx.msk [tilespmem:v2+s13+$0x0], $0xffff;
	_ =	sdelay $0x1  }
0x5bf: {  	v0 =	vadd.f32 v1, v0;
	_ =	sdelay $0x1  }
0x5c0: {  	v0 =	vmul.f32 $1.442695020e+00, v0  }
0x5c1: {  	v41 =	vadd.f32 $1.000000020e-16, v2  }
0x5c2: {  	(erf) = vpow2.f32 v0  }
0x5c3: {  	(erf) = vrcp.f32 v41;
	_ =	sdelay $0x4  }
0x5c4: {  	v42 =	vld [tilespmem:$0x1BF18]  }
0x5c5: {  	v43 =	vld [tilespmem:$0x1BF68];
	_ =	sdelay $0x1  }
0x5c6: {  	v44 =	vpop (erf)  }
0x5c7: {  	v4 =	vld [tilespmem:$0x1BEC8];
	v3 =	vpop (erf)  }
0x5c8: {  	v2 =	vmul.f32 v3, v44;
	_ =	sdelay $0x1  }
0x5c9: {  	[tilespmem:$0x1BFA8] =	vst v2  }
0x5ca: {  	v0 =	vld.idx.msk [tilespmem:v42+s25+$0x0], $0xffff  }
0x5cb: {  	v1 =	vld.idx.msk [tilespmem:v43+s28+$0x0], $0xffff;
	_ =	sdelay $0x2  }
0x5cc: {  	v2 =	vld.idx.msk [tilespmem:v4+s13+$0x0], $0xffff;
	_ =	sdelay $0x1  }
0x5cd: {  	v0 =	vadd.f32 v1, v0;
	_ =	sdelay $0x1  }
0x5ce: {  	v0 =	vmul.f32 $1.442695020e+00, v0  }
0x5cf: {  	v45 =	vadd.f32 $1.000000020e-16, v2  }
0x5d0: {  	(erf) = vpow2.f32 v0  }
0x5d1: {  	(erf) = vrcp.f32 v45;
	_ =	sdelay $0x4  }
0x5d2: {  	v46 =	vld [tilespmem:$0x1BF28]  }
0x5d3: {  	v47 =	vld [tilespmem:$0x1BF78];
	_ =	sdelay $0x1  }
0x5d4: {  	v48 =	vpop (erf)  }
0x5d5: {  	v50 =	vld [tilespmem:$0x1BED8];
	v49 =	vpop (erf)  }
0x5d6: {  	v2 =	vmul.f32 v49, v48;
	_ =	sdelay $0x1  }
0x5d7: {  	[tilespmem:$0x1BFB8] =	vst v2  }
0x5d8: {  	v0 =	vld.idx.msk [tilespmem:v46+s25+$0x0], $0xffff  }
0x5d9: {  	v1 =	vld.idx.msk [tilespmem:v47+s28+$0x0], $0xffff;
	_ =	sdelay $0x2  }
0x5da: {  	v2 =	vld.idx.msk [tilespmem:v50+s13+$0x0], $0xffff;
	_ =	sdelay $0x1  }
0x5db: {  	v0 =	vadd.f32 v1, v0;
	_ =	sdelay $0x1  }
0x5dc: {  	v0 =	vmul.f32 $1.442695020e+00, v0  }
0x5dd: {  	v51 =	vadd.f32 $1.000000020e-16, v2  }
0x5de: {  	(erf) = vpow2.f32 v0  }
0x5df: {  	(erf) = vrcp.f32 v51;
	_ =	sdelay $0x4  }
0x5e0: {  	v52 =	vld [tilespmem:$0x1BF38]  }
0x5e1: {  	v53 =	vld [tilespmem:$0x1BF88];
	_ =	sdelay $0x1  }
0x5e2: {  	v54 =	vpop (erf)  }
0x5e3: {  	v56 =	vld [tilespmem:$0x1BEE8];
	v55 =	vpop (erf)  }
0x5e4: {  	v2 =	vmul.f32 v55, v54;
	_ =	sdelay $0x1  }
0x5e5: {  	[tilespmem:$0x1BFC8] =	vst v2  }
0x5e6: {  	v0 =	vld.idx.msk [tilespmem:v52+s25+$0x0], $0xffff  }
0x5e7: {  	v1 =	vld.idx.msk [tilespmem:v53+s28+$0x0], $0xffff;
	_ =	sdelay $0x2  }
0x5e8: {  	v2 =	vld.idx.msk [tilespmem:v56+s13+$0x0], $0xffff;
	_ =	sdelay $0x1  }
0x5e9: {  	v0 =	vadd.f32 v1, v0;
	_ =	sdelay $0x1  }
0x5ea: {  	v0 =	vmul.f32 $1.442695020e+00, v0  }
0x5eb: {  	v57 =	vadd.f32 $1.000000020e-16, v2  }
0x5ec: {  	(erf) = vpow2.f32 v0  }
0x5ed: {  	(erf) = vrcp.f32 v57;
	_ =	sdelay $0x4  }
0x5ee: {  	v58 =	vld [tilespmem:$0x1BF48]  }
0x5ef: {  	v59 =	vld [tilespmem:$0x1BF98];
	_ =	sdelay $0x1  }
0x5f0: {  	v60 =	vpop (erf)  }
0x5f1: {  	v62 =	vld [tilespmem:$0x1BEF8];
	v61 =	vpop (erf)  }
0x5f2: {  	v2 =	vmul.f32 v61, v60;
	_ =	sdelay $0x1  }
0x5f3: {  	[tilespmem:$0x1BFD8] =	vst v2  }
0x5f4: {  	v0 =	vld.idx.msk [tilespmem:v58+s25+$0x0], $0xffff  }
0x5f5: {  	v1 =	vld.idx.msk [tilespmem:v59+s28+$0x0], $0xffff;
	_ =	sdelay $0x2  }
0x5f6: {  	v2 =	vld.idx.msk [tilespmem:v62+s13+$0x0], $0xffff;
	_ =	sdelay $0x1  }
0x5f7: {  	v0 =	vadd.f32 v1, v0;
	_ =	sdelay $0x1  }
0x5f8: {  	v0 =	vmul.f32 $1.442695020e+00, v0  }
0x5f9: {  	v63 =	vadd.f32 $1.000000020e-16, v2  }
0x5fa: {  	(erf) = vpow2.f32 v0  }
0x5fb: {  	(erf) = vrcp.f32 v63;
	_ =	sdelay $0x7  }
0x5fc: {  	v0 =	vpop (erf)  }
0x5fd: {  	v1 =	vpop (erf)  }
0x5fe: {  	v0 =	vmul.f32 v1, v0;
	_ =	sdelay $0x1  }
.Ltmp9:
0x5ff: {  	s15 =	simm.s32 @p0 $0x1BFF8;
	s10 =	simm.s32 @p0 $0x1BF58;
	[tilespmem:$0x1BFE8] =	vst v0;
	(pc) =	sbr.rel .LBB2_13-.Ltmp9, $4  }
0x600: {  	[tilespmem:s15], [sflag:$0x2] =	stream.indirect.gather @p0 [hbm4b:s11+s12], $0x80, s10, s12, $0xb8;
	[tilespmem:$0x1E7F8] =	vst v63  }
0x601: {  	s10 =	sadd.s32 @p0 $0x1, s14;
	s14 =	sadd.s32 @!p0 $0x1, s14  }
0x602: {  	s12 =	simm.s32 @!p0 $0x1BF08;
	s15 =	simm.s32 @!p0 $0x1BFF8;
	s14 =	smov.u32 @p0 s10  }
0x603: {  	[tilespmem:s15], [sflag:$0x2] =	stream.indirect.gather @!p0 [hbm4b:s9+s21], $0x80, s12, s21, $0xb8;
	[tilespmem:$0x1E7F8] =	vst v63  }
.LBB2_19:
0x604: {  	s10 =	simm.s32 $0x0  }
0x605: {  	s12 =	simm.s32 $0x1;
	v0 =	vmov s10  }
0x606: {  	s19 =	simm.s32 $0x2;
	v2 =	vmov s12;
	v0 =	vand.u32 $0xFFFFFFFC, v0  }
0x607: {  	s15 =	simm.s32 $0x3;
	_ =	swait.ge [sflag:s8], $0x2800;
	v3 =	vbroadcast v0, $0x0;
	v0 =	vand.u32 $0xFFFFFFFD, v2;
	v2 =	vmov s19  }
0x608: {  	v1 =	vmov s15;
	[sflag:s8] =	ssyncset.done $0x0;
	v4 =	vbroadcast v0, $0x0;
	v0 =	vand.u32 $0xFFFFFFFE, v2  }
0x609: {  	s10 =	simm.s32 $0x197B8;
	[sflag:s8] =	ssyncadd.s32 $0xFFFFD800;
	v2 =	vbroadcast v0, $0x0  }
0x60a: {  	v5 =	vld [tilespmem:s10+$0xFFFFFF00]  }
0x60b: {  	v6 =	vld [tilespmem:s10+$0xFFFFFF10]  }
0x60c: {  	v7 =	vld [tilespmem:s10+$0xFFFFFF20]  }
0x60d: {  	v0 =	vld.idx.msk [tilespmem:v1+s31+$0x0], $0xffff  }
0x60e: {  	v3 =	vld.idx.msk [tilespmem:v3+s31+$0x0], $0xffff  }
0x60f: {  	v1 =	vld.idx.msk [tilespmem:v2+s31+$0x0], $0xffff  }
0x610: {  	v2 =	vld [tilespmem:s10+$0x60]  }
0x611: {  	v8 =	vld [tilespmem:s10+$0xFFFFFF30]  }
0x612: {  	v9 =	vld [tilespmem:s10+$0xFFFFFF40]  }
0x613: {  	v10 =	vld [tilespmem:s10+$0xFFFFFF50];
	v5 =	vmul.f32 v5, v3  }
0x614: {  	v11 =	vld [tilespmem:s10+$0xFFFFFF60];
	v6 =	vmul.f32 v6, v3  }
0x615: {  	v4 =	vld.idx.msk [tilespmem:v4+s31+$0x0], $0xffff;
	v2 =	vmul.f32 v2, v1;
	[tilespmem:s10+$0xFFFFFF00] =	vst v5  }
0x616: {  	v5 =	vld [tilespmem:s10+$0xFFFFFF80];
	[tilespmem:s10+$0xFFFFFF10] =	vst v6;
	v6 =	vmul.f32 v8, v3  }
0x617: {  	v8 =	vld [tilespmem:s10+$0xFFFFFFA0];
	[tilespmem:s10+$0x60] =	vst v2;
	v2 =	vmul.f32 v7, v3  }
0x618: {  	v7 =	vld [tilespmem:s10+$0xFFFFFF90];
	[tilespmem:s10+$0xFFFFFF30] =	vst v6;
	v6 =	vmul.f32 v10, v3  }
0x619: {  	[tilespmem:s10+$0xFFFFFF20] =	vst v2;
	v2 =	vmul.f32 v9, v3;
	v9 =	vld [tilespmem:s10+$0xFFFFFFB0]  }
0x61a: {  	[tilespmem:s10+$0xFFFFFF50] =	vst v6;
	v6 =	vld [tilespmem:s10+$0xFFFFFFD0]  }
0x61b: {  	[tilespmem:s10+$0xFFFFFF40] =	vst v2;
	v2 =	vmul.f32 v11, v3  }
0x61c: {  	v5 =	vmul.f32 v5, v4;
	v3 =	vld [tilespmem:s10+$0xFFFFFFC0]  }
0x61d: {  	[tilespmem:s10+$0xFFFFFF60] =	vst v2;
	v2 =	vmul.f32 v7, v4;
	v7 =	vld [tilespmem:s10+$0xFFFFFFE0]  }
0x61e: {  	[tilespmem:s10+$0xFFFFFF80] =	vst v5;
	v5 =	vmul.f32 v8, v4;
	v8 =	vld [tilespmem:s10+$0x0]  }
0x61f: {  	v6 =	vmul.f32 v6, v4;
	[tilespmem:s10+$0xFFFFFF90] =	vst v2;
	v2 =	vmul.f32 v9, v4;
	v9 =	vld [tilespmem:s10+$0x10]  }
0x620: {  	v10 =	vld [tilespmem:s10+$0x20];
	[tilespmem:s10+$0xFFFFFFA0] =	vst v5  }
0x621: {  	v5 =	vmul.f32 v3, v4;
	v3 =	vld [tilespmem:s10+$0x30];
	[tilespmem:s10+$0xFFFFFFD0] =	vst v6  }
0x622: {  	s21 =	simm.s32 $0x4;
	[tilespmem:s10+$0xFFFFFFB0] =	vst v2;
	v2 =	vld [tilespmem:s10+$0x40];
	v7 =	vmul.f32 v7, v4  }
0x623: {  	s14 =	simm.s32 $0x5;
	v8 =	vmul.f32 v8, v1;
	[tilespmem:s10+$0xFFFFFFC0] =	vst v5;
	v4 =	vmov s21;
	v5 =	vld [tilespmem:s10+$0x50]  }
0x624: {  	s22 =	simm.s32 $0x7;
	v11 =	vmov s14;
	v6 =	vand.u32 $0xFFFFFFFC, v4;
	[tilespmem:s10+$0xFFFFFFE0] =	vst v7;
	v9 =	vmul.f32 v9, v1;
	v7 =	vld [tilespmem:s10+$0x80]  }
0x625: {  	s15 =	simm.s32 $0x6;
	s12 =	simm.s32 $0x197B8;
	s14 =	simm.s32 $0x8;
	v10 =	vmul.f32 v10, v1;
	v4 =	vmov s22;
	[tilespmem:s10+$0x0] =	vst v8;
	v8 =	vld [tilespmem:s10+$0x90];
	v6 =	vbroadcast v6, $0x0  }
.LBB2_20:
0x626: {  	p1 =	slt.u32 s14, $0x4C;
	v11 =	vand.u32 $0xFFFFFFFD, v11;
	v12 =	vmov s15;
	[tilespmem:s10+$0x10] =	vst v9;
	v3 =	vmul.f32 v3, v1;
	v9 =	vld [tilespmem:s10+$0xA0]  }
0x627: {  	v11 =	vbroadcast v11, $0x0;
	v12 =	vand.u32 $0xFFFFFFFE, v12;
	[tilespmem:s10+$0x20] =	vst v10;
	v2 =	vmul.f32 v2, v1;
	v10 =	vld [tilespmem:s10+$0xB0]  }
0x628: {  	v12 =	vbroadcast v12, $0x0;
	[tilespmem:s10+$0x30] =	vst v3;
	v1 =	vmul.f32 v5, v1;
	v3 =	vld [tilespmem:s10+$0xC0]  }
0x629: {  	[tilespmem:s10+$0x40] =	vst v2;
	v2 =	vmul.f32 v7, v0;
	v5 =	vld [tilespmem:s10+$0xD0]  }
0x62a: {  	[tilespmem:s10+$0x50] =	vst v1;
	v1 =	vmul.f32 v8, v0;
	v7 =	vld [tilespmem:s10+$0xE0]  }
0x62b: {  	v4 =	vld.idx.msk [tilespmem:v4+s31+$0x0], $0xffff;
	[tilespmem:s10+$0x80] =	vst v2;
	v2 =	vmul.f32 v9, v0  }
0x62c: {  	v6 =	vld.idx.msk [tilespmem:v6+s31+$0x0], $0xffff;
	[tilespmem:s10+$0x90] =	vst v1;
	v8 =	vmul.f32 v10, v0  }
0x62d: {  	v9 =	vld.idx.msk [tilespmem:v11+s31+$0x0], $0xffff;
	[tilespmem:s10+$0xA0] =	vst v2;
	v2 =	vmul.f32 v3, v0  }
0x62e: {  	s10 =	sadd.s32 $0x200, s10;
	v1 =	vld.idx.msk [tilespmem:v12+s31+$0x0], $0xffff;
	[tilespmem:s12+$0xB0] =	vst v8;
	v3 =	vmul.f32 v5, v0  }
0x62f: {  	v5 =	vld [tilespmem:s10+$0x60];
	[tilespmem:s12+$0xC0] =	vst v2;
	v7 =	vmul.f32 v7, v0  }
0x630: {  	v2 =	vld [tilespmem:s10+$0xFFFFFF00];
	[tilespmem:s12+$0xD0] =	vst v3  }
0x631: {  	v0 =	vmov v4;
	v3 =	vld [tilespmem:s10+$0xFFFFFF10];
	[tilespmem:s12+$0xE0] =	vst v7;
	s12 =	smov.u32 s10  }
0x632: {  	v4 =	vld [tilespmem:s10+$0xFFFFFF20]  }
0x633: {  	v7 =	vld [tilespmem:s10+$0xFFFFFF30]  }
0x634: {  	v8 =	vld [tilespmem:s10+$0xFFFFFF40];
	v5 =	vmul.f32 v5, v1  }
0x635: {  	v2 =	vmul.f32 v2, v6;
	v10 =	vld [tilespmem:s10+$0xFFFFFF50]  }
0x636: {  	v3 =	vmul.f32 v3, v6;
	v11 =	vld [tilespmem:s10+$0xFFFFFF60];
	[tilespmem:s10+$0x60] =	vst v5  }
0x637: {  	[tilespmem:s10+$0xFFFFFF00] =	vst v2;
	v2 =	vmul.f32 v4, v6;
	v4 =	vld [tilespmem:s10+$0xFFFFFF80]  }
0x638: {  	[tilespmem:s10+$0xFFFFFF10] =	vst v3;
	v3 =	vmul.f32 v7, v6;
	v5 =	vld [tilespmem:s10+$0xFFFFFF90]  }
0x639: {  	[tilespmem:s10+$0xFFFFFF20] =	vst v2;
	v2 =	vmul.f32 v8, v6;
	v7 =	vld [tilespmem:s10+$0xFFFFFFA0]  }
0x63a: {  	[tilespmem:s10+$0xFFFFFF30] =	vst v3;
	v3 =	vmul.f32 v10, v6;
	v8 =	vld [tilespmem:s10+$0xFFFFFFB0]  }
0x63b: {  	[tilespmem:s10+$0xFFFFFF40] =	vst v2;
	v2 =	vmul.f32 v11, v6;
	v6 =	vld [tilespmem:s10+$0xFFFFFFC0]  }
0x63c: {  	[tilespmem:s10+$0xFFFFFF50] =	vst v3;
	v3 =	vmul.f32 v4, v9;
	v4 =	vld [tilespmem:s10+$0xFFFFFFD0]  }
0x63d: {  	[tilespmem:s10+$0xFFFFFF60] =	vst v2;
	v2 =	vmul.f32 v5, v9;
	v5 =	vld [tilespmem:s10+$0xFFFFFFE0]  }
0x63e: {  	[tilespmem:s10+$0xFFFFFF80] =	vst v3;
	v3 =	vmul.f32 v7, v9;
	v7 =	vld [tilespmem:s10+$0x0]  }
0x63f: {  	[tilespmem:s10+$0xFFFFFF90] =	vst v2;
	v2 =	vmul.f32 v8, v9;
	v8 =	vld [tilespmem:s10+$0x10]  }
0x640: {  	[tilespmem:s10+$0xFFFFFFA0] =	vst v3;
	v6 =	vmul.f32 v6, v9;
	v10 =	vld [tilespmem:s10+$0x20]  }
.Ltmp10:
0x641: {  	[tilespmem:s10+$0xFFFFFFB0] =	vst v2;
	v4 =	vmul.f32 v4, v9;
	v3 =	vld [tilespmem:s10+$0x30];
	(pc) =	sbr.rel @p1 .LBB2_20-.Ltmp10, $4  }
0x642: {  	[tilespmem:s10+$0xFFFFFFC0] =	vst v6;
	v6 =	vmul.f32 v5, v9;
	v2 =	vld [tilespmem:s10+$0x40]  }
0x643: {  	s15 =	sadd.s32 $0x3, s14;
	v9 =	vmov s14;
	[tilespmem:s10+$0xFFFFFFD0] =	vst v4;
	v12 =	vmul.f32 v7, v1;
	v5 =	vld [tilespmem:s10+$0x50]  }
0x644: {  	s19 =	sadd.s32 $0x1, s14;
	v11 =	vand.u32 $0xFFFFFFFC, v9;
	v4 =	vmov s15;
	[tilespmem:s10+$0xFFFFFFE0] =	vst v6;
	v9 =	vmul.f32 v8, v1;
	v7 =	vld [tilespmem:s10+$0x80]  }
0x645: {  	s15 =	sadd.s32 $0x2, s14;
	s14 =	sadd.s32 $0x4, s14;
	v6 =	vbroadcast v11, $0x0;
	v11 =	vmov s19;
	[tilespmem:s10+$0x0] =	vst v12;
	v10 =	vmul.f32 v10, v1;
	v8 =	vld [tilespmem:s10+$0x90]  }
0x646: {  	v13 =	vld [tilespmem:s10+$0xA0]  }
0x647: {  	v14 =	vld [tilespmem:s10+$0xB0]  }
0x648: {  	v15 =	vld [tilespmem:s10+$0xC0]  }
0x649: {  	v16 =	vld [tilespmem:s10+$0xD0]  }
0x64a: {  	[tilespmem:s10+$0x10] =	vst v9;
	v3 =	vmul.f32 v3, v1;
	v51 =	vld [tilespmem:s10+$0xE0]  }
0x64b: {  	v4 =	vld.idx.msk [tilespmem:v4+s31+$0x0], $0xffff;
	[tilespmem:s10+$0x20] =	vst v10;
	v2 =	vmul.f32 v2, v1  }
0x64c: {  	s14 =	sadd.s32 $0x200, s10;
	v53 =	vld.idx.msk [tilespmem:v6+s31+$0x0], $0xffff;
	[tilespmem:s10+$0x30] =	vst v3;
	v52 =	vmul.f32 v5, v1  }
0x64d: {  	v61 =	vld [tilespmem:s14+$0xFFFFFF00];
	[tilespmem:s10+$0x40] =	vst v2;
	v54 =	vmul.f32 v7, v0  }
0x64e: {  	v63 =	vld [tilespmem:s14+$0xFFFFFF10];
	[tilespmem:s10+$0x50] =	vst v52;
	v56 =	vmul.f32 v8, v0  }
0x64f: {  	v12 =	vmov s15;
	v18 =	vld [tilespmem:s14+$0xFFFFFF50];
	[tilespmem:s10+$0x80] =	vst v54;
	v58 =	vmul.f32 v13, v0  }
0x650: {  	v12 =	vand.u32 $0xFFFFFFFE, v12;
	v20 =	vld [tilespmem:s14+$0xFFFFFF60];
	v60 =	vmul.f32 v14, v0;
	[tilespmem:s10+$0x90] =	vst v56  }
0x651: {  	v11 =	vand.u32 $0xFFFFFFFD, v11;
	v22 =	vld [tilespmem:s14+$0xFFFFFF80];
	v12 =	vbroadcast v12, $0x0;
	v62 =	vmul.f32 v15, v0;
	[tilespmem:s10+$0xA0] =	vst v58  }
0x652: {  	v11 =	vbroadcast v11, $0x0;
	v52 =	vld [tilespmem:s14+$0xB0];
	v14 =	vmul.f32 v51, v0;
	[tilespmem:s12+$0xB0] =	vst v60  }
0x653: {  	v13 =	vld [tilespmem:s14+$0xFFFFFF20];
	v17 =	vmul.f32 v61, v53;
	[tilespmem:s12+$0xC0] =	vst v62  }
0x654: {  	v15 =	vld [tilespmem:s14+$0xFFFFFF30];
	v19 =	vmul.f32 v63, v53;
	[tilespmem:s12+$0xE0] =	vst v14  }
0x655: {  	v54 =	vld [tilespmem:s14+$0xC0];
	v26 =	vmul.f32 v18, v53;
	[tilespmem:s14+$0xFFFFFF00] =	vst v17  }
0x656: {  	v28 =	vmul.f32 v20, v53;
	v56 =	vld [tilespmem:s14+$0xD0];
	[tilespmem:s14+$0xFFFFFF10] =	vst v19  }
0x657: {  	v57 =	vld.idx.msk [tilespmem:v12+s31+$0x0], $0xffff;
	v12 =	vmul.f32 v16, v0;
	[tilespmem:s14+$0xFFFFFF50] =	vst v26  }
0x658: {  	v55 =	vld.idx.msk [tilespmem:v11+s31+$0x0], $0xffff;
	[tilespmem:s14+$0xFFFFFF60] =	vst v28;
	v60 =	vmul.f32 v52, v4  }
0x659: {  	v23 =	vld [tilespmem:s14+$0xFFFFFF90];
	[tilespmem:s12+$0xD0] =	vst v12;
	v21 =	vmul.f32 v13, v53  }
0x65a: {  	v25 =	vld [tilespmem:s14+$0xFFFFFFA0];
	v2 =	vmul.f32 v15, v53;
	[tilespmem:s14+$0xB0] =	vst v60  }
0x65b: {  	v27 =	vld [tilespmem:s14+$0xFFFFFFB0];
	v61 =	vmul.f32 v54, v4;
	[tilespmem:s14+$0xFFFFFF20] =	vst v21  }
0x65c: {  	v29 =	vld [tilespmem:s14+$0xFFFFFFC0];
	v62 =	vmul.f32 v56, v4;
	[tilespmem:s14+$0xFFFFFF30] =	vst v2  }
0x65d: {  	v31 =	vld [tilespmem:s14+$0xFFFFFFD0];
	v30 =	vmul.f32 v22, v55;
	[tilespmem:s14+$0xC0] =	vst v61  }
0x65e: {  	v33 =	vld [tilespmem:s14+$0xFFFFFFE0];
	v32 =	vmul.f32 v23, v55;
	[tilespmem:s14+$0xD0] =	vst v62  }
0x65f: {  	v46 =	vld [tilespmem:s14+$0x80];
	v1 =	vmul.f32 v25, v55;
	[tilespmem:s14+$0xFFFFFF80] =	vst v30  }
0x660: {  	v58 =	vld [tilespmem:s14+$0xE0];
	v35 =	vmul.f32 v27, v55;
	[tilespmem:s14+$0xFFFFFF90] =	vst v32  }
0x661: {  	v59 =	vld [tilespmem:s14+$0x60];
	v37 =	vmul.f32 v29, v55;
	[tilespmem:s14+$0xFFFFFFA0] =	vst v1  }
0x662: {  	v16 =	vld [tilespmem:s14+$0xFFFFFF40];
	v39 =	vmul.f32 v31, v55;
	[tilespmem:s14+$0xFFFFFFB0] =	vst v35  }
0x663: {  	v34 =	vld [tilespmem:s14+$0x0];
	v41 =	vmul.f32 v33, v55;
	[tilespmem:s14+$0xFFFFFFC0] =	vst v37  }
0x664: {  	v36 =	vld [tilespmem:s14+$0x10];
	v55 =	vmul.f32 v46, v4;
	[tilespmem:s14+$0xFFFFFFD0] =	vst v39  }
0x665: {  	v38 =	vld [tilespmem:s14+$0x20];
	v63 =	vmul.f32 v58, v4;
	[tilespmem:s14+$0xFFFFFFE0] =	vst v41  }
0x666: {  	v40 =	vld [tilespmem:s14+$0x30];
	v7 =	vmul.f32 v59, v57;
	[tilespmem:s14+$0x80] =	vst v55  }
0x667: {  	v42 =	vld [tilespmem:s14+$0x40];
	v24 =	vmul.f32 v16, v53;
	[tilespmem:s14+$0xE0] =	vst v63  }
0x668: {  	v44 =	vld [tilespmem:s14+$0x50];
	v43 =	vmul.f32 v34, v57;
	[tilespmem:s14+$0x60] =	vst v7  }
0x669: {  	v48 =	vld [tilespmem:s14+$0x90];
	v45 =	vmul.f32 v36, v57;
	[tilespmem:s14+$0xFFFFFF40] =	vst v24  }
0x66a: {  	v50 =	vld [tilespmem:s14+$0xA0];
	v47 =	vmul.f32 v38, v57;
	[tilespmem:s14+$0x0] =	vst v43  }
0x66b: {  	v49 =	vmul.f32 v40, v57;
	[tilespmem:s14+$0x10] =	vst v45  }
0x66c: {  	v51 =	vmul.f32 v42, v57;
	[tilespmem:s14+$0x20] =	vst v47  }
0x66d: {  	v53 =	vmul.f32 v44, v57;
	[tilespmem:s14+$0x30] =	vst v49  }
0x66e: {  	v57 =	vmul.f32 v48, v4;
	[tilespmem:s14+$0x40] =	vst v51  }
0x66f: {  	v59 =	vmul.f32 v50, v4;
	[tilespmem:s14+$0x50] =	vst v53  }
0x670: {  	[tilespmem:s14+$0x90] =	vst v57  }
0x671: {  	[tilespmem:s14+$0xA0] =	vst v59  }
0x672: {  	[spmem:s1] =	stream.indirect.scatter.add.f32 [tilespmem:s18], [sflag:$0x3], $0x80, s29, s30, $0xb8;
	[tilespmem:$0x1E7F8] =	vst v63  }
0x673: {  	_ =	swait.ge [sflag:s24], $0x2800  }
0x674: {  	[sflag:s24] =	ssyncset.done $0x0  }
0x675: {  	[sflag:s24] =	ssyncadd.s32 $0xFFFFD800  }
0x676: {  	[bflag:$0x0] =	sbarrier.arrive $0xFFFF  }
0x677: {  	s14 =	rddreg [dreg:$0x10]  }
0x678: {  	s15 =	rddreg [dreg:$0x13]  }
0x679: {  	s19 =	rddreg [dreg:$0x14]  }
0x67a: {  	[hbm:s14], [sflag:s15] =	dma.local [spmem:s19], $0x2800  }
0x67b: {  	_ =	swait.ge [sflag:s26], $0x2800  }
0x67c: {  	s21 =	rddreg [dreg:$0x12]  }
0x67d: {  	s22 =	rddreg [dreg:$0x11];
	s12 =	sadd.s32 $0x1, s21  }
0x67e: {  	p1 =	sne.s32 s12, s22  }
.Ltmp11:
0x67f: {  	_ = 	snop;
	(pc) =	sbr.rel @p1 .LBB2_1-.Ltmp11, $3  }
0x680: {  	_ =	sdelay $0x1  }
0x681: {  	[sflag:s26] =	ssyncset.done $0x0  }
0x682: {  	s15 =	simm.s32 $0x1BFF8;
	[sflag:s26] =	ssyncadd.s32 $0xFFFFD800;
	s21 =	rddreg [dreg:$0xb]  }
0x683: {  	_ =	sfence.sel $0x180000  }
0x684: {  	[bflag:$0x0] =	sbarrier.arrive $0xFFFF  }
0x685: {  	_ =	strace $0x90000047  }
0x686: {  	s0 =	stileid.u32;
	[bflag:$0x2] =	sbarrier.arrive $0xFFFF  }
0x687: {  	p0 =	sne.s32 s0, $0x0;
	s0 =	rddreg [dreg:$0x4]  }
0x688: {  	s0 =	sadd.s32 @!p0 $0x100000, s0  }
0x689: {  	[sflag:s0] =	ssyncadd.tile.s32 @!p0 $0x1;
	_ =	shalt  }
.Lfunc_end2:
_tile_overlayer_lowered:
.L_overlay_start_2:
0x68a: {  	(tag) =	ssettag $0x2  }
0x68b: {  	s0 =	rddreg [dreg:$0x0];
	s2 =	stileid.u32  }
0x68c: {  	s1 =	rddreg [dreg:$0x1];
	p0 =	sne.s32 s2, $0x0  }
0x68d: {  	s3 =	rddreg [dreg:$0x2];
	[bflag:$0x3] =	sbarrier.arrive $0xFFFF;
	s2 =	simm.s32 @!p0 $0x1C05  }
0x68e: {  	[timem:s3], [sflag:s2] =	dma.local @!p0 [hbm:s0], s1  }
0x68f: {  	s0 =	simm.s32 @!p0 $0x5  }
0x690: {  	_ =	swait.ge @!p0 [sflag:s0], s1  }
0x691: {  	s1 =	ssub.s32 @!p0 $0x0, s1;
	[sflag:s0] =	ssyncset.done @!p0 $0x0  }
0x692: {  	[sflag:s0] =	ssyncadd.s32 @!p0 s1  }
0x693: {  	[bflag:$0x3] =	sbarrier.arrive $0xFFFF  }
0x694: {  	_ =	shalt  }

</sc_bundles>
